<compile_context>
chip_gen: v7x
topology: tpu7x:2x2x1
jax: 0.10.2.dev20260603
libtpu: 0.0.44.dev20260713+nightly
codegen_flags: <defaults>
</compile_context>

<pallas_src>
import functools
import math

import jax
import jax.numpy as jnp
from jax import lax
from jax.experimental import pallas as pl
from jax.experimental.pallas import tpu as pltpu
from jax.experimental.pallas import tpu_sc as plsc

D_MODEL = 64
SCALE = math.sqrt(D_MODEL)
NC, NS, NW = 2, 16, 32
VOCAB = 1_000_000
NBLK = 7813
PAIR_ITERS = 122
PAD = 129
FPITCH = 257

_mesh = plsc.VectorSubcoreMesh(core_axis_name="c", subcore_axis_name="s")


def _worker_id():
    return lax.axis_index("s") * NC + lax.axis_index("c")


@functools.lru_cache(maxsize=None)
def _make_phase1():

    @functools.partial(
        pl.kernel,
        mesh=_mesh,
        compiler_params=pltpu.CompilerParams(needs_layout_passes=False),
        out_type=jax.ShapeDtypeStruct((VOCAB // 2, 128), jnp.float32),
        scratch_types=[
            pltpu.VMEM((8, 8, 256), jnp.float32),
            pltpu.VMEM((8, 8, 256), jnp.float32),
            pltpu.VMEM((64 * FPITCH,), jnp.float32),
            pltpu.VMEM((128, 128), jnp.float32),
            pltpu.VMEM((128, 128), jnp.float32),
            pltpu.SemaphoreType.DMA,
            pltpu.SemaphoreType.DMA,
            pltpu.SemaphoreType.DMA,
            pltpu.SemaphoreType.DMA,
        ],
    )
    def k1(src, dst, ib0, ib1, fb, ob0, ob1, si0, si1, so0, so1):
        w = _worker_id()
        ibs, obs, sis, sos = (ib0, ib1), (ob0, ob1), (si0, si1), (so0, so1)
        iota = lax.iota(jnp.int32, 16)
        i_ds = [(iota + d0) * FPITCH for d0 in (0, 16, 32, 48)]

        def pair(i):
            return w + i * NW

        def start_in(i, b):
            pltpu.async_copy(
                src.at[:, :, pl.ds(pair(i) * 256, 256)], ibs[b], sis[b]
            )

        def transpose_block(ib, ob, n_groups):
            @plsc.parallel_loop(0, 64, unroll=4)
            def _(d):
                c = d // 8
                dl = d % 8
                for t in range(n_groups):
                    fb[pl.ds(d * FPITCH + t * 16, 16)] = ib[
                        c, dl, pl.ds(t * 16, 16)
                    ]

            @plsc.parallel_loop(0, n_groups * 8, unroll=4)
            def _(p):
                for par in range(2):
                    r = p * 2 + par
                    for t in range(4):
                        ob[p, pl.ds(par * 64 + t * 16, 16)] = plsc.load_gather(
                            fb, [i_ds[t] + r]
                        )

        start_in(0, 0)

        def body(i2, carry):
            for sub in range(2):
                i = i2 * 2 + sub
                pltpu.make_async_copy(
                    src.at[:, :, pl.ds(pair(i) * 256, 256)], ibs[sub], sis[sub]
                ).wait()

                @pl.when(i < PAIR_ITERS - 1)
                def _():
                    start_in(i + 1, 1 - sub)

                @pl.when(i2 > 0)
                def _():
                    pltpu.make_async_copy(
                        obs[sub], dst.at[pl.ds(pair(i) * 128, 128)], sos[sub]
                    ).wait()

                transpose_block(ibs[sub], obs[sub], 16)
                pltpu.async_copy(
                    obs[sub], dst.at[pl.ds(pair(i) * 128, 128)], sos[sub]
                )
            return carry

        lax.fori_loop(0, PAIR_ITERS // 2, body, 0)
        for sub in range(2):
            i = PAIR_ITERS - 2 + sub
            pltpu.make_async_copy(
                obs[sub], dst.at[pl.ds(pair(i) * 128, 128)], sos[sub]
            ).wait()

        @pl.when(w < 2)
        def _():
            q = 3904 + w
            pltpu.sync_copy(src.at[:, :, pl.ds(q * 256, 256)], ib0)
            transpose_block(ib0, ob0, 16)
            pltpu.sync_copy(ob0, dst.at[pl.ds(q * 128, 128)])

        @pl.when(w == 2)
        def _():
            start = pl.multiple_of((w - 2) * 128 + 7812 * 128, 128)
            pltpu.sync_copy(
                src.at[:, :, pl.ds(start, 128)],
                ib0.at[:, :, pl.ds(0, 128)],
            )
            transpose_block(ib0, ob0, 8)
            pltpu.sync_copy(
                ob0.at[pl.ds(0, 32)], dst.at[pl.ds(7812 * 64, 32)]
            )

    return k1


@functools.lru_cache(maxsize=None)
def _make_phase2():

    @functools.partial(
        pl.kernel,
        mesh=_mesh,
        compiler_params=pltpu.CompilerParams(
            use_tc_tiling_on_sc=False, needs_layout_passes=False
        ),
        out_type=jax.ShapeDtypeStruct((200, 8, 32, 8, 128), jnp.float32),
        scratch_types=[
            pltpu.VMEM((200, 128), jnp.int32),
            pltpu.VMEM((128, 64), jnp.float32),
            pltpu.VMEM((128, 64), jnp.float32),
            pltpu.VMEM((8, 8, PAD), jnp.float32),
            pltpu.VMEM((8, 8, PAD), jnp.float32),
            pltpu.SemaphoreType.DMA,
            pltpu.SemaphoreType.DMA,
            pltpu.SemaphoreType.DMA,
            pltpu.SemaphoreType.DMA,
        ],
    )
    def k2(xb, lutr, o5, idxv, rb0, rb1, tb0, tb1, sg0, sg1, sw0, sw1):
        w = _worker_id()
        rbs, tbs, sgs, sws = (rb0, rb1), (tb0, tb1), (sg0, sg1), (sw0, sw1)
        iota = lax.iota(jnp.int32, 16)
        idx_c = [(iota + d0) // 8 for d0 in (0, 16, 32, 48)]
        idx_dl = [(iota + d0) % 8 for d0 in (0, 16, 32, 48)]
        zeros = jnp.zeros((16,), jnp.int32)

        pltpu.sync_copy(xb.at[w], idxv)

        def out_slice(i):
            g = w * 200 + i
            return o5.at[g // 32, :, g % 32]

        def start_gather(i, b):
            pltpu.async_copy(lutr.at[idxv.at[i]], rbs[b], sgs[b])

        def transpose_block(rb, tb):
            @plsc.parallel_loop(0, 128, unroll=4)
            def _(r):
                i_r = zeros + r
                for t, d0 in enumerate((0, 16, 32, 48)):
                    v = rb[r, pl.ds(d0, 16)] * SCALE
                    plsc.store_scatter(tb, [idx_c[t], idx_dl[t], i_r], v)

        start_gather(0, 0)

        def body(i2, carry):
            for sub in range(2):
                i = i2 * 2 + sub
                pltpu.make_async_copy(
                    lutr.at[idxv.at[i]], rbs[sub], sgs[sub]
                ).wait()

                @pl.when(i < 199)
                def _():
                    start_gather(i + 1, 1 - sub)

                @pl.when(i2 > 0)
                def _():
                    pltpu.make_async_copy(
                        tbs[sub].at[:, :, pl.ds(0, 128)], out_slice(i), sws[sub]
                    ).wait()

                transpose_block(rbs[sub], tbs[sub])
                pltpu.async_copy(
                    tbs[sub].at[:, :, pl.ds(0, 128)], out_slice(i), sws[sub]
                )
            return carry

        lax.fori_loop(0, 100, body, 0)
        for sub in range(2):
            pltpu.make_async_copy(
                tbs[sub].at[:, :, pl.ds(0, 128)], out_slice(198 + sub), sws[sub]
            ).wait()

    return k2


def kernel(x, lut):
    lut_t3 = lut.T.reshape(8, 8, VOCAB)
    r128 = _make_phase1()(lut_t3)
    lutr = r128.reshape(VOCAB, D_MODEL)
    xb = x.astype(jnp.int32).T.reshape(NW, 200, 128)
    o5 = _make_phase2()(xb, lutr)
    return o5.transpose(2, 4, 0, 1, 3).reshape(4096, 200, D_MODEL)

# --- scband reference (transcript-rebuilt; emitter-appended) ---
"""Pipeline reference for scband-embeddings-28535762714826 (READ-ONLY COPY).

The authoritative reference and input builder live on the scoring server;
editing this copy changes nothing except your own understanding.
"""

import jax, jax.numpy as jnp
import numpy as np
import math

D_MODEL = 64
VOCAB_SIZE = 1000000

def setup_inputs(seed: int = 0) -> dict:
    key = jax.random.key(seed)
    k1, k2 = jax.random.split(key)
    x = jax.random.randint(k1, (4096, 200), 0, VOCAB_SIZE, dtype=jnp.int64 if jax.config.jax_enable_x64 else jnp.int32)
    lut = jax.random.normal(k2, (VOCAB_SIZE, D_MODEL), dtype=jnp.float32)
    return {"x": x, "lut": lut}

def reference(x, lut):
    # Embedding lookup followed by scaling by sqrt(d_model)
    emb = jnp.take(lut, x, axis=0)  # (batch, seq_len, d_model)
    return emb * math.sqrt(D_MODEL)

if __name__ == "__main__":
    import jax
    _d = setup_inputs()
    print(jax.jit(kernel)(*tuple(_d.values())))

</pallas_src>

<mosaic_0001>
#map = affine_map<(d0, d1) -> (0, 0, 0)>
#map1 = affine_map<(d0, d1) -> (0, 0)>
module attributes {stable_mosaic.version = 14 : i64} {
  func.func @k1(%arg0: i32, %arg1: i32, %arg2: memref<8x8x1000000xf32, #tpu.memory_space<hbm>>, %arg3: memref<500000x128xf32, #tpu.memory_space<hbm>>, %arg4: memref<8x8x256xf32, #tpu.memory_space<vmem>>, %arg5: memref<8x8x256xf32, #tpu.memory_space<vmem>>, %arg6: memref<16448xf32, #tpu.memory_space<vmem>>, %arg7: memref<128x128xf32, #tpu.memory_space<vmem>>, %arg8: memref<128x128xf32, #tpu.memory_space<vmem>>, %arg9: memref<!tpu.dma_semaphore, #tpu.memory_space<semaphore_mem>>, %arg10: memref<!tpu.dma_semaphore, #tpu.memory_space<semaphore_mem>>, %arg11: memref<!tpu.dma_semaphore, #tpu.memory_space<semaphore_mem>>, %arg12: memref<!tpu.dma_semaphore, #tpu.memory_space<semaphore_mem>>) attributes {dimension_semantics = [#tpu.dimension_semantics<core_parallel>, #tpu.dimension_semantics<subcore_parallel>], iteration_bounds = array<i64: 2, 16>, scalar_prefetch = 0 : i64, scratch_operands = 9 : i64, tpu.core_type = #tpu.core_type<sc_vector_subcore>, window_params = [{transform_indices = #map}, {transform_indices = #map1}]} {
    %mul3A = arith.constant 2 : i32
    %mul3A_0 = arith.muli %arg1, %mul3A : i32
    %add3A = arith.addi %mul3A_0, %arg0 : i32
    %iota3A = tpu.iota {dimensions = array<i32: 0>} : vector<16xi32>
    %add3A_1 = arith.constant 0 : i32
    %add3A_2 = vector.broadcast %add3A_1 : i32 to vector<16xi32>
    %add3A_3 = arith.addi %iota3A, %add3A_2 : vector<16xi32>
    %mul3A_4 = arith.constant 257 : i32
    %mul3A_5 = vector.broadcast %mul3A_4 : i32 to vector<16xi32>
    %mul3A_6 = arith.muli %add3A_3, %mul3A_5 : vector<16xi32>
    %add3A_7 = arith.constant 16 : i32
    %add3A_8 = vector.broadcast %add3A_7 : i32 to vector<16xi32>
    %add3A_9 = arith.addi %iota3A, %add3A_8 : vector<16xi32>
    %mul3A_10 = arith.constant 257 : i32
    %mul3A_11 = vector.broadcast %mul3A_10 : i32 to vector<16xi32>
    %mul3A_12 = arith.muli %add3A_9, %mul3A_11 : vector<16xi32>
    %add3A_13 = arith.constant 32 : i32
    %add3A_14 = vector.broadcast %add3A_13 : i32 to vector<16xi32>
    %add3A_15 = arith.addi %iota3A, %add3A_14 : vector<16xi32>
    %mul3A_16 = arith.constant 257 : i32
    %mul3A_17 = vector.broadcast %mul3A_16 : i32 to vector<16xi32>
    %mul3A_18 = arith.muli %add3A_15, %mul3A_17 : vector<16xi32>
    %add3A_19 = arith.constant 48 : i32
    %add3A_20 = vector.broadcast %add3A_19 : i32 to vector<16xi32>
    %add3A_21 = arith.addi %iota3A, %add3A_20 : vector<16xi32>
    %mul3A_22 = arith.constant 257 : i32
    %mul3A_23 = vector.broadcast %mul3A_22 : i32 to vector<16xi32>
    %mul3A_24 = arith.muli %add3A_21, %mul3A_23 : vector<16xi32>
    %add3A_25 = arith.constant 0 : i32
    %add3A_26 = arith.addi %add3A, %add3A_25 : i32
    %mul3A_27 = arith.constant 256 : i32
    %mul3A_28 = arith.muli %add3A_26, %mul3A_27 : i32
    %dma_start3A = arith.constant 0 : i32
    %dma_start3A_29 = arith.constant 0 : i32
    %dma_start3A_30 = tpu.memref_slice %arg2[%dma_start3A, %dma_start3A_29, %mul3A_28] : memref<8x8x1000000xf32, #tpu.memory_space<hbm>> -> memref<8x8x256xf32, #tpu.memory_space<hbm>>
    %dma_start3A_31 = arith.constant 0 : i32
    %dma_start3A_32 = arith.constant 0 : i32
    %dma_start3A_33 = tpu.memref_slice %arg2[%dma_start3A_31, %dma_start3A_32, %mul3A_28] : memref<8x8x1000000xf32, #tpu.memory_space<hbm>> -> memref<8x8x256xf32, #tpu.memory_space<hbm>>
    tpu.enqueue_dma source(%dma_start3A_33 : memref<8x8x256xf32, #tpu.memory_space<hbm>>) target(%arg4 : memref<8x8x256xf32, #tpu.memory_space<vmem>>) target_semaphore(%arg9 : memref<!tpu.dma_semaphore, #tpu.memory_space<semaphore_mem>>)
    %scan3A = arith.constant 0 : i32
    %scan3A_34 = arith.constant 0 : i32
    %scan3A_35 = arith.constant 61 : i32
    %scan3A_36 = arith.addi %scan3A_34, %scan3A_35 : i32
    %scan3A_37 = arith.constant 1 : i32
    scf.for %scan3A_60 = %scan3A_34 to %scan3A_36 step %scan3A_37  : i32 {
      %mul3A_61 = arith.constant 2 : i32
      %mul3A_62 = arith.muli %scan3A_60, %mul3A_61 : i32
      %add3A_63 = arith.constant 0 : i32
      %add3A_64 = arith.addi %mul3A_62, %add3A_63 : i32
      %mul3A_65 = arith.constant 32 : i32
      %mul3A_66 = arith.muli %add3A_64, %mul3A_65 : i32
      %add3A_67 = arith.addi %add3A, %mul3A_66 : i32
      %mul3A_68 = arith.constant 256 : i32
      %mul3A_69 = arith.muli %add3A_67, %mul3A_68 : i32
      %dma_wait3A_70 = arith.constant 0 : i32
      %dma_wait3A_71 = arith.constant 0 : i32
      %dma_wait3A_72 = tpu.memref_slice %arg2[%dma_wait3A_70, %dma_wait3A_71, %mul3A_69] : memref<8x8x1000000xf32, #tpu.memory_space<hbm>> -> memref<8x8x256xf32, #tpu.memory_space<hbm>>
      %dma_wait3A_73 = arith.constant 0 : i32
      %dma_wait3A_74 = arith.constant 0 : i32
      %dma_wait3A_75 = tpu.memref_slice %arg2[%dma_wait3A_73, %dma_wait3A_74, %mul3A_69] : memref<8x8x1000000xf32, #tpu.memory_space<hbm>> -> memref<8x8x256xf32, #tpu.memory_space<hbm>>
      tpu.wait_dma2 semaphore(%arg9 : memref<!tpu.dma_semaphore, #tpu.memory_space<semaphore_mem>>) src(%dma_wait3A_75 : memref<8x8x256xf32, #tpu.memory_space<hbm>>) dst(%arg4 : memref<8x8x256xf32, #tpu.memory_space<vmem>>)
      %lt3A_76 = arith.constant 121 : i32
      %lt3A_77 = arith.cmpi slt, %add3A_64, %lt3A_76 : i32
      %convert_element_type3A_78 = arith.extui %lt3A_77 : i1 to i32
      %cond3A_79 = arith.constant 0 : i32
      %cond3A_80 = arith.cmpi ne, %convert_element_type3A_78, %cond3A_79 : i32
      scf.if %cond3A_80 {
        %add3A_139 = arith.constant 1 : i32
        %add3A_140 = arith.addi %add3A_64, %add3A_139 : i32
        %mul3A_141 = arith.constant 32 : i32
        %mul3A_142 = arith.muli %add3A_140, %mul3A_141 : i32
        %add3A_143 = arith.addi %add3A, %mul3A_142 : i32
        %mul3A_144 = arith.constant 256 : i32
        %mul3A_145 = arith.muli %add3A_143, %mul3A_144 : i32
        %dma_start3A_146 = arith.constant 0 : i32
        %dma_start3A_147 = arith.constant 0 : i32
        %dma_start3A_148 = tpu.memref_slice %arg2[%dma_start3A_146, %dma_start3A_147, %mul3A_145] : memref<8x8x1000000xf32, #tpu.memory_space<hbm>> -> memref<8x8x256xf32, #tpu.memory_space<hbm>>
        %dma_start3A_149 = arith.constant 0 : i32
        %dma_start3A_150 = arith.constant 0 : i32
        %dma_start3A_151 = tpu.memref_slice %arg2[%dma_start3A_149, %dma_start3A_150, %mul3A_145] : memref<8x8x1000000xf32, #tpu.memory_space<hbm>> -> memref<8x8x256xf32, #tpu.memory_space<hbm>>
        tpu.enqueue_dma source(%dma_start3A_151 : memref<8x8x256xf32, #tpu.memory_space<hbm>>) target(%arg5 : memref<8x8x256xf32, #tpu.memory_space<vmem>>) target_semaphore(%arg10 : memref<!tpu.dma_semaphore, #tpu.memory_space<semaphore_mem>>)
      } else {
      }
      %gt3A = arith.constant 0 : i32
      %gt3A_81 = arith.cmpi sgt, %scan3A_60, %gt3A : i32
      %convert_element_type3A_82 = arith.extui %gt3A_81 : i1 to i32
      %cond3A_83 = arith.constant 0 : i32
      %cond3A_84 = arith.cmpi ne, %convert_element_type3A_82, %cond3A_83 : i32
      scf.if %cond3A_84 {
        %mul3A_139 = arith.constant 32 : i32
        %mul3A_140 = arith.muli %add3A_64, %mul3A_139 : i32
        %add3A_141 = arith.addi %add3A, %mul3A_140 : i32
        %mul3A_142 = arith.constant 128 : i32
        %mul3A_143 = arith.muli %add3A_141, %mul3A_142 : i32
        %dma_wait3A_144 = arith.constant 0 : i32
        %dma_wait3A_145 = tpu.memref_slice %arg3[%mul3A_143, %dma_wait3A_144] : memref<500000x128xf32, #tpu.memory_space<hbm>> -> memref<128x128xf32, #tpu.memory_space<hbm>>
        %dma_wait3A_146 = arith.constant 0 : i32
        %dma_wait3A_147 = tpu.memref_slice %arg3[%mul3A_143, %dma_wait3A_146] : memref<500000x128xf32, #tpu.memory_space<hbm>> -> memref<128x128xf32, #tpu.memory_space<hbm>>
        tpu.wait_dma2 semaphore(%arg11 : memref<!tpu.dma_semaphore, #tpu.memory_space<semaphore_mem>>) src(%arg7 : memref<128x128xf32, #tpu.memory_space<vmem>>) dst(%dma_wait3A_147 : memref<128x128xf32, #tpu.memory_space<hbm>>)
      } else {
      }
      %parallel_loop3A = arith.constant 0 : i32
      %parallel_loop3A_85 = arith.constant 64 : i32
      %parallel_loop3A_86 = arith.constant 1 : i32
      scf.for %parallel_loop3A_139 = %parallel_loop3A to %parallel_loop3A_85 step %parallel_loop3A_86  : i32 {
        %parallel_loop3A_140 = arith.constant 8 : i32
        %parallel_loop3A_141 = arith.divsi %parallel_loop3A_139, %parallel_loop3A_140 : i32
        %parallel_loop3A_142 = arith.constant 0 : i32
        %parallel_loop3A_143 = arith.cmpi sgt, %parallel_loop3A_139, %parallel_loop3A_142 : i32
        %parallel_loop3A_144 = arith.extui %parallel_loop3A_143 : i1 to i32
        %parallel_loop3A_145 = arith.constant 0 : i32
        %parallel_loop3A_146 = arith.cmpi slt, %parallel_loop3A_139, %parallel_loop3A_145 : i32
        %parallel_loop3A_147 = arith.extui %parallel_loop3A_146 : i1 to i32
        %parallel_loop3A_148 = arith.subi %parallel_loop3A_144, %parallel_loop3A_147 : i32
        %parallel_loop3A_149 = arith.constant 0 : i32
        %parallel_loop3A_150 = arith.cmpi sgt, %parallel_loop3A_140, %parallel_loop3A_149 : i32
        %parallel_loop3A_151 = arith.extui %parallel_loop3A_150 : i1 to i32
        %parallel_loop3A_152 = arith.constant 0 : i32
        %parallel_loop3A_153 = arith.cmpi slt, %parallel_loop3A_140, %parallel_loop3A_152 : i32
        %parallel_loop3A_154 = arith.extui %parallel_loop3A_153 : i1 to i32
        %parallel_loop3A_155 = arith.subi %parallel_loop3A_151, %parallel_loop3A_154 : i32
        %parallel_loop3A_156 = arith.cmpi ne, %parallel_loop3A_148, %parallel_loop3A_155 : i32
        %parallel_loop3A_157 = arith.remsi %parallel_loop3A_139, %parallel_loop3A_140 : i32
        %parallel_loop3A_158 = arith.constant 0 : i32
        %parallel_loop3A_159 = arith.cmpi ne, %parallel_loop3A_157, %parallel_loop3A_158 : i32
        %parallel_loop3A_160 = arith.andi %parallel_loop3A_156, %parallel_loop3A_159 : i1
        %parallel_loop3A_161 = arith.constant 1 : i32
        %parallel_loop3A_162 = arith.subi %parallel_loop3A_141, %parallel_loop3A_161 : i32
        %parallel_loop3A_163 = arith.select %parallel_loop3A_160, %parallel_loop3A_162, %parallel_loop3A_141 : i32
        %parallel_loop3A_164 = arith.constant 8 : i32
        %parallel_loop3A_165 = arith.constant 0 : i32
        %parallel_loop3A_166 = arith.cmpi eq, %parallel_loop3A_164, %parallel_loop3A_165 : i32
        %parallel_loop3A_167 = arith.constant 1 : i32
        %parallel_loop3A_168 = arith.select %parallel_loop3A_166, %parallel_loop3A_167, %parallel_loop3A_164 : i32
        %parallel_loop3A_169 = arith.remsi %parallel_loop3A_139, %parallel_loop3A_168 : i32
        %parallel_loop3A_170 = arith.constant 0 : i32
        %parallel_loop3A_171 = arith.cmpi ne, %parallel_loop3A_169, %parallel_loop3A_170 : i32
        %parallel_loop3A_172 = arith.constant 0 : i32
        %parallel_loop3A_173 = arith.cmpi slt, %parallel_loop3A_169, %parallel_loop3A_172 : i32
        %parallel_loop3A_174 = arith.constant 0 : i32
        %parallel_loop3A_175 = arith.cmpi slt, %parallel_loop3A_168, %parallel_loop3A_174 : i32
        %parallel_loop3A_176 = arith.xori %parallel_loop3A_173, %parallel_loop3A_175 : i1
        %parallel_loop3A_177 = arith.andi %parallel_loop3A_176, %parallel_loop3A_171 : i1
        %parallel_loop3A_178 = arith.addi %parallel_loop3A_169, %parallel_loop3A_168 : i32
        %parallel_loop3A_179 = arith.select %parallel_loop3A_177, %parallel_loop3A_178, %parallel_loop3A_169 : i32
        %parallel_loop3A_180 = arith.index_cast %parallel_loop3A_163 : i32 to index
        %parallel_loop3A_181 = arith.index_cast %parallel_loop3A_179 : i32 to index
        %parallel_loop3A_182 = arith.constant 0 : index
        %parallel_loop3A_183 = tpu.vector_load %arg4[%parallel_loop3A_180, %parallel_loop3A_181, %parallel_loop3A_182] {strides = array<i32>} : memref<8x8x256xf32, #tpu.memory_space<vmem>>, vector<16xf32>,
        %parallel_loop3A_184 = arith.constant 257 : i32
        %parallel_loop3A_185 = arith.muli %parallel_loop3A_139, %parallel_loop3A_184 : i32
        %parallel_loop3A_186 = arith.constant 0 : i32
        %parallel_loop3A_187 = arith.addi %parallel_loop3A_185, %parallel_loop3A_186 : i32
        %parallel_loop3A_188 = arith.index_cast %parallel_loop3A_187 : i32 to index
        %parallel_loop3A_189 = tpu.vector_load %arg6[%parallel_loop3A_188] {strides = array<i32>} : memref<16448xf32, #tpu.memory_space<vmem>>, vector<16xf32>,
        tpu.vector_store %arg6[%parallel_loop3A_188], %parallel_loop3A_183 {strides = array<i32>} : memref<16448xf32, #tpu.memory_space<vmem>>, vector<16xf32>,
        %parallel_loop3A_190 = arith.index_cast %parallel_loop3A_163 : i32 to index
        %parallel_loop3A_191 = arith.index_cast %parallel_loop3A_179 : i32 to index
        %parallel_loop3A_192 = arith.constant 16 : index
        %parallel_loop3A_193 = tpu.vector_load %arg4[%parallel_loop3A_190, %parallel_loop3A_191, %parallel_loop3A_192] {strides = array<i32>} : memref<8x8x256xf32, #tpu.memory_space<vmem>>, vector<16xf32>,
        %parallel_loop3A_194 = arith.constant 257 : i32
        %parallel_loop3A_195 = arith.muli %parallel_loop3A_139, %parallel_loop3A_194 : i32
        %parallel_loop3A_196 = arith.constant 16 : i32
        %parallel_loop3A_197 = arith.addi %parallel_loop3A_195, %parallel_loop3A_196 : i32
        %parallel_loop3A_198 = arith.index_cast %parallel_loop3A_197 : i32 to index
        %parallel_loop3A_199 = tpu.vector_load %arg6[%parallel_loop3A_198] {strides = array<i32>} : memref<16448xf32, #tpu.memory_space<vmem>>, vector<16xf32>,
        tpu.vector_store %arg6[%parallel_loop3A_198], %parallel_loop3A_193 {strides = array<i32>} : memref<16448xf32, #tpu.memory_space<vmem>>, vector<16xf32>,
        %parallel_loop3A_200 = arith.index_cast %parallel_loop3A_163 : i32 to index
        %parallel_loop3A_201 = arith.index_cast %parallel_loop3A_179 : i32 to index
        %parallel_loop3A_202 = arith.constant 32 : index
        %parallel_loop3A_203 = tpu.vector_load %arg4[%parallel_loop3A_200, %parallel_loop3A_201, %parallel_loop3A_202] {strides = array<i32>} : memref<8x8x256xf32, #tpu.memory_space<vmem>>, vector<16xf32>,
        %parallel_loop3A_204 = arith.constant 257 : i32
        %parallel_loop3A_205 = arith.muli %parallel_loop3A_139, %parallel_loop3A_204 : i32
        %parallel_loop3A_206 = arith.constant 32 : i32
        %parallel_loop3A_207 = arith.addi %parallel_loop3A_205, %parallel_loop3A_206 : i32
        %parallel_loop3A_208 = arith.index_cast %parallel_loop3A_207 : i32 to index
        %parallel_loop3A_209 = tpu.vector_load %arg6[%parallel_loop3A_208] {strides = array<i32>} : memref<16448xf32, #tpu.memory_space<vmem>>, vector<16xf32>,
        tpu.vector_store %arg6[%parallel_loop3A_208], %parallel_loop3A_203 {strides = array<i32>} : memref<16448xf32, #tpu.memory_space<vmem>>, vector<16xf32>,
        %parallel_loop3A_210 = arith.index_cast %parallel_loop3A_163 : i32 to index
        %parallel_loop3A_211 = arith.index_cast %parallel_loop3A_179 : i32 to index
        %parallel_loop3A_212 = arith.constant 48 : index
        %parallel_loop3A_213 = tpu.vector_load %arg4[%parallel_loop3A_210, %parallel_loop3A_211, %parallel_loop3A_212] {strides = array<i32>} : memref<8x8x256xf32, #tpu.memory_space<vmem>>, vector<16xf32>,
        %parallel_loop3A_214 = arith.constant 257 : i32
        %parallel_loop3A_215 = arith.muli %parallel_loop3A_139, %parallel_loop3A_214 : i32
        %parallel_loop3A_216 = arith.constant 48 : i32
        %parallel_loop3A_217 = arith.addi %parallel_loop3A_215, %parallel_loop3A_216 : i32
        %parallel_loop3A_218 = arith.index_cast %parallel_loop3A_217 : i32 to index
        %parallel_loop3A_219 = tpu.vector_load %arg6[%parallel_loop3A_218] {strides = array<i32>} : memref<16448xf32, #tpu.memory_space<vmem>>, vector<16xf32>,
        tpu.vector_store %arg6[%parallel_loop3A_218], %parallel_loop3A_213 {strides = array<i32>} : memref<16448xf32, #tpu.memory_space<vmem>>, vector<16xf32>,
        %parallel_loop3A_220 = arith.index_cast %parallel_loop3A_163 : i32 to index
        %parallel_loop3A_221 = arith.index_cast %parallel_loop3A_179 : i32 to index
        %parallel_loop3A_222 = arith.constant 64 : index
        %parallel_loop3A_223 = tpu.vector_load %arg4[%parallel_loop3A_220, %parallel_loop3A_221, %parallel_loop3A_222] {strides = array<i32>} : memref<8x8x256xf32, #tpu.memory_space<vmem>>, vector<16xf32>,
        %parallel_loop3A_224 = arith.constant 257 : i32
        %parallel_loop3A_225 = arith.muli %parallel_loop3A_139, %parallel_loop3A_224 : i32
        %parallel_loop3A_226 = arith.constant 64 : i32
        %parallel_loop3A_227 = arith.addi %parallel_loop3A_225, %parallel_loop3A_226 : i32
        %parallel_loop3A_228 = arith.index_cast %parallel_loop3A_227 : i32 to index
        %parallel_loop3A_229 = tpu.vector_load %arg6[%parallel_loop3A_228] {strides = array<i32>} : memref<16448xf32, #tpu.memory_space<vmem>>, vector<16xf32>,
        tpu.vector_store %arg6[%parallel_loop3A_228], %parallel_loop3A_223 {strides = array<i32>} : memref<16448xf32, #tpu.memory_space<vmem>>, vector<16xf32>,
        %parallel_loop3A_230 = arith.index_cast %parallel_loop3A_163 : i32 to index
        %parallel_loop3A_231 = arith.index_cast %parallel_loop3A_179 : i32 to index
        %parallel_loop3A_232 = arith.constant 80 : index
        %parallel_loop3A_233 = tpu.vector_load %arg4[%parallel_loop3A_230, %parallel_loop3A_231, %parallel_loop3A_232] {strides = array<i32>} : memref<8x8x256xf32, #tpu.memory_space<vmem>>, vector<16xf32>,
        %parallel_loop3A_234 = arith.constant 257 : i32
        %parallel_loop3A_235 = arith.muli %parallel_loop3A_139, %parallel_loop3A_234 : i32
        %parallel_loop3A_236 = arith.constant 80 : i32
        %parallel_loop3A_237 = arith.addi %parallel_loop3A_235, %parallel_loop3A_236 : i32
        %parallel_loop3A_238 = arith.index_cast %parallel_loop3A_237 : i32 to index
        %parallel_loop3A_239 = tpu.vector_load %arg6[%parallel_loop3A_238] {strides = array<i32>} : memref<16448xf32, #tpu.memory_space<vmem>>, vector<16xf32>,
        tpu.vector_store %arg6[%parallel_loop3A_238], %parallel_loop3A_233 {strides = array<i32>} : memref<16448xf32, #tpu.memory_space<vmem>>, vector<16xf32>,
        %parallel_loop3A_240 = arith.index_cast %parallel_loop3A_163 : i32 to index
        %parallel_loop3A_241 = arith.index_cast %parallel_loop3A_179 : i32 to index
        %parallel_loop3A_242 = arith.constant 96 : index
        %parallel_loop3A_243 = tpu.vector_load %arg4[%parallel_loop3A_240, %parallel_loop3A_241, %parallel_loop3A_242] {strides = array<i32>} : memref<8x8x256xf32, #tpu.memory_space<vmem>>, vector<16xf32>,
        %parallel_loop3A_244 = arith.constant 257 : i32
        %parallel_loop3A_245 = arith.muli %parallel_loop3A_139, %parallel_loop3A_244 : i32
        %parallel_loop3A_246 = arith.constant 96 : i32
        %parallel_loop3A_247 = arith.addi %parallel_loop3A_245, %parallel_loop3A_246 : i32
        %parallel_loop3A_248 = arith.index_cast %parallel_loop3A_247 : i32 to index
        %parallel_loop3A_249 = tpu.vector_load %arg6[%parallel_loop3A_248] {strides = array<i32>} : memref<16448xf32, #tpu.memory_space<vmem>>, vector<16xf32>,
        tpu.vector_store %arg6[%parallel_loop3A_248], %parallel_loop3A_243 {strides = array<i32>} : memref<16448xf32, #tpu.memory_space<vmem>>, vector<16xf32>,
        %parallel_loop3A_250 = arith.index_cast %parallel_loop3A_163 : i32 to index
        %parallel_loop3A_251 = arith.index_cast %parallel_loop3A_179 : i32 to index
        %parallel_loop3A_252 = arith.constant 112 : index
        %parallel_loop3A_253 = tpu.vector_load %arg4[%parallel_loop3A_250, %parallel_loop3A_251, %parallel_loop3A_252] {strides = array<i32>} : memref<8x8x256xf32, #tpu.memory_space<vmem>>, vector<16xf32>,
        %parallel_loop3A_254 = arith.constant 257 : i32
        %parallel_loop3A_255 = arith.muli %parallel_loop3A_139, %parallel_loop3A_254 : i32
        %parallel_loop3A_256 = arith.constant 112 : i32
        %parallel_loop3A_257 = arith.addi %parallel_loop3A_255, %parallel_loop3A_256 : i32
        %parallel_loop3A_258 = arith.index_cast %parallel_loop3A_257 : i32 to index
        %parallel_loop3A_259 = tpu.vector_load %arg6[%parallel_loop3A_258] {strides = array<i32>} : memref<16448xf32, #tpu.memory_space<vmem>>, vector<16xf32>,
        tpu.vector_store %arg6[%parallel_loop3A_258], %parallel_loop3A_253 {strides = array<i32>} : memref<16448xf32, #tpu.memory_space<vmem>>, vector<16xf32>,
        %parallel_loop3A_260 = arith.index_cast %parallel_loop3A_163 : i32 to index
        %parallel_loop3A_261 = arith.index_cast %parallel_loop3A_179 : i32 to index
        %parallel_loop3A_262 = arith.constant 128 : index
        %parallel_loop3A_263 = tpu.vector_load %arg4[%parallel_loop3A_260, %parallel_loop3A_261, %parallel_loop3A_262] {strides = array<i32>} : memref<8x8x256xf32, #tpu.memory_space<vmem>>, vector<16xf32>,
        %parallel_loop3A_264 = arith.constant 257 : i32
        %parallel_loop3A_265 = arith.muli %parallel_loop3A_139, %parallel_loop3A_264 : i32
        %parallel_loop3A_266 = arith.constant 128 : i32
        %parallel_loop3A_267 = arith.addi %parallel_loop3A_265, %parallel_loop3A_266 : i32
        %parallel_loop3A_268 = arith.index_cast %parallel_loop3A_267 : i32 to index
        %parallel_loop3A_269 = tpu.vector_load %arg6[%parallel_loop3A_268] {strides = array<i32>} : memref<16448xf32, #tpu.memory_space<vmem>>, vector<16xf32>,
        tpu.vector_store %arg6[%parallel_loop3A_268], %parallel_loop3A_263 {strides = array<i32>} : memref<16448xf32, #tpu.memory_space<vmem>>, vector<16xf32>,
        %parallel_loop3A_270 = arith.index_cast %parallel_loop3A_163 : i32 to index
        %parallel_loop3A_271 = arith.index_cast %parallel_loop3A_179 : i32 to index
        %parallel_loop3A_272 = arith.constant 144 : index
        %parallel_loop3A_273 = tpu.vector_load %arg4[%parallel_loop3A_270, %parallel_loop3A_271, %parallel_loop3A_272] {strides = array<i32>} : memref<8x8x256xf32, #tpu.memory_space<vmem>>, vector<16xf32>,
        %parallel_loop3A_274 = arith.constant 257 : i32
        %parallel_loop3A_275 = arith.muli %parallel_loop3A_139, %parallel_loop3A_274 : i32
        %parallel_loop3A_276 = arith.constant 144 : i32
        %parallel_loop3A_277 = arith.addi %parallel_loop3A_275, %parallel_loop3A_276 : i32
        %parallel_loop3A_278 = arith.index_cast %parallel_loop3A_277 : i32 to index
        %parallel_loop3A_279 = tpu.vector_load %arg6[%parallel_loop3A_278] {strides = array<i32>} : memref<16448xf32, #tpu.memory_space<vmem>>, vector<16xf32>,
        tpu.vector_store %arg6[%parallel_loop3A_278], %parallel_loop3A_273 {strides = array<i32>} : memref<16448xf32, #tpu.memory_space<vmem>>, vector<16xf32>,
        %parallel_loop3A_280 = arith.index_cast %parallel_loop3A_163 : i32 to index
        %parallel_loop3A_281 = arith.index_cast %parallel_loop3A_179 : i32 to index
        %parallel_loop3A_282 = arith.constant 160 : index
        %parallel_loop3A_283 = tpu.vector_load %arg4[%parallel_loop3A_280, %parallel_loop3A_281, %parallel_loop3A_282] {strides = array<i32>} : memref<8x8x256xf32, #tpu.memory_space<vmem>>, vector<16xf32>,
        %parallel_loop3A_284 = arith.constant 257 : i32
        %parallel_loop3A_285 = arith.muli %parallel_loop3A_139, %parallel_loop3A_284 : i32
        %parallel_loop3A_286 = arith.constant 160 : i32
        %parallel_loop3A_287 = arith.addi %parallel_loop3A_285, %parallel_loop3A_286 : i32
        %parallel_loop3A_288 = arith.index_cast %parallel_loop3A_287 : i32 to index
        %parallel_loop3A_289 = tpu.vector_load %arg6[%parallel_loop3A_288] {strides = array<i32>} : memref<16448xf32, #tpu.memory_space<vmem>>, vector<16xf32>,
        tpu.vector_store %arg6[%parallel_loop3A_288], %parallel_loop3A_283 {strides = array<i32>} : memref<16448xf32, #tpu.memory_space<vmem>>, vector<16xf32>,
        %parallel_loop3A_290 = arith.index_cast %parallel_loop3A_163 : i32 to index
        %parallel_loop3A_291 = arith.index_cast %parallel_loop3A_179 : i32 to index
        %parallel_loop3A_292 = arith.constant 176 : index
        %parallel_loop3A_293 = tpu.vector_load %arg4[%parallel_loop3A_290, %parallel_loop3A_291, %parallel_loop3A_292] {strides = array<i32>} : memref<8x8x256xf32, #tpu.memory_space<vmem>>, vector<16xf32>,
        %parallel_loop3A_294 = arith.constant 257 : i32
        %parallel_loop3A_295 = arith.muli %parallel_loop3A_139, %parallel_loop3A_294 : i32
        %parallel_loop3A_296 = arith.constant 176 : i32
        %parallel_loop3A_297 = arith.addi %parallel_loop3A_295, %parallel_loop3A_296 : i32
        %parallel_loop3A_298 = arith.index_cast %parallel_loop3A_297 : i32 to index
        %parallel_loop3A_299 = tpu.vector_load %arg6[%parallel_loop3A_298] {strides = array<i32>} : memref<16448xf32, #tpu.memory_space<vmem>>, vector<16xf32>,
        tpu.vector_store %arg6[%parallel_loop3A_298], %parallel_loop3A_293 {strides = array<i32>} : memref<16448xf32, #tpu.memory_space<vmem>>, vector<16xf32>,
        %parallel_loop3A_300 = arith.index_cast %parallel_loop3A_163 : i32 to index
        %parallel_loop3A_301 = arith.index_cast %parallel_loop3A_179 : i32 to index
        %parallel_loop3A_302 = arith.constant 192 : index
        %parallel_loop3A_303 = tpu.vector_load %arg4[%parallel_loop3A_300, %parallel_loop3A_301, %parallel_loop3A_302] {strides = array<i32>} : memref<8x8x256xf32, #tpu.memory_space<vmem>>, vector<16xf32>,
        %parallel_loop3A_304 = arith.constant 257 : i32
        %parallel_loop3A_305 = arith.muli %parallel_loop3A_139, %parallel_loop3A_304 : i32
        %parallel_loop3A_306 = arith.constant 192 : i32
        %parallel_loop3A_307 = arith.addi %parallel_loop3A_305, %parallel_loop3A_306 : i32
        %parallel_loop3A_308 = arith.index_cast %parallel_loop3A_307 : i32 to index
        %parallel_loop3A_309 = tpu.vector_load %arg6[%parallel_loop3A_308] {strides = array<i32>} : memref<16448xf32, #tpu.memory_space<vmem>>, vector<16xf32>,
        tpu.vector_store %arg6[%parallel_loop3A_308], %parallel_loop3A_303 {strides = array<i32>} : memref<16448xf32, #tpu.memory_space<vmem>>, vector<16xf32>,
        %parallel_loop3A_310 = arith.index_cast %parallel_loop3A_163 : i32 to index
        %parallel_loop3A_311 = arith.index_cast %parallel_loop3A_179 : i32 to index
        %parallel_loop3A_312 = arith.constant 208 : index
        %parallel_loop3A_313 = tpu.vector_load %arg4[%parallel_loop3A_310, %parallel_loop3A_311, %parallel_loop3A_312] {strides = array<i32>} : memref<8x8x256xf32, #tpu.memory_space<vmem>>, vector<16xf32>,
        %parallel_loop3A_314 = arith.constant 257 : i32
        %parallel_loop3A_315 = arith.muli %parallel_loop3A_139, %parallel_loop3A_314 : i32
        %parallel_loop3A_316 = arith.constant 208 : i32
        %parallel_loop3A_317 = arith.addi %parallel_loop3A_315, %parallel_loop3A_316 : i32
        %parallel_loop3A_318 = arith.index_cast %parallel_loop3A_317 : i32 to index
        %parallel_loop3A_319 = tpu.vector_load %arg6[%parallel_loop3A_318] {strides = array<i32>} : memref<16448xf32, #tpu.memory_space<vmem>>, vector<16xf32>,
        tpu.vector_store %arg6[%parallel_loop3A_318], %parallel_loop3A_313 {strides = array<i32>} : memref<16448xf32, #tpu.memory_space<vmem>>, vector<16xf32>,
        %parallel_loop3A_320 = arith.index_cast %parallel_loop3A_163 : i32 to index
        %parallel_loop3A_321 = arith.index_cast %parallel_loop3A_179 : i32 to index
        %parallel_loop3A_322 = arith.constant 224 : index
        %parallel_loop3A_323 = tpu.vector_load %arg4[%parallel_loop3A_320, %parallel_loop3A_321, %parallel_loop3A_322] {strides = array<i32>} : memref<8x8x256xf32, #tpu.memory_space<vmem>>, vector<16xf32>,
        %parallel_loop3A_324 = arith.constant 257 : i32
        %parallel_loop3A_325 = arith.muli %parallel_loop3A_139, %parallel_loop3A_324 : i32
        %parallel_loop3A_326 = arith.constant 224 : i32
        %parallel_loop3A_327 = arith.addi %parallel_loop3A_325, %parallel_loop3A_326 : i32
        %parallel_loop3A_328 = arith.index_cast %parallel_loop3A_327 : i32 to index
        %parallel_loop3A_329 = tpu.vector_load %arg6[%parallel_loop3A_328] {strides = array<i32>} : memref<16448xf32, #tpu.memory_space<vmem>>, vector<16xf32>,
        tpu.vector_store %arg6[%parallel_loop3A_328], %parallel_loop3A_323 {strides = array<i32>} : memref<16448xf32, #tpu.memory_space<vmem>>, vector<16xf32>,
        %parallel_loop3A_330 = arith.index_cast %parallel_loop3A_163 : i32 to index
        %parallel_loop3A_331 = arith.index_cast %parallel_loop3A_179 : i32 to index
        %parallel_loop3A_332 = arith.constant 240 : index
        %parallel_loop3A_333 = tpu.vector_load %arg4[%parallel_loop3A_330, %parallel_loop3A_331, %parallel_loop3A_332] {strides = array<i32>} : memref<8x8x256xf32, #tpu.memory_space<vmem>>, vector<16xf32>,
        %parallel_loop3A_334 = arith.constant 257 : i32
        %parallel_loop3A_335 = arith.muli %parallel_loop3A_139, %parallel_loop3A_334 : i32
        %parallel_loop3A_336 = arith.constant 240 : i32
        %parallel_loop3A_337 = arith.addi %parallel_loop3A_335, %parallel_loop3A_336 : i32
        %parallel_loop3A_338 = arith.index_cast %parallel_loop3A_337 : i32 to index
        %parallel_loop3A_339 = tpu.vector_load %arg6[%parallel_loop3A_338] {strides = array<i32>} : memref<16448xf32, #tpu.memory_space<vmem>>, vector<16xf32>,
        tpu.vector_store %arg6[%parallel_loop3A_338], %parallel_loop3A_333 {strides = array<i32>} : memref<16448xf32, #tpu.memory_space<vmem>>, vector<16xf32>,
      } {sc.loop_unroll_factor = 4 : i64, sc.parallel_access}
      %parallel_loop3A_87 = arith.constant 0 : i32
      %parallel_loop3A_88 = arith.constant 128 : i32
      %parallel_loop3A_89 = arith.constant 1 : i32
      scf.for %parallel_loop3A_139 = %parallel_loop3A_87 to %parallel_loop3A_88 step %parallel_loop3A_89  : i32 {
        %parallel_loop3A_140 = arith.constant 2 : i32
        %parallel_loop3A_141 = arith.muli %parallel_loop3A_139, %parallel_loop3A_140 : i32
        %parallel_loop3A_142 = arith.constant 0 : i32
        %parallel_loop3A_143 = arith.addi %parallel_loop3A_141, %parallel_loop3A_142 : i32
        %parallel_loop3A_144 = vector.broadcast %parallel_loop3A_143 : i32 to vector<16xi32>
        %parallel_loop3A_145 = arith.addi %mul3A_6, %parallel_loop3A_144 : vector<16xi32>
        %parallel_loop3A_146 = tpu.vector_load_idx %arg6[%parallel_loop3A_145] : memref<16448xf32, #tpu.memory_space<vmem>>[vector<16xi32>], vector<16xf32>,
        %parallel_loop3A_147 = arith.index_cast %parallel_loop3A_139 : i32 to index
        %parallel_loop3A_148 = arith.constant 0 : index
        %parallel_loop3A_149 = tpu.vector_load %arg7[%parallel_loop3A_147, %parallel_loop3A_148] {strides = array<i32>} : memref<128x128xf32, #tpu.memory_space<vmem>>, vector<16xf32>,
        tpu.vector_store %arg7[%parallel_loop3A_147, %parallel_loop3A_148], %parallel_loop3A_146 {strides = array<i32>} : memref<128x128xf32, #tpu.memory_space<vmem>>, vector<16xf32>,
        %parallel_loop3A_150 = vector.broadcast %parallel_loop3A_143 : i32 to vector<16xi32>
        %parallel_loop3A_151 = arith.addi %mul3A_12, %parallel_loop3A_150 : vector<16xi32>
        %parallel_loop3A_152 = tpu.vector_load_idx %arg6[%parallel_loop3A_151] : memref<16448xf32, #tpu.memory_space<vmem>>[vector<16xi32>], vector<16xf32>,
        %parallel_loop3A_153 = arith.index_cast %parallel_loop3A_139 : i32 to index
        %parallel_loop3A_154 = arith.constant 16 : index
        %parallel_loop3A_155 = tpu.vector_load %arg7[%parallel_loop3A_153, %parallel_loop3A_154] {strides = array<i32>} : memref<128x128xf32, #tpu.memory_space<vmem>>, vector<16xf32>,
        tpu.vector_store %arg7[%parallel_loop3A_153, %parallel_loop3A_154], %parallel_loop3A_152 {strides = array<i32>} : memref<128x128xf32, #tpu.memory_space<vmem>>, vector<16xf32>,
        %parallel_loop3A_156 = vector.broadcast %parallel_loop3A_143 : i32 to vector<16xi32>
        %parallel_loop3A_157 = arith.addi %mul3A_18, %parallel_loop3A_156 : vector<16xi32>
        %parallel_loop3A_158 = tpu.vector_load_idx %arg6[%parallel_loop3A_157] : memref<16448xf32, #tpu.memory_space<vmem>>[vector<16xi32>], vector<16xf32>,
        %parallel_loop3A_159 = arith.index_cast %parallel_loop3A_139 : i32 to index
        %parallel_loop3A_160 = arith.constant 32 : index
        %parallel_loop3A_161 = tpu.vector_load %arg7[%parallel_loop3A_159, %parallel_loop3A_160] {strides = array<i32>} : memref<128x128xf32, #tpu.memory_space<vmem>>, vector<16xf32>,
        tpu.vector_store %arg7[%parallel_loop3A_159, %parallel_loop3A_160], %parallel_loop3A_158 {strides = array<i32>} : memref<128x128xf32, #tpu.memory_space<vmem>>, vector<16xf32>,
        %parallel_loop3A_162 = vector.broadcast %parallel_loop3A_143 : i32 to vector<16xi32>
        %parallel_loop3A_163 = arith.addi %mul3A_24, %parallel_loop3A_162 : vector<16xi32>
        %parallel_loop3A_164 = tpu.vector_load_idx %arg6[%parallel_loop3A_163] : memref<16448xf32, #tpu.memory_space<vmem>>[vector<16xi32>], vector<16xf32>,
        %parallel_loop3A_165 = arith.index_cast %parallel_loop3A_139 : i32 to index
        %parallel_loop3A_166 = arith.constant 48 : index
        %parallel_loop3A_167 = tpu.vector_load %arg7[%parallel_loop3A_165, %parallel_loop3A_166] {strides = array<i32>} : memref<128x128xf32, #tpu.memory_space<vmem>>, vector<16xf32>,
        tpu.vector_store %arg7[%parallel_loop3A_165, %parallel_loop3A_166], %parallel_loop3A_164 {strides = array<i32>} : memref<128x128xf32, #tpu.memory_space<vmem>>, vector<16xf32>,
        %parallel_loop3A_168 = arith.constant 2 : i32
        %parallel_loop3A_169 = arith.muli %parallel_loop3A_139, %parallel_loop3A_168 : i32
        %parallel_loop3A_170 = arith.constant 1 : i32
        %parallel_loop3A_171 = arith.addi %parallel_loop3A_169, %parallel_loop3A_170 : i32
        %parallel_loop3A_172 = vector.broadcast %parallel_loop3A_171 : i32 to vector<16xi32>
        %parallel_loop3A_173 = arith.addi %mul3A_6, %parallel_loop3A_172 : vector<16xi32>
        %parallel_loop3A_174 = tpu.vector_load_idx %arg6[%parallel_loop3A_173] : memref<16448xf32, #tpu.memory_space<vmem>>[vector<16xi32>], vector<16xf32>,
        %parallel_loop3A_175 = arith.index_cast %parallel_loop3A_139 : i32 to index
        %parallel_loop3A_176 = arith.constant 64 : index
        %parallel_loop3A_177 = tpu.vector_load %arg7[%parallel_loop3A_175, %parallel_loop3A_176] {strides = array<i32>} : memref<128x128xf32, #tpu.memory_space<vmem>>, vector<16xf32>,
        tpu.vector_store %arg7[%parallel_loop3A_175, %parallel_loop3A_176], %parallel_loop3A_174 {strides = array<i32>} : memref<128x128xf32, #tpu.memory_space<vmem>>, vector<16xf32>,
        %parallel_loop3A_178 = vector.broadcast %parallel_loop3A_171 : i32 to vector<16xi32>
        %parallel_loop3A_179 = arith.addi %mul3A_12, %parallel_loop3A_178 : vector<16xi32>
        %parallel_loop3A_180 = tpu.vector_load_idx %arg6[%parallel_loop3A_179] : memref<16448xf32, #tpu.memory_space<vmem>>[vector<16xi32>], vector<16xf32>,
        %parallel_loop3A_181 = arith.index_cast %parallel_loop3A_139 : i32 to index
        %parallel_loop3A_182 = arith.constant 80 : index
        %parallel_loop3A_183 = tpu.vector_load %arg7[%parallel_loop3A_181, %parallel_loop3A_182] {strides = array<i32>} : memref<128x128xf32, #tpu.memory_space<vmem>>, vector<16xf32>,
        tpu.vector_store %arg7[%parallel_loop3A_181, %parallel_loop3A_182], %parallel_loop3A_180 {strides = array<i32>} : memref<128x128xf32, #tpu.memory_space<vmem>>, vector<16xf32>,
        %parallel_loop3A_184 = vector.broadcast %parallel_loop3A_171 : i32 to vector<16xi32>
        %parallel_loop3A_185 = arith.addi %mul3A_18, %parallel_loop3A_184 : vector<16xi32>
        %parallel_loop3A_186 = tpu.vector_load_idx %arg6[%parallel_loop3A_185] : memref<16448xf32, #tpu.memory_space<vmem>>[vector<16xi32>], vector<16xf32>,
        %parallel_loop3A_187 = arith.index_cast %parallel_loop3A_139 : i32 to index
        %parallel_loop3A_188 = arith.constant 96 : index
        %parallel_loop3A_189 = tpu.vector_load %arg7[%parallel_loop3A_187, %parallel_loop3A_188] {strides = array<i32>} : memref<128x128xf32, #tpu.memory_space<vmem>>, vector<16xf32>,
        tpu.vector_store %arg7[%parallel_loop3A_187, %parallel_loop3A_188], %parallel_loop3A_186 {strides = array<i32>} : memref<128x128xf32, #tpu.memory_space<vmem>>, vector<16xf32>,
        %parallel_loop3A_190 = vector.broadcast %parallel_loop3A_171 : i32 to vector<16xi32>
        %parallel_loop3A_191 = arith.addi %mul3A_24, %parallel_loop3A_190 : vector<16xi32>
        %parallel_loop3A_192 = tpu.vector_load_idx %arg6[%parallel_loop3A_191] : memref<16448xf32, #tpu.memory_space<vmem>>[vector<16xi32>], vector<16xf32>,
        %parallel_loop3A_193 = arith.index_cast %parallel_loop3A_139 : i32 to index
        %parallel_loop3A_194 = arith.constant 112 : index
        %parallel_loop3A_195 = tpu.vector_load %arg7[%parallel_loop3A_193, %parallel_loop3A_194] {strides = array<i32>} : memref<128x128xf32, #tpu.memory_space<vmem>>, vector<16xf32>,
        tpu.vector_store %arg7[%parallel_loop3A_193, %parallel_loop3A_194], %parallel_loop3A_192 {strides = array<i32>} : memref<128x128xf32, #tpu.memory_space<vmem>>, vector<16xf32>,
      } {sc.loop_unroll_factor = 4 : i64, sc.parallel_access}
      %mul3A_90 = arith.constant 32 : i32
      %mul3A_91 = arith.muli %add3A_64, %mul3A_90 : i32
      %add3A_92 = arith.addi %add3A, %mul3A_91 : i32
      %mul3A_93 = arith.constant 128 : i32
      %mul3A_94 = arith.muli %add3A_92, %mul3A_93 : i32
      %dma_start3A_95 = arith.constant 0 : i32
      %dma_start3A_96 = tpu.memref_slice %arg3[%mul3A_94, %dma_start3A_95] : memref<500000x128xf32, #tpu.memory_space<hbm>> -> memref<128x128xf32, #tpu.memory_space<hbm>>
      %dma_start3A_97 = arith.constant 0 : i32
      %dma_start3A_98 = tpu.memref_slice %arg3[%mul3A_94, %dma_start3A_97] : memref<500000x128xf32, #tpu.memory_space<hbm>> -> memref<128x128xf32, #tpu.memory_space<hbm>>
      tpu.enqueue_dma source(%arg7 : memref<128x128xf32, #tpu.memory_space<vmem>>) target(%dma_start3A_98 : memref<128x128xf32, #tpu.memory_space<hbm>>) target_semaphore(%arg11 : memref<!tpu.dma_semaphore, #tpu.memory_space<semaphore_mem>>)
      %mul3A_99 = arith.constant 2 : i32
      %mul3A_100 = arith.muli %scan3A_60, %mul3A_99 : i32
      %add3A_101 = arith.constant 1 : i32
      %add3A_102 = arith.addi %mul3A_100, %add3A_101 : i32
      %mul3A_103 = arith.constant 32 : i32
      %mul3A_104 = arith.muli %add3A_102, %mul3A_103 : i32
      %add3A_105 = arith.addi %add3A, %mul3A_104 : i32
      %mul3A_106 = arith.constant 256 : i32
      %mul3A_107 = arith.muli %add3A_105, %mul3A_106 : i32
      %dma_wait3A_108 = arith.constant 0 : i32
      %dma_wait3A_109 = arith.constant 0 : i32
      %dma_wait3A_110 = tpu.memref_slice %arg2[%dma_wait3A_108, %dma_wait3A_109, %mul3A_107] : memref<8x8x1000000xf32, #tpu.memory_space<hbm>> -> memref<8x8x256xf32, #tpu.memory_space<hbm>>
      %dma_wait3A_111 = arith.constant 0 : i32
      %dma_wait3A_112 = arith.constant 0 : i32
      %dma_wait3A_113 = tpu.memref_slice %arg2[%dma_wait3A_111, %dma_wait3A_112, %mul3A_107] : memref<8x8x1000000xf32, #tpu.memory_space<hbm>> -> memref<8x8x256xf32, #tpu.memory_space<hbm>>
      tpu.wait_dma2 semaphore(%arg10 : memref<!tpu.dma_semaphore, #tpu.memory_space<semaphore_mem>>) src(%dma_wait3A_113 : memref<8x8x256xf32, #tpu.memory_space<hbm>>) dst(%arg5 : memref<8x8x256xf32, #tpu.memory_space<vmem>>)
      %lt3A_114 = arith.constant 121 : i32
      %lt3A_115 = arith.cmpi slt, %add3A_102, %lt3A_114 : i32
      %convert_element_type3A_116 = arith.extui %lt3A_115 : i1 to i32
      %cond3A_117 = arith.constant 0 : i32
      %cond3A_118 = arith.cmpi ne, %convert_element_type3A_116, %cond3A_117 : i32
      scf.if %cond3A_118 {
        %add3A_139 = arith.constant 1 : i32
        %add3A_140 = arith.addi %add3A_102, %add3A_139 : i32
        %mul3A_141 = arith.constant 32 : i32
        %mul3A_142 = arith.muli %add3A_140, %mul3A_141 : i32
        %add3A_143 = arith.addi %add3A, %mul3A_142 : i32
        %mul3A_144 = arith.constant 256 : i32
        %mul3A_145 = arith.muli %add3A_143, %mul3A_144 : i32
        %dma_start3A_146 = arith.constant 0 : i32
        %dma_start3A_147 = arith.constant 0 : i32
        %dma_start3A_148 = tpu.memref_slice %arg2[%dma_start3A_146, %dma_start3A_147, %mul3A_145] : memref<8x8x1000000xf32, #tpu.memory_space<hbm>> -> memref<8x8x256xf32, #tpu.memory_space<hbm>>
        %dma_start3A_149 = arith.constant 0 : i32
        %dma_start3A_150 = arith.constant 0 : i32
        %dma_start3A_151 = tpu.memref_slice %arg2[%dma_start3A_149, %dma_start3A_150, %mul3A_145] : memref<8x8x1000000xf32, #tpu.memory_space<hbm>> -> memref<8x8x256xf32, #tpu.memory_space<hbm>>
        tpu.enqueue_dma source(%dma_start3A_151 : memref<8x8x256xf32, #tpu.memory_space<hbm>>) target(%arg4 : memref<8x8x256xf32, #tpu.memory_space<vmem>>) target_semaphore(%arg9 : memref<!tpu.dma_semaphore, #tpu.memory_space<semaphore_mem>>)
      } else {
      }
      %gt3A_119 = arith.constant 0 : i32
      %gt3A_120 = arith.cmpi sgt, %scan3A_60, %gt3A_119 : i32
      %convert_element_type3A_121 = arith.extui %gt3A_120 : i1 to i32
      %cond3A_122 = arith.constant 0 : i32
      %cond3A_123 = arith.cmpi ne, %convert_element_type3A_121, %cond3A_122 : i32
      scf.if %cond3A_123 {
        %mul3A_139 = arith.constant 32 : i32
        %mul3A_140 = arith.muli %add3A_102, %mul3A_139 : i32
        %add3A_141 = arith.addi %add3A, %mul3A_140 : i32
        %mul3A_142 = arith.constant 128 : i32
        %mul3A_143 = arith.muli %add3A_141, %mul3A_142 : i32
        %dma_wait3A_144 = arith.constant 0 : i32
        %dma_wait3A_145 = tpu.memref_slice %arg3[%mul3A_143, %dma_wait3A_144] : memref<500000x128xf32, #tpu.memory_space<hbm>> -> memref<128x128xf32, #tpu.memory_space<hbm>>
        %dma_wait3A_146 = arith.constant 0 : i32
        %dma_wait3A_147 = tpu.memref_slice %arg3[%mul3A_143, %dma_wait3A_146] : memref<500000x128xf32, #tpu.memory_space<hbm>> -> memref<128x128xf32, #tpu.memory_space<hbm>>
        tpu.wait_dma2 semaphore(%arg12 : memref<!tpu.dma_semaphore, #tpu.memory_space<semaphore_mem>>) src(%arg8 : memref<128x128xf32, #tpu.memory_space<vmem>>) dst(%dma_wait3A_147 : memref<128x128xf32, #tpu.memory_space<hbm>>)
      } else {
      }
      %parallel_loop3A_124 = arith.constant 0 : i32
      %parallel_loop3A_125 = arith.constant 64 : i32
      %parallel_loop3A_126 = arith.constant 1 : i32
      scf.for %parallel_loop3A_139 = %parallel_loop3A_124 to %parallel_loop3A_125 step %parallel_loop3A_126  : i32 {
        %parallel_loop3A_140 = arith.constant 8 : i32
        %parallel_loop3A_141 = arith.divsi %parallel_loop3A_139, %parallel_loop3A_140 : i32
        %parallel_loop3A_142 = arith.constant 0 : i32
        %parallel_loop3A_143 = arith.cmpi sgt, %parallel_loop3A_139, %parallel_loop3A_142 : i32
        %parallel_loop3A_144 = arith.extui %parallel_loop3A_143 : i1 to i32
        %parallel_loop3A_145 = arith.constant 0 : i32
        %parallel_loop3A_146 = arith.cmpi slt, %parallel_loop3A_139, %parallel_loop3A_145 : i32
        %parallel_loop3A_147 = arith.extui %parallel_loop3A_146 : i1 to i32
        %parallel_loop3A_148 = arith.subi %parallel_loop3A_144, %parallel_loop3A_147 : i32
        %parallel_loop3A_149 = arith.constant 0 : i32
        %parallel_loop3A_150 = arith.cmpi sgt, %parallel_loop3A_140, %parallel_loop3A_149 : i32
        %parallel_loop3A_151 = arith.extui %parallel_loop3A_150 : i1 to i32
        %parallel_loop3A_152 = arith.constant 0 : i32
        %parallel_loop3A_153 = arith.cmpi slt, %parallel_loop3A_140, %parallel_loop3A_152 : i32
        %parallel_loop3A_154 = arith.extui %parallel_loop3A_153 : i1 to i32
        %parallel_loop3A_155 = arith.subi %parallel_loop3A_151, %parallel_loop3A_154 : i32
        %parallel_loop3A_156 = arith.cmpi ne, %parallel_loop3A_148, %parallel_loop3A_155 : i32
        %parallel_loop3A_157 = arith.remsi %parallel_loop3A_139, %parallel_loop3A_140 : i32
        %parallel_loop3A_158 = arith.constant 0 : i32
        %parallel_loop3A_159 = arith.cmpi ne, %parallel_loop3A_157, %parallel_loop3A_158 : i32
        %parallel_loop3A_160 = arith.andi %parallel_loop3A_156, %parallel_loop3A_159 : i1
        %parallel_loop3A_161 = arith.constant 1 : i32
        %parallel_loop3A_162 = arith.subi %parallel_loop3A_141, %parallel_loop3A_161 : i32
        %parallel_loop3A_163 = arith.select %parallel_loop3A_160, %parallel_loop3A_162, %parallel_loop3A_141 : i32
        %parallel_loop3A_164 = arith.constant 8 : i32
        %parallel_loop3A_165 = arith.constant 0 : i32
        %parallel_loop3A_166 = arith.cmpi eq, %parallel_loop3A_164, %parallel_loop3A_165 : i32
        %parallel_loop3A_167 = arith.constant 1 : i32
        %parallel_loop3A_168 = arith.select %parallel_loop3A_166, %parallel_loop3A_167, %parallel_loop3A_164 : i32
        %parallel_loop3A_169 = arith.remsi %parallel_loop3A_139, %parallel_loop3A_168 : i32
        %parallel_loop3A_170 = arith.constant 0 : i32
        %parallel_loop3A_171 = arith.cmpi ne, %parallel_loop3A_169, %parallel_loop3A_170 : i32
        %parallel_loop3A_172 = arith.constant 0 : i32
        %parallel_loop3A_173 = arith.cmpi slt, %parallel_loop3A_169, %parallel_loop3A_172 : i32
        %parallel_loop3A_174 = arith.constant 0 : i32
        %parallel_loop3A_175 = arith.cmpi slt, %parallel_loop3A_168, %parallel_loop3A_174 : i32
        %parallel_loop3A_176 = arith.xori %parallel_loop3A_173, %parallel_loop3A_175 : i1
        %parallel_loop3A_177 = arith.andi %parallel_loop3A_176, %parallel_loop3A_171 : i1
        %parallel_loop3A_178 = arith.addi %parallel_loop3A_169, %parallel_loop3A_168 : i32
        %parallel_loop3A_179 = arith.select %parallel_loop3A_177, %parallel_loop3A_178, %parallel_loop3A_169 : i32
        %parallel_loop3A_180 = arith.index_cast %parallel_loop3A_163 : i32 to index
        %parallel_loop3A_181 = arith.index_cast %parallel_loop3A_179 : i32 to index
        %parallel_loop3A_182 = arith.constant 0 : index
        %parallel_loop3A_183 = tpu.vector_load %arg5[%parallel_loop3A_180, %parallel_loop3A_181, %parallel_loop3A_182] {strides = array<i32>} : memref<8x8x256xf32, #tpu.memory_space<vmem>>, vector<16xf32>,
        %parallel_loop3A_184 = arith.constant 257 : i32
        %parallel_loop3A_185 = arith.muli %parallel_loop3A_139, %parallel_loop3A_184 : i32
        %parallel_loop3A_186 = arith.constant 0 : i32
        %parallel_loop3A_187 = arith.addi %parallel_loop3A_185, %parallel_loop3A_186 : i32
        %parallel_loop3A_188 = arith.index_cast %parallel_loop3A_187 : i32 to index
        %parallel_loop3A_189 = tpu.vector_load %arg6[%parallel_loop3A_188] {strides = array<i32>} : memref<16448xf32, #tpu.memory_space<vmem>>, vector<16xf32>,
        tpu.vector_store %arg6[%parallel_loop3A_188], %parallel_loop3A_183 {strides = array<i32>} : memref<16448xf32, #tpu.memory_space<vmem>>, vector<16xf32>,
        %parallel_loop3A_190 = arith.index_cast %parallel_loop3A_163 : i32 to index
        %parallel_loop3A_191 = arith.index_cast %parallel_loop3A_179 : i32 to index
        %parallel_loop3A_192 = arith.constant 16 : index
        %parallel_loop3A_193 = tpu.vector_load %arg5[%parallel_loop3A_190, %parallel_loop3A_191, %parallel_loop3A_192] {strides = array<i32>} : memref<8x8x256xf32, #tpu.memory_space<vmem>>, vector<16xf32>,
        %parallel_loop3A_194 = arith.constant 257 : i32
        %parallel_loop3A_195 = arith.muli %parallel_loop3A_139, %parallel_loop3A_194 : i32
        %parallel_loop3A_196 = arith.constant 16 : i32
        %parallel_loop3A_197 = arith.addi %parallel_loop3A_195, %parallel_loop3A_196 : i32
        %parallel_loop3A_198 = arith.index_cast %parallel_loop3A_197 : i32 to index
        %parallel_loop3A_199 = tpu.vector_load %arg6[%parallel_loop3A_198] {strides = array<i32>} : memref<16448xf32, #tpu.memory_space<vmem>>, vector<16xf32>,
        tpu.vector_store %arg6[%parallel_loop3A_198], %parallel_loop3A_193 {strides = array<i32>} : memref<16448xf32, #tpu.memory_space<vmem>>, vector<16xf32>,
        %parallel_loop3A_200 = arith.index_cast %parallel_loop3A_163 : i32 to index
        %parallel_loop3A_201 = arith.index_cast %parallel_loop3A_179 : i32 to index
        %parallel_loop3A_202 = arith.constant 32 : index
        %parallel_loop3A_203 = tpu.vector_load %arg5[%parallel_loop3A_200, %parallel_loop3A_201, %parallel_loop3A_202] {strides = array<i32>} : memref<8x8x256xf32, #tpu.memory_space<vmem>>, vector<16xf32>,
        %parallel_loop3A_204 = arith.constant 257 : i32
        %parallel_loop3A_205 = arith.muli %parallel_loop3A_139, %parallel_loop3A_204 : i32
        %parallel_loop3A_206 = arith.constant 32 : i32
        %parallel_loop3A_207 = arith.addi %parallel_loop3A_205, %parallel_loop3A_206 : i32
        %parallel_loop3A_208 = arith.index_cast %parallel_loop3A_207 : i32 to index
        %parallel_loop3A_209 = tpu.vector_load %arg6[%parallel_loop3A_208] {strides = array<i32>} : memref<16448xf32, #tpu.memory_space<vmem>>, vector<16xf32>,
        tpu.vector_store %arg6[%parallel_loop3A_208], %parallel_loop3A_203 {strides = array<i32>} : memref<16448xf32, #tpu.memory_space<vmem>>, vector<16xf32>,
        %parallel_loop3A_210 = arith.index_cast %parallel_loop3A_163 : i32 to index
        %parallel_loop3A_211 = arith.index_cast %parallel_loop3A_179 : i32 to index
        %parallel_loop3A_212 = arith.constant 48 : index
        %parallel_loop3A_213 = tpu.vector_load %arg5[%parallel_loop3A_210, %parallel_loop3A_211, %parallel_loop3A_212] {strides = array<i32>} : memref<8x8x256xf32, #tpu.memory_space<vmem>>, vector<16xf32>,
        %parallel_loop3A_214 = arith.constant 257 : i32
        %parallel_loop3A_215 = arith.muli %parallel_loop3A_139, %parallel_loop3A_214 : i32
        %parallel_loop3A_216 = arith.constant 48 : i32
        %parallel_loop3A_217 = arith.addi %parallel_loop3A_215, %parallel_loop3A_216 : i32
        %parallel_loop3A_218 = arith.index_cast %parallel_loop3A_217 : i32 to index
        %parallel_loop3A_219 = tpu.vector_load %arg6[%parallel_loop3A_218] {strides = array<i32>} : memref<16448xf32, #tpu.memory_space<vmem>>, vector<16xf32>,
        tpu.vector_store %arg6[%parallel_loop3A_218], %parallel_loop3A_213 {strides = array<i32>} : memref<16448xf32, #tpu.memory_space<vmem>>, vector<16xf32>,
        %parallel_loop3A_220 = arith.index_cast %parallel_loop3A_163 : i32 to index
        %parallel_loop3A_221 = arith.index_cast %parallel_loop3A_179 : i32 to index
        %parallel_loop3A_222 = arith.constant 64 : index
        %parallel_loop3A_223 = tpu.vector_load %arg5[%parallel_loop3A_220, %parallel_loop3A_221, %parallel_loop3A_222] {strides = array<i32>} : memref<8x8x256xf32, #tpu.memory_space<vmem>>, vector<16xf32>,
        %parallel_loop3A_224 = arith.constant 257 : i32
        %parallel_loop3A_225 = arith.muli %parallel_loop3A_139, %parallel_loop3A_224 : i32
        %parallel_loop3A_226 = arith.constant 64 : i32
        %parallel_loop3A_227 = arith.addi %parallel_loop3A_225, %parallel_loop3A_226 : i32
        %parallel_loop3A_228 = arith.index_cast %parallel_loop3A_227 : i32 to index
        %parallel_loop3A_229 = tpu.vector_load %arg6[%parallel_loop3A_228] {strides = array<i32>} : memref<16448xf32, #tpu.memory_space<vmem>>, vector<16xf32>,
        tpu.vector_store %arg6[%parallel_loop3A_228], %parallel_loop3A_223 {strides = array<i32>} : memref<16448xf32, #tpu.memory_space<vmem>>, vector<16xf32>,
        %parallel_loop3A_230 = arith.index_cast %parallel_loop3A_163 : i32 to index
        %parallel_loop3A_231 = arith.index_cast %parallel_loop3A_179 : i32 to index
        %parallel_loop3A_232 = arith.constant 80 : index
        %parallel_loop3A_233 = tpu.vector_load %arg5[%parallel_loop3A_230, %parallel_loop3A_231, %parallel_loop3A_232] {strides = array<i32>} : memref<8x8x256xf32, #tpu.memory_space<vmem>>, vector<16xf32>,
        %parallel_loop3A_234 = arith.constant 257 : i32
        %parallel_loop3A_235 = arith.muli %parallel_loop3A_139, %parallel_loop3A_234 : i32
        %parallel_loop3A_236 = arith.constant 80 : i32
        %parallel_loop3A_237 = arith.addi %parallel_loop3A_235, %parallel_loop3A_236 : i32
        %parallel_loop3A_238 = arith.index_cast %parallel_loop3A_237 : i32 to index
        %parallel_loop3A_239 = tpu.vector_load %arg6[%parallel_loop3A_238] {strides = array<i32>} : memref<16448xf32, #tpu.memory_space<vmem>>, vector<16xf32>,
        tpu.vector_store %arg6[%parallel_loop3A_238], %parallel_loop3A_233 {strides = array<i32>} : memref<16448xf32, #tpu.memory_space<vmem>>, vector<16xf32>,
        %parallel_loop3A_240 = arith.index_cast %parallel_loop3A_163 : i32 to index
        %parallel_loop3A_241 = arith.index_cast %parallel_loop3A_179 : i32 to index
        %parallel_loop3A_242 = arith.constant 96 : index
        %parallel_loop3A_243 = tpu.vector_load %arg5[%parallel_loop3A_240, %parallel_loop3A_241, %parallel_loop3A_242] {strides = array<i32>} : memref<8x8x256xf32, #tpu.memory_space<vmem>>, vector<16xf32>,
        %parallel_loop3A_244 = arith.constant 257 : i32
        %parallel_loop3A_245 = arith.muli %parallel_loop3A_139, %parallel_loop3A_244 : i32
        %parallel_loop3A_246 = arith.constant 96 : i32
        %parallel_loop3A_247 = arith.addi %parallel_loop3A_245, %parallel_loop3A_246 : i32
        %parallel_loop3A_248 = arith.index_cast %parallel_loop3A_247 : i32 to index
        %parallel_loop3A_249 = tpu.vector_load %arg6[%parallel_loop3A_248] {strides = array<i32>} : memref<16448xf32, #tpu.memory_space<vmem>>, vector<16xf32>,
        tpu.vector_store %arg6[%parallel_loop3A_248], %parallel_loop3A_243 {strides = array<i32>} : memref<16448xf32, #tpu.memory_space<vmem>>, vector<16xf32>,
        %parallel_loop3A_250 = arith.index_cast %parallel_loop3A_163 : i32 to index
        %parallel_loop3A_251 = arith.index_cast %parallel_loop3A_179 : i32 to index
        %parallel_loop3A_252 = arith.constant 112 : index
        %parallel_loop3A_253 = tpu.vector_load %arg5[%parallel_loop3A_250, %parallel_loop3A_251, %parallel_loop3A_252] {strides = array<i32>} : memref<8x8x256xf32, #tpu.memory_space<vmem>>, vector<16xf32>,
        %parallel_loop3A_254 = arith.constant 257 : i32
        %parallel_loop3A_255 = arith.muli %parallel_loop3A_139, %parallel_loop3A_254 : i32
        %parallel_loop3A_256 = arith.constant 112 : i32
        %parallel_loop3A_257 = arith.addi %parallel_loop3A_255, %parallel_loop3A_256 : i32
        %parallel_loop3A_258 = arith.index_cast %parallel_loop3A_257 : i32 to index
        %parallel_loop3A_259 = tpu.vector_load %arg6[%parallel_loop3A_258] {strides = array<i32>} : memref<16448xf32, #tpu.memory_space<vmem>>, vector<16xf32>,
        tpu.vector_store %arg6[%parallel_loop3A_258], %parallel_loop3A_253 {strides = array<i32>} : memref<16448xf32, #tpu.memory_space<vmem>>, vector<16xf32>,
        %parallel_loop3A_260 = arith.index_cast %parallel_loop3A_163 : i32 to index
        %parallel_loop3A_261 = arith.index_cast %parallel_loop3A_179 : i32 to index
        %parallel_loop3A_262 = arith.constant 128 : index
        %parallel_loop3A_263 = tpu.vector_load %arg5[%parallel_loop3A_260, %parallel_loop3A_261, %parallel_loop3A_262] {strides = array<i32>} : memref<8x8x256xf32, #tpu.memory_space<vmem>>, vector<16xf32>,
        %parallel_loop3A_264 = arith.constant 257 : i32
        %parallel_loop3A_265 = arith.muli %parallel_loop3A_139, %parallel_loop3A_264 : i32
        %parallel_loop3A_266 = arith.constant 128 : i32
        %parallel_loop3A_267 = arith.addi %parallel_loop3A_265, %parallel_loop3A_266 : i32
        %parallel_loop3A_268 = arith.index_cast %parallel_loop3A_267 : i32 to index
        %parallel_loop3A_269 = tpu.vector_load %arg6[%parallel_loop3A_268] {strides = array<i32>} : memref<16448xf32, #tpu.memory_space<vmem>>, vector<16xf32>,
        tpu.vector_store %arg6[%parallel_loop3A_268], %parallel_loop3A_263 {strides = array<i32>} : memref<16448xf32, #tpu.memory_space<vmem>>, vector<16xf32>,
        %parallel_loop3A_270 = arith.index_cast %parallel_loop3A_163 : i32 to index
        %parallel_loop3A_271 = arith.index_cast %parallel_loop3A_179 : i32 to index
        %parallel_loop3A_272 = arith.constant 144 : index
        %parallel_loop3A_273 = tpu.vector_load %arg5[%parallel_loop3A_270, %parallel_loop3A_271, %parallel_loop3A_272] {strides = array<i32>} : memref<8x8x256xf32, #tpu.memory_space<vmem>>, vector<16xf32>,
        %parallel_loop3A_274 = arith.constant 257 : i32
        %parallel_loop3A_275 = arith.muli %parallel_loop3A_139, %parallel_loop3A_274 : i32
        %parallel_loop3A_276 = arith.constant 144 : i32
        %parallel_loop3A_277 = arith.addi %parallel_loop3A_275, %parallel_loop3A_276 : i32
        %parallel_loop3A_278 = arith.index_cast %parallel_loop3A_277 : i32 to index
        %parallel_loop3A_279 = tpu.vector_load %arg6[%parallel_loop3A_278] {strides = array<i32>} : memref<16448xf32, #tpu.memory_space<vmem>>, vector<16xf32>,
        tpu.vector_store %arg6[%parallel_loop3A_278], %parallel_loop3A_273 {strides = array<i32>} : memref<16448xf32, #tpu.memory_space<vmem>>, vector<16xf32>,
        %parallel_loop3A_280 = arith.index_cast %parallel_loop3A_163 : i32 to index
        %parallel_loop3A_281 = arith.index_cast %parallel_loop3A_179 : i32 to index
        %parallel_loop3A_282 = arith.constant 160 : index
        %parallel_loop3A_283 = tpu.vector_load %arg5[%parallel_loop3A_280, %parallel_loop3A_281, %parallel_loop3A_282] {strides = array<i32>} : memref<8x8x256xf32, #tpu.memory_space<vmem>>, vector<16xf32>,
        %parallel_loop3A_284 = arith.constant 257 : i32
        %parallel_loop3A_285 = arith.muli %parallel_loop3A_139, %parallel_loop3A_284 : i32
        %parallel_loop3A_286 = arith.constant 160 : i32
        %parallel_loop3A_287 = arith.addi %parallel_loop3A_285, %parallel_loop3A_286 : i32
        %parallel_loop3A_288 = arith.index_cast %parallel_loop3A_287 : i32 to index
        %parallel_loop3A_289 = tpu.vector_load %arg6[%parallel_loop3A_288] {strides = array<i32>} : memref<16448xf32, #tpu.memory_space<vmem>>, vector<16xf32>,
        tpu.vector_store %arg6[%parallel_loop3A_288], %parallel_loop3A_283 {strides = array<i32>} : memref<16448xf32, #tpu.memory_space<vmem>>, vector<16xf32>,
        %parallel_loop3A_290 = arith.index_cast %parallel_loop3A_163 : i32 to index
        %parallel_loop3A_291 = arith.index_cast %parallel_loop3A_179 : i32 to index
        %parallel_loop3A_292 = arith.constant 176 : index
        %parallel_loop3A_293 = tpu.vector_load %arg5[%parallel_loop3A_290, %parallel_loop3A_291, %parallel_loop3A_292] {strides = array<i32>} : memref<8x8x256xf32, #tpu.memory_space<vmem>>, vector<16xf32>,
        %parallel_loop3A_294 = arith.constant 257 : i32
        %parallel_loop3A_295 = arith.muli %parallel_loop3A_139, %parallel_loop3A_294 : i32
        %parallel_loop3A_296 = arith.constant 176 : i32
        %parallel_loop3A_297 = arith.addi %parallel_loop3A_295, %parallel_loop3A_296 : i32
        %parallel_loop3A_298 = arith.index_cast %parallel_loop3A_297 : i32 to index
        %parallel_loop3A_299 = tpu.vector_load %arg6[%parallel_loop3A_298] {strides = array<i32>} : memref<16448xf32, #tpu.memory_space<vmem>>, vector<16xf32>,
        tpu.vector_store %arg6[%parallel_loop3A_298], %parallel_loop3A_293 {strides = array<i32>} : memref<16448xf32, #tpu.memory_space<vmem>>, vector<16xf32>,
        %parallel_loop3A_300 = arith.index_cast %parallel_loop3A_163 : i32 to index
        %parallel_loop3A_301 = arith.index_cast %parallel_loop3A_179 : i32 to index
        %parallel_loop3A_302 = arith.constant 192 : index
        %parallel_loop3A_303 = tpu.vector_load %arg5[%parallel_loop3A_300, %parallel_loop3A_301, %parallel_loop3A_302] {strides = array<i32>} : memref<8x8x256xf32, #tpu.memory_space<vmem>>, vector<16xf32>,
        %parallel_loop3A_304 = arith.constant 257 : i32
        %parallel_loop3A_305 = arith.muli %parallel_loop3A_139, %parallel_loop3A_304 : i32
        %parallel_loop3A_306 = arith.constant 192 : i32
        %parallel_loop3A_307 = arith.addi %parallel_loop3A_305, %parallel_loop3A_306 : i32
        %parallel_loop3A_308 = arith.index_cast %parallel_loop3A_307 : i32 to index
        %parallel_loop3A_309 = tpu.vector_load %arg6[%parallel_loop3A_308] {strides = array<i32>} : memref<16448xf32, #tpu.memory_space<vmem>>, vector<16xf32>,
        tpu.vector_store %arg6[%parallel_loop3A_308], %parallel_loop3A_303 {strides = array<i32>} : memref<16448xf32, #tpu.memory_space<vmem>>, vector<16xf32>,
        %parallel_loop3A_310 = arith.index_cast %parallel_loop3A_163 : i32 to index
        %parallel_loop3A_311 = arith.index_cast %parallel_loop3A_179 : i32 to index
        %parallel_loop3A_312 = arith.constant 208 : index
        %parallel_loop3A_313 = tpu.vector_load %arg5[%parallel_loop3A_310, %parallel_loop3A_311, %parallel_loop3A_312] {strides = array<i32>} : memref<8x8x256xf32, #tpu.memory_space<vmem>>, vector<16xf32>,
        %parallel_loop3A_314 = arith.constant 257 : i32
        %parallel_loop3A_315 = arith.muli %parallel_loop3A_139, %parallel_loop3A_314 : i32
        %parallel_loop3A_316 = arith.constant 208 : i32
        %parallel_loop3A_317 = arith.addi %parallel_loop3A_315, %parallel_loop3A_316 : i32
        %parallel_loop3A_318 = arith.index_cast %parallel_loop3A_317 : i32 to index
        %parallel_loop3A_319 = tpu.vector_load %arg6[%parallel_loop3A_318] {strides = array<i32>} : memref<16448xf32, #tpu.memory_space<vmem>>, vector<16xf32>,
        tpu.vector_store %arg6[%parallel_loop3A_318], %parallel_loop3A_313 {strides = array<i32>} : memref<16448xf32, #tpu.memory_space<vmem>>, vector<16xf32>,
        %parallel_loop3A_320 = arith.index_cast %parallel_loop3A_163 : i32 to index
        %parallel_loop3A_321 = arith.index_cast %parallel_loop3A_179 : i32 to index
        %parallel_loop3A_322 = arith.constant 224 : index
        %parallel_loop3A_323 = tpu.vector_load %arg5[%parallel_loop3A_320, %parallel_loop3A_321, %parallel_loop3A_322] {strides = array<i32>} : memref<8x8x256xf32, #tpu.memory_space<vmem>>, vector<16xf32>,
        %parallel_loop3A_324 = arith.constant 257 : i32
        %parallel_loop3A_325 = arith.muli %parallel_loop3A_139, %parallel_loop3A_324 : i32
        %parallel_loop3A_326 = arith.constant 224 : i32
        %parallel_loop3A_327 = arith.addi %parallel_loop3A_325, %parallel_loop3A_326 : i32
        %parallel_loop3A_328 = arith.index_cast %parallel_loop3A_327 : i32 to index
        %parallel_loop3A_329 = tpu.vector_load %arg6[%parallel_loop3A_328] {strides = array<i32>} : memref<16448xf32, #tpu.memory_space<vmem>>, vector<16xf32>,
        tpu.vector_store %arg6[%parallel_loop3A_328], %parallel_loop3A_323 {strides = array<i32>} : memref<16448xf32, #tpu.memory_space<vmem>>, vector<16xf32>,
        %parallel_loop3A_330 = arith.index_cast %parallel_loop3A_163 : i32 to index
        %parallel_loop3A_331 = arith.index_cast %parallel_loop3A_179 : i32 to index
        %parallel_loop3A_332 = arith.constant 240 : index
        %parallel_loop3A_333 = tpu.vector_load %arg5[%parallel_loop3A_330, %parallel_loop3A_331, %parallel_loop3A_332] {strides = array<i32>} : memref<8x8x256xf32, #tpu.memory_space<vmem>>, vector<16xf32>,
        %parallel_loop3A_334 = arith.constant 257 : i32
        %parallel_loop3A_335 = arith.muli %parallel_loop3A_139, %parallel_loop3A_334 : i32
        %parallel_loop3A_336 = arith.constant 240 : i32
        %parallel_loop3A_337 = arith.addi %parallel_loop3A_335, %parallel_loop3A_336 : i32
        %parallel_loop3A_338 = arith.index_cast %parallel_loop3A_337 : i32 to index
        %parallel_loop3A_339 = tpu.vector_load %arg6[%parallel_loop3A_338] {strides = array<i32>} : memref<16448xf32, #tpu.memory_space<vmem>>, vector<16xf32>,
        tpu.vector_store %arg6[%parallel_loop3A_338], %parallel_loop3A_333 {strides = array<i32>} : memref<16448xf32, #tpu.memory_space<vmem>>, vector<16xf32>,
      } {sc.loop_unroll_factor = 4 : i64, sc.parallel_access}
      %parallel_loop3A_127 = arith.constant 0 : i32
      %parallel_loop3A_128 = arith.constant 128 : i32
      %parallel_loop3A_129 = arith.constant 1 : i32
      scf.for %parallel_loop3A_139 = %parallel_loop3A_127 to %parallel_loop3A_128 step %parallel_loop3A_129  : i32 {
        %parallel_loop3A_140 = arith.constant 2 : i32
        %parallel_loop3A_141 = arith.muli %parallel_loop3A_139, %parallel_loop3A_140 : i32
        %parallel_loop3A_142 = arith.constant 0 : i32
        %parallel_loop3A_143 = arith.addi %parallel_loop3A_141, %parallel_loop3A_142 : i32
        %parallel_loop3A_144 = vector.broadcast %parallel_loop3A_143 : i32 to vector<16xi32>
        %parallel_loop3A_145 = arith.addi %mul3A_6, %parallel_loop3A_144 : vector<16xi32>
        %parallel_loop3A_146 = tpu.vector_load_idx %arg6[%parallel_loop3A_145] : memref<16448xf32, #tpu.memory_space<vmem>>[vector<16xi32>], vector<16xf32>,
        %parallel_loop3A_147 = arith.index_cast %parallel_loop3A_139 : i32 to index
        %parallel_loop3A_148 = arith.constant 0 : index
        %parallel_loop3A_149 = tpu.vector_load %arg8[%parallel_loop3A_147, %parallel_loop3A_148] {strides = array<i32>} : memref<128x128xf32, #tpu.memory_space<vmem>>, vector<16xf32>,
        tpu.vector_store %arg8[%parallel_loop3A_147, %parallel_loop3A_148], %parallel_loop3A_146 {strides = array<i32>} : memref<128x128xf32, #tpu.memory_space<vmem>>, vector<16xf32>,
        %parallel_loop3A_150 = vector.broadcast %parallel_loop3A_143 : i32 to vector<16xi32>
        %parallel_loop3A_151 = arith.addi %mul3A_12, %parallel_loop3A_150 : vector<16xi32>
        %parallel_loop3A_152 = tpu.vector_load_idx %arg6[%parallel_loop3A_151] : memref<16448xf32, #tpu.memory_space<vmem>>[vector<16xi32>], vector<16xf32>,
        %parallel_loop3A_153 = arith.index_cast %parallel_loop3A_139 : i32 to index
        %parallel_loop3A_154 = arith.constant 16 : index
        %parallel_loop3A_155 = tpu.vector_load %arg8[%parallel_loop3A_153, %parallel_loop3A_154] {strides = array<i32>} : memref<128x128xf32, #tpu.memory_space<vmem>>, vector<16xf32>,
        tpu.vector_store %arg8[%parallel_loop3A_153, %parallel_loop3A_154], %parallel_loop3A_152 {strides = array<i32>} : memref<128x128xf32, #tpu.memory_space<vmem>>, vector<16xf32>,
        %parallel_loop3A_156 = vector.broadcast %parallel_loop3A_143 : i32 to vector<16xi32>
        %parallel_loop3A_157 = arith.addi %mul3A_18, %parallel_loop3A_156 : vector<16xi32>
        %parallel_loop3A_158 = tpu.vector_load_idx %arg6[%parallel_loop3A_157] : memref<16448xf32, #tpu.memory_space<vmem>>[vector<16xi32>], vector<16xf32>,
        %parallel_loop3A_159 = arith.index_cast %parallel_loop3A_139 : i32 to index
        %parallel_loop3A_160 = arith.constant 32 : index
        %parallel_loop3A_161 = tpu.vector_load %arg8[%parallel_loop3A_159, %parallel_loop3A_160] {strides = array<i32>} : memref<128x128xf32, #tpu.memory_space<vmem>>, vector<16xf32>,
        tpu.vector_store %arg8[%parallel_loop3A_159, %parallel_loop3A_160], %parallel_loop3A_158 {strides = array<i32>} : memref<128x128xf32, #tpu.memory_space<vmem>>, vector<16xf32>,
        %parallel_loop3A_162 = vector.broadcast %parallel_loop3A_143 : i32 to vector<16xi32>
        %parallel_loop3A_163 = arith.addi %mul3A_24, %parallel_loop3A_162 : vector<16xi32>
        %parallel_loop3A_164 = tpu.vector_load_idx %arg6[%parallel_loop3A_163] : memref<16448xf32, #tpu.memory_space<vmem>>[vector<16xi32>], vector<16xf32>,
        %parallel_loop3A_165 = arith.index_cast %parallel_loop3A_139 : i32 to index
        %parallel_loop3A_166 = arith.constant 48 : index
        %parallel_loop3A_167 = tpu.vector_load %arg8[%parallel_loop3A_165, %parallel_loop3A_166] {strides = array<i32>} : memref<128x128xf32, #tpu.memory_space<vmem>>, vector<16xf32>,
        tpu.vector_store %arg8[%parallel_loop3A_165, %parallel_loop3A_166], %parallel_loop3A_164 {strides = array<i32>} : memref<128x128xf32, #tpu.memory_space<vmem>>, vector<16xf32>,
        %parallel_loop3A_168 = arith.constant 2 : i32
        %parallel_loop3A_169 = arith.muli %parallel_loop3A_139, %parallel_loop3A_168 : i32
        %parallel_loop3A_170 = arith.constant 1 : i32
        %parallel_loop3A_171 = arith.addi %parallel_loop3A_169, %parallel_loop3A_170 : i32
        %parallel_loop3A_172 = vector.broadcast %parallel_loop3A_171 : i32 to vector<16xi32>
        %parallel_loop3A_173 = arith.addi %mul3A_6, %parallel_loop3A_172 : vector<16xi32>
        %parallel_loop3A_174 = tpu.vector_load_idx %arg6[%parallel_loop3A_173] : memref<16448xf32, #tpu.memory_space<vmem>>[vector<16xi32>], vector<16xf32>,
        %parallel_loop3A_175 = arith.index_cast %parallel_loop3A_139 : i32 to index
        %parallel_loop3A_176 = arith.constant 64 : index
        %parallel_loop3A_177 = tpu.vector_load %arg8[%parallel_loop3A_175, %parallel_loop3A_176] {strides = array<i32>} : memref<128x128xf32, #tpu.memory_space<vmem>>, vector<16xf32>,
        tpu.vector_store %arg8[%parallel_loop3A_175, %parallel_loop3A_176], %parallel_loop3A_174 {strides = array<i32>} : memref<128x128xf32, #tpu.memory_space<vmem>>, vector<16xf32>,
        %parallel_loop3A_178 = vector.broadcast %parallel_loop3A_171 : i32 to vector<16xi32>
        %parallel_loop3A_179 = arith.addi %mul3A_12, %parallel_loop3A_178 : vector<16xi32>
        %parallel_loop3A_180 = tpu.vector_load_idx %arg6[%parallel_loop3A_179] : memref<16448xf32, #tpu.memory_space<vmem>>[vector<16xi32>], vector<16xf32>,
        %parallel_loop3A_181 = arith.index_cast %parallel_loop3A_139 : i32 to index
        %parallel_loop3A_182 = arith.constant 80 : index
        %parallel_loop3A_183 = tpu.vector_load %arg8[%parallel_loop3A_181, %parallel_loop3A_182] {strides = array<i32>} : memref<128x128xf32, #tpu.memory_space<vmem>>, vector<16xf32>,
        tpu.vector_store %arg8[%parallel_loop3A_181, %parallel_loop3A_182], %parallel_loop3A_180 {strides = array<i32>} : memref<128x128xf32, #tpu.memory_space<vmem>>, vector<16xf32>,
        %parallel_loop3A_184 = vector.broadcast %parallel_loop3A_171 : i32 to vector<16xi32>
        %parallel_loop3A_185 = arith.addi %mul3A_18, %parallel_loop3A_184 : vector<16xi32>
        %parallel_loop3A_186 = tpu.vector_load_idx %arg6[%parallel_loop3A_185] : memref<16448xf32, #tpu.memory_space<vmem>>[vector<16xi32>], vector<16xf32>,
        %parallel_loop3A_187 = arith.index_cast %parallel_loop3A_139 : i32 to index
        %parallel_loop3A_188 = arith.constant 96 : index
        %parallel_loop3A_189 = tpu.vector_load %arg8[%parallel_loop3A_187, %parallel_loop3A_188] {strides = array<i32>} : memref<128x128xf32, #tpu.memory_space<vmem>>, vector<16xf32>,
        tpu.vector_store %arg8[%parallel_loop3A_187, %parallel_loop3A_188], %parallel_loop3A_186 {strides = array<i32>} : memref<128x128xf32, #tpu.memory_space<vmem>>, vector<16xf32>,
        %parallel_loop3A_190 = vector.broadcast %parallel_loop3A_171 : i32 to vector<16xi32>
        %parallel_loop3A_191 = arith.addi %mul3A_24, %parallel_loop3A_190 : vector<16xi32>
        %parallel_loop3A_192 = tpu.vector_load_idx %arg6[%parallel_loop3A_191] : memref<16448xf32, #tpu.memory_space<vmem>>[vector<16xi32>], vector<16xf32>,
        %parallel_loop3A_193 = arith.index_cast %parallel_loop3A_139 : i32 to index
        %parallel_loop3A_194 = arith.constant 112 : index
        %parallel_loop3A_195 = tpu.vector_load %arg8[%parallel_loop3A_193, %parallel_loop3A_194] {strides = array<i32>} : memref<128x128xf32, #tpu.memory_space<vmem>>, vector<16xf32>,
        tpu.vector_store %arg8[%parallel_loop3A_193, %parallel_loop3A_194], %parallel_loop3A_192 {strides = array<i32>} : memref<128x128xf32, #tpu.memory_space<vmem>>, vector<16xf32>,
      } {sc.loop_unroll_factor = 4 : i64, sc.parallel_access}
      %mul3A_130 = arith.constant 32 : i32
      %mul3A_131 = arith.muli %add3A_102, %mul3A_130 : i32
      %add3A_132 = arith.addi %add3A, %mul3A_131 : i32
      %mul3A_133 = arith.constant 128 : i32
      %mul3A_134 = arith.muli %add3A_132, %mul3A_133 : i32
      %dma_start3A_135 = arith.constant 0 : i32
      %dma_start3A_136 = tpu.memref_slice %arg3[%mul3A_134, %dma_start3A_135] : memref<500000x128xf32, #tpu.memory_space<hbm>> -> memref<128x128xf32, #tpu.memory_space<hbm>>
      %dma_start3A_137 = arith.constant 0 : i32
      %dma_start3A_138 = tpu.memref_slice %arg3[%mul3A_134, %dma_start3A_137] : memref<500000x128xf32, #tpu.memory_space<hbm>> -> memref<128x128xf32, #tpu.memory_space<hbm>>
      tpu.enqueue_dma source(%arg8 : memref<128x128xf32, #tpu.memory_space<vmem>>) target(%dma_start3A_138 : memref<128x128xf32, #tpu.memory_space<hbm>>) target_semaphore(%arg12 : memref<!tpu.dma_semaphore, #tpu.memory_space<semaphore_mem>>)
    }
    %scan3A_38 = arith.constant 61 : i32
    %add3A_39 = arith.constant 3840 : i32
    %add3A_40 = arith.addi %add3A, %add3A_39 : i32
    %mul3A_41 = arith.constant 128 : i32
    %mul3A_42 = arith.muli %add3A_40, %mul3A_41 : i32
    %dma_wait3A = arith.constant 0 : i32
    %dma_wait3A_43 = tpu.memref_slice %arg3[%mul3A_42, %dma_wait3A] : memref<500000x128xf32, #tpu.memory_space<hbm>> -> memref<128x128xf32, #tpu.memory_space<hbm>>
    %dma_wait3A_44 = arith.constant 0 : i32
    %dma_wait3A_45 = tpu.memref_slice %arg3[%mul3A_42, %dma_wait3A_44] : memref<500000x128xf32, #tpu.memory_space<hbm>> -> memref<128x128xf32, #tpu.memory_space<hbm>>
    tpu.wait_dma2 semaphore(%arg11 : memref<!tpu.dma_semaphore, #tpu.memory_space<semaphore_mem>>) src(%arg7 : memref<128x128xf32, #tpu.memory_space<vmem>>) dst(%dma_wait3A_45 : memref<128x128xf32, #tpu.memory_space<hbm>>)
    %add3A_46 = arith.constant 3872 : i32
    %add3A_47 = arith.addi %add3A, %add3A_46 : i32
    %mul3A_48 = arith.constant 128 : i32
    %mul3A_49 = arith.muli %add3A_47, %mul3A_48 : i32
    %dma_wait3A_50 = arith.constant 0 : i32
    %dma_wait3A_51 = tpu.memref_slice %arg3[%mul3A_49, %dma_wait3A_50] : memref<500000x128xf32, #tpu.memory_space<hbm>> -> memref<128x128xf32, #tpu.memory_space<hbm>>
    %dma_wait3A_52 = arith.constant 0 : i32
    %dma_wait3A_53 = tpu.memref_slice %arg3[%mul3A_49, %dma_wait3A_52] : memref<500000x128xf32, #tpu.memory_space<hbm>> -> memref<128x128xf32, #tpu.memory_space<hbm>>
    tpu.wait_dma2 semaphore(%arg12 : memref<!tpu.dma_semaphore, #tpu.memory_space<semaphore_mem>>) src(%arg8 : memref<128x128xf32, #tpu.memory_space<vmem>>) dst(%dma_wait3A_53 : memref<128x128xf32, #tpu.memory_space<hbm>>)
    %lt3A = arith.constant 2 : i32
    %lt3A_54 = arith.cmpi slt, %add3A, %lt3A : i32
    %convert_element_type3A = arith.extui %lt3A_54 : i1 to i32
    %cond3A = arith.constant 0 : i32
    %cond3A_55 = arith.cmpi ne, %convert_element_type3A, %cond3A : i32
    scf.if %cond3A_55 {
      %add3A_60 = arith.constant 3904 : i32
      %add3A_61 = arith.addi %add3A_60, %add3A : i32
      %mul3A_62 = arith.constant 256 : i32
      %mul3A_63 = arith.muli %add3A_61, %mul3A_62 : i32
      "tpu.region"() ({
        %run_scoped3A = tpu.sem_alloc : memref<!tpu.dma_semaphore, #tpu.memory_space<semaphore_mem>>
        %dma_start3A_71 = arith.constant 0 : i32
        %dma_start3A_72 = arith.constant 0 : i32
        %dma_start3A_73 = tpu.memref_slice %arg2[%dma_start3A_71, %dma_start3A_72, %mul3A_63] : memref<8x8x1000000xf32, #tpu.memory_space<hbm>> -> memref<8x8x256xf32, #tpu.memory_space<hbm>>
        %dma_start3A_74 = arith.constant 0 : i32
        %dma_start3A_75 = arith.constant 0 : i32
        %dma_start3A_76 = tpu.memref_slice %arg2[%dma_start3A_74, %dma_start3A_75, %mul3A_63] : memref<8x8x1000000xf32, #tpu.memory_space<hbm>> -> memref<8x8x256xf32, #tpu.memory_space<hbm>>
        tpu.enqueue_dma source(%dma_start3A_76 : memref<8x8x256xf32, #tpu.memory_space<hbm>>) target(%arg4 : memref<8x8x256xf32, #tpu.memory_space<vmem>>) target_semaphore(%run_scoped3A : memref<!tpu.dma_semaphore, #tpu.memory_space<semaphore_mem>>)
        %dma_wait3A_77 = arith.constant 0 : i32
        %dma_wait3A_78 = arith.constant 0 : i32
        %dma_wait3A_79 = tpu.memref_slice %arg2[%dma_wait3A_77, %dma_wait3A_78, %mul3A_63] : memref<8x8x1000000xf32, #tpu.memory_space<hbm>> -> memref<8x8x256xf32, #tpu.memory_space<hbm>>
        %dma_wait3A_80 = arith.constant 0 : i32
        %dma_wait3A_81 = arith.constant 0 : i32
        %dma_wait3A_82 = tpu.memref_slice %arg2[%dma_wait3A_80, %dma_wait3A_81, %mul3A_63] : memref<8x8x1000000xf32, #tpu.memory_space<hbm>> -> memref<8x8x256xf32, #tpu.memory_space<hbm>>
        tpu.wait_dma2 semaphore(%run_scoped3A : memref<!tpu.dma_semaphore, #tpu.memory_space<semaphore_mem>>) src(%dma_wait3A_82 : memref<8x8x256xf32, #tpu.memory_space<hbm>>) dst(%arg4 : memref<8x8x256xf32, #tpu.memory_space<vmem>>)
        tpu.yield
      }) : () -> ()
      %parallel_loop3A = arith.constant 0 : i32
      %parallel_loop3A_64 = arith.constant 64 : i32
      %parallel_loop3A_65 = arith.constant 1 : i32
      scf.for %parallel_loop3A_71 = %parallel_loop3A to %parallel_loop3A_64 step %parallel_loop3A_65  : i32 {
        %parallel_loop3A_72 = arith.constant 8 : i32
        %parallel_loop3A_73 = arith.divsi %parallel_loop3A_71, %parallel_loop3A_72 : i32
        %parallel_loop3A_74 = arith.constant 0 : i32
        %parallel_loop3A_75 = arith.cmpi sgt, %parallel_loop3A_71, %parallel_loop3A_74 : i32
        %parallel_loop3A_76 = arith.extui %parallel_loop3A_75 : i1 to i32
        %parallel_loop3A_77 = arith.constant 0 : i32
        %parallel_loop3A_78 = arith.cmpi slt, %parallel_loop3A_71, %parallel_loop3A_77 : i32
        %parallel_loop3A_79 = arith.extui %parallel_loop3A_78 : i1 to i32
        %parallel_loop3A_80 = arith.subi %parallel_loop3A_76, %parallel_loop3A_79 : i32
        %parallel_loop3A_81 = arith.constant 0 : i32
        %parallel_loop3A_82 = arith.cmpi sgt, %parallel_loop3A_72, %parallel_loop3A_81 : i32
        %parallel_loop3A_83 = arith.extui %parallel_loop3A_82 : i1 to i32
        %parallel_loop3A_84 = arith.constant 0 : i32
        %parallel_loop3A_85 = arith.cmpi slt, %parallel_loop3A_72, %parallel_loop3A_84 : i32
        %parallel_loop3A_86 = arith.extui %parallel_loop3A_85 : i1 to i32
        %parallel_loop3A_87 = arith.subi %parallel_loop3A_83, %parallel_loop3A_86 : i32
        %parallel_loop3A_88 = arith.cmpi ne, %parallel_loop3A_80, %parallel_loop3A_87 : i32
        %parallel_loop3A_89 = arith.remsi %parallel_loop3A_71, %parallel_loop3A_72 : i32
        %parallel_loop3A_90 = arith.constant 0 : i32
        %parallel_loop3A_91 = arith.cmpi ne, %parallel_loop3A_89, %parallel_loop3A_90 : i32
        %parallel_loop3A_92 = arith.andi %parallel_loop3A_88, %parallel_loop3A_91 : i1
        %parallel_loop3A_93 = arith.constant 1 : i32
        %parallel_loop3A_94 = arith.subi %parallel_loop3A_73, %parallel_loop3A_93 : i32
        %parallel_loop3A_95 = arith.select %parallel_loop3A_92, %parallel_loop3A_94, %parallel_loop3A_73 : i32
        %parallel_loop3A_96 = arith.constant 8 : i32
        %parallel_loop3A_97 = arith.constant 0 : i32
        %parallel_loop3A_98 = arith.cmpi eq, %parallel_loop3A_96, %parallel_loop3A_97 : i32
        %parallel_loop3A_99 = arith.constant 1 : i32
        %parallel_loop3A_100 = arith.select %parallel_loop3A_98, %parallel_loop3A_99, %parallel_loop3A_96 : i32
        %parallel_loop3A_101 = arith.remsi %parallel_loop3A_71, %parallel_loop3A_100 : i32
        %parallel_loop3A_102 = arith.constant 0 : i32
        %parallel_loop3A_103 = arith.cmpi ne, %parallel_loop3A_101, %parallel_loop3A_102 : i32
        %parallel_loop3A_104 = arith.constant 0 : i32
        %parallel_loop3A_105 = arith.cmpi slt, %parallel_loop3A_101, %parallel_loop3A_104 : i32
        %parallel_loop3A_106 = arith.constant 0 : i32
        %parallel_loop3A_107 = arith.cmpi slt, %parallel_loop3A_100, %parallel_loop3A_106 : i32
        %parallel_loop3A_108 = arith.xori %parallel_loop3A_105, %parallel_loop3A_107 : i1
        %parallel_loop3A_109 = arith.andi %parallel_loop3A_108, %parallel_loop3A_103 : i1
        %parallel_loop3A_110 = arith.addi %parallel_loop3A_101, %parallel_loop3A_100 : i32
        %parallel_loop3A_111 = arith.select %parallel_loop3A_109, %parallel_loop3A_110, %parallel_loop3A_101 : i32
        %parallel_loop3A_112 = arith.index_cast %parallel_loop3A_95 : i32 to index
        %parallel_loop3A_113 = arith.index_cast %parallel_loop3A_111 : i32 to index
        %parallel_loop3A_114 = arith.constant 0 : index
        %parallel_loop3A_115 = tpu.vector_load %arg4[%parallel_loop3A_112, %parallel_loop3A_113, %parallel_loop3A_114] {strides = array<i32>} : memref<8x8x256xf32, #tpu.memory_space<vmem>>, vector<16xf32>,
        %parallel_loop3A_116 = arith.constant 257 : i32
        %parallel_loop3A_117 = arith.muli %parallel_loop3A_71, %parallel_loop3A_116 : i32
        %parallel_loop3A_118 = arith.constant 0 : i32
        %parallel_loop3A_119 = arith.addi %parallel_loop3A_117, %parallel_loop3A_118 : i32
        %parallel_loop3A_120 = arith.index_cast %parallel_loop3A_119 : i32 to index
        %parallel_loop3A_121 = tpu.vector_load %arg6[%parallel_loop3A_120] {strides = array<i32>} : memref<16448xf32, #tpu.memory_space<vmem>>, vector<16xf32>,
        tpu.vector_store %arg6[%parallel_loop3A_120], %parallel_loop3A_115 {strides = array<i32>} : memref<16448xf32, #tpu.memory_space<vmem>>, vector<16xf32>,
        %parallel_loop3A_122 = arith.index_cast %parallel_loop3A_95 : i32 to index
        %parallel_loop3A_123 = arith.index_cast %parallel_loop3A_111 : i32 to index
        %parallel_loop3A_124 = arith.constant 16 : index
        %parallel_loop3A_125 = tpu.vector_load %arg4[%parallel_loop3A_122, %parallel_loop3A_123, %parallel_loop3A_124] {strides = array<i32>} : memref<8x8x256xf32, #tpu.memory_space<vmem>>, vector<16xf32>,
        %parallel_loop3A_126 = arith.constant 257 : i32
        %parallel_loop3A_127 = arith.muli %parallel_loop3A_71, %parallel_loop3A_126 : i32
        %parallel_loop3A_128 = arith.constant 16 : i32
        %parallel_loop3A_129 = arith.addi %parallel_loop3A_127, %parallel_loop3A_128 : i32
        %parallel_loop3A_130 = arith.index_cast %parallel_loop3A_129 : i32 to index
        %parallel_loop3A_131 = tpu.vector_load %arg6[%parallel_loop3A_130] {strides = array<i32>} : memref<16448xf32, #tpu.memory_space<vmem>>, vector<16xf32>,
        tpu.vector_store %arg6[%parallel_loop3A_130], %parallel_loop3A_125 {strides = array<i32>} : memref<16448xf32, #tpu.memory_space<vmem>>, vector<16xf32>,
        %parallel_loop3A_132 = arith.index_cast %parallel_loop3A_95 : i32 to index
        %parallel_loop3A_133 = arith.index_cast %parallel_loop3A_111 : i32 to index
        %parallel_loop3A_134 = arith.constant 32 : index
        %parallel_loop3A_135 = tpu.vector_load %arg4[%parallel_loop3A_132, %parallel_loop3A_133, %parallel_loop3A_134] {strides = array<i32>} : memref<8x8x256xf32, #tpu.memory_space<vmem>>, vector<16xf32>,
        %parallel_loop3A_136 = arith.constant 257 : i32
        %parallel_loop3A_137 = arith.muli %parallel_loop3A_71, %parallel_loop3A_136 : i32
        %parallel_loop3A_138 = arith.constant 32 : i32
        %parallel_loop3A_139 = arith.addi %parallel_loop3A_137, %parallel_loop3A_138 : i32
        %parallel_loop3A_140 = arith.index_cast %parallel_loop3A_139 : i32 to index
        %parallel_loop3A_141 = tpu.vector_load %arg6[%parallel_loop3A_140] {strides = array<i32>} : memref<16448xf32, #tpu.memory_space<vmem>>, vector<16xf32>,
        tpu.vector_store %arg6[%parallel_loop3A_140], %parallel_loop3A_135 {strides = array<i32>} : memref<16448xf32, #tpu.memory_space<vmem>>, vector<16xf32>,
        %parallel_loop3A_142 = arith.index_cast %parallel_loop3A_95 : i32 to index
        %parallel_loop3A_143 = arith.index_cast %parallel_loop3A_111 : i32 to index
        %parallel_loop3A_144 = arith.constant 48 : index
        %parallel_loop3A_145 = tpu.vector_load %arg4[%parallel_loop3A_142, %parallel_loop3A_143, %parallel_loop3A_144] {strides = array<i32>} : memref<8x8x256xf32, #tpu.memory_space<vmem>>, vector<16xf32>,
        %parallel_loop3A_146 = arith.constant 257 : i32
        %parallel_loop3A_147 = arith.muli %parallel_loop3A_71, %parallel_loop3A_146 : i32
        %parallel_loop3A_148 = arith.constant 48 : i32
        %parallel_loop3A_149 = arith.addi %parallel_loop3A_147, %parallel_loop3A_148 : i32
        %parallel_loop3A_150 = arith.index_cast %parallel_loop3A_149 : i32 to index
        %parallel_loop3A_151 = tpu.vector_load %arg6[%parallel_loop3A_150] {strides = array<i32>} : memref<16448xf32, #tpu.memory_space<vmem>>, vector<16xf32>,
        tpu.vector_store %arg6[%parallel_loop3A_150], %parallel_loop3A_145 {strides = array<i32>} : memref<16448xf32, #tpu.memory_space<vmem>>, vector<16xf32>,
        %parallel_loop3A_152 = arith.index_cast %parallel_loop3A_95 : i32 to index
        %parallel_loop3A_153 = arith.index_cast %parallel_loop3A_111 : i32 to index
        %parallel_loop3A_154 = arith.constant 64 : index
        %parallel_loop3A_155 = tpu.vector_load %arg4[%parallel_loop3A_152, %parallel_loop3A_153, %parallel_loop3A_154] {strides = array<i32>} : memref<8x8x256xf32, #tpu.memory_space<vmem>>, vector<16xf32>,
        %parallel_loop3A_156 = arith.constant 257 : i32
        %parallel_loop3A_157 = arith.muli %parallel_loop3A_71, %parallel_loop3A_156 : i32
        %parallel_loop3A_158 = arith.constant 64 : i32
        %parallel_loop3A_159 = arith.addi %parallel_loop3A_157, %parallel_loop3A_158 : i32
        %parallel_loop3A_160 = arith.index_cast %parallel_loop3A_159 : i32 to index
        %parallel_loop3A_161 = tpu.vector_load %arg6[%parallel_loop3A_160] {strides = array<i32>} : memref<16448xf32, #tpu.memory_space<vmem>>, vector<16xf32>,
        tpu.vector_store %arg6[%parallel_loop3A_160], %parallel_loop3A_155 {strides = array<i32>} : memref<16448xf32, #tpu.memory_space<vmem>>, vector<16xf32>,
        %parallel_loop3A_162 = arith.index_cast %parallel_loop3A_95 : i32 to index
        %parallel_loop3A_163 = arith.index_cast %parallel_loop3A_111 : i32 to index
        %parallel_loop3A_164 = arith.constant 80 : index
        %parallel_loop3A_165 = tpu.vector_load %arg4[%parallel_loop3A_162, %parallel_loop3A_163, %parallel_loop3A_164] {strides = array<i32>} : memref<8x8x256xf32, #tpu.memory_space<vmem>>, vector<16xf32>,
        %parallel_loop3A_166 = arith.constant 257 : i32
        %parallel_loop3A_167 = arith.muli %parallel_loop3A_71, %parallel_loop3A_166 : i32
        %parallel_loop3A_168 = arith.constant 80 : i32
        %parallel_loop3A_169 = arith.addi %parallel_loop3A_167, %parallel_loop3A_168 : i32
        %parallel_loop3A_170 = arith.index_cast %parallel_loop3A_169 : i32 to index
        %parallel_loop3A_171 = tpu.vector_load %arg6[%parallel_loop3A_170] {strides = array<i32>} : memref<16448xf32, #tpu.memory_space<vmem>>, vector<16xf32>,
        tpu.vector_store %arg6[%parallel_loop3A_170], %parallel_loop3A_165 {strides = array<i32>} : memref<16448xf32, #tpu.memory_space<vmem>>, vector<16xf32>,
        %parallel_loop3A_172 = arith.index_cast %parallel_loop3A_95 : i32 to index
        %parallel_loop3A_173 = arith.index_cast %parallel_loop3A_111 : i32 to index
        %parallel_loop3A_174 = arith.constant 96 : index
        %parallel_loop3A_175 = tpu.vector_load %arg4[%parallel_loop3A_172, %parallel_loop3A_173, %parallel_loop3A_174] {strides = array<i32>} : memref<8x8x256xf32, #tpu.memory_space<vmem>>, vector<16xf32>,
        %parallel_loop3A_176 = arith.constant 257 : i32
        %parallel_loop3A_177 = arith.muli %parallel_loop3A_71, %parallel_loop3A_176 : i32
        %parallel_loop3A_178 = arith.constant 96 : i32
        %parallel_loop3A_179 = arith.addi %parallel_loop3A_177, %parallel_loop3A_178 : i32
        %parallel_loop3A_180 = arith.index_cast %parallel_loop3A_179 : i32 to index
        %parallel_loop3A_181 = tpu.vector_load %arg6[%parallel_loop3A_180] {strides = array<i32>} : memref<16448xf32, #tpu.memory_space<vmem>>, vector<16xf32>,
        tpu.vector_store %arg6[%parallel_loop3A_180], %parallel_loop3A_175 {strides = array<i32>} : memref<16448xf32, #tpu.memory_space<vmem>>, vector<16xf32>,
        %parallel_loop3A_182 = arith.index_cast %parallel_loop3A_95 : i32 to index
        %parallel_loop3A_183 = arith.index_cast %parallel_loop3A_111 : i32 to index
        %parallel_loop3A_184 = arith.constant 112 : index
        %parallel_loop3A_185 = tpu.vector_load %arg4[%parallel_loop3A_182, %parallel_loop3A_183, %parallel_loop3A_184] {strides = array<i32>} : memref<8x8x256xf32, #tpu.memory_space<vmem>>, vector<16xf32>,
        %parallel_loop3A_186 = arith.constant 257 : i32
        %parallel_loop3A_187 = arith.muli %parallel_loop3A_71, %parallel_loop3A_186 : i32
        %parallel_loop3A_188 = arith.constant 112 : i32
        %parallel_loop3A_189 = arith.addi %parallel_loop3A_187, %parallel_loop3A_188 : i32
        %parallel_loop3A_190 = arith.index_cast %parallel_loop3A_189 : i32 to index
        %parallel_loop3A_191 = tpu.vector_load %arg6[%parallel_loop3A_190] {strides = array<i32>} : memref<16448xf32, #tpu.memory_space<vmem>>, vector<16xf32>,
        tpu.vector_store %arg6[%parallel_loop3A_190], %parallel_loop3A_185 {strides = array<i32>} : memref<16448xf32, #tpu.memory_space<vmem>>, vector<16xf32>,
        %parallel_loop3A_192 = arith.index_cast %parallel_loop3A_95 : i32 to index
        %parallel_loop3A_193 = arith.index_cast %parallel_loop3A_111 : i32 to index
        %parallel_loop3A_194 = arith.constant 128 : index
        %parallel_loop3A_195 = tpu.vector_load %arg4[%parallel_loop3A_192, %parallel_loop3A_193, %parallel_loop3A_194] {strides = array<i32>} : memref<8x8x256xf32, #tpu.memory_space<vmem>>, vector<16xf32>,
        %parallel_loop3A_196 = arith.constant 257 : i32
        %parallel_loop3A_197 = arith.muli %parallel_loop3A_71, %parallel_loop3A_196 : i32
        %parallel_loop3A_198 = arith.constant 128 : i32
        %parallel_loop3A_199 = arith.addi %parallel_loop3A_197, %parallel_loop3A_198 : i32
        %parallel_loop3A_200 = arith.index_cast %parallel_loop3A_199 : i32 to index
        %parallel_loop3A_201 = tpu.vector_load %arg6[%parallel_loop3A_200] {strides = array<i32>} : memref<16448xf32, #tpu.memory_space<vmem>>, vector<16xf32>,
        tpu.vector_store %arg6[%parallel_loop3A_200], %parallel_loop3A_195 {strides = array<i32>} : memref<16448xf32, #tpu.memory_space<vmem>>, vector<16xf32>,
        %parallel_loop3A_202 = arith.index_cast %parallel_loop3A_95 : i32 to index
        %parallel_loop3A_203 = arith.index_cast %parallel_loop3A_111 : i32 to index
        %parallel_loop3A_204 = arith.constant 144 : index
        %parallel_loop3A_205 = tpu.vector_load %arg4[%parallel_loop3A_202, %parallel_loop3A_203, %parallel_loop3A_204] {strides = array<i32>} : memref<8x8x256xf32, #tpu.memory_space<vmem>>, vector<16xf32>,
        %parallel_loop3A_206 = arith.constant 257 : i32
        %parallel_loop3A_207 = arith.muli %parallel_loop3A_71, %parallel_loop3A_206 : i32
        %parallel_loop3A_208 = arith.constant 144 : i32
        %parallel_loop3A_209 = arith.addi %parallel_loop3A_207, %parallel_loop3A_208 : i32
        %parallel_loop3A_210 = arith.index_cast %parallel_loop3A_209 : i32 to index
        %parallel_loop3A_211 = tpu.vector_load %arg6[%parallel_loop3A_210] {strides = array<i32>} : memref<16448xf32, #tpu.memory_space<vmem>>, vector<16xf32>,
        tpu.vector_store %arg6[%parallel_loop3A_210], %parallel_loop3A_205 {strides = array<i32>} : memref<16448xf32, #tpu.memory_space<vmem>>, vector<16xf32>,
        %parallel_loop3A_212 = arith.index_cast %parallel_loop3A_95 : i32 to index
        %parallel_loop3A_213 = arith.index_cast %parallel_loop3A_111 : i32 to index
        %parallel_loop3A_214 = arith.constant 160 : index
        %parallel_loop3A_215 = tpu.vector_load %arg4[%parallel_loop3A_212, %parallel_loop3A_213, %parallel_loop3A_214] {strides = array<i32>} : memref<8x8x256xf32, #tpu.memory_space<vmem>>, vector<16xf32>,
        %parallel_loop3A_216 = arith.constant 257 : i32
        %parallel_loop3A_217 = arith.muli %parallel_loop3A_71, %parallel_loop3A_216 : i32
        %parallel_loop3A_218 = arith.constant 160 : i32
        %parallel_loop3A_219 = arith.addi %parallel_loop3A_217, %parallel_loop3A_218 : i32
        %parallel_loop3A_220 = arith.index_cast %parallel_loop3A_219 : i32 to index
        %parallel_loop3A_221 = tpu.vector_load %arg6[%parallel_loop3A_220] {strides = array<i32>} : memref<16448xf32, #tpu.memory_space<vmem>>, vector<16xf32>,
        tpu.vector_store %arg6[%parallel_loop3A_220], %parallel_loop3A_215 {strides = array<i32>} : memref<16448xf32, #tpu.memory_space<vmem>>, vector<16xf32>,
        %parallel_loop3A_222 = arith.index_cast %parallel_loop3A_95 : i32 to index
        %parallel_loop3A_223 = arith.index_cast %parallel_loop3A_111 : i32 to index
        %parallel_loop3A_224 = arith.constant 176 : index
        %parallel_loop3A_225 = tpu.vector_load %arg4[%parallel_loop3A_222, %parallel_loop3A_223, %parallel_loop3A_224] {strides = array<i32>} : memref<8x8x256xf32, #tpu.memory_space<vmem>>, vector<16xf32>,
        %parallel_loop3A_226 = arith.constant 257 : i32
        %parallel_loop3A_227 = arith.muli %parallel_loop3A_71, %parallel_loop3A_226 : i32
        %parallel_loop3A_228 = arith.constant 176 : i32
        %parallel_loop3A_229 = arith.addi %parallel_loop3A_227, %parallel_loop3A_228 : i32
        %parallel_loop3A_230 = arith.index_cast %parallel_loop3A_229 : i32 to index
        %parallel_loop3A_231 = tpu.vector_load %arg6[%parallel_loop3A_230] {strides = array<i32>} : memref<16448xf32, #tpu.memory_space<vmem>>, vector<16xf32>,
        tpu.vector_store %arg6[%parallel_loop3A_230], %parallel_loop3A_225 {strides = array<i32>} : memref<16448xf32, #tpu.memory_space<vmem>>, vector<16xf32>,
        %parallel_loop3A_232 = arith.index_cast %parallel_loop3A_95 : i32 to index
        %parallel_loop3A_233 = arith.index_cast %parallel_loop3A_111 : i32 to index
        %parallel_loop3A_234 = arith.constant 192 : index
        %parallel_loop3A_235 = tpu.vector_load %arg4[%parallel_loop3A_232, %parallel_loop3A_233, %parallel_loop3A_234] {strides = array<i32>} : memref<8x8x256xf32, #tpu.memory_space<vmem>>, vector<16xf32>,
        %parallel_loop3A_236 = arith.constant 257 : i32
        %parallel_loop3A_237 = arith.muli %parallel_loop3A_71, %parallel_loop3A_236 : i32
        %parallel_loop3A_238 = arith.constant 192 : i32
        %parallel_loop3A_239 = arith.addi %parallel_loop3A_237, %parallel_loop3A_238 : i32
        %parallel_loop3A_240 = arith.index_cast %parallel_loop3A_239 : i32 to index
        %parallel_loop3A_241 = tpu.vector_load %arg6[%parallel_loop3A_240] {strides = array<i32>} : memref<16448xf32, #tpu.memory_space<vmem>>, vector<16xf32>,
        tpu.vector_store %arg6[%parallel_loop3A_240], %parallel_loop3A_235 {strides = array<i32>} : memref<16448xf32, #tpu.memory_space<vmem>>, vector<16xf32>,
        %parallel_loop3A_242 = arith.index_cast %parallel_loop3A_95 : i32 to index
        %parallel_loop3A_243 = arith.index_cast %parallel_loop3A_111 : i32 to index
        %parallel_loop3A_244 = arith.constant 208 : index
        %parallel_loop3A_245 = tpu.vector_load %arg4[%parallel_loop3A_242, %parallel_loop3A_243, %parallel_loop3A_244] {strides = array<i32>} : memref<8x8x256xf32, #tpu.memory_space<vmem>>, vector<16xf32>,
        %parallel_loop3A_246 = arith.constant 257 : i32
        %parallel_loop3A_247 = arith.muli %parallel_loop3A_71, %parallel_loop3A_246 : i32
        %parallel_loop3A_248 = arith.constant 208 : i32
        %parallel_loop3A_249 = arith.addi %parallel_loop3A_247, %parallel_loop3A_248 : i32
        %parallel_loop3A_250 = arith.index_cast %parallel_loop3A_249 : i32 to index
        %parallel_loop3A_251 = tpu.vector_load %arg6[%parallel_loop3A_250] {strides = array<i32>} : memref<16448xf32, #tpu.memory_space<vmem>>, vector<16xf32>,
        tpu.vector_store %arg6[%parallel_loop3A_250], %parallel_loop3A_245 {strides = array<i32>} : memref<16448xf32, #tpu.memory_space<vmem>>, vector<16xf32>,
        %parallel_loop3A_252 = arith.index_cast %parallel_loop3A_95 : i32 to index
        %parallel_loop3A_253 = arith.index_cast %parallel_loop3A_111 : i32 to index
        %parallel_loop3A_254 = arith.constant 224 : index
        %parallel_loop3A_255 = tpu.vector_load %arg4[%parallel_loop3A_252, %parallel_loop3A_253, %parallel_loop3A_254] {strides = array<i32>} : memref<8x8x256xf32, #tpu.memory_space<vmem>>, vector<16xf32>,
        %parallel_loop3A_256 = arith.constant 257 : i32
        %parallel_loop3A_257 = arith.muli %parallel_loop3A_71, %parallel_loop3A_256 : i32
        %parallel_loop3A_258 = arith.constant 224 : i32
        %parallel_loop3A_259 = arith.addi %parallel_loop3A_257, %parallel_loop3A_258 : i32
        %parallel_loop3A_260 = arith.index_cast %parallel_loop3A_259 : i32 to index
        %parallel_loop3A_261 = tpu.vector_load %arg6[%parallel_loop3A_260] {strides = array<i32>} : memref<16448xf32, #tpu.memory_space<vmem>>, vector<16xf32>,
        tpu.vector_store %arg6[%parallel_loop3A_260], %parallel_loop3A_255 {strides = array<i32>} : memref<16448xf32, #tpu.memory_space<vmem>>, vector<16xf32>,
        %parallel_loop3A_262 = arith.index_cast %parallel_loop3A_95 : i32 to index
        %parallel_loop3A_263 = arith.index_cast %parallel_loop3A_111 : i32 to index
        %parallel_loop3A_264 = arith.constant 240 : index
        %parallel_loop3A_265 = tpu.vector_load %arg4[%parallel_loop3A_262, %parallel_loop3A_263, %parallel_loop3A_264] {strides = array<i32>} : memref<8x8x256xf32, #tpu.memory_space<vmem>>, vector<16xf32>,
        %parallel_loop3A_266 = arith.constant 257 : i32
        %parallel_loop3A_267 = arith.muli %parallel_loop3A_71, %parallel_loop3A_266 : i32
        %parallel_loop3A_268 = arith.constant 240 : i32
        %parallel_loop3A_269 = arith.addi %parallel_loop3A_267, %parallel_loop3A_268 : i32
        %parallel_loop3A_270 = arith.index_cast %parallel_loop3A_269 : i32 to index
        %parallel_loop3A_271 = tpu.vector_load %arg6[%parallel_loop3A_270] {strides = array<i32>} : memref<16448xf32, #tpu.memory_space<vmem>>, vector<16xf32>,
        tpu.vector_store %arg6[%parallel_loop3A_270], %parallel_loop3A_265 {strides = array<i32>} : memref<16448xf32, #tpu.memory_space<vmem>>, vector<16xf32>,
      } {sc.loop_unroll_factor = 4 : i64, sc.parallel_access}
      %parallel_loop3A_66 = arith.constant 0 : i32
      %parallel_loop3A_67 = arith.constant 128 : i32
      %parallel_loop3A_68 = arith.constant 1 : i32
      scf.for %parallel_loop3A_71 = %parallel_loop3A_66 to %parallel_loop3A_67 step %parallel_loop3A_68  : i32 {
        %parallel_loop3A_72 = arith.constant 2 : i32
        %parallel_loop3A_73 = arith.muli %parallel_loop3A_71, %parallel_loop3A_72 : i32
        %parallel_loop3A_74 = arith.constant 0 : i32
        %parallel_loop3A_75 = arith.addi %parallel_loop3A_73, %parallel_loop3A_74 : i32
        %parallel_loop3A_76 = vector.broadcast %parallel_loop3A_75 : i32 to vector<16xi32>
        %parallel_loop3A_77 = arith.addi %mul3A_6, %parallel_loop3A_76 : vector<16xi32>
        %parallel_loop3A_78 = tpu.vector_load_idx %arg6[%parallel_loop3A_77] : memref<16448xf32, #tpu.memory_space<vmem>>[vector<16xi32>], vector<16xf32>,
        %parallel_loop3A_79 = arith.index_cast %parallel_loop3A_71 : i32 to index
        %parallel_loop3A_80 = arith.constant 0 : index
        %parallel_loop3A_81 = tpu.vector_load %arg7[%parallel_loop3A_79, %parallel_loop3A_80] {strides = array<i32>} : memref<128x128xf32, #tpu.memory_space<vmem>>, vector<16xf32>,
        tpu.vector_store %arg7[%parallel_loop3A_79, %parallel_loop3A_80], %parallel_loop3A_78 {strides = array<i32>} : memref<128x128xf32, #tpu.memory_space<vmem>>, vector<16xf32>,
        %parallel_loop3A_82 = vector.broadcast %parallel_loop3A_75 : i32 to vector<16xi32>
        %parallel_loop3A_83 = arith.addi %mul3A_12, %parallel_loop3A_82 : vector<16xi32>
        %parallel_loop3A_84 = tpu.vector_load_idx %arg6[%parallel_loop3A_83] : memref<16448xf32, #tpu.memory_space<vmem>>[vector<16xi32>], vector<16xf32>,
        %parallel_loop3A_85 = arith.index_cast %parallel_loop3A_71 : i32 to index
        %parallel_loop3A_86 = arith.constant 16 : index
        %parallel_loop3A_87 = tpu.vector_load %arg7[%parallel_loop3A_85, %parallel_loop3A_86] {strides = array<i32>} : memref<128x128xf32, #tpu.memory_space<vmem>>, vector<16xf32>,
        tpu.vector_store %arg7[%parallel_loop3A_85, %parallel_loop3A_86], %parallel_loop3A_84 {strides = array<i32>} : memref<128x128xf32, #tpu.memory_space<vmem>>, vector<16xf32>,
        %parallel_loop3A_88 = vector.broadcast %parallel_loop3A_75 : i32 to vector<16xi32>
        %parallel_loop3A_89 = arith.addi %mul3A_18, %parallel_loop3A_88 : vector<16xi32>
        %parallel_loop3A_90 = tpu.vector_load_idx %arg6[%parallel_loop3A_89] : memref<16448xf32, #tpu.memory_space<vmem>>[vector<16xi32>], vector<16xf32>,
        %parallel_loop3A_91 = arith.index_cast %parallel_loop3A_71 : i32 to index
        %parallel_loop3A_92 = arith.constant 32 : index
        %parallel_loop3A_93 = tpu.vector_load %arg7[%parallel_loop3A_91, %parallel_loop3A_92] {strides = array<i32>} : memref<128x128xf32, #tpu.memory_space<vmem>>, vector<16xf32>,
        tpu.vector_store %arg7[%parallel_loop3A_91, %parallel_loop3A_92], %parallel_loop3A_90 {strides = array<i32>} : memref<128x128xf32, #tpu.memory_space<vmem>>, vector<16xf32>,
        %parallel_loop3A_94 = vector.broadcast %parallel_loop3A_75 : i32 to vector<16xi32>
        %parallel_loop3A_95 = arith.addi %mul3A_24, %parallel_loop3A_94 : vector<16xi32>
        %parallel_loop3A_96 = tpu.vector_load_idx %arg6[%parallel_loop3A_95] : memref<16448xf32, #tpu.memory_space<vmem>>[vector<16xi32>], vector<16xf32>,
        %parallel_loop3A_97 = arith.index_cast %parallel_loop3A_71 : i32 to index
        %parallel_loop3A_98 = arith.constant 48 : index
        %parallel_loop3A_99 = tpu.vector_load %arg7[%parallel_loop3A_97, %parallel_loop3A_98] {strides = array<i32>} : memref<128x128xf32, #tpu.memory_space<vmem>>, vector<16xf32>,
        tpu.vector_store %arg7[%parallel_loop3A_97, %parallel_loop3A_98], %parallel_loop3A_96 {strides = array<i32>} : memref<128x128xf32, #tpu.memory_space<vmem>>, vector<16xf32>,
        %parallel_loop3A_100 = arith.constant 2 : i32
        %parallel_loop3A_101 = arith.muli %parallel_loop3A_71, %parallel_loop3A_100 : i32
        %parallel_loop3A_102 = arith.constant 1 : i32
        %parallel_loop3A_103 = arith.addi %parallel_loop3A_101, %parallel_loop3A_102 : i32
        %parallel_loop3A_104 = vector.broadcast %parallel_loop3A_103 : i32 to vector<16xi32>
        %parallel_loop3A_105 = arith.addi %mul3A_6, %parallel_loop3A_104 : vector<16xi32>
        %parallel_loop3A_106 = tpu.vector_load_idx %arg6[%parallel_loop3A_105] : memref<16448xf32, #tpu.memory_space<vmem>>[vector<16xi32>], vector<16xf32>,
        %parallel_loop3A_107 = arith.index_cast %parallel_loop3A_71 : i32 to index
        %parallel_loop3A_108 = arith.constant 64 : index
        %parallel_loop3A_109 = tpu.vector_load %arg7[%parallel_loop3A_107, %parallel_loop3A_108] {strides = array<i32>} : memref<128x128xf32, #tpu.memory_space<vmem>>, vector<16xf32>,
        tpu.vector_store %arg7[%parallel_loop3A_107, %parallel_loop3A_108], %parallel_loop3A_106 {strides = array<i32>} : memref<128x128xf32, #tpu.memory_space<vmem>>, vector<16xf32>,
        %parallel_loop3A_110 = vector.broadcast %parallel_loop3A_103 : i32 to vector<16xi32>
        %parallel_loop3A_111 = arith.addi %mul3A_12, %parallel_loop3A_110 : vector<16xi32>
        %parallel_loop3A_112 = tpu.vector_load_idx %arg6[%parallel_loop3A_111] : memref<16448xf32, #tpu.memory_space<vmem>>[vector<16xi32>], vector<16xf32>,
        %parallel_loop3A_113 = arith.index_cast %parallel_loop3A_71 : i32 to index
        %parallel_loop3A_114 = arith.constant 80 : index
        %parallel_loop3A_115 = tpu.vector_load %arg7[%parallel_loop3A_113, %parallel_loop3A_114] {strides = array<i32>} : memref<128x128xf32, #tpu.memory_space<vmem>>, vector<16xf32>,
        tpu.vector_store %arg7[%parallel_loop3A_113, %parallel_loop3A_114], %parallel_loop3A_112 {strides = array<i32>} : memref<128x128xf32, #tpu.memory_space<vmem>>, vector<16xf32>,
        %parallel_loop3A_116 = vector.broadcast %parallel_loop3A_103 : i32 to vector<16xi32>
        %parallel_loop3A_117 = arith.addi %mul3A_18, %parallel_loop3A_116 : vector<16xi32>
        %parallel_loop3A_118 = tpu.vector_load_idx %arg6[%parallel_loop3A_117] : memref<16448xf32, #tpu.memory_space<vmem>>[vector<16xi32>], vector<16xf32>,
        %parallel_loop3A_119 = arith.index_cast %parallel_loop3A_71 : i32 to index
        %parallel_loop3A_120 = arith.constant 96 : index
        %parallel_loop3A_121 = tpu.vector_load %arg7[%parallel_loop3A_119, %parallel_loop3A_120] {strides = array<i32>} : memref<128x128xf32, #tpu.memory_space<vmem>>, vector<16xf32>,
        tpu.vector_store %arg7[%parallel_loop3A_119, %parallel_loop3A_120], %parallel_loop3A_118 {strides = array<i32>} : memref<128x128xf32, #tpu.memory_space<vmem>>, vector<16xf32>,
        %parallel_loop3A_122 = vector.broadcast %parallel_loop3A_103 : i32 to vector<16xi32>
        %parallel_loop3A_123 = arith.addi %mul3A_24, %parallel_loop3A_122 : vector<16xi32>
        %parallel_loop3A_124 = tpu.vector_load_idx %arg6[%parallel_loop3A_123] : memref<16448xf32, #tpu.memory_space<vmem>>[vector<16xi32>], vector<16xf32>,
        %parallel_loop3A_125 = arith.index_cast %parallel_loop3A_71 : i32 to index
        %parallel_loop3A_126 = arith.constant 112 : index
        %parallel_loop3A_127 = tpu.vector_load %arg7[%parallel_loop3A_125, %parallel_loop3A_126] {strides = array<i32>} : memref<128x128xf32, #tpu.memory_space<vmem>>, vector<16xf32>,
        tpu.vector_store %arg7[%parallel_loop3A_125, %parallel_loop3A_126], %parallel_loop3A_124 {strides = array<i32>} : memref<128x128xf32, #tpu.memory_space<vmem>>, vector<16xf32>,
      } {sc.loop_unroll_factor = 4 : i64, sc.parallel_access}
      %mul3A_69 = arith.constant 128 : i32
      %mul3A_70 = arith.muli %add3A_61, %mul3A_69 : i32
      "tpu.region"() ({
        %run_scoped3A = tpu.sem_alloc : memref<!tpu.dma_semaphore, #tpu.memory_space<semaphore_mem>>
        %dma_start3A_71 = arith.constant 0 : i32
        %dma_start3A_72 = tpu.memref_slice %arg3[%mul3A_70, %dma_start3A_71] : memref<500000x128xf32, #tpu.memory_space<hbm>> -> memref<128x128xf32, #tpu.memory_space<hbm>>
        %dma_start3A_73 = arith.constant 0 : i32
        %dma_start3A_74 = tpu.memref_slice %arg3[%mul3A_70, %dma_start3A_73] : memref<500000x128xf32, #tpu.memory_space<hbm>> -> memref<128x128xf32, #tpu.memory_space<hbm>>
        tpu.enqueue_dma source(%arg7 : memref<128x128xf32, #tpu.memory_space<vmem>>) target(%dma_start3A_74 : memref<128x128xf32, #tpu.memory_space<hbm>>) target_semaphore(%run_scoped3A : memref<!tpu.dma_semaphore, #tpu.memory_space<semaphore_mem>>)
        %dma_wait3A_75 = arith.constant 0 : i32
        %dma_wait3A_76 = tpu.memref_slice %arg3[%mul3A_70, %dma_wait3A_75] : memref<500000x128xf32, #tpu.memory_space<hbm>> -> memref<128x128xf32, #tpu.memory_space<hbm>>
        %dma_wait3A_77 = arith.constant 0 : i32
        %dma_wait3A_78 = tpu.memref_slice %arg3[%mul3A_70, %dma_wait3A_77] : memref<500000x128xf32, #tpu.memory_space<hbm>> -> memref<128x128xf32, #tpu.memory_space<hbm>>
        tpu.wait_dma2 semaphore(%run_scoped3A : memref<!tpu.dma_semaphore, #tpu.memory_space<semaphore_mem>>) src(%arg7 : memref<128x128xf32, #tpu.memory_space<vmem>>) dst(%dma_wait3A_78 : memref<128x128xf32, #tpu.memory_space<hbm>>)
        tpu.yield
      }) : () -> ()
    } else {
    }
    %eq3A = arith.constant 2 : i32
    %eq3A_56 = arith.cmpi eq, %add3A, %eq3A : i32
    %convert_element_type3A_57 = arith.extui %eq3A_56 : i1 to i32
    %cond3A_58 = arith.constant 0 : i32
    %cond3A_59 = arith.cmpi ne, %convert_element_type3A_57, %cond3A_58 : i32
    scf.if %cond3A_59 {
      %sub3A = arith.constant 2 : i32
      %sub3A_60 = arith.subi %add3A, %sub3A : i32
      %mul3A_61 = arith.constant 128 : i32
      %mul3A_62 = arith.muli %sub3A_60, %mul3A_61 : i32
      %add3A_63 = arith.constant 999936 : i32
      %add3A_64 = arith.addi %mul3A_62, %add3A_63 : i32
      %multiple_of3A = tpu.assume_multiple %add3A_64, 128 : i32
      "tpu.region"() ({
        %run_scoped3A = tpu.sem_alloc : memref<!tpu.dma_semaphore, #tpu.memory_space<semaphore_mem>>
        %dma_start3A_70 = arith.constant 0 : i32
        %dma_start3A_71 = arith.constant 0 : i32
        %dma_start3A_72 = arith.constant 0 : i32
        %dma_start3A_73 = tpu.memref_slice %arg4[%dma_start3A_70, %dma_start3A_71, %dma_start3A_72] : memref<8x8x256xf32, #tpu.memory_space<vmem>> -> memref<8x8x128xf32, #tpu.memory_space<vmem>>
        %dma_start3A_74 = arith.constant 0 : i32
        %dma_start3A_75 = arith.constant 0 : i32
        %dma_start3A_76 = tpu.memref_slice %arg2[%dma_start3A_74, %dma_start3A_75, %multiple_of3A] : memref<8x8x1000000xf32, #tpu.memory_space<hbm>> -> memref<8x8x128xf32, #tpu.memory_space<hbm>>
        %dma_start3A_77 = arith.constant 0 : i32
        %dma_start3A_78 = arith.constant 0 : i32
        %dma_start3A_79 = arith.constant 0 : i32
        %dma_start3A_80 = tpu.memref_slice %arg4[%dma_start3A_77, %dma_start3A_78, %dma_start3A_79] : memref<8x8x256xf32, #tpu.memory_space<vmem>> -> memref<8x8x128xf32, #tpu.memory_space<vmem>>
        %dma_start3A_81 = arith.constant 0 : i32
        %dma_start3A_82 = arith.constant 0 : i32
        %dma_start3A_83 = tpu.memref_slice %arg2[%dma_start3A_81, %dma_start3A_82, %multiple_of3A] : memref<8x8x1000000xf32, #tpu.memory_space<hbm>> -> memref<8x8x128xf32, #tpu.memory_space<hbm>>
        tpu.enqueue_dma source(%dma_start3A_83 : memref<8x8x128xf32, #tpu.memory_space<hbm>>) target(%dma_start3A_80 : memref<8x8x128xf32, #tpu.memory_space<vmem>>) target_semaphore(%run_scoped3A : memref<!tpu.dma_semaphore, #tpu.memory_space<semaphore_mem>>)
        %dma_wait3A_84 = arith.constant 0 : i32
        %dma_wait3A_85 = arith.constant 0 : i32
        %dma_wait3A_86 = arith.constant 0 : i32
        %dma_wait3A_87 = tpu.memref_slice %arg4[%dma_wait3A_84, %dma_wait3A_85, %dma_wait3A_86] : memref<8x8x256xf32, #tpu.memory_space<vmem>> -> memref<8x8x128xf32, #tpu.memory_space<vmem>>
        %dma_wait3A_88 = arith.constant 0 : i32
        %dma_wait3A_89 = arith.constant 0 : i32
        %dma_wait3A_90 = tpu.memref_slice %arg2[%dma_wait3A_88, %dma_wait3A_89, %multiple_of3A] : memref<8x8x1000000xf32, #tpu.memory_space<hbm>> -> memref<8x8x128xf32, #tpu.memory_space<hbm>>
        %dma_wait3A_91 = arith.constant 0 : i32
        %dma_wait3A_92 = arith.constant 0 : i32
        %dma_wait3A_93 = arith.constant 0 : i32
        %dma_wait3A_94 = tpu.memref_slice %arg4[%dma_wait3A_91, %dma_wait3A_92, %dma_wait3A_93] : memref<8x8x256xf32, #tpu.memory_space<vmem>> -> memref<8x8x128xf32, #tpu.memory_space<vmem>>
        %dma_wait3A_95 = arith.constant 0 : i32
        %dma_wait3A_96 = arith.constant 0 : i32
        %dma_wait3A_97 = tpu.memref_slice %arg2[%dma_wait3A_95, %dma_wait3A_96, %multiple_of3A] : memref<8x8x1000000xf32, #tpu.memory_space<hbm>> -> memref<8x8x128xf32, #tpu.memory_space<hbm>>
        tpu.wait_dma2 semaphore(%run_scoped3A : memref<!tpu.dma_semaphore, #tpu.memory_space<semaphore_mem>>) src(%dma_wait3A_97 : memref<8x8x128xf32, #tpu.memory_space<hbm>>) dst(%dma_wait3A_94 : memref<8x8x128xf32, #tpu.memory_space<vmem>>)
        tpu.yield
      }) : () -> ()
      %parallel_loop3A = arith.constant 0 : i32
      %parallel_loop3A_65 = arith.constant 64 : i32
      %parallel_loop3A_66 = arith.constant 1 : i32
      scf.for %parallel_loop3A_70 = %parallel_loop3A to %parallel_loop3A_65 step %parallel_loop3A_66  : i32 {
        %parallel_loop3A_71 = arith.constant 8 : i32
        %parallel_loop3A_72 = arith.divsi %parallel_loop3A_70, %parallel_loop3A_71 : i32
        %parallel_loop3A_73 = arith.constant 0 : i32
        %parallel_loop3A_74 = arith.cmpi sgt, %parallel_loop3A_70, %parallel_loop3A_73 : i32
        %parallel_loop3A_75 = arith.extui %parallel_loop3A_74 : i1 to i32
        %parallel_loop3A_76 = arith.constant 0 : i32
        %parallel_loop3A_77 = arith.cmpi slt, %parallel_loop3A_70, %parallel_loop3A_76 : i32
        %parallel_loop3A_78 = arith.extui %parallel_loop3A_77 : i1 to i32
        %parallel_loop3A_79 = arith.subi %parallel_loop3A_75, %parallel_loop3A_78 : i32
        %parallel_loop3A_80 = arith.constant 0 : i32
        %parallel_loop3A_81 = arith.cmpi sgt, %parallel_loop3A_71, %parallel_loop3A_80 : i32
        %parallel_loop3A_82 = arith.extui %parallel_loop3A_81 : i1 to i32
        %parallel_loop3A_83 = arith.constant 0 : i32
        %parallel_loop3A_84 = arith.cmpi slt, %parallel_loop3A_71, %parallel_loop3A_83 : i32
        %parallel_loop3A_85 = arith.extui %parallel_loop3A_84 : i1 to i32
        %parallel_loop3A_86 = arith.subi %parallel_loop3A_82, %parallel_loop3A_85 : i32
        %parallel_loop3A_87 = arith.cmpi ne, %parallel_loop3A_79, %parallel_loop3A_86 : i32
        %parallel_loop3A_88 = arith.remsi %parallel_loop3A_70, %parallel_loop3A_71 : i32
        %parallel_loop3A_89 = arith.constant 0 : i32
        %parallel_loop3A_90 = arith.cmpi ne, %parallel_loop3A_88, %parallel_loop3A_89 : i32
        %parallel_loop3A_91 = arith.andi %parallel_loop3A_87, %parallel_loop3A_90 : i1
        %parallel_loop3A_92 = arith.constant 1 : i32
        %parallel_loop3A_93 = arith.subi %parallel_loop3A_72, %parallel_loop3A_92 : i32
        %parallel_loop3A_94 = arith.select %parallel_loop3A_91, %parallel_loop3A_93, %parallel_loop3A_72 : i32
        %parallel_loop3A_95 = arith.constant 8 : i32
        %parallel_loop3A_96 = arith.constant 0 : i32
        %parallel_loop3A_97 = arith.cmpi eq, %parallel_loop3A_95, %parallel_loop3A_96 : i32
        %parallel_loop3A_98 = arith.constant 1 : i32
        %parallel_loop3A_99 = arith.select %parallel_loop3A_97, %parallel_loop3A_98, %parallel_loop3A_95 : i32
        %parallel_loop3A_100 = arith.remsi %parallel_loop3A_70, %parallel_loop3A_99 : i32
        %parallel_loop3A_101 = arith.constant 0 : i32
        %parallel_loop3A_102 = arith.cmpi ne, %parallel_loop3A_100, %parallel_loop3A_101 : i32
        %parallel_loop3A_103 = arith.constant 0 : i32
        %parallel_loop3A_104 = arith.cmpi slt, %parallel_loop3A_100, %parallel_loop3A_103 : i32
        %parallel_loop3A_105 = arith.constant 0 : i32
        %parallel_loop3A_106 = arith.cmpi slt, %parallel_loop3A_99, %parallel_loop3A_105 : i32
        %parallel_loop3A_107 = arith.xori %parallel_loop3A_104, %parallel_loop3A_106 : i1
        %parallel_loop3A_108 = arith.andi %parallel_loop3A_107, %parallel_loop3A_102 : i1
        %parallel_loop3A_109 = arith.addi %parallel_loop3A_100, %parallel_loop3A_99 : i32
        %parallel_loop3A_110 = arith.select %parallel_loop3A_108, %parallel_loop3A_109, %parallel_loop3A_100 : i32
        %parallel_loop3A_111 = arith.index_cast %parallel_loop3A_94 : i32 to index
        %parallel_loop3A_112 = arith.index_cast %parallel_loop3A_110 : i32 to index
        %parallel_loop3A_113 = arith.constant 0 : index
        %parallel_loop3A_114 = tpu.vector_load %arg4[%parallel_loop3A_111, %parallel_loop3A_112, %parallel_loop3A_113] {strides = array<i32>} : memref<8x8x256xf32, #tpu.memory_space<vmem>>, vector<16xf32>,
        %parallel_loop3A_115 = arith.constant 257 : i32
        %parallel_loop3A_116 = arith.muli %parallel_loop3A_70, %parallel_loop3A_115 : i32
        %parallel_loop3A_117 = arith.constant 0 : i32
        %parallel_loop3A_118 = arith.addi %parallel_loop3A_116, %parallel_loop3A_117 : i32
        %parallel_loop3A_119 = arith.index_cast %parallel_loop3A_118 : i32 to index
        %parallel_loop3A_120 = tpu.vector_load %arg6[%parallel_loop3A_119] {strides = array<i32>} : memref<16448xf32, #tpu.memory_space<vmem>>, vector<16xf32>,
        tpu.vector_store %arg6[%parallel_loop3A_119], %parallel_loop3A_114 {strides = array<i32>} : memref<16448xf32, #tpu.memory_space<vmem>>, vector<16xf32>,
        %parallel_loop3A_121 = arith.index_cast %parallel_loop3A_94 : i32 to index
        %parallel_loop3A_122 = arith.index_cast %parallel_loop3A_110 : i32 to index
        %parallel_loop3A_123 = arith.constant 16 : index
        %parallel_loop3A_124 = tpu.vector_load %arg4[%parallel_loop3A_121, %parallel_loop3A_122, %parallel_loop3A_123] {strides = array<i32>} : memref<8x8x256xf32, #tpu.memory_space<vmem>>, vector<16xf32>,
        %parallel_loop3A_125 = arith.constant 257 : i32
        %parallel_loop3A_126 = arith.muli %parallel_loop3A_70, %parallel_loop3A_125 : i32
        %parallel_loop3A_127 = arith.constant 16 : i32
        %parallel_loop3A_128 = arith.addi %parallel_loop3A_126, %parallel_loop3A_127 : i32
        %parallel_loop3A_129 = arith.index_cast %parallel_loop3A_128 : i32 to index
        %parallel_loop3A_130 = tpu.vector_load %arg6[%parallel_loop3A_129] {strides = array<i32>} : memref<16448xf32, #tpu.memory_space<vmem>>, vector<16xf32>,
        tpu.vector_store %arg6[%parallel_loop3A_129], %parallel_loop3A_124 {strides = array<i32>} : memref<16448xf32, #tpu.memory_space<vmem>>, vector<16xf32>,
        %parallel_loop3A_131 = arith.index_cast %parallel_loop3A_94 : i32 to index
        %parallel_loop3A_132 = arith.index_cast %parallel_loop3A_110 : i32 to index
        %parallel_loop3A_133 = arith.constant 32 : index
        %parallel_loop3A_134 = tpu.vector_load %arg4[%parallel_loop3A_131, %parallel_loop3A_132, %parallel_loop3A_133] {strides = array<i32>} : memref<8x8x256xf32, #tpu.memory_space<vmem>>, vector<16xf32>,
        %parallel_loop3A_135 = arith.constant 257 : i32
        %parallel_loop3A_136 = arith.muli %parallel_loop3A_70, %parallel_loop3A_135 : i32
        %parallel_loop3A_137 = arith.constant 32 : i32
        %parallel_loop3A_138 = arith.addi %parallel_loop3A_136, %parallel_loop3A_137 : i32
        %parallel_loop3A_139 = arith.index_cast %parallel_loop3A_138 : i32 to index
        %parallel_loop3A_140 = tpu.vector_load %arg6[%parallel_loop3A_139] {strides = array<i32>} : memref<16448xf32, #tpu.memory_space<vmem>>, vector<16xf32>,
        tpu.vector_store %arg6[%parallel_loop3A_139], %parallel_loop3A_134 {strides = array<i32>} : memref<16448xf32, #tpu.memory_space<vmem>>, vector<16xf32>,
        %parallel_loop3A_141 = arith.index_cast %parallel_loop3A_94 : i32 to index
        %parallel_loop3A_142 = arith.index_cast %parallel_loop3A_110 : i32 to index
        %parallel_loop3A_143 = arith.constant 48 : index
        %parallel_loop3A_144 = tpu.vector_load %arg4[%parallel_loop3A_141, %parallel_loop3A_142, %parallel_loop3A_143] {strides = array<i32>} : memref<8x8x256xf32, #tpu.memory_space<vmem>>, vector<16xf32>,
        %parallel_loop3A_145 = arith.constant 257 : i32
        %parallel_loop3A_146 = arith.muli %parallel_loop3A_70, %parallel_loop3A_145 : i32
        %parallel_loop3A_147 = arith.constant 48 : i32
        %parallel_loop3A_148 = arith.addi %parallel_loop3A_146, %parallel_loop3A_147 : i32
        %parallel_loop3A_149 = arith.index_cast %parallel_loop3A_148 : i32 to index
        %parallel_loop3A_150 = tpu.vector_load %arg6[%parallel_loop3A_149] {strides = array<i32>} : memref<16448xf32, #tpu.memory_space<vmem>>, vector<16xf32>,
        tpu.vector_store %arg6[%parallel_loop3A_149], %parallel_loop3A_144 {strides = array<i32>} : memref<16448xf32, #tpu.memory_space<vmem>>, vector<16xf32>,
        %parallel_loop3A_151 = arith.index_cast %parallel_loop3A_94 : i32 to index
        %parallel_loop3A_152 = arith.index_cast %parallel_loop3A_110 : i32 to index
        %parallel_loop3A_153 = arith.constant 64 : index
        %parallel_loop3A_154 = tpu.vector_load %arg4[%parallel_loop3A_151, %parallel_loop3A_152, %parallel_loop3A_153] {strides = array<i32>} : memref<8x8x256xf32, #tpu.memory_space<vmem>>, vector<16xf32>,
        %parallel_loop3A_155 = arith.constant 257 : i32
        %parallel_loop3A_156 = arith.muli %parallel_loop3A_70, %parallel_loop3A_155 : i32
        %parallel_loop3A_157 = arith.constant 64 : i32
        %parallel_loop3A_158 = arith.addi %parallel_loop3A_156, %parallel_loop3A_157 : i32
        %parallel_loop3A_159 = arith.index_cast %parallel_loop3A_158 : i32 to index
        %parallel_loop3A_160 = tpu.vector_load %arg6[%parallel_loop3A_159] {strides = array<i32>} : memref<16448xf32, #tpu.memory_space<vmem>>, vector<16xf32>,
        tpu.vector_store %arg6[%parallel_loop3A_159], %parallel_loop3A_154 {strides = array<i32>} : memref<16448xf32, #tpu.memory_space<vmem>>, vector<16xf32>,
        %parallel_loop3A_161 = arith.index_cast %parallel_loop3A_94 : i32 to index
        %parallel_loop3A_162 = arith.index_cast %parallel_loop3A_110 : i32 to index
        %parallel_loop3A_163 = arith.constant 80 : index
        %parallel_loop3A_164 = tpu.vector_load %arg4[%parallel_loop3A_161, %parallel_loop3A_162, %parallel_loop3A_163] {strides = array<i32>} : memref<8x8x256xf32, #tpu.memory_space<vmem>>, vector<16xf32>,
        %parallel_loop3A_165 = arith.constant 257 : i32
        %parallel_loop3A_166 = arith.muli %parallel_loop3A_70, %parallel_loop3A_165 : i32
        %parallel_loop3A_167 = arith.constant 80 : i32
        %parallel_loop3A_168 = arith.addi %parallel_loop3A_166, %parallel_loop3A_167 : i32
        %parallel_loop3A_169 = arith.index_cast %parallel_loop3A_168 : i32 to index
        %parallel_loop3A_170 = tpu.vector_load %arg6[%parallel_loop3A_169] {strides = array<i32>} : memref<16448xf32, #tpu.memory_space<vmem>>, vector<16xf32>,
        tpu.vector_store %arg6[%parallel_loop3A_169], %parallel_loop3A_164 {strides = array<i32>} : memref<16448xf32, #tpu.memory_space<vmem>>, vector<16xf32>,
        %parallel_loop3A_171 = arith.index_cast %parallel_loop3A_94 : i32 to index
        %parallel_loop3A_172 = arith.index_cast %parallel_loop3A_110 : i32 to index
        %parallel_loop3A_173 = arith.constant 96 : index
        %parallel_loop3A_174 = tpu.vector_load %arg4[%parallel_loop3A_171, %parallel_loop3A_172, %parallel_loop3A_173] {strides = array<i32>} : memref<8x8x256xf32, #tpu.memory_space<vmem>>, vector<16xf32>,
        %parallel_loop3A_175 = arith.constant 257 : i32
        %parallel_loop3A_176 = arith.muli %parallel_loop3A_70, %parallel_loop3A_175 : i32
        %parallel_loop3A_177 = arith.constant 96 : i32
        %parallel_loop3A_178 = arith.addi %parallel_loop3A_176, %parallel_loop3A_177 : i32
        %parallel_loop3A_179 = arith.index_cast %parallel_loop3A_178 : i32 to index
        %parallel_loop3A_180 = tpu.vector_load %arg6[%parallel_loop3A_179] {strides = array<i32>} : memref<16448xf32, #tpu.memory_space<vmem>>, vector<16xf32>,
        tpu.vector_store %arg6[%parallel_loop3A_179], %parallel_loop3A_174 {strides = array<i32>} : memref<16448xf32, #tpu.memory_space<vmem>>, vector<16xf32>,
        %parallel_loop3A_181 = arith.index_cast %parallel_loop3A_94 : i32 to index
        %parallel_loop3A_182 = arith.index_cast %parallel_loop3A_110 : i32 to index
        %parallel_loop3A_183 = arith.constant 112 : index
        %parallel_loop3A_184 = tpu.vector_load %arg4[%parallel_loop3A_181, %parallel_loop3A_182, %parallel_loop3A_183] {strides = array<i32>} : memref<8x8x256xf32, #tpu.memory_space<vmem>>, vector<16xf32>,
        %parallel_loop3A_185 = arith.constant 257 : i32
        %parallel_loop3A_186 = arith.muli %parallel_loop3A_70, %parallel_loop3A_185 : i32
        %parallel_loop3A_187 = arith.constant 112 : i32
        %parallel_loop3A_188 = arith.addi %parallel_loop3A_186, %parallel_loop3A_187 : i32
        %parallel_loop3A_189 = arith.index_cast %parallel_loop3A_188 : i32 to index
        %parallel_loop3A_190 = tpu.vector_load %arg6[%parallel_loop3A_189] {strides = array<i32>} : memref<16448xf32, #tpu.memory_space<vmem>>, vector<16xf32>,
        tpu.vector_store %arg6[%parallel_loop3A_189], %parallel_loop3A_184 {strides = array<i32>} : memref<16448xf32, #tpu.memory_space<vmem>>, vector<16xf32>,
      } {sc.loop_unroll_factor = 4 : i64, sc.parallel_access}
      %parallel_loop3A_67 = arith.constant 0 : i32
      %parallel_loop3A_68 = arith.constant 64 : i32
      %parallel_loop3A_69 = arith.constant 1 : i32
      scf.for %parallel_loop3A_70 = %parallel_loop3A_67 to %parallel_loop3A_68 step %parallel_loop3A_69  : i32 {
        %parallel_loop3A_71 = arith.constant 2 : i32
        %parallel_loop3A_72 = arith.muli %parallel_loop3A_70, %parallel_loop3A_71 : i32
        %parallel_loop3A_73 = arith.constant 0 : i32
        %parallel_loop3A_74 = arith.addi %parallel_loop3A_72, %parallel_loop3A_73 : i32
        %parallel_loop3A_75 = vector.broadcast %parallel_loop3A_74 : i32 to vector<16xi32>
        %parallel_loop3A_76 = arith.addi %mul3A_6, %parallel_loop3A_75 : vector<16xi32>
        %parallel_loop3A_77 = tpu.vector_load_idx %arg6[%parallel_loop3A_76] : memref<16448xf32, #tpu.memory_space<vmem>>[vector<16xi32>], vector<16xf32>,
        %parallel_loop3A_78 = arith.index_cast %parallel_loop3A_70 : i32 to index
        %parallel_loop3A_79 = arith.constant 0 : index
        %parallel_loop3A_80 = tpu.vector_load %arg7[%parallel_loop3A_78, %parallel_loop3A_79] {strides = array<i32>} : memref<128x128xf32, #tpu.memory_space<vmem>>, vector<16xf32>,
        tpu.vector_store %arg7[%parallel_loop3A_78, %parallel_loop3A_79], %parallel_loop3A_77 {strides = array<i32>} : memref<128x128xf32, #tpu.memory_space<vmem>>, vector<16xf32>,
        %parallel_loop3A_81 = vector.broadcast %parallel_loop3A_74 : i32 to vector<16xi32>
        %parallel_loop3A_82 = arith.addi %mul3A_12, %parallel_loop3A_81 : vector<16xi32>
        %parallel_loop3A_83 = tpu.vector_load_idx %arg6[%parallel_loop3A_82] : memref<16448xf32, #tpu.memory_space<vmem>>[vector<16xi32>], vector<16xf32>,
        %parallel_loop3A_84 = arith.index_cast %parallel_loop3A_70 : i32 to index
        %parallel_loop3A_85 = arith.constant 16 : index
        %parallel_loop3A_86 = tpu.vector_load %arg7[%parallel_loop3A_84, %parallel_loop3A_85] {strides = array<i32>} : memref<128x128xf32, #tpu.memory_space<vmem>>, vector<16xf32>,
        tpu.vector_store %arg7[%parallel_loop3A_84, %parallel_loop3A_85], %parallel_loop3A_83 {strides = array<i32>} : memref<128x128xf32, #tpu.memory_space<vmem>>, vector<16xf32>,
        %parallel_loop3A_87 = vector.broadcast %parallel_loop3A_74 : i32 to vector<16xi32>
        %parallel_loop3A_88 = arith.addi %mul3A_18, %parallel_loop3A_87 : vector<16xi32>
        %parallel_loop3A_89 = tpu.vector_load_idx %arg6[%parallel_loop3A_88] : memref<16448xf32, #tpu.memory_space<vmem>>[vector<16xi32>], vector<16xf32>,
        %parallel_loop3A_90 = arith.index_cast %parallel_loop3A_70 : i32 to index
        %parallel_loop3A_91 = arith.constant 32 : index
        %parallel_loop3A_92 = tpu.vector_load %arg7[%parallel_loop3A_90, %parallel_loop3A_91] {strides = array<i32>} : memref<128x128xf32, #tpu.memory_space<vmem>>, vector<16xf32>,
        tpu.vector_store %arg7[%parallel_loop3A_90, %parallel_loop3A_91], %parallel_loop3A_89 {strides = array<i32>} : memref<128x128xf32, #tpu.memory_space<vmem>>, vector<16xf32>,
        %parallel_loop3A_93 = vector.broadcast %parallel_loop3A_74 : i32 to vector<16xi32>
        %parallel_loop3A_94 = arith.addi %mul3A_24, %parallel_loop3A_93 : vector<16xi32>
        %parallel_loop3A_95 = tpu.vector_load_idx %arg6[%parallel_loop3A_94] : memref<16448xf32, #tpu.memory_space<vmem>>[vector<16xi32>], vector<16xf32>,
        %parallel_loop3A_96 = arith.index_cast %parallel_loop3A_70 : i32 to index
        %parallel_loop3A_97 = arith.constant 48 : index
        %parallel_loop3A_98 = tpu.vector_load %arg7[%parallel_loop3A_96, %parallel_loop3A_97] {strides = array<i32>} : memref<128x128xf32, #tpu.memory_space<vmem>>, vector<16xf32>,
        tpu.vector_store %arg7[%parallel_loop3A_96, %parallel_loop3A_97], %parallel_loop3A_95 {strides = array<i32>} : memref<128x128xf32, #tpu.memory_space<vmem>>, vector<16xf32>,
        %parallel_loop3A_99 = arith.constant 2 : i32
        %parallel_loop3A_100 = arith.muli %parallel_loop3A_70, %parallel_loop3A_99 : i32
        %parallel_loop3A_101 = arith.constant 1 : i32
        %parallel_loop3A_102 = arith.addi %parallel_loop3A_100, %parallel_loop3A_101 : i32
        %parallel_loop3A_103 = vector.broadcast %parallel_loop3A_102 : i32 to vector<16xi32>
        %parallel_loop3A_104 = arith.addi %mul3A_6, %parallel_loop3A_103 : vector<16xi32>
        %parallel_loop3A_105 = tpu.vector_load_idx %arg6[%parallel_loop3A_104] : memref<16448xf32, #tpu.memory_space<vmem>>[vector<16xi32>], vector<16xf32>,
        %parallel_loop3A_106 = arith.index_cast %parallel_loop3A_70 : i32 to index
        %parallel_loop3A_107 = arith.constant 64 : index
        %parallel_loop3A_108 = tpu.vector_load %arg7[%parallel_loop3A_106, %parallel_loop3A_107] {strides = array<i32>} : memref<128x128xf32, #tpu.memory_space<vmem>>, vector<16xf32>,
        tpu.vector_store %arg7[%parallel_loop3A_106, %parallel_loop3A_107], %parallel_loop3A_105 {strides = array<i32>} : memref<128x128xf32, #tpu.memory_space<vmem>>, vector<16xf32>,
        %parallel_loop3A_109 = vector.broadcast %parallel_loop3A_102 : i32 to vector<16xi32>
        %parallel_loop3A_110 = arith.addi %mul3A_12, %parallel_loop3A_109 : vector<16xi32>
        %parallel_loop3A_111 = tpu.vector_load_idx %arg6[%parallel_loop3A_110] : memref<16448xf32, #tpu.memory_space<vmem>>[vector<16xi32>], vector<16xf32>,
        %parallel_loop3A_112 = arith.index_cast %parallel_loop3A_70 : i32 to index
        %parallel_loop3A_113 = arith.constant 80 : index
        %parallel_loop3A_114 = tpu.vector_load %arg7[%parallel_loop3A_112, %parallel_loop3A_113] {strides = array<i32>} : memref<128x128xf32, #tpu.memory_space<vmem>>, vector<16xf32>,
        tpu.vector_store %arg7[%parallel_loop3A_112, %parallel_loop3A_113], %parallel_loop3A_111 {strides = array<i32>} : memref<128x128xf32, #tpu.memory_space<vmem>>, vector<16xf32>,
        %parallel_loop3A_115 = vector.broadcast %parallel_loop3A_102 : i32 to vector<16xi32>
        %parallel_loop3A_116 = arith.addi %mul3A_18, %parallel_loop3A_115 : vector<16xi32>
        %parallel_loop3A_117 = tpu.vector_load_idx %arg6[%parallel_loop3A_116] : memref<16448xf32, #tpu.memory_space<vmem>>[vector<16xi32>], vector<16xf32>,
        %parallel_loop3A_118 = arith.index_cast %parallel_loop3A_70 : i32 to index
        %parallel_loop3A_119 = arith.constant 96 : index
        %parallel_loop3A_120 = tpu.vector_load %arg7[%parallel_loop3A_118, %parallel_loop3A_119] {strides = array<i32>} : memref<128x128xf32, #tpu.memory_space<vmem>>, vector<16xf32>,
        tpu.vector_store %arg7[%parallel_loop3A_118, %parallel_loop3A_119], %parallel_loop3A_117 {strides = array<i32>} : memref<128x128xf32, #tpu.memory_space<vmem>>, vector<16xf32>,
        %parallel_loop3A_121 = vector.broadcast %parallel_loop3A_102 : i32 to vector<16xi32>
        %parallel_loop3A_122 = arith.addi %mul3A_24, %parallel_loop3A_121 : vector<16xi32>
        %parallel_loop3A_123 = tpu.vector_load_idx %arg6[%parallel_loop3A_122] : memref<16448xf32, #tpu.memory_space<vmem>>[vector<16xi32>], vector<16xf32>,
        %parallel_loop3A_124 = arith.index_cast %parallel_loop3A_70 : i32 to index
        %parallel_loop3A_125 = arith.constant 112 : index
        %parallel_loop3A_126 = tpu.vector_load %arg7[%parallel_loop3A_124, %parallel_loop3A_125] {strides = array<i32>} : memref<128x128xf32, #tpu.memory_space<vmem>>, vector<16xf32>,
        tpu.vector_store %arg7[%parallel_loop3A_124, %parallel_loop3A_125], %parallel_loop3A_123 {strides = array<i32>} : memref<128x128xf32, #tpu.memory_space<vmem>>, vector<16xf32>,
      } {sc.loop_unroll_factor = 4 : i64, sc.parallel_access}
      "tpu.region"() ({
        %run_scoped3A = tpu.sem_alloc : memref<!tpu.dma_semaphore, #tpu.memory_space<semaphore_mem>>
        %dma_start3A_70 = arith.constant 0 : i32
        %dma_start3A_71 = arith.constant 0 : i32
        %dma_start3A_72 = tpu.memref_slice %arg7[%dma_start3A_70, %dma_start3A_71] : memref<128x128xf32, #tpu.memory_space<vmem>> -> memref<32x128xf32, #tpu.memory_space<vmem>>
        %dma_start3A_73 = arith.constant 499968 : i32
        %dma_start3A_74 = arith.constant 0 : i32
        %dma_start3A_75 = tpu.memref_slice %arg3[%dma_start3A_73, %dma_start3A_74] : memref<500000x128xf32, #tpu.memory_space<hbm>> -> memref<32x128xf32, #tpu.memory_space<hbm>>
        %dma_start3A_76 = arith.constant 499968 : i32
        %dma_start3A_77 = arith.constant 0 : i32
        %dma_start3A_78 = tpu.memref_slice %arg3[%dma_start3A_76, %dma_start3A_77] : memref<500000x128xf32, #tpu.memory_space<hbm>> -> memref<32x128xf32, #tpu.memory_space<hbm>>
        %dma_start3A_79 = arith.constant 0 : i32
        %dma_start3A_80 = arith.constant 0 : i32
        %dma_start3A_81 = tpu.memref_slice %arg7[%dma_start3A_79, %dma_start3A_80] : memref<128x128xf32, #tpu.memory_space<vmem>> -> memref<32x128xf32, #tpu.memory_space<vmem>>
        tpu.enqueue_dma source(%dma_start3A_81 : memref<32x128xf32, #tpu.memory_space<vmem>>) target(%dma_start3A_78 : memref<32x128xf32, #tpu.memory_space<hbm>>) target_semaphore(%run_scoped3A : memref<!tpu.dma_semaphore, #tpu.memory_space<semaphore_mem>>)
        %dma_wait3A_82 = arith.constant 0 : i32
        %dma_wait3A_83 = arith.constant 0 : i32
        %dma_wait3A_84 = tpu.memref_slice %arg7[%dma_wait3A_82, %dma_wait3A_83] : memref<128x128xf32, #tpu.memory_space<vmem>> -> memref<32x128xf32, #tpu.memory_space<vmem>>
        %dma_wait3A_85 = arith.constant 499968 : i32
        %dma_wait3A_86 = arith.constant 0 : i32
        %dma_wait3A_87 = tpu.memref_slice %arg3[%dma_wait3A_85, %dma_wait3A_86] : memref<500000x128xf32, #tpu.memory_space<hbm>> -> memref<32x128xf32, #tpu.memory_space<hbm>>
        %dma_wait3A_88 = arith.constant 499968 : i32
        %dma_wait3A_89 = arith.constant 0 : i32
        %dma_wait3A_90 = tpu.memref_slice %arg3[%dma_wait3A_88, %dma_wait3A_89] : memref<500000x128xf32, #tpu.memory_space<hbm>> -> memref<32x128xf32, #tpu.memory_space<hbm>>
        %dma_wait3A_91 = arith.constant 0 : i32
        %dma_wait3A_92 = arith.constant 0 : i32
        %dma_wait3A_93 = tpu.memref_slice %arg7[%dma_wait3A_91, %dma_wait3A_92] : memref<128x128xf32, #tpu.memory_space<vmem>> -> memref<32x128xf32, #tpu.memory_space<vmem>>
        tpu.wait_dma2 semaphore(%run_scoped3A : memref<!tpu.dma_semaphore, #tpu.memory_space<semaphore_mem>>) src(%dma_wait3A_93 : memref<32x128xf32, #tpu.memory_space<vmem>>) dst(%dma_wait3A_90 : memref<32x128xf32, #tpu.memory_space<hbm>>)
        tpu.yield
      }) : () -> ()
    } else {
    }
    return
  }
}

#map = affine_map<(d0, d1) -> (0, 0, 0)>
#map1 = affine_map<(d0, d1) -> (0, 0)>
#map2 = affine_map<(d0, d1) -> (0, 0, 0, 0, 0)>
module attributes {stable_mosaic.version = 14 : i64} {
  func.func @k2(%arg0: i32, %arg1: i32, %arg2: memref<32x200x128xi32, #tpu.memory_space<hbm>>, %arg3: memref<1000000x64xf32, #tpu.memory_space<hbm>>, %arg4: memref<200x8x32x8x128xf32, #tpu.memory_space<hbm>>, %arg5: memref<200x128xi32, #tpu.memory_space<vmem>>, %arg6: memref<128x64xf32, #tpu.memory_space<vmem>>, %arg7: memref<128x64xf32, #tpu.memory_space<vmem>>, %arg8: memref<8x8x129xf32, #tpu.memory_space<vmem>>, %arg9: memref<8x8x129xf32, #tpu.memory_space<vmem>>, %arg10: memref<!tpu.dma_semaphore, #tpu.memory_space<semaphore_mem>>, %arg11: memref<!tpu.dma_semaphore, #tpu.memory_space<semaphore_mem>>, %arg12: memref<!tpu.dma_semaphore, #tpu.memory_space<semaphore_mem>>, %arg13: memref<!tpu.dma_semaphore, #tpu.memory_space<semaphore_mem>>) attributes {dimension_semantics = [#tpu.dimension_semantics<core_parallel>, #tpu.dimension_semantics<subcore_parallel>], iteration_bounds = array<i64: 2, 16>, scalar_prefetch = 0 : i64, scratch_operands = 9 : i64, tpu.core_type = #tpu.core_type<sc_vector_subcore>, window_params = [{transform_indices = #map}, {transform_indices = #map1}, {transform_indices = #map2}]} {
    %mul3A = arith.constant 2 : i32
    %mul3A_0 = arith.muli %arg1, %mul3A : i32
    %add3A = arith.addi %mul3A_0, %arg0 : i32
    %iota3A = tpu.iota {dimensions = array<i32: 0>} : vector<16xi32>
    %add3A_1 = arith.constant 0 : i32
    %add3A_2 = vector.broadcast %add3A_1 : i32 to vector<16xi32>
    %add3A_3 = arith.addi %iota3A, %add3A_2 : vector<16xi32>
    %jit3A = arith.constant 8 : i32
    %div3A = vector.broadcast %jit3A : i32 to vector<16xi32>
    %div3A_4 = arith.divsi %add3A_3, %div3A : vector<16xi32>
    %sign3A = arith.constant 0 : i32
    %sign3A_5 = vector.broadcast %sign3A : i32 to vector<16xi32>
    %sign3A_6 = arith.cmpi sgt, %add3A_3, %sign3A_5 : vector<16xi32>
    %sign3A_7 = arith.extui %sign3A_6 : vector<16xi1> to vector<16xi32>
    %sign3A_8 = arith.constant 0 : i32
    %sign3A_9 = vector.broadcast %sign3A_8 : i32 to vector<16xi32>
    %sign3A_10 = arith.cmpi slt, %add3A_3, %sign3A_9 : vector<16xi32>
    %sign3A_11 = arith.extui %sign3A_10 : vector<16xi1> to vector<16xi32>
    %sign3A_12 = arith.subi %sign3A_7, %sign3A_11 : vector<16xi32>
    %sign3A_13 = arith.constant 0 : i32
    %sign3A_14 = arith.cmpi sgt, %jit3A, %sign3A_13 : i32
    %sign3A_15 = arith.extui %sign3A_14 : i1 to i32
    %sign3A_16 = arith.constant 0 : i32
    %sign3A_17 = arith.cmpi slt, %jit3A, %sign3A_16 : i32
    %sign3A_18 = arith.extui %sign3A_17 : i1 to i32
    %sign3A_19 = arith.subi %sign3A_15, %sign3A_18 : i32
    %ne3A = vector.broadcast %sign3A_19 : i32 to vector<16xi32>
    %ne3A_20 = arith.cmpi ne, %sign3A_12, %ne3A : vector<16xi32>
    %rem3A = vector.broadcast %jit3A : i32 to vector<16xi32>
    %rem3A_21 = arith.remsi %add3A_3, %rem3A : vector<16xi32>
    %ne3A_22 = arith.constant 0 : i32
    %ne3A_23 = vector.broadcast %ne3A_22 : i32 to vector<16xi32>
    %ne3A_24 = arith.cmpi ne, %rem3A_21, %ne3A_23 : vector<16xi32>
    %and3A = arith.andi %ne3A_20, %ne3A_24 : vector<16xi1>
    %sub3A = arith.constant 1 : i32
    %sub3A_25 = vector.broadcast %sub3A : i32 to vector<16xi32>
    %sub3A_26 = arith.subi %div3A_4, %sub3A_25 : vector<16xi32>
    %select_n3A = arith.select %and3A, %sub3A_26, %div3A_4 : vector<16xi1>, vector<16xi32>
    %add3A_27 = arith.constant 16 : i32
    %add3A_28 = vector.broadcast %add3A_27 : i32 to vector<16xi32>
    %add3A_29 = arith.addi %iota3A, %add3A_28 : vector<16xi32>
    %jit3A_30 = arith.constant 8 : i32
    %div3A_31 = vector.broadcast %jit3A_30 : i32 to vector<16xi32>
    %div3A_32 = arith.divsi %add3A_29, %div3A_31 : vector<16xi32>
    %sign3A_33 = arith.constant 0 : i32
    %sign3A_34 = vector.broadcast %sign3A_33 : i32 to vector<16xi32>
    %sign3A_35 = arith.cmpi sgt, %add3A_29, %sign3A_34 : vector<16xi32>
    %sign3A_36 = arith.extui %sign3A_35 : vector<16xi1> to vector<16xi32>
    %sign3A_37 = arith.constant 0 : i32
    %sign3A_38 = vector.broadcast %sign3A_37 : i32 to vector<16xi32>
    %sign3A_39 = arith.cmpi slt, %add3A_29, %sign3A_38 : vector<16xi32>
    %sign3A_40 = arith.extui %sign3A_39 : vector<16xi1> to vector<16xi32>
    %sign3A_41 = arith.subi %sign3A_36, %sign3A_40 : vector<16xi32>
    %sign3A_42 = arith.constant 0 : i32
    %sign3A_43 = arith.cmpi sgt, %jit3A_30, %sign3A_42 : i32
    %sign3A_44 = arith.extui %sign3A_43 : i1 to i32
    %sign3A_45 = arith.constant 0 : i32
    %sign3A_46 = arith.cmpi slt, %jit3A_30, %sign3A_45 : i32
    %sign3A_47 = arith.extui %sign3A_46 : i1 to i32
    %sign3A_48 = arith.subi %sign3A_44, %sign3A_47 : i32
    %ne3A_49 = vector.broadcast %sign3A_48 : i32 to vector<16xi32>
    %ne3A_50 = arith.cmpi ne, %sign3A_41, %ne3A_49 : vector<16xi32>
    %rem3A_51 = vector.broadcast %jit3A_30 : i32 to vector<16xi32>
    %rem3A_52 = arith.remsi %add3A_29, %rem3A_51 : vector<16xi32>
    %ne3A_53 = arith.constant 0 : i32
    %ne3A_54 = vector.broadcast %ne3A_53 : i32 to vector<16xi32>
    %ne3A_55 = arith.cmpi ne, %rem3A_52, %ne3A_54 : vector<16xi32>
    %and3A_56 = arith.andi %ne3A_50, %ne3A_55 : vector<16xi1>
    %sub3A_57 = arith.constant 1 : i32
    %sub3A_58 = vector.broadcast %sub3A_57 : i32 to vector<16xi32>
    %sub3A_59 = arith.subi %div3A_32, %sub3A_58 : vector<16xi32>
    %select_n3A_60 = arith.select %and3A_56, %sub3A_59, %div3A_32 : vector<16xi1>, vector<16xi32>
    %add3A_61 = arith.constant 32 : i32
    %add3A_62 = vector.broadcast %add3A_61 : i32 to vector<16xi32>
    %add3A_63 = arith.addi %iota3A, %add3A_62 : vector<16xi32>
    %jit3A_64 = arith.constant 8 : i32
    %div3A_65 = vector.broadcast %jit3A_64 : i32 to vector<16xi32>
    %div3A_66 = arith.divsi %add3A_63, %div3A_65 : vector<16xi32>
    %sign3A_67 = arith.constant 0 : i32
    %sign3A_68 = vector.broadcast %sign3A_67 : i32 to vector<16xi32>
    %sign3A_69 = arith.cmpi sgt, %add3A_63, %sign3A_68 : vector<16xi32>
    %sign3A_70 = arith.extui %sign3A_69 : vector<16xi1> to vector<16xi32>
    %sign3A_71 = arith.constant 0 : i32
    %sign3A_72 = vector.broadcast %sign3A_71 : i32 to vector<16xi32>
    %sign3A_73 = arith.cmpi slt, %add3A_63, %sign3A_72 : vector<16xi32>
    %sign3A_74 = arith.extui %sign3A_73 : vector<16xi1> to vector<16xi32>
    %sign3A_75 = arith.subi %sign3A_70, %sign3A_74 : vector<16xi32>
    %sign3A_76 = arith.constant 0 : i32
    %sign3A_77 = arith.cmpi sgt, %jit3A_64, %sign3A_76 : i32
    %sign3A_78 = arith.extui %sign3A_77 : i1 to i32
    %sign3A_79 = arith.constant 0 : i32
    %sign3A_80 = arith.cmpi slt, %jit3A_64, %sign3A_79 : i32
    %sign3A_81 = arith.extui %sign3A_80 : i1 to i32
    %sign3A_82 = arith.subi %sign3A_78, %sign3A_81 : i32
    %ne3A_83 = vector.broadcast %sign3A_82 : i32 to vector<16xi32>
    %ne3A_84 = arith.cmpi ne, %sign3A_75, %ne3A_83 : vector<16xi32>
    %rem3A_85 = vector.broadcast %jit3A_64 : i32 to vector<16xi32>
    %rem3A_86 = arith.remsi %add3A_63, %rem3A_85 : vector<16xi32>
    %ne3A_87 = arith.constant 0 : i32
    %ne3A_88 = vector.broadcast %ne3A_87 : i32 to vector<16xi32>
    %ne3A_89 = arith.cmpi ne, %rem3A_86, %ne3A_88 : vector<16xi32>
    %and3A_90 = arith.andi %ne3A_84, %ne3A_89 : vector<16xi1>
    %sub3A_91 = arith.constant 1 : i32
    %sub3A_92 = vector.broadcast %sub3A_91 : i32 to vector<16xi32>
    %sub3A_93 = arith.subi %div3A_66, %sub3A_92 : vector<16xi32>
    %select_n3A_94 = arith.select %and3A_90, %sub3A_93, %div3A_66 : vector<16xi1>, vector<16xi32>
    %add3A_95 = arith.constant 48 : i32
    %add3A_96 = vector.broadcast %add3A_95 : i32 to vector<16xi32>
    %add3A_97 = arith.addi %iota3A, %add3A_96 : vector<16xi32>
    %jit3A_98 = arith.constant 8 : i32
    %div3A_99 = vector.broadcast %jit3A_98 : i32 to vector<16xi32>
    %div3A_100 = arith.divsi %add3A_97, %div3A_99 : vector<16xi32>
    %sign3A_101 = arith.constant 0 : i32
    %sign3A_102 = vector.broadcast %sign3A_101 : i32 to vector<16xi32>
    %sign3A_103 = arith.cmpi sgt, %add3A_97, %sign3A_102 : vector<16xi32>
    %sign3A_104 = arith.extui %sign3A_103 : vector<16xi1> to vector<16xi32>
    %sign3A_105 = arith.constant 0 : i32
    %sign3A_106 = vector.broadcast %sign3A_105 : i32 to vector<16xi32>
    %sign3A_107 = arith.cmpi slt, %add3A_97, %sign3A_106 : vector<16xi32>
    %sign3A_108 = arith.extui %sign3A_107 : vector<16xi1> to vector<16xi32>
    %sign3A_109 = arith.subi %sign3A_104, %sign3A_108 : vector<16xi32>
    %sign3A_110 = arith.constant 0 : i32
    %sign3A_111 = arith.cmpi sgt, %jit3A_98, %sign3A_110 : i32
    %sign3A_112 = arith.extui %sign3A_111 : i1 to i32
    %sign3A_113 = arith.constant 0 : i32
    %sign3A_114 = arith.cmpi slt, %jit3A_98, %sign3A_113 : i32
    %sign3A_115 = arith.extui %sign3A_114 : i1 to i32
    %sign3A_116 = arith.subi %sign3A_112, %sign3A_115 : i32
    %ne3A_117 = vector.broadcast %sign3A_116 : i32 to vector<16xi32>
    %ne3A_118 = arith.cmpi ne, %sign3A_109, %ne3A_117 : vector<16xi32>
    %rem3A_119 = vector.broadcast %jit3A_98 : i32 to vector<16xi32>
    %rem3A_120 = arith.remsi %add3A_97, %rem3A_119 : vector<16xi32>
    %ne3A_121 = arith.constant 0 : i32
    %ne3A_122 = vector.broadcast %ne3A_121 : i32 to vector<16xi32>
    %ne3A_123 = arith.cmpi ne, %rem3A_120, %ne3A_122 : vector<16xi32>
    %and3A_124 = arith.andi %ne3A_118, %ne3A_123 : vector<16xi1>
    %sub3A_125 = arith.constant 1 : i32
    %sub3A_126 = vector.broadcast %sub3A_125 : i32 to vector<16xi32>
    %sub3A_127 = arith.subi %div3A_100, %sub3A_126 : vector<16xi32>
    %select_n3A_128 = arith.select %and3A_124, %sub3A_127, %div3A_100 : vector<16xi1>, vector<16xi32>
    %add3A_129 = arith.constant 0 : i32
    %add3A_130 = vector.broadcast %add3A_129 : i32 to vector<16xi32>
    %add3A_131 = arith.addi %iota3A, %add3A_130 : vector<16xi32>
    %jit3A_132 = arith.constant 8 : i32
    %eq3A = arith.constant 0 : i32
    %eq3A_133 = arith.cmpi eq, %jit3A_132, %eq3A : i32
    %jit3A_134 = arith.constant 1 : i32
    %select_n3A_135 = arith.select %eq3A_133, %jit3A_134, %jit3A_132 : i32
    %rem3A_136 = vector.broadcast %select_n3A_135 : i32 to vector<16xi32>
    %rem3A_137 = arith.remsi %add3A_131, %rem3A_136 : vector<16xi32>
    %ne3A_138 = arith.constant 0 : i32
    %ne3A_139 = vector.broadcast %ne3A_138 : i32 to vector<16xi32>
    %ne3A_140 = arith.cmpi ne, %rem3A_137, %ne3A_139 : vector<16xi32>
    %lt3A = arith.constant 0 : i32
    %lt3A_141 = vector.broadcast %lt3A : i32 to vector<16xi32>
    %lt3A_142 = arith.cmpi slt, %rem3A_137, %lt3A_141 : vector<16xi32>
    %lt3A_143 = arith.constant 0 : i32
    %lt3A_144 = arith.cmpi slt, %select_n3A_135, %lt3A_143 : i32
    %ne3A_145 = vector.broadcast %lt3A_144 : i1 to vector<16xi1>
    %ne3A_146 = vector.broadcast %ne3A_145 : vector<16xi1> to vector<16xi1>
    %ne3A_147 = arith.xori %lt3A_142, %ne3A_146 : vector<16xi1>
    %and3A_148 = arith.andi %ne3A_147, %ne3A_140 : vector<16xi1>
    %add3A_149 = vector.broadcast %select_n3A_135 : i32 to vector<16xi32>
    %add3A_150 = arith.addi %rem3A_137, %add3A_149 : vector<16xi32>
    %select_n3A_151 = arith.select %and3A_148, %add3A_150, %rem3A_137 : vector<16xi1>, vector<16xi32>
    %add3A_152 = arith.constant 16 : i32
    %add3A_153 = vector.broadcast %add3A_152 : i32 to vector<16xi32>
    %add3A_154 = arith.addi %iota3A, %add3A_153 : vector<16xi32>
    %jit3A_155 = arith.constant 8 : i32
    %eq3A_156 = arith.constant 0 : i32
    %eq3A_157 = arith.cmpi eq, %jit3A_155, %eq3A_156 : i32
    %jit3A_158 = arith.constant 1 : i32
    %select_n3A_159 = arith.select %eq3A_157, %jit3A_158, %jit3A_155 : i32
    %rem3A_160 = vector.broadcast %select_n3A_159 : i32 to vector<16xi32>
    %rem3A_161 = arith.remsi %add3A_154, %rem3A_160 : vector<16xi32>
    %ne3A_162 = arith.constant 0 : i32
    %ne3A_163 = vector.broadcast %ne3A_162 : i32 to vector<16xi32>
    %ne3A_164 = arith.cmpi ne, %rem3A_161, %ne3A_163 : vector<16xi32>
    %lt3A_165 = arith.constant 0 : i32
    %lt3A_166 = vector.broadcast %lt3A_165 : i32 to vector<16xi32>
    %lt3A_167 = arith.cmpi slt, %rem3A_161, %lt3A_166 : vector<16xi32>
    %lt3A_168 = arith.constant 0 : i32
    %lt3A_169 = arith.cmpi slt, %select_n3A_159, %lt3A_168 : i32
    %ne3A_170 = vector.broadcast %lt3A_169 : i1 to vector<16xi1>
    %ne3A_171 = vector.broadcast %ne3A_170 : vector<16xi1> to vector<16xi1>
    %ne3A_172 = arith.xori %lt3A_167, %ne3A_171 : vector<16xi1>
    %and3A_173 = arith.andi %ne3A_172, %ne3A_164 : vector<16xi1>
    %add3A_174 = vector.broadcast %select_n3A_159 : i32 to vector<16xi32>
    %add3A_175 = arith.addi %rem3A_161, %add3A_174 : vector<16xi32>
    %select_n3A_176 = arith.select %and3A_173, %add3A_175, %rem3A_161 : vector<16xi1>, vector<16xi32>
    %add3A_177 = arith.constant 32 : i32
    %add3A_178 = vector.broadcast %add3A_177 : i32 to vector<16xi32>
    %add3A_179 = arith.addi %iota3A, %add3A_178 : vector<16xi32>
    %jit3A_180 = arith.constant 8 : i32
    %eq3A_181 = arith.constant 0 : i32
    %eq3A_182 = arith.cmpi eq, %jit3A_180, %eq3A_181 : i32
    %jit3A_183 = arith.constant 1 : i32
    %select_n3A_184 = arith.select %eq3A_182, %jit3A_183, %jit3A_180 : i32
    %rem3A_185 = vector.broadcast %select_n3A_184 : i32 to vector<16xi32>
    %rem3A_186 = arith.remsi %add3A_179, %rem3A_185 : vector<16xi32>
    %ne3A_187 = arith.constant 0 : i32
    %ne3A_188 = vector.broadcast %ne3A_187 : i32 to vector<16xi32>
    %ne3A_189 = arith.cmpi ne, %rem3A_186, %ne3A_188 : vector<16xi32>
    %lt3A_190 = arith.constant 0 : i32
    %lt3A_191 = vector.broadcast %lt3A_190 : i32 to vector<16xi32>
    %lt3A_192 = arith.cmpi slt, %rem3A_186, %lt3A_191 : vector<16xi32>
    %lt3A_193 = arith.constant 0 : i32
    %lt3A_194 = arith.cmpi slt, %select_n3A_184, %lt3A_193 : i32
    %ne3A_195 = vector.broadcast %lt3A_194 : i1 to vector<16xi1>
    %ne3A_196 = vector.broadcast %ne3A_195 : vector<16xi1> to vector<16xi1>
    %ne3A_197 = arith.xori %lt3A_192, %ne3A_196 : vector<16xi1>
    %and3A_198 = arith.andi %ne3A_197, %ne3A_189 : vector<16xi1>
    %add3A_199 = vector.broadcast %select_n3A_184 : i32 to vector<16xi32>
    %add3A_200 = arith.addi %rem3A_186, %add3A_199 : vector<16xi32>
    %select_n3A_201 = arith.select %and3A_198, %add3A_200, %rem3A_186 : vector<16xi1>, vector<16xi32>
    %add3A_202 = arith.constant 48 : i32
    %add3A_203 = vector.broadcast %add3A_202 : i32 to vector<16xi32>
    %add3A_204 = arith.addi %iota3A, %add3A_203 : vector<16xi32>
    %jit3A_205 = arith.constant 8 : i32
    %eq3A_206 = arith.constant 0 : i32
    %eq3A_207 = arith.cmpi eq, %jit3A_205, %eq3A_206 : i32
    %jit3A_208 = arith.constant 1 : i32
    %select_n3A_209 = arith.select %eq3A_207, %jit3A_208, %jit3A_205 : i32
    %rem3A_210 = vector.broadcast %select_n3A_209 : i32 to vector<16xi32>
    %rem3A_211 = arith.remsi %add3A_204, %rem3A_210 : vector<16xi32>
    %ne3A_212 = arith.constant 0 : i32
    %ne3A_213 = vector.broadcast %ne3A_212 : i32 to vector<16xi32>
    %ne3A_214 = arith.cmpi ne, %rem3A_211, %ne3A_213 : vector<16xi32>
    %lt3A_215 = arith.constant 0 : i32
    %lt3A_216 = vector.broadcast %lt3A_215 : i32 to vector<16xi32>
    %lt3A_217 = arith.cmpi slt, %rem3A_211, %lt3A_216 : vector<16xi32>
    %lt3A_218 = arith.constant 0 : i32
    %lt3A_219 = arith.cmpi slt, %select_n3A_209, %lt3A_218 : i32
    %ne3A_220 = vector.broadcast %lt3A_219 : i1 to vector<16xi1>
    %ne3A_221 = vector.broadcast %ne3A_220 : vector<16xi1> to vector<16xi1>
    %ne3A_222 = arith.xori %lt3A_217, %ne3A_221 : vector<16xi1>
    %and3A_223 = arith.andi %ne3A_222, %ne3A_214 : vector<16xi1>
    %add3A_224 = vector.broadcast %select_n3A_209 : i32 to vector<16xi32>
    %add3A_225 = arith.addi %rem3A_211, %add3A_224 : vector<16xi32>
    %select_n3A_226 = arith.select %and3A_223, %add3A_225, %rem3A_211 : vector<16xi1>, vector<16xi32>
    %broadcast_in_dim3A = arith.constant 0 : i32
    %broadcast_in_dim3A_227 = vector.broadcast %broadcast_in_dim3A : i32 to vector<16xi32>
    "tpu.region"() ({
      %run_scoped3A = tpu.sem_alloc : memref<!tpu.dma_semaphore, #tpu.memory_space<semaphore_mem>>
      %dma_start3A_362 = arith.constant 0 : i32
      %dma_start3A_363 = arith.constant 0 : i32
      %dma_start3A_364 = tpu.memref_slice %arg2[%add3A, %dma_start3A_362, %dma_start3A_363] : memref<32x200x128xi32, #tpu.memory_space<hbm>> -> memref<1x200x128xi32, #tpu.memory_space<hbm>>
      %dma_start3A_365 = tpu.memref_squeeze %dma_start3A_364 : memref<1x200x128xi32, #tpu.memory_space<hbm>> -> memref<200x128xi32, #tpu.memory_space<hbm>>
      %dma_start3A_366 = arith.constant 0 : i32
      %dma_start3A_367 = arith.constant 0 : i32
      %dma_start3A_368 = tpu.memref_slice %arg2[%add3A, %dma_start3A_366, %dma_start3A_367] : memref<32x200x128xi32, #tpu.memory_space<hbm>> -> memref<1x200x128xi32, #tpu.memory_space<hbm>>
      %dma_start3A_369 = tpu.memref_squeeze %dma_start3A_368 : memref<1x200x128xi32, #tpu.memory_space<hbm>> -> memref<200x128xi32, #tpu.memory_space<hbm>>
      tpu.enqueue_dma source(%dma_start3A_369 : memref<200x128xi32, #tpu.memory_space<hbm>>) target(%arg5 : memref<200x128xi32, #tpu.memory_space<vmem>>) target_semaphore(%run_scoped3A : memref<!tpu.dma_semaphore, #tpu.memory_space<semaphore_mem>>)
      %dma_wait3A_370 = arith.constant 0 : i32
      %dma_wait3A_371 = arith.constant 0 : i32
      %dma_wait3A_372 = tpu.memref_slice %arg2[%add3A, %dma_wait3A_370, %dma_wait3A_371] : memref<32x200x128xi32, #tpu.memory_space<hbm>> -> memref<1x200x128xi32, #tpu.memory_space<hbm>>
      %dma_wait3A_373 = tpu.memref_squeeze %dma_wait3A_372 : memref<1x200x128xi32, #tpu.memory_space<hbm>> -> memref<200x128xi32, #tpu.memory_space<hbm>>
      %dma_wait3A_374 = arith.constant 0 : i32
      %dma_wait3A_375 = arith.constant 0 : i32
      %dma_wait3A_376 = tpu.memref_slice %arg2[%add3A, %dma_wait3A_374, %dma_wait3A_375] : memref<32x200x128xi32, #tpu.memory_space<hbm>> -> memref<1x200x128xi32, #tpu.memory_space<hbm>>
      %dma_wait3A_377 = tpu.memref_squeeze %dma_wait3A_376 : memref<1x200x128xi32, #tpu.memory_space<hbm>> -> memref<200x128xi32, #tpu.memory_space<hbm>>
      tpu.wait_dma2 semaphore(%run_scoped3A : memref<!tpu.dma_semaphore, #tpu.memory_space<semaphore_mem>>) src(%dma_wait3A_377 : memref<200x128xi32, #tpu.memory_space<hbm>>) dst(%arg5 : memref<200x128xi32, #tpu.memory_space<vmem>>)
      tpu.yield
    }) : () -> ()
    %dma_start3A = arith.constant 0 : i32
    %dma_start3A_228 = arith.constant 0 : i32
    %dma_start3A_229 = tpu.memref_slice %arg5[%dma_start3A, %dma_start3A_228] : memref<200x128xi32, #tpu.memory_space<vmem>> -> memref<1x128xi32, #tpu.memory_space<vmem>>
    %dma_start3A_230 = tpu.memref_squeeze %dma_start3A_229 : memref<1x128xi32, #tpu.memory_space<vmem>> -> memref<128xi32, #tpu.memory_space<vmem>>
    %dma_start3A_231 = arith.constant 0 : i32
    %dma_start3A_232 = arith.constant 0 : i32
    %dma_start3A_233 = tpu.memref_slice %arg3[%dma_start3A_231, %dma_start3A_232] : memref<1000000x64xf32, #tpu.memory_space<hbm>> -> memref<1000000x64xf32, #tpu.memory_space<hbm>>
    tpu.enqueue_indirect_dma source(%dma_start3A_233 : memref<1000000x64xf32, #tpu.memory_space<hbm>>) target(%arg6 : memref<128x64xf32, #tpu.memory_space<vmem>>) offsets(%dma_start3A_230 : memref<128xi32, #tpu.memory_space<vmem>>) semaphore(%arg10 : memref<!tpu.dma_semaphore, #tpu.memory_space<semaphore_mem>>)
    %scan3A = arith.constant 0 : i32
    %scan3A_234 = arith.constant 0 : i32
    %scan3A_235 = arith.constant 100 : i32
    %scan3A_236 = arith.addi %scan3A_234, %scan3A_235 : i32
    %scan3A_237 = arith.constant 1 : i32
    scf.for %scan3A_362 = %scan3A_234 to %scan3A_236 step %scan3A_237  : i32 {
      %mul3A_363 = arith.constant 2 : i32
      %mul3A_364 = arith.muli %scan3A_362, %mul3A_363 : i32
      %add3A_365 = arith.constant 0 : i32
      %add3A_366 = arith.addi %mul3A_364, %add3A_365 : i32
      %dma_wait3A_367 = arith.constant 0 : i32
      %dma_wait3A_368 = tpu.memref_slice %arg5[%add3A_366, %dma_wait3A_367] : memref<200x128xi32, #tpu.memory_space<vmem>> -> memref<1x128xi32, #tpu.memory_space<vmem>>
      %dma_wait3A_369 = tpu.memref_squeeze %dma_wait3A_368 : memref<1x128xi32, #tpu.memory_space<vmem>> -> memref<128xi32, #tpu.memory_space<vmem>>
      %dma_wait3A_370 = arith.constant 0 : i32
      %dma_wait3A_371 = arith.constant 0 : i32
      %dma_wait3A_372 = tpu.memref_slice %arg3[%dma_wait3A_370, %dma_wait3A_371] : memref<1000000x64xf32, #tpu.memory_space<hbm>> -> memref<1000000x64xf32, #tpu.memory_space<hbm>>
      tpu.wait_indirect_dma semaphore(%arg10 : memref<!tpu.dma_semaphore, #tpu.memory_space<semaphore_mem>>) src(%dma_wait3A_372 : memref<1000000x64xf32, #tpu.memory_space<hbm>>) dst(%arg6 : memref<128x64xf32, #tpu.memory_space<vmem>>)
      %lt3A_373 = arith.constant 199 : i32
      %lt3A_374 = arith.cmpi slt, %add3A_366, %lt3A_373 : i32
      %convert_element_type3A = arith.extui %lt3A_374 : i1 to i32
      %cond3A = arith.constant 0 : i32
      %cond3A_375 = arith.cmpi ne, %convert_element_type3A, %cond3A : i32
      scf.if %cond3A_375 {
        %add3A_527 = arith.constant 1 : i32
        %add3A_528 = arith.addi %add3A_366, %add3A_527 : i32
        %dma_start3A_529 = arith.constant 0 : i32
        %dma_start3A_530 = tpu.memref_slice %arg5[%add3A_528, %dma_start3A_529] : memref<200x128xi32, #tpu.memory_space<vmem>> -> memref<1x128xi32, #tpu.memory_space<vmem>>
        %dma_start3A_531 = tpu.memref_squeeze %dma_start3A_530 : memref<1x128xi32, #tpu.memory_space<vmem>> -> memref<128xi32, #tpu.memory_space<vmem>>
        %dma_start3A_532 = arith.constant 0 : i32
        %dma_start3A_533 = arith.constant 0 : i32
        %dma_start3A_534 = tpu.memref_slice %arg3[%dma_start3A_532, %dma_start3A_533] : memref<1000000x64xf32, #tpu.memory_space<hbm>> -> memref<1000000x64xf32, #tpu.memory_space<hbm>>
        tpu.enqueue_indirect_dma source(%dma_start3A_534 : memref<1000000x64xf32, #tpu.memory_space<hbm>>) target(%arg7 : memref<128x64xf32, #tpu.memory_space<vmem>>) offsets(%dma_start3A_531 : memref<128xi32, #tpu.memory_space<vmem>>) semaphore(%arg11 : memref<!tpu.dma_semaphore, #tpu.memory_space<semaphore_mem>>)
      } else {
      }
      %gt3A = arith.constant 0 : i32
      %gt3A_376 = arith.cmpi sgt, %scan3A_362, %gt3A : i32
      %convert_element_type3A_377 = arith.extui %gt3A_376 : i1 to i32
      %cond3A_378 = arith.constant 0 : i32
      %cond3A_379 = arith.cmpi ne, %convert_element_type3A_377, %cond3A_378 : i32
      scf.if %cond3A_379 {
        %mul3A_527 = arith.constant 200 : i32
        %mul3A_528 = arith.muli %add3A, %mul3A_527 : i32
        %add3A_529 = arith.addi %mul3A_528, %add3A_366 : i32
        %jit3A_530 = arith.constant 32 : i32
        %div3A_531 = arith.divsi %add3A_529, %jit3A_530 : i32
        %sign3A_532 = arith.constant 0 : i32
        %sign3A_533 = arith.cmpi sgt, %add3A_529, %sign3A_532 : i32
        %sign3A_534 = arith.extui %sign3A_533 : i1 to i32
        %sign3A_535 = arith.constant 0 : i32
        %sign3A_536 = arith.cmpi slt, %add3A_529, %sign3A_535 : i32
        %sign3A_537 = arith.extui %sign3A_536 : i1 to i32
        %sign3A_538 = arith.subi %sign3A_534, %sign3A_537 : i32
        %sign3A_539 = arith.constant 0 : i32
        %sign3A_540 = arith.cmpi sgt, %jit3A_530, %sign3A_539 : i32
        %sign3A_541 = arith.extui %sign3A_540 : i1 to i32
        %sign3A_542 = arith.constant 0 : i32
        %sign3A_543 = arith.cmpi slt, %jit3A_530, %sign3A_542 : i32
        %sign3A_544 = arith.extui %sign3A_543 : i1 to i32
        %sign3A_545 = arith.subi %sign3A_541, %sign3A_544 : i32
        %ne3A_546 = arith.cmpi ne, %sign3A_538, %sign3A_545 : i32
        %rem3A_547 = arith.remsi %add3A_529, %jit3A_530 : i32
        %ne3A_548 = arith.constant 0 : i32
        %ne3A_549 = arith.cmpi ne, %rem3A_547, %ne3A_548 : i32
        %and3A_550 = arith.andi %ne3A_546, %ne3A_549 : i1
        %sub3A_551 = arith.constant 1 : i32
        %sub3A_552 = arith.subi %div3A_531, %sub3A_551 : i32
        %select_n3A_553 = arith.select %and3A_550, %sub3A_552, %div3A_531 : i32
        %jit3A_554 = arith.constant 32 : i32
        %eq3A_555 = arith.constant 0 : i32
        %eq3A_556 = arith.cmpi eq, %jit3A_554, %eq3A_555 : i32
        %jit3A_557 = arith.constant 1 : i32
        %select_n3A_558 = arith.select %eq3A_556, %jit3A_557, %jit3A_554 : i32
        %rem3A_559 = arith.remsi %add3A_529, %select_n3A_558 : i32
        %ne3A_560 = arith.constant 0 : i32
        %ne3A_561 = arith.cmpi ne, %rem3A_559, %ne3A_560 : i32
        %lt3A_562 = arith.constant 0 : i32
        %lt3A_563 = arith.cmpi slt, %rem3A_559, %lt3A_562 : i32
        %lt3A_564 = arith.constant 0 : i32
        %lt3A_565 = arith.cmpi slt, %select_n3A_558, %lt3A_564 : i32
        %ne3A_566 = arith.xori %lt3A_563, %lt3A_565 : i1
        %and3A_567 = arith.andi %ne3A_566, %ne3A_561 : i1
        %add3A_568 = arith.addi %rem3A_559, %select_n3A_558 : i32
        %select_n3A_569 = arith.select %and3A_567, %add3A_568, %rem3A_559 : i32
        %dma_wait3A_570 = arith.constant 0 : i32
        %dma_wait3A_571 = arith.constant 0 : i32
        %dma_wait3A_572 = arith.constant 0 : i32
        %dma_wait3A_573 = tpu.memref_slice %arg8[%dma_wait3A_570, %dma_wait3A_571, %dma_wait3A_572] : memref<8x8x129xf32, #tpu.memory_space<vmem>> -> memref<8x8x128xf32, #tpu.memory_space<vmem>>
        %dma_wait3A_574 = arith.constant 0 : i32
        %dma_wait3A_575 = arith.constant 0 : i32
        %dma_wait3A_576 = arith.constant 0 : i32
        %dma_wait3A_577 = tpu.memref_slice %arg4[%select_n3A_553, %dma_wait3A_574, %select_n3A_569, %dma_wait3A_575, %dma_wait3A_576] : memref<200x8x32x8x128xf32, #tpu.memory_space<hbm>> -> memref<1x8x1x8x128xf32, #tpu.memory_space<hbm>>
        %dma_wait3A_578 = tpu.memref_squeeze %dma_wait3A_577 : memref<1x8x1x8x128xf32, #tpu.memory_space<hbm>> -> memref<8x8x128xf32, #tpu.memory_space<hbm>>
        %dma_wait3A_579 = arith.constant 0 : i32
        %dma_wait3A_580 = arith.constant 0 : i32
        %dma_wait3A_581 = arith.constant 0 : i32
        %dma_wait3A_582 = tpu.memref_slice %arg4[%select_n3A_553, %dma_wait3A_579, %select_n3A_569, %dma_wait3A_580, %dma_wait3A_581] : memref<200x8x32x8x128xf32, #tpu.memory_space<hbm>> -> memref<1x8x1x8x128xf32, #tpu.memory_space<hbm>>
        %dma_wait3A_583 = tpu.memref_squeeze %dma_wait3A_582 : memref<1x8x1x8x128xf32, #tpu.memory_space<hbm>> -> memref<8x8x128xf32, #tpu.memory_space<hbm>>
        %dma_wait3A_584 = arith.constant 0 : i32
        %dma_wait3A_585 = arith.constant 0 : i32
        %dma_wait3A_586 = arith.constant 0 : i32
        %dma_wait3A_587 = tpu.memref_slice %arg8[%dma_wait3A_584, %dma_wait3A_585, %dma_wait3A_586] : memref<8x8x129xf32, #tpu.memory_space<vmem>> -> memref<8x8x128xf32, #tpu.memory_space<vmem>>
        tpu.wait_dma2 semaphore(%arg12 : memref<!tpu.dma_semaphore, #tpu.memory_space<semaphore_mem>>) src(%dma_wait3A_587 : memref<8x8x128xf32, #tpu.memory_space<vmem>>) dst(%dma_wait3A_583 : memref<8x8x128xf32, #tpu.memory_space<hbm>>)
      } else {
      }
      %parallel_loop3A = arith.constant 0 : i32
      %parallel_loop3A_380 = arith.constant 128 : i32
      %parallel_loop3A_381 = arith.constant 1 : i32
      scf.for %parallel_loop3A_527 = %parallel_loop3A to %parallel_loop3A_380 step %parallel_loop3A_381  : i32 {
        %parallel_loop3A_528 = vector.broadcast %parallel_loop3A_527 : i32 to vector<16xi32>
        %parallel_loop3A_529 = arith.addi %broadcast_in_dim3A_227, %parallel_loop3A_528 : vector<16xi32>
        %parallel_loop3A_530 = arith.index_cast %parallel_loop3A_527 : i32 to index
        %parallel_loop3A_531 = arith.constant 0 : index
        %parallel_loop3A_532 = tpu.vector_load %arg6[%parallel_loop3A_530, %parallel_loop3A_531] {strides = array<i32>} : memref<128x64xf32, #tpu.memory_space<vmem>>, vector<16xf32>,
        %parallel_loop3A_533 = arith.constant 8.000000e+00 : f32
        %parallel_loop3A_534 = vector.broadcast %parallel_loop3A_533 : f32 to vector<16xf32>
        %parallel_loop3A_535 = arith.mulf %parallel_loop3A_532, %parallel_loop3A_534 : vector<16xf32>
        tpu.vector_store_idx %arg8[%select_n3A, %select_n3A_151, %parallel_loop3A_529], %parallel_loop3A_535 : memref<8x8x129xf32, #tpu.memory_space<vmem>>[vector<16xi32>, vector<16xi32>, vector<16xi32>], vector<16xf32>,
        %parallel_loop3A_536 = arith.index_cast %parallel_loop3A_527 : i32 to index
        %parallel_loop3A_537 = arith.constant 16 : index
        %parallel_loop3A_538 = tpu.vector_load %arg6[%parallel_loop3A_536, %parallel_loop3A_537] {strides = array<i32>} : memref<128x64xf32, #tpu.memory_space<vmem>>, vector<16xf32>,
        %parallel_loop3A_539 = arith.constant 8.000000e+00 : f32
        %parallel_loop3A_540 = vector.broadcast %parallel_loop3A_539 : f32 to vector<16xf32>
        %parallel_loop3A_541 = arith.mulf %parallel_loop3A_538, %parallel_loop3A_540 : vector<16xf32>
        tpu.vector_store_idx %arg8[%select_n3A_60, %select_n3A_176, %parallel_loop3A_529], %parallel_loop3A_541 : memref<8x8x129xf32, #tpu.memory_space<vmem>>[vector<16xi32>, vector<16xi32>, vector<16xi32>], vector<16xf32>,
        %parallel_loop3A_542 = arith.index_cast %parallel_loop3A_527 : i32 to index
        %parallel_loop3A_543 = arith.constant 32 : index
        %parallel_loop3A_544 = tpu.vector_load %arg6[%parallel_loop3A_542, %parallel_loop3A_543] {strides = array<i32>} : memref<128x64xf32, #tpu.memory_space<vmem>>, vector<16xf32>,
        %parallel_loop3A_545 = arith.constant 8.000000e+00 : f32
        %parallel_loop3A_546 = vector.broadcast %parallel_loop3A_545 : f32 to vector<16xf32>
        %parallel_loop3A_547 = arith.mulf %parallel_loop3A_544, %parallel_loop3A_546 : vector<16xf32>
        tpu.vector_store_idx %arg8[%select_n3A_94, %select_n3A_201, %parallel_loop3A_529], %parallel_loop3A_547 : memref<8x8x129xf32, #tpu.memory_space<vmem>>[vector<16xi32>, vector<16xi32>, vector<16xi32>], vector<16xf32>,
        %parallel_loop3A_548 = arith.index_cast %parallel_loop3A_527 : i32 to index
        %parallel_loop3A_549 = arith.constant 48 : index
        %parallel_loop3A_550 = tpu.vector_load %arg6[%parallel_loop3A_548, %parallel_loop3A_549] {strides = array<i32>} : memref<128x64xf32, #tpu.memory_space<vmem>>, vector<16xf32>,
        %parallel_loop3A_551 = arith.constant 8.000000e+00 : f32
        %parallel_loop3A_552 = vector.broadcast %parallel_loop3A_551 : f32 to vector<16xf32>
        %parallel_loop3A_553 = arith.mulf %parallel_loop3A_550, %parallel_loop3A_552 : vector<16xf32>
        tpu.vector_store_idx %arg8[%select_n3A_128, %select_n3A_226, %parallel_loop3A_529], %parallel_loop3A_553 : memref<8x8x129xf32, #tpu.memory_space<vmem>>[vector<16xi32>, vector<16xi32>, vector<16xi32>], vector<16xf32>,
      } {sc.loop_unroll_factor = 4 : i64, sc.parallel_access}
      %mul3A_382 = arith.constant 200 : i32
      %mul3A_383 = arith.muli %add3A, %mul3A_382 : i32
      %add3A_384 = arith.addi %mul3A_383, %add3A_366 : i32
      %jit3A_385 = arith.constant 32 : i32
      %div3A_386 = arith.divsi %add3A_384, %jit3A_385 : i32
      %sign3A_387 = arith.constant 0 : i32
      %sign3A_388 = arith.cmpi sgt, %add3A_384, %sign3A_387 : i32
      %sign3A_389 = arith.extui %sign3A_388 : i1 to i32
      %sign3A_390 = arith.constant 0 : i32
      %sign3A_391 = arith.cmpi slt, %add3A_384, %sign3A_390 : i32
      %sign3A_392 = arith.extui %sign3A_391 : i1 to i32
      %sign3A_393 = arith.subi %sign3A_389, %sign3A_392 : i32
      %sign3A_394 = arith.constant 0 : i32
      %sign3A_395 = arith.cmpi sgt, %jit3A_385, %sign3A_394 : i32
      %sign3A_396 = arith.extui %sign3A_395 : i1 to i32
      %sign3A_397 = arith.constant 0 : i32
      %sign3A_398 = arith.cmpi slt, %jit3A_385, %sign3A_397 : i32
      %sign3A_399 = arith.extui %sign3A_398 : i1 to i32
      %sign3A_400 = arith.subi %sign3A_396, %sign3A_399 : i32
      %ne3A_401 = arith.cmpi ne, %sign3A_393, %sign3A_400 : i32
      %rem3A_402 = arith.remsi %add3A_384, %jit3A_385 : i32
      %ne3A_403 = arith.constant 0 : i32
      %ne3A_404 = arith.cmpi ne, %rem3A_402, %ne3A_403 : i32
      %and3A_405 = arith.andi %ne3A_401, %ne3A_404 : i1
      %sub3A_406 = arith.constant 1 : i32
      %sub3A_407 = arith.subi %div3A_386, %sub3A_406 : i32
      %select_n3A_408 = arith.select %and3A_405, %sub3A_407, %div3A_386 : i32
      %jit3A_409 = arith.constant 32 : i32
      %eq3A_410 = arith.constant 0 : i32
      %eq3A_411 = arith.cmpi eq, %jit3A_409, %eq3A_410 : i32
      %jit3A_412 = arith.constant 1 : i32
      %select_n3A_413 = arith.select %eq3A_411, %jit3A_412, %jit3A_409 : i32
      %rem3A_414 = arith.remsi %add3A_384, %select_n3A_413 : i32
      %ne3A_415 = arith.constant 0 : i32
      %ne3A_416 = arith.cmpi ne, %rem3A_414, %ne3A_415 : i32
      %lt3A_417 = arith.constant 0 : i32
      %lt3A_418 = arith.cmpi slt, %rem3A_414, %lt3A_417 : i32
      %lt3A_419 = arith.constant 0 : i32
      %lt3A_420 = arith.cmpi slt, %select_n3A_413, %lt3A_419 : i32
      %ne3A_421 = arith.xori %lt3A_418, %lt3A_420 : i1
      %and3A_422 = arith.andi %ne3A_421, %ne3A_416 : i1
      %add3A_423 = arith.addi %rem3A_414, %select_n3A_413 : i32
      %select_n3A_424 = arith.select %and3A_422, %add3A_423, %rem3A_414 : i32
      %dma_start3A_425 = arith.constant 0 : i32
      %dma_start3A_426 = arith.constant 0 : i32
      %dma_start3A_427 = arith.constant 0 : i32
      %dma_start3A_428 = tpu.memref_slice %arg8[%dma_start3A_425, %dma_start3A_426, %dma_start3A_427] : memref<8x8x129xf32, #tpu.memory_space<vmem>> -> memref<8x8x128xf32, #tpu.memory_space<vmem>>
      %dma_start3A_429 = arith.constant 0 : i32
      %dma_start3A_430 = arith.constant 0 : i32
      %dma_start3A_431 = arith.constant 0 : i32
      %dma_start3A_432 = tpu.memref_slice %arg4[%select_n3A_408, %dma_start3A_429, %select_n3A_424, %dma_start3A_430, %dma_start3A_431] : memref<200x8x32x8x128xf32, #tpu.memory_space<hbm>> -> memref<1x8x1x8x128xf32, #tpu.memory_space<hbm>>
      %dma_start3A_433 = tpu.memref_squeeze %dma_start3A_432 : memref<1x8x1x8x128xf32, #tpu.memory_space<hbm>> -> memref<8x8x128xf32, #tpu.memory_space<hbm>>
      %dma_start3A_434 = arith.constant 0 : i32
      %dma_start3A_435 = arith.constant 0 : i32
      %dma_start3A_436 = arith.constant 0 : i32
      %dma_start3A_437 = tpu.memref_slice %arg4[%select_n3A_408, %dma_start3A_434, %select_n3A_424, %dma_start3A_435, %dma_start3A_436] : memref<200x8x32x8x128xf32, #tpu.memory_space<hbm>> -> memref<1x8x1x8x128xf32, #tpu.memory_space<hbm>>
      %dma_start3A_438 = tpu.memref_squeeze %dma_start3A_437 : memref<1x8x1x8x128xf32, #tpu.memory_space<hbm>> -> memref<8x8x128xf32, #tpu.memory_space<hbm>>
      %dma_start3A_439 = arith.constant 0 : i32
      %dma_start3A_440 = arith.constant 0 : i32
      %dma_start3A_441 = arith.constant 0 : i32
      %dma_start3A_442 = tpu.memref_slice %arg8[%dma_start3A_439, %dma_start3A_440, %dma_start3A_441] : memref<8x8x129xf32, #tpu.memory_space<vmem>> -> memref<8x8x128xf32, #tpu.memory_space<vmem>>
      tpu.enqueue_dma source(%dma_start3A_442 : memref<8x8x128xf32, #tpu.memory_space<vmem>>) target(%dma_start3A_438 : memref<8x8x128xf32, #tpu.memory_space<hbm>>) target_semaphore(%arg12 : memref<!tpu.dma_semaphore, #tpu.memory_space<semaphore_mem>>)
      %mul3A_443 = arith.constant 2 : i32
      %mul3A_444 = arith.muli %scan3A_362, %mul3A_443 : i32
      %add3A_445 = arith.constant 1 : i32
      %add3A_446 = arith.addi %mul3A_444, %add3A_445 : i32
      %dma_wait3A_447 = arith.constant 0 : i32
      %dma_wait3A_448 = tpu.memref_slice %arg5[%add3A_446, %dma_wait3A_447] : memref<200x128xi32, #tpu.memory_space<vmem>> -> memref<1x128xi32, #tpu.memory_space<vmem>>
      %dma_wait3A_449 = tpu.memref_squeeze %dma_wait3A_448 : memref<1x128xi32, #tpu.memory_space<vmem>> -> memref<128xi32, #tpu.memory_space<vmem>>
      %dma_wait3A_450 = arith.constant 0 : i32
      %dma_wait3A_451 = arith.constant 0 : i32
      %dma_wait3A_452 = tpu.memref_slice %arg3[%dma_wait3A_450, %dma_wait3A_451] : memref<1000000x64xf32, #tpu.memory_space<hbm>> -> memref<1000000x64xf32, #tpu.memory_space<hbm>>
      tpu.wait_indirect_dma semaphore(%arg11 : memref<!tpu.dma_semaphore, #tpu.memory_space<semaphore_mem>>) src(%dma_wait3A_452 : memref<1000000x64xf32, #tpu.memory_space<hbm>>) dst(%arg7 : memref<128x64xf32, #tpu.memory_space<vmem>>)
      %lt3A_453 = arith.constant 199 : i32
      %lt3A_454 = arith.cmpi slt, %add3A_446, %lt3A_453 : i32
      %convert_element_type3A_455 = arith.extui %lt3A_454 : i1 to i32
      %cond3A_456 = arith.constant 0 : i32
      %cond3A_457 = arith.cmpi ne, %convert_element_type3A_455, %cond3A_456 : i32
      scf.if %cond3A_457 {
        %add3A_527 = arith.constant 1 : i32
        %add3A_528 = arith.addi %add3A_446, %add3A_527 : i32
        %dma_start3A_529 = arith.constant 0 : i32
        %dma_start3A_530 = tpu.memref_slice %arg5[%add3A_528, %dma_start3A_529] : memref<200x128xi32, #tpu.memory_space<vmem>> -> memref<1x128xi32, #tpu.memory_space<vmem>>
        %dma_start3A_531 = tpu.memref_squeeze %dma_start3A_530 : memref<1x128xi32, #tpu.memory_space<vmem>> -> memref<128xi32, #tpu.memory_space<vmem>>
        %dma_start3A_532 = arith.constant 0 : i32
        %dma_start3A_533 = arith.constant 0 : i32
        %dma_start3A_534 = tpu.memref_slice %arg3[%dma_start3A_532, %dma_start3A_533] : memref<1000000x64xf32, #tpu.memory_space<hbm>> -> memref<1000000x64xf32, #tpu.memory_space<hbm>>
        tpu.enqueue_indirect_dma source(%dma_start3A_534 : memref<1000000x64xf32, #tpu.memory_space<hbm>>) target(%arg6 : memref<128x64xf32, #tpu.memory_space<vmem>>) offsets(%dma_start3A_531 : memref<128xi32, #tpu.memory_space<vmem>>) semaphore(%arg10 : memref<!tpu.dma_semaphore, #tpu.memory_space<semaphore_mem>>)
      } else {
      }
      %gt3A_458 = arith.constant 0 : i32
      %gt3A_459 = arith.cmpi sgt, %scan3A_362, %gt3A_458 : i32
      %convert_element_type3A_460 = arith.extui %gt3A_459 : i1 to i32
      %cond3A_461 = arith.constant 0 : i32
      %cond3A_462 = arith.cmpi ne, %convert_element_type3A_460, %cond3A_461 : i32
      scf.if %cond3A_462 {
        %mul3A_527 = arith.constant 200 : i32
        %mul3A_528 = arith.muli %add3A, %mul3A_527 : i32
        %add3A_529 = arith.addi %mul3A_528, %add3A_446 : i32
        %jit3A_530 = arith.constant 32 : i32
        %div3A_531 = arith.divsi %add3A_529, %jit3A_530 : i32
        %sign3A_532 = arith.constant 0 : i32
        %sign3A_533 = arith.cmpi sgt, %add3A_529, %sign3A_532 : i32
        %sign3A_534 = arith.extui %sign3A_533 : i1 to i32
        %sign3A_535 = arith.constant 0 : i32
        %sign3A_536 = arith.cmpi slt, %add3A_529, %sign3A_535 : i32
        %sign3A_537 = arith.extui %sign3A_536 : i1 to i32
        %sign3A_538 = arith.subi %sign3A_534, %sign3A_537 : i32
        %sign3A_539 = arith.constant 0 : i32
        %sign3A_540 = arith.cmpi sgt, %jit3A_530, %sign3A_539 : i32
        %sign3A_541 = arith.extui %sign3A_540 : i1 to i32
        %sign3A_542 = arith.constant 0 : i32
        %sign3A_543 = arith.cmpi slt, %jit3A_530, %sign3A_542 : i32
        %sign3A_544 = arith.extui %sign3A_543 : i1 to i32
        %sign3A_545 = arith.subi %sign3A_541, %sign3A_544 : i32
        %ne3A_546 = arith.cmpi ne, %sign3A_538, %sign3A_545 : i32
        %rem3A_547 = arith.remsi %add3A_529, %jit3A_530 : i32
        %ne3A_548 = arith.constant 0 : i32
        %ne3A_549 = arith.cmpi ne, %rem3A_547, %ne3A_548 : i32
        %and3A_550 = arith.andi %ne3A_546, %ne3A_549 : i1
        %sub3A_551 = arith.constant 1 : i32
        %sub3A_552 = arith.subi %div3A_531, %sub3A_551 : i32
        %select_n3A_553 = arith.select %and3A_550, %sub3A_552, %div3A_531 : i32
        %jit3A_554 = arith.constant 32 : i32
        %eq3A_555 = arith.constant 0 : i32
        %eq3A_556 = arith.cmpi eq, %jit3A_554, %eq3A_555 : i32
        %jit3A_557 = arith.constant 1 : i32
        %select_n3A_558 = arith.select %eq3A_556, %jit3A_557, %jit3A_554 : i32
        %rem3A_559 = arith.remsi %add3A_529, %select_n3A_558 : i32
        %ne3A_560 = arith.constant 0 : i32
        %ne3A_561 = arith.cmpi ne, %rem3A_559, %ne3A_560 : i32
        %lt3A_562 = arith.constant 0 : i32
        %lt3A_563 = arith.cmpi slt, %rem3A_559, %lt3A_562 : i32
        %lt3A_564 = arith.constant 0 : i32
        %lt3A_565 = arith.cmpi slt, %select_n3A_558, %lt3A_564 : i32
        %ne3A_566 = arith.xori %lt3A_563, %lt3A_565 : i1
        %and3A_567 = arith.andi %ne3A_566, %ne3A_561 : i1
        %add3A_568 = arith.addi %rem3A_559, %select_n3A_558 : i32
        %select_n3A_569 = arith.select %and3A_567, %add3A_568, %rem3A_559 : i32
        %dma_wait3A_570 = arith.constant 0 : i32
        %dma_wait3A_571 = arith.constant 0 : i32
        %dma_wait3A_572 = arith.constant 0 : i32
        %dma_wait3A_573 = tpu.memref_slice %arg9[%dma_wait3A_570, %dma_wait3A_571, %dma_wait3A_572] : memref<8x8x129xf32, #tpu.memory_space<vmem>> -> memref<8x8x128xf32, #tpu.memory_space<vmem>>
        %dma_wait3A_574 = arith.constant 0 : i32
        %dma_wait3A_575 = arith.constant 0 : i32
        %dma_wait3A_576 = arith.constant 0 : i32
        %dma_wait3A_577 = tpu.memref_slice %arg4[%select_n3A_553, %dma_wait3A_574, %select_n3A_569, %dma_wait3A_575, %dma_wait3A_576] : memref<200x8x32x8x128xf32, #tpu.memory_space<hbm>> -> memref<1x8x1x8x128xf32, #tpu.memory_space<hbm>>
        %dma_wait3A_578 = tpu.memref_squeeze %dma_wait3A_577 : memref<1x8x1x8x128xf32, #tpu.memory_space<hbm>> -> memref<8x8x128xf32, #tpu.memory_space<hbm>>
        %dma_wait3A_579 = arith.constant 0 : i32
        %dma_wait3A_580 = arith.constant 0 : i32
        %dma_wait3A_581 = arith.constant 0 : i32
        %dma_wait3A_582 = tpu.memref_slice %arg4[%select_n3A_553, %dma_wait3A_579, %select_n3A_569, %dma_wait3A_580, %dma_wait3A_581] : memref<200x8x32x8x128xf32, #tpu.memory_space<hbm>> -> memref<1x8x1x8x128xf32, #tpu.memory_space<hbm>>
        %dma_wait3A_583 = tpu.memref_squeeze %dma_wait3A_582 : memref<1x8x1x8x128xf32, #tpu.memory_space<hbm>> -> memref<8x8x128xf32, #tpu.memory_space<hbm>>
        %dma_wait3A_584 = arith.constant 0 : i32
        %dma_wait3A_585 = arith.constant 0 : i32
        %dma_wait3A_586 = arith.constant 0 : i32
        %dma_wait3A_587 = tpu.memref_slice %arg9[%dma_wait3A_584, %dma_wait3A_585, %dma_wait3A_586] : memref<8x8x129xf32, #tpu.memory_space<vmem>> -> memref<8x8x128xf32, #tpu.memory_space<vmem>>
        tpu.wait_dma2 semaphore(%arg13 : memref<!tpu.dma_semaphore, #tpu.memory_space<semaphore_mem>>) src(%dma_wait3A_587 : memref<8x8x128xf32, #tpu.memory_space<vmem>>) dst(%dma_wait3A_583 : memref<8x8x128xf32, #tpu.memory_space<hbm>>)
      } else {
      }
      %parallel_loop3A_463 = arith.constant 0 : i32
      %parallel_loop3A_464 = arith.constant 128 : i32
      %parallel_loop3A_465 = arith.constant 1 : i32
      scf.for %parallel_loop3A_527 = %parallel_loop3A_463 to %parallel_loop3A_464 step %parallel_loop3A_465  : i32 {
        %parallel_loop3A_528 = vector.broadcast %parallel_loop3A_527 : i32 to vector<16xi32>
        %parallel_loop3A_529 = arith.addi %broadcast_in_dim3A_227, %parallel_loop3A_528 : vector<16xi32>
        %parallel_loop3A_530 = arith.index_cast %parallel_loop3A_527 : i32 to index
        %parallel_loop3A_531 = arith.constant 0 : index
        %parallel_loop3A_532 = tpu.vector_load %arg7[%parallel_loop3A_530, %parallel_loop3A_531] {strides = array<i32>} : memref<128x64xf32, #tpu.memory_space<vmem>>, vector<16xf32>,
        %parallel_loop3A_533 = arith.constant 8.000000e+00 : f32
        %parallel_loop3A_534 = vector.broadcast %parallel_loop3A_533 : f32 to vector<16xf32>
        %parallel_loop3A_535 = arith.mulf %parallel_loop3A_532, %parallel_loop3A_534 : vector<16xf32>
        tpu.vector_store_idx %arg9[%select_n3A, %select_n3A_151, %parallel_loop3A_529], %parallel_loop3A_535 : memref<8x8x129xf32, #tpu.memory_space<vmem>>[vector<16xi32>, vector<16xi32>, vector<16xi32>], vector<16xf32>,
        %parallel_loop3A_536 = arith.index_cast %parallel_loop3A_527 : i32 to index
        %parallel_loop3A_537 = arith.constant 16 : index
        %parallel_loop3A_538 = tpu.vector_load %arg7[%parallel_loop3A_536, %parallel_loop3A_537] {strides = array<i32>} : memref<128x64xf32, #tpu.memory_space<vmem>>, vector<16xf32>,
        %parallel_loop3A_539 = arith.constant 8.000000e+00 : f32
        %parallel_loop3A_540 = vector.broadcast %parallel_loop3A_539 : f32 to vector<16xf32>
        %parallel_loop3A_541 = arith.mulf %parallel_loop3A_538, %parallel_loop3A_540 : vector<16xf32>
        tpu.vector_store_idx %arg9[%select_n3A_60, %select_n3A_176, %parallel_loop3A_529], %parallel_loop3A_541 : memref<8x8x129xf32, #tpu.memory_space<vmem>>[vector<16xi32>, vector<16xi32>, vector<16xi32>], vector<16xf32>,
        %parallel_loop3A_542 = arith.index_cast %parallel_loop3A_527 : i32 to index
        %parallel_loop3A_543 = arith.constant 32 : index
        %parallel_loop3A_544 = tpu.vector_load %arg7[%parallel_loop3A_542, %parallel_loop3A_543] {strides = array<i32>} : memref<128x64xf32, #tpu.memory_space<vmem>>, vector<16xf32>,
        %parallel_loop3A_545 = arith.constant 8.000000e+00 : f32
        %parallel_loop3A_546 = vector.broadcast %parallel_loop3A_545 : f32 to vector<16xf32>
        %parallel_loop3A_547 = arith.mulf %parallel_loop3A_544, %parallel_loop3A_546 : vector<16xf32>
        tpu.vector_store_idx %arg9[%select_n3A_94, %select_n3A_201, %parallel_loop3A_529], %parallel_loop3A_547 : memref<8x8x129xf32, #tpu.memory_space<vmem>>[vector<16xi32>, vector<16xi32>, vector<16xi32>], vector<16xf32>,
        %parallel_loop3A_548 = arith.index_cast %parallel_loop3A_527 : i32 to index
        %parallel_loop3A_549 = arith.constant 48 : index
        %parallel_loop3A_550 = tpu.vector_load %arg7[%parallel_loop3A_548, %parallel_loop3A_549] {strides = array<i32>} : memref<128x64xf32, #tpu.memory_space<vmem>>, vector<16xf32>,
        %parallel_loop3A_551 = arith.constant 8.000000e+00 : f32
        %parallel_loop3A_552 = vector.broadcast %parallel_loop3A_551 : f32 to vector<16xf32>
        %parallel_loop3A_553 = arith.mulf %parallel_loop3A_550, %parallel_loop3A_552 : vector<16xf32>
        tpu.vector_store_idx %arg9[%select_n3A_128, %select_n3A_226, %parallel_loop3A_529], %parallel_loop3A_553 : memref<8x8x129xf32, #tpu.memory_space<vmem>>[vector<16xi32>, vector<16xi32>, vector<16xi32>], vector<16xf32>,
      } {sc.loop_unroll_factor = 4 : i64, sc.parallel_access}
      %mul3A_466 = arith.constant 200 : i32
      %mul3A_467 = arith.muli %add3A, %mul3A_466 : i32
      %add3A_468 = arith.addi %mul3A_467, %add3A_446 : i32
      %jit3A_469 = arith.constant 32 : i32
      %div3A_470 = arith.divsi %add3A_468, %jit3A_469 : i32
      %sign3A_471 = arith.constant 0 : i32
      %sign3A_472 = arith.cmpi sgt, %add3A_468, %sign3A_471 : i32
      %sign3A_473 = arith.extui %sign3A_472 : i1 to i32
      %sign3A_474 = arith.constant 0 : i32
      %sign3A_475 = arith.cmpi slt, %add3A_468, %sign3A_474 : i32
      %sign3A_476 = arith.extui %sign3A_475 : i1 to i32
      %sign3A_477 = arith.subi %sign3A_473, %sign3A_476 : i32
      %sign3A_478 = arith.constant 0 : i32
      %sign3A_479 = arith.cmpi sgt, %jit3A_469, %sign3A_478 : i32
      %sign3A_480 = arith.extui %sign3A_479 : i1 to i32
      %sign3A_481 = arith.constant 0 : i32
      %sign3A_482 = arith.cmpi slt, %jit3A_469, %sign3A_481 : i32
      %sign3A_483 = arith.extui %sign3A_482 : i1 to i32
      %sign3A_484 = arith.subi %sign3A_480, %sign3A_483 : i32
      %ne3A_485 = arith.cmpi ne, %sign3A_477, %sign3A_484 : i32
      %rem3A_486 = arith.remsi %add3A_468, %jit3A_469 : i32
      %ne3A_487 = arith.constant 0 : i32
      %ne3A_488 = arith.cmpi ne, %rem3A_486, %ne3A_487 : i32
      %and3A_489 = arith.andi %ne3A_485, %ne3A_488 : i1
      %sub3A_490 = arith.constant 1 : i32
      %sub3A_491 = arith.subi %div3A_470, %sub3A_490 : i32
      %select_n3A_492 = arith.select %and3A_489, %sub3A_491, %div3A_470 : i32
      %jit3A_493 = arith.constant 32 : i32
      %eq3A_494 = arith.constant 0 : i32
      %eq3A_495 = arith.cmpi eq, %jit3A_493, %eq3A_494 : i32
      %jit3A_496 = arith.constant 1 : i32
      %select_n3A_497 = arith.select %eq3A_495, %jit3A_496, %jit3A_493 : i32
      %rem3A_498 = arith.remsi %add3A_468, %select_n3A_497 : i32
      %ne3A_499 = arith.constant 0 : i32
      %ne3A_500 = arith.cmpi ne, %rem3A_498, %ne3A_499 : i32
      %lt3A_501 = arith.constant 0 : i32
      %lt3A_502 = arith.cmpi slt, %rem3A_498, %lt3A_501 : i32
      %lt3A_503 = arith.constant 0 : i32
      %lt3A_504 = arith.cmpi slt, %select_n3A_497, %lt3A_503 : i32
      %ne3A_505 = arith.xori %lt3A_502, %lt3A_504 : i1
      %and3A_506 = arith.andi %ne3A_505, %ne3A_500 : i1
      %add3A_507 = arith.addi %rem3A_498, %select_n3A_497 : i32
      %select_n3A_508 = arith.select %and3A_506, %add3A_507, %rem3A_498 : i32
      %dma_start3A_509 = arith.constant 0 : i32
      %dma_start3A_510 = arith.constant 0 : i32
      %dma_start3A_511 = arith.constant 0 : i32
      %dma_start3A_512 = tpu.memref_slice %arg9[%dma_start3A_509, %dma_start3A_510, %dma_start3A_511] : memref<8x8x129xf32, #tpu.memory_space<vmem>> -> memref<8x8x128xf32, #tpu.memory_space<vmem>>
      %dma_start3A_513 = arith.constant 0 : i32
      %dma_start3A_514 = arith.constant 0 : i32
      %dma_start3A_515 = arith.constant 0 : i32
      %dma_start3A_516 = tpu.memref_slice %arg4[%select_n3A_492, %dma_start3A_513, %select_n3A_508, %dma_start3A_514, %dma_start3A_515] : memref<200x8x32x8x128xf32, #tpu.memory_space<hbm>> -> memref<1x8x1x8x128xf32, #tpu.memory_space<hbm>>
      %dma_start3A_517 = tpu.memref_squeeze %dma_start3A_516 : memref<1x8x1x8x128xf32, #tpu.memory_space<hbm>> -> memref<8x8x128xf32, #tpu.memory_space<hbm>>
      %dma_start3A_518 = arith.constant 0 : i32
      %dma_start3A_519 = arith.constant 0 : i32
      %dma_start3A_520 = arith.constant 0 : i32
      %dma_start3A_521 = tpu.memref_slice %arg4[%select_n3A_492, %dma_start3A_518, %select_n3A_508, %dma_start3A_519, %dma_start3A_520] : memref<200x8x32x8x128xf32, #tpu.memory_space<hbm>> -> memref<1x8x1x8x128xf32, #tpu.memory_space<hbm>>
      %dma_start3A_522 = tpu.memref_squeeze %dma_start3A_521 : memref<1x8x1x8x128xf32, #tpu.memory_space<hbm>> -> memref<8x8x128xf32, #tpu.memory_space<hbm>>
      %dma_start3A_523 = arith.constant 0 : i32
      %dma_start3A_524 = arith.constant 0 : i32
      %dma_start3A_525 = arith.constant 0 : i32
      %dma_start3A_526 = tpu.memref_slice %arg9[%dma_start3A_523, %dma_start3A_524, %dma_start3A_525] : memref<8x8x129xf32, #tpu.memory_space<vmem>> -> memref<8x8x128xf32, #tpu.memory_space<vmem>>
      tpu.enqueue_dma source(%dma_start3A_526 : memref<8x8x128xf32, #tpu.memory_space<vmem>>) target(%dma_start3A_522 : memref<8x8x128xf32, #tpu.memory_space<hbm>>) target_semaphore(%arg13 : memref<!tpu.dma_semaphore, #tpu.memory_space<semaphore_mem>>)
    }
    %scan3A_238 = arith.constant 100 : i32
    %mul3A_239 = arith.constant 200 : i32
    %mul3A_240 = arith.muli %add3A, %mul3A_239 : i32
    %add3A_241 = arith.constant 198 : i32
    %add3A_242 = arith.addi %mul3A_240, %add3A_241 : i32
    %jit3A_243 = arith.constant 32 : i32
    %div3A_244 = arith.divsi %add3A_242, %jit3A_243 : i32
    %sign3A_245 = arith.constant 0 : i32
    %sign3A_246 = arith.cmpi sgt, %add3A_242, %sign3A_245 : i32
    %sign3A_247 = arith.extui %sign3A_246 : i1 to i32
    %sign3A_248 = arith.constant 0 : i32
    %sign3A_249 = arith.cmpi slt, %add3A_242, %sign3A_248 : i32
    %sign3A_250 = arith.extui %sign3A_249 : i1 to i32
    %sign3A_251 = arith.subi %sign3A_247, %sign3A_250 : i32
    %sign3A_252 = arith.constant 0 : i32
    %sign3A_253 = arith.cmpi sgt, %jit3A_243, %sign3A_252 : i32
    %sign3A_254 = arith.extui %sign3A_253 : i1 to i32
    %sign3A_255 = arith.constant 0 : i32
    %sign3A_256 = arith.cmpi slt, %jit3A_243, %sign3A_255 : i32
    %sign3A_257 = arith.extui %sign3A_256 : i1 to i32
    %sign3A_258 = arith.subi %sign3A_254, %sign3A_257 : i32
    %ne3A_259 = arith.cmpi ne, %sign3A_251, %sign3A_258 : i32
    %rem3A_260 = arith.remsi %add3A_242, %jit3A_243 : i32
    %ne3A_261 = arith.constant 0 : i32
    %ne3A_262 = arith.cmpi ne, %rem3A_260, %ne3A_261 : i32
    %and3A_263 = arith.andi %ne3A_259, %ne3A_262 : i1
    %sub3A_264 = arith.constant 1 : i32
    %sub3A_265 = arith.subi %div3A_244, %sub3A_264 : i32
    %select_n3A_266 = arith.select %and3A_263, %sub3A_265, %div3A_244 : i32
    %jit3A_267 = arith.constant 32 : i32
    %eq3A_268 = arith.constant 0 : i32
    %eq3A_269 = arith.cmpi eq, %jit3A_267, %eq3A_268 : i32
    %jit3A_270 = arith.constant 1 : i32
    %select_n3A_271 = arith.select %eq3A_269, %jit3A_270, %jit3A_267 : i32
    %rem3A_272 = arith.remsi %add3A_242, %select_n3A_271 : i32
    %ne3A_273 = arith.constant 0 : i32
    %ne3A_274 = arith.cmpi ne, %rem3A_272, %ne3A_273 : i32
    %lt3A_275 = arith.constant 0 : i32
    %lt3A_276 = arith.cmpi slt, %rem3A_272, %lt3A_275 : i32
    %lt3A_277 = arith.constant 0 : i32
    %lt3A_278 = arith.cmpi slt, %select_n3A_271, %lt3A_277 : i32
    %ne3A_279 = arith.xori %lt3A_276, %lt3A_278 : i1
    %and3A_280 = arith.andi %ne3A_279, %ne3A_274 : i1
    %add3A_281 = arith.addi %rem3A_272, %select_n3A_271 : i32
    %select_n3A_282 = arith.select %and3A_280, %add3A_281, %rem3A_272 : i32
    %dma_wait3A = arith.constant 0 : i32
    %dma_wait3A_283 = arith.constant 0 : i32
    %dma_wait3A_284 = arith.constant 0 : i32
    %dma_wait3A_285 = tpu.memref_slice %arg8[%dma_wait3A, %dma_wait3A_283, %dma_wait3A_284] : memref<8x8x129xf32, #tpu.memory_space<vmem>> -> memref<8x8x128xf32, #tpu.memory_space<vmem>>
    %dma_wait3A_286 = arith.constant 0 : i32
    %dma_wait3A_287 = arith.constant 0 : i32
    %dma_wait3A_288 = arith.constant 0 : i32
    %dma_wait3A_289 = tpu.memref_slice %arg4[%select_n3A_266, %dma_wait3A_286, %select_n3A_282, %dma_wait3A_287, %dma_wait3A_288] : memref<200x8x32x8x128xf32, #tpu.memory_space<hbm>> -> memref<1x8x1x8x128xf32, #tpu.memory_space<hbm>>
    %dma_wait3A_290 = tpu.memref_squeeze %dma_wait3A_289 : memref<1x8x1x8x128xf32, #tpu.memory_space<hbm>> -> memref<8x8x128xf32, #tpu.memory_space<hbm>>
    %dma_wait3A_291 = arith.constant 0 : i32
    %dma_wait3A_292 = arith.constant 0 : i32
    %dma_wait3A_293 = arith.constant 0 : i32
    %dma_wait3A_294 = tpu.memref_slice %arg4[%select_n3A_266, %dma_wait3A_291, %select_n3A_282, %dma_wait3A_292, %dma_wait3A_293] : memref<200x8x32x8x128xf32, #tpu.memory_space<hbm>> -> memref<1x8x1x8x128xf32, #tpu.memory_space<hbm>>
    %dma_wait3A_295 = tpu.memref_squeeze %dma_wait3A_294 : memref<1x8x1x8x128xf32, #tpu.memory_space<hbm>> -> memref<8x8x128xf32, #tpu.memory_space<hbm>>
    %dma_wait3A_296 = arith.constant 0 : i32
    %dma_wait3A_297 = arith.constant 0 : i32
    %dma_wait3A_298 = arith.constant 0 : i32
    %dma_wait3A_299 = tpu.memref_slice %arg8[%dma_wait3A_296, %dma_wait3A_297, %dma_wait3A_298] : memref<8x8x129xf32, #tpu.memory_space<vmem>> -> memref<8x8x128xf32, #tpu.memory_space<vmem>>
    tpu.wait_dma2 semaphore(%arg12 : memref<!tpu.dma_semaphore, #tpu.memory_space<semaphore_mem>>) src(%dma_wait3A_299 : memref<8x8x128xf32, #tpu.memory_space<vmem>>) dst(%dma_wait3A_295 : memref<8x8x128xf32, #tpu.memory_space<hbm>>)
    %mul3A_300 = arith.constant 200 : i32
    %mul3A_301 = arith.muli %add3A, %mul3A_300 : i32
    %add3A_302 = arith.constant 199 : i32
    %add3A_303 = arith.addi %mul3A_301, %add3A_302 : i32
    %jit3A_304 = arith.constant 32 : i32
    %div3A_305 = arith.divsi %add3A_303, %jit3A_304 : i32
    %sign3A_306 = arith.constant 0 : i32
    %sign3A_307 = arith.cmpi sgt, %add3A_303, %sign3A_306 : i32
    %sign3A_308 = arith.extui %sign3A_307 : i1 to i32
    %sign3A_309 = arith.constant 0 : i32
    %sign3A_310 = arith.cmpi slt, %add3A_303, %sign3A_309 : i32
    %sign3A_311 = arith.extui %sign3A_310 : i1 to i32
    %sign3A_312 = arith.subi %sign3A_308, %sign3A_311 : i32
    %sign3A_313 = arith.constant 0 : i32
    %sign3A_314 = arith.cmpi sgt, %jit3A_304, %sign3A_313 : i32
    %sign3A_315 = arith.extui %sign3A_314 : i1 to i32
    %sign3A_316 = arith.constant 0 : i32
    %sign3A_317 = arith.cmpi slt, %jit3A_304, %sign3A_316 : i32
    %sign3A_318 = arith.extui %sign3A_317 : i1 to i32
    %sign3A_319 = arith.subi %sign3A_315, %sign3A_318 : i32
    %ne3A_320 = arith.cmpi ne, %sign3A_312, %sign3A_319 : i32
    %rem3A_321 = arith.remsi %add3A_303, %jit3A_304 : i32
    %ne3A_322 = arith.constant 0 : i32
    %ne3A_323 = arith.cmpi ne, %rem3A_321, %ne3A_322 : i32
    %and3A_324 = arith.andi %ne3A_320, %ne3A_323 : i1
    %sub3A_325 = arith.constant 1 : i32
    %sub3A_326 = arith.subi %div3A_305, %sub3A_325 : i32
    %select_n3A_327 = arith.select %and3A_324, %sub3A_326, %div3A_305 : i32
    %jit3A_328 = arith.constant 32 : i32
    %eq3A_329 = arith.constant 0 : i32
    %eq3A_330 = arith.cmpi eq, %jit3A_328, %eq3A_329 : i32
    %jit3A_331 = arith.constant 1 : i32
    %select_n3A_332 = arith.select %eq3A_330, %jit3A_331, %jit3A_328 : i32
    %rem3A_333 = arith.remsi %add3A_303, %select_n3A_332 : i32
    %ne3A_334 = arith.constant 0 : i32
    %ne3A_335 = arith.cmpi ne, %rem3A_333, %ne3A_334 : i32
    %lt3A_336 = arith.constant 0 : i32
    %lt3A_337 = arith.cmpi slt, %rem3A_333, %lt3A_336 : i32
    %lt3A_338 = arith.constant 0 : i32
    %lt3A_339 = arith.cmpi slt, %select_n3A_332, %lt3A_338 : i32
    %ne3A_340 = arith.xori %lt3A_337, %lt3A_339 : i1
    %and3A_341 = arith.andi %ne3A_340, %ne3A_335 : i1
    %add3A_342 = arith.addi %rem3A_333, %select_n3A_332 : i32
    %select_n3A_343 = arith.select %and3A_341, %add3A_342, %rem3A_333 : i32
    %dma_wait3A_344 = arith.constant 0 : i32
    %dma_wait3A_345 = arith.constant 0 : i32
    %dma_wait3A_346 = arith.constant 0 : i32
    %dma_wait3A_347 = tpu.memref_slice %arg9[%dma_wait3A_344, %dma_wait3A_345, %dma_wait3A_346] : memref<8x8x129xf32, #tpu.memory_space<vmem>> -> memref<8x8x128xf32, #tpu.memory_space<vmem>>
    %dma_wait3A_348 = arith.constant 0 : i32
    %dma_wait3A_349 = arith.constant 0 : i32
    %dma_wait3A_350 = arith.constant 0 : i32
    %dma_wait3A_351 = tpu.memref_slice %arg4[%select_n3A_327, %dma_wait3A_348, %select_n3A_343, %dma_wait3A_349, %dma_wait3A_350] : memref<200x8x32x8x128xf32, #tpu.memory_space<hbm>> -> memref<1x8x1x8x128xf32, #tpu.memory_space<hbm>>
    %dma_wait3A_352 = tpu.memref_squeeze %dma_wait3A_351 : memref<1x8x1x8x128xf32, #tpu.memory_space<hbm>> -> memref<8x8x128xf32, #tpu.memory_space<hbm>>
    %dma_wait3A_353 = arith.constant 0 : i32
    %dma_wait3A_354 = arith.constant 0 : i32
    %dma_wait3A_355 = arith.constant 0 : i32
    %dma_wait3A_356 = tpu.memref_slice %arg4[%select_n3A_327, %dma_wait3A_353, %select_n3A_343, %dma_wait3A_354, %dma_wait3A_355] : memref<200x8x32x8x128xf32, #tpu.memory_space<hbm>> -> memref<1x8x1x8x128xf32, #tpu.memory_space<hbm>>
    %dma_wait3A_357 = tpu.memref_squeeze %dma_wait3A_356 : memref<1x8x1x8x128xf32, #tpu.memory_space<hbm>> -> memref<8x8x128xf32, #tpu.memory_space<hbm>>
    %dma_wait3A_358 = arith.constant 0 : i32
    %dma_wait3A_359 = arith.constant 0 : i32
    %dma_wait3A_360 = arith.constant 0 : i32
    %dma_wait3A_361 = tpu.memref_slice %arg9[%dma_wait3A_358, %dma_wait3A_359, %dma_wait3A_360] : memref<8x8x129xf32, #tpu.memory_space<vmem>> -> memref<8x8x128xf32, #tpu.memory_space<vmem>>
    tpu.wait_dma2 semaphore(%arg13 : memref<!tpu.dma_semaphore, #tpu.memory_space<semaphore_mem>>) src(%dma_wait3A_361 : memref<8x8x128xf32, #tpu.memory_space<vmem>>) dst(%dma_wait3A_357 : memref<8x8x128xf32, #tpu.memory_space<hbm>>)
    return
  }
}

</mosaic_0001>

<sc_bundles>
// kernel: kernel.4.cloned.1.call-start
scs
__scs_entry_jumppad:
0x0: {  	(pc) =	sbr.rel $0x88, $3  }
0x1: {  	(tag) =	ssettag $0x0;
	lr =	simm.s32 $0x1  }
0x2: {  	[smem:$0x3F9F] =	sst lr;
	_ =	strace $0xD0000000  }
0x3: {  	_ = 	snop  }
0x4: {  	_ = 	snop  }
0x5: {  	_ = 	snop  }
0x6: {  	_ = 	snop  }
0x7: {  	_ = 	snop  }
__scs_overlays_trampoline_lowered:
0x8: {  	[smem:$0x3FAE] =	sst s0  }
0x9: {  	[smem:$0x3FAF] =	sst s1  }
0xa: {  	[smem:$0x3FB0] =	sst s2  }
0xb: {  	[smem:$0x3FB1] =	sst s3  }
0xc: {  	[smem:$0x3FB2] =	sst s4  }
0xd: {  	[smem:$0x3FB3] =	sst s5  }
0xe: {  	[smem:$0x3FB4] =	sst s6  }
0xf: {  	[smem:$0x3FB5] =	sst s7  }
0x10: {  	[smem:$0x3FB6] =	sst s8  }
0x11: {  	[smem:$0x3FB7] =	sst s9;
	s0 =	simm.s32 @!p0 $0x0  }
0x12: {  	s1 =	sld [smem:$0x3F9D];
	s0 =	simm.s32 @p0 $0x1  }
0x13: {  	[smem:$0x3FB8] =	sst s0;
	s0 =	simm.s32 @!p1 $0x0  }
0x14: {  	s2 =	sld [smem:$0x3F9C];
	s0 =	simm.s32 @p1 $0x1  }
0x15: {  	[smem:$0x3FB9] =	sst s0;
	s0 =	simm.s32 @!p2 $0x0  }
0x16: {  	s3 =	sld [smem:$0x3FDB];
	s0 =	simm.s32 @p2 $0x1  }
0x17: {  	s4 =	simm.s32 $0x1BF5;
	[smem:$0x3FBB] =	sst s0  }
0x18: {  	s0 =	sld [smem:$0x3F9E];
	_ =	swait.ge [sflag:s4], $0x0  }
0x19: {  	s7 =	sld [smem:$0x3F9F]  }
0x1a: {  	s8 =	sadd.s32 $0xFFFFE003, lr  }
0x1b: {  	s9 =	sadd.s32 $0xFFFFFEF7, lr;
	s5 =	simm.s32 $0xFFFFFFFF;
	p2 =	slt.u32 s8, $0xFFFFF086  }
0x1c: {  	p1 =	slt.u32 s9, $0xF7A;
	s5 =	simm.s32 @!p2 $0x0  }
0x1d: {  	s5 =	simm.s32 @p1 $0x1;
	p0 =	seq.s32 s7, s2  }
0x1e: {  	s7 =	smul.u32 @!p0 $0xF7A, s2;
	p2 =	seq.s32 @!p0 s5, $0x0  }
0x1f: {  	s9 =	smul.u32 $0xF7A, s1;
	s8 =	simm.s32 @!p0 $0x1BF5;
	p2 =	por !p2, p0  }
0x20: {  	[sflag:s8] =	ssyncset.s32 @!p0 $0xFFFFF086;
	s6 =	sadd.s32 @!p0 s3, s7;
	s7 =	simm.s32 @!p0 $0x108  }
0x21: {  	s3 =	sadd.s32 s3, s9;
	s6 =	sadd.s32 @!p0 $0x88, s6;
	s7 =	simm.s32 @p2 $0x1082  }
0x22: {  	[simem:s7], [sflag:s8] =	dma.local @!p0 [hbm:s6], $0xF7A  }
0x23: {  	s9 =	sor.u32 $0xD0000000, s2;
	s6 =	simm.s32 $0x108;
	_ =	swait.ge @!p0 [sflag:s8], $0x0  }
0x24: {  	s3 =	sadd.s32 $0x88, s3;
	s6 =	simm.s32 @!p1 $0x1082;
	[sflag:s4] =	ssyncset.s32 $0xFFFFF086  }
0x25: {  	[simem:s6], [sflag:s4] =	dma.local [hbm:s3], $0xF7A  }
0x26: {  	[smem:$0x3F9F] =	sst s1;
	(tag) =	ssettag s2;
	_ =	strace s9  }
0x27: {  	s1 =	sld [smem:$0x3FAF]  }
0x28: {  	s2 =	sld [smem:$0x3FB0]  }
0x29: {  	s4 =	sld [smem:$0x3FB2]  }
0x2a: {  	p0 =	seq.s32 s5, $0x0;
	s5 =	sld [smem:$0x3FB3]  }
0x2b: {  	s6 =	sld [smem:$0x3FB4]  }
0x2c: {  	s7 =	sld [smem:$0x3FB5]  }
0x2d: {  	s3 =	simm.s32 $0x108;
	s8 =	sld [smem:$0x3FB6]  }
0x2e: {  	s3 =	simm.s32 @!p0 $0x1082;
	s9 =	sld [smem:$0x3FB7]  }
0x2f: {  	lr =	sadd.s32 s0, s3;
	s0 =	sld [smem:$0x3FAE]  }
0x30: {  	s3 =	sld [smem:$0x3FB1]  }
0x31: {  	[smem:$0x3FBA] =	sst s10  }
0x32: {  	s10 =	sld [smem:$0x3FB8];
	_ =	sdelay $0x3  }
0x33: {  	p0 =	seq.s32 s10, $0x1;
	s10 =	sld [smem:$0x3FBA];
	_ =	sdelay $0x3  }
0x34: {  	[smem:$0x3FBA] =	sst s10  }
0x35: {  	s10 =	sld [smem:$0x3FB9];
	_ =	sdelay $0x3  }
0x36: {  	p1 =	seq.s32 s10, $0x1;
	s10 =	sld [smem:$0x3FBA];
	_ =	sdelay $0x3  }
0x37: {  	[smem:$0x3FBA] =	sst s10  }
0x38: {  	s10 =	sld [smem:$0x3FBB]  }
0x39: {  	_ = 	snop;
	(pc) =	sbr.ind lr, $3  }
0x3a: {  	_ = 	snop  }
0x3b: {  	_ = 	snop  }
0x3c: {  	p2 =	seq.s32 s10, $0x1;
	s10 =	sld [smem:$0x3FBA]  }
0x3d: {  	_ =	shalt  }
0x3e: {  	_ =	shalt  }
0x3f: {  	_ =	shalt  }
0x40: {  	_ =	shalt  }
0x41: {  	_ =	shalt  }
0x42: {  	_ =	shalt  }
0x43: {  	_ =	shalt  }
0x44: {  	_ =	shalt  }
0x45: {  	_ =	shalt  }
0x46: {  	_ =	shalt  }
0x47: {  	_ =	shalt  }
0x48: {  	_ =	shalt  }
0x49: {  	_ =	shalt  }
0x4a: {  	_ =	shalt  }
0x4b: {  	_ =	shalt  }
0x4c: {  	_ =	shalt  }
0x4d: {  	_ =	shalt  }
0x4e: {  	_ =	shalt  }
0x4f: {  	_ =	shalt  }
0x50: {  	_ =	shalt  }
0x51: {  	_ =	shalt  }
0x52: {  	_ =	shalt  }
0x53: {  	_ =	shalt  }
0x54: {  	_ =	shalt  }
0x55: {  	_ =	shalt  }
0x56: {  	_ =	shalt  }
0x57: {  	_ =	shalt  }
0x58: {  	_ =	shalt  }
0x59: {  	_ =	shalt  }
0x5a: {  	_ =	shalt  }
0x5b: {  	_ =	shalt  }
0x5c: {  	_ =	shalt  }
0x5d: {  	_ =	shalt  }
0x5e: {  	_ =	shalt  }
0x5f: {  	_ =	shalt  }
0x60: {  	_ =	shalt  }
0x61: {  	_ =	shalt  }
0x62: {  	_ =	shalt  }
0x63: {  	_ =	shalt  }
0x64: {  	_ =	shalt  }
0x65: {  	_ =	shalt  }
0x66: {  	_ =	shalt  }
0x67: {  	_ =	shalt  }
0x68: {  	_ =	shalt  }
0x69: {  	_ =	shalt  }
0x6a: {  	_ =	shalt  }
0x6b: {  	_ =	shalt  }
0x6c: {  	_ =	shalt  }
0x6d: {  	_ =	shalt  }
0x6e: {  	_ =	shalt  }
0x6f: {  	_ =	shalt  }
0x70: {  	_ =	shalt  }
0x71: {  	_ =	shalt  }
0x72: {  	_ =	shalt  }
0x73: {  	_ =	shalt  }
0x74: {  	_ =	shalt  }
0x75: {  	_ =	shalt  }
0x76: {  	_ =	shalt  }
0x77: {  	_ =	shalt  }
0x78: {  	_ =	shalt  }
0x79: {  	_ =	shalt  }
0x7a: {  	_ =	shalt  }
0x7b: {  	_ =	shalt  }
0x7c: {  	_ =	shalt  }
0x7d: {  	_ =	shalt  }
0x7e: {  	_ =	shalt  }
0x7f: {  	_ =	shalt  }
0x80: {  	_ =	shalt  }
0x81: {  	_ =	shalt  }
0x82: {  	_ =	shalt  }
0x83: {  	_ =	shalt  }
0x84: {  	_ =	shalt  }
0x85: {  	_ =	shalt  }
0x86: {  	_ =	shalt  }
0x87: {  	_ =	shalt  }
.Lfunc_end0:
.L_simem_size_0:
called_computation_lowered:
.L_overlay_start_0:
0x88: {  	s2 =	sld [smem:$0x3FD9]  }
0x89: {  	s3 =	sld [smem:$0x3FFE];
	_ =	sdelay $0x1  }
0x8a: {  	s1 =	srdreg.scid  }
0x8b: {  	s0 =	sand.u32 $0x1, s1  }
0x8c: {  	s17 =	sshll.u32 s0, $0xA;
	s2 =	sadd.s32 s3, s2  }
0x8d: {  	s2 =	sadd.s32 s2, s17  }
0x8e: {  	[smem:$0x3FC6] =	sst s2  }
0x8f: {  	_ = 	snop  }
0x90: {  	s2 =	sld [smem:$0x3FC8];
	(tm) =	ssettm $0x1  }
0x91: {  	s18 =	sld [smem:$0x3FFB];
	_ =	sdelay $0x3  }
0x92: {  	_ =	strace s18  }
0x93: {  	s3 =	sld [smem:$0x3FFC];
	_ =	sdelay $0x3  }
0x94: {  	_ =	strace s3  }
0x95: {  	s3 =	sld [smem:$0x3FFD];
	_ =	sdelay $0x3  }
0x96: {  	_ =	strace s3  }
0x97: {  	_ =	strace $0x8FFFFFFF  }
0x98: {  	s19 =	sld [smem:$0x3FDB];
	_ =	sdelay $0x1  }
0x99: {  	s4 =	simm.s32 $_scs_section_size  }
0x9a: {  	s5 =	simm.s32 $_size__tile_overlayer_lowered;
	s6 =	simm.s32 $_tile_overlayer_lowered  }
0x9b: {  	s22 =	simm.s32 $0x1BFF;
	s21 =	sshll.u32 s6, $0x1;
	s3 =	sadd.s32 s4, s19  }
0x9c: {  	s7 =	simm.s32 $0x0;
	s20 =	sshll.u32 s5, $0x1;
	s5 =	sadd.s32 s21, s3  }
0x9d: {  	[timem:s7], [sflag:s22] =	dma.local [hbm:s5], s20  }
0x9e: {  	_ =	swait.ge [sflag:s22], s20  }
0x9f: {  	s4 =	ssub.s32 $0x0, s20;
	[sflag:s22] =	ssyncset.done $0x0  }
0xa0: {  	[sflag:s22] =	ssyncadd.s32 s4;
	_ =	sdelay $0x1  }
0xa1: {  	s23 =	simm.s32 $0x1B8B  }
0xa2: {  	_ =	swait.ge [sflag:s23], $0x1  }
0xa3: {  	[sflag:s23] =	ssyncset.done $0x0  }
0xa4: {  	s25 =	simm.s32 $0x1B8E;
	s24 =	sld [smem:$0x3FFE];
	[sflag:s23] =	ssyncadd.s32 $0xFFFFFFFF  }
0xa5: {  	s26 =	simm.s32 $execute0_lowered;
	[smem:$0x3FD2] =	sst s25  }
0xa6: {  	s5 =	sshll.u32 s26, $0x1;
	_ =	strace $0x80000046;
	[dreg:$0x1] =	wrdreg $0xFFFFFFFF  }
0xa7: {  	s28 =	simm.s32 $_size_execute0_lowered;
	s3 =	sadd.s32 s3, s5;
	[dreg:$0x0] =	wrdreg $0x0  }
0xa8: {  	s5 =	sshll.u32 s28, $0x1;
	[dreg:$0x2] =	wrdreg s3  }
0xa9: {  	[dreg:$0x3] =	wrdreg s5  }
0xaa: {  	[dreg:$0x4] =	wrdreg $0xC0  }
0xab: {  	_ =	task [dreg:s7], $0x5FFFF  }
0xac: {  	[dreg:$0x1] =	wrdreg $0xFFFFFFFF  }
0xad: {  	[dreg:$0x0] =	wrdreg $0x60  }
0xae: {  	[dreg:$0x2] =	wrdreg s2  }
0xaf: {  	[dreg:$0x3] =	wrdreg s24  }
0xb0: {  	[dreg:$0x4] =	wrdreg $0x9  }
0xb1: {  	_ =	task.clear_ibuf [dreg:s7], $0x5FFFF;
	_ =	strace $0x90000046  }
0xb2: {  	s29 =	simm.s32 $0x9;
	_ =	strace $0x80000048  }
0xb3: {  	_ =	swait.ge [sflag:s29], $0x1  }
0xb4: {  	[sflag:s29] =	ssyncadd.s32 $0xFFFFFFFF  }
0xb5: {  	_ =	strace $0x90000048  }
0xb6: {  	_ =	sfence  }
0xb7: {  	s30 =	sld [smem:$0x0];
	_ =	sdelay $0x2  }
0xb8: {  	s31 =	sshll.u32 s1, $0xD;
	s1 =	sshrl.u32 s1, $0x2  }
0xb9: {  	s3 =	sand.u32 $0x4000, s31;
	s1 =	sadd.s32 s1, s30  }
0xba: {  	s0 =	sor.u32 s3, s0;
	s1 =	sshll.u32 s1, $0x11  }
0xbb: {  	s0 =	sor.u32 s1, s0  }
0xbc: {  	s0 =	sadd.s32 $0x8F2B, s0  }
0xbd: {  	[sflag:s0] =	ssyncadd.remote.s32 $0x1  }
0xbe: {  	_ =	sfence.sel $0xFFFF  }
0xbf: {  	[dreg:$0x0] =	wrdreg $0xFFFFFFFF;
	(pc) =	sbr.abs _section_cstart, $3  }
0xc0: {  	[dreg:$0x1] =	wrdreg $0xFFFFFFFF  }
0xc1: {  	_ =	task.clear_ibuf [dreg:s7], $0x2FFFF;
	_ =	strace $0x9FFFFFFF  }
0xc2: {  	(tm) =	ssettm $0x7FFFFFFF  }
0xc3: {  	_ =	shalt  }
tec
execute0_lowered:
.L_overlay_start_1:
0x0: {  	(tag) =	ssettag $0x1  }
0x1: {  	s2 =	rddreg [dreg:$0x0]  }
0x2: {  	s0 =	rddreg [dreg:$0x1]  }
0x3: {  	s4 =	simm.s32 $0x0;
	s1 =	srdreg.scid;
	s3 =	stileid.u32  }
0x4: {  	s16 =	simm.s32 $0x8000;
	s18 =	simm.s32 $0x2;
	[smem:$0x7FF] =	sst s4  }
0x5: {  	s1 =	sand.u32 $0x1, s1;
	s23 =	sshll.u32 s3, $0x1;
	s24 =	sadd.s32 $0xA00, s0  }
0x6: {  	s30 =	sadd.s32 $0xF4200, s2;
	s0 =	sadd.s32 $0x7A1A00, s0;
	p0 =	sne.s32 s3, $0x0  }
0x7: {  	_ =	strace $0x80000047;
	s5 =	ssub.s32 $0x2, s1;
	[dreg:$0x8] =	wrdreg s30  }
0x8: {  	s8 =	sor.u32 s1, s23;
	s1 =	sor.u32 $0xF40, s1;
	[dreg:$0x9] =	wrdreg s0  }
0x9: {  	s6 =	sshrl.u32 s5, $0x1;
	s7 =	sshll.u32 s8, $0x8;
	s26 =	sor.u32 $0x40, s8  }
0xa: {  	s28 =	sshll.u32 s8, $0xB;
	s29 =	sshll.u32 s1, $0x8;
	[dreg:$0x3] =	wrdreg s8  }
.Ltmp0:
0xb: {  	s25 =	sadd.s32 s2, s7;
	[dreg:$0x5] =	wrdreg s26;
	(pc) =	sbr.rel .LBB2_1-.Ltmp0, $4  }
0xc: {  	v0 =	vlaneseq.u32;
	s1 =	sshll.u32 s1, $0xB;
	s7 =	sadd.s32 s2, s29;
	[dreg:$0x4] =	wrdreg s25  }
0xd: {  	v0 =	vmul.u32 $0x101, v0;
	s5 =	ssub.s32 s5, s6;
	s1 =	sadd.s32 s24, s1;
	[dreg:$0x6] =	wrdreg s7  }
0xe: {  	p1 =	sne.s32 s8, $0x2;
	[dreg:$0x7] =	wrdreg s1;
	s31 =	smax.u32 s5, $0x1  }
0xf: {  	v1 =	vadd.s32 $0x1010, v0;
	v2 =	vadd.s32 $0x2020, v0;
	v3 =	vadd.s32 $0x3030, v0;
	s6 =	sadd.s32 s24, s28;
	s1 =	simm.s32 $0x0;
	[dreg:$0xa] =	wrdreg s31  }
.LBB2_23:
0x10: {  	s1 =	sadd.s32 $0x1, s1;
	s0 =	rddreg [dreg:$0xa]  }
0x11: {  	p2 =	sne.s32 s1, s0  }
.Ltmp1:
0x12: {  	_ = 	snop;
	(pc) =	sbr.rel @!p2 .LBB2_24-.Ltmp1, $1  }
0x13: {  	_ =	sdelay $0x3  }
.LBB2_1:
0x14: {  	[dreg:$0xb] =	wrdreg s1  }
0x15: {  	s0 =	simm.s32 $0x0;
	s30 =	rddreg [dreg:$0x4]  }
0x16: {  	s2 =	simm.s32 $0x800;
	s3 =	simm.s32 $0x7A1400;
	s31 =	simm.s32 $0x0  }
0x17: {  	[tilespmem:s0], [sflag:$0x1] =	stream.strided.gather [hbm4b:s30+s2], $0x4000, s3, s2, $0x38;
	[tilespmem:$0x14080] =	vst v63  }
.LBB2_2:
0x18: {  	s3 =	simm.s32 $0x1  }
0x19: {  	s0 =	sshll.u32 s31, $0x6;
	s1 =	rddreg [dreg:$0x3];
	_ =	swait.ge [sflag:s3], $0x4000  }
0x1a: {  	s1 =	sor.u32 s1, s0;
	[sflag:s3] =	ssyncset.done $0x0  }
0x1b: {  	s12 =	simm.s32 $0x800;
	s1 =	sshll.u32 s1, $0x8;
	s2 =	rddreg [dreg:$0x0]  }
0x1c: {  	s13 =	simm.s32 $0x7A1400;
	s4 =	simm.s32 $0x4000;
	s1 =	sadd.s32 s1, s2  }
0x1d: {  	p2 =	seq.s32 s31, $0x0;
	[sflag:s3] =	ssyncadd.s32 $0xFFFFC000;
	s1 =	sadd.s32 $0x2000, s1  }
0x1e: {  	[tilespmem:s4], [sflag:$0x2] =	stream.strided.gather [hbm4b:s1+s12], $0x4000, s13, s12, $0x38;
	[tilespmem:$0x14080] =	vst v63  }
0x1f: {  	s24 =	simm.s32 $0x0;
	s1 =	simm.s32 @!p2 $0x3  }
0x20: {  	s14 =	simm.s32 $0x100;
	s17 =	simm.s32 $0x0;
	_ =	swait.ge @!p2 [sflag:s1], $0x4000  }
0x21: {  	s15 =	sand.u32 $0x3800, s24;
	s3 =	sand.u32 $0x300, s14;
	[sflag:s1] =	ssyncset.done @!p2 $0x0  }
0x22: {  	s5 =	sor.u32 s3, s15;
	[sflag:s1] =	ssyncadd.s32 @!p2 $0xFFFFC000;
	s1 =	sand.u32 $0x200, s17  }
0x23: {  	s19 =	simm.s32 $0x80;
	v4 =	vld [tilespmem:s5+$0x0];
	s1 =	sor.u32 s1, s15  }
0x24: {  	s3 =	sand.u32 $0x280, s19;
	v5 =	vld [tilespmem:s1+$0x0]  }
0x25: {  	s20 =	simm.s32 $0x180;
	s26 =	sor.u32 s3, s15  }
0x26: {  	s3 =	sand.u32 $0x380, s20;
	v6 =	vld [tilespmem:s26+$0x0]  }
0x27: {  	s25 =	simm.s32 $0x202;
	s28 =	sor.u32 s3, s15  }
0x28: {  	v7 =	vld [tilespmem:s28+$0x0];
	[tilespmem:s25+$0x8000] =	vst v4  }
0x29: {  	v4 =	vld [tilespmem:s5+$0x10];
	[tilespmem:s25+$0x7DFE] =	vst v5  }
0x2a: {  	v5 =	vld [tilespmem:s1+$0x10]  }
0x2b: {  	[tilespmem:s25+$0x7EFF] =	vst v6  }
0x2c: {  	v6 =	vld [tilespmem:s26+$0x10]  }
0x2d: {  	[tilespmem:s25+$0x8101] =	vst v7  }
0x2e: {  	v7 =	vld [tilespmem:s28+$0x10];
	[tilespmem:s25+$0x8010] =	vst v4  }
0x2f: {  	v4 =	vld [tilespmem:s5+$0x20];
	[tilespmem:s25+$0x7E0E] =	vst v5  }
0x30: {  	v5 =	vld [tilespmem:s1+$0x20]  }
0x31: {  	[tilespmem:s25+$0x7F0F] =	vst v6  }
0x32: {  	v6 =	vld [tilespmem:s26+$0x20]  }
0x33: {  	[tilespmem:s25+$0x8111] =	vst v7  }
0x34: {  	v7 =	vld [tilespmem:s28+$0x20];
	[tilespmem:s25+$0x8020] =	vst v4  }
0x35: {  	v4 =	vld [tilespmem:s5+$0x30];
	[tilespmem:s25+$0x7E1E] =	vst v5  }
0x36: {  	v5 =	vld [tilespmem:s1+$0x30]  }
0x37: {  	[tilespmem:s25+$0x7F1F] =	vst v6  }
0x38: {  	v6 =	vld [tilespmem:s26+$0x30]  }
0x39: {  	[tilespmem:s25+$0x8121] =	vst v7  }
0x3a: {  	v7 =	vld [tilespmem:s28+$0x30];
	[tilespmem:s25+$0x8030] =	vst v4  }
0x3b: {  	v4 =	vld [tilespmem:s5+$0x40];
	[tilespmem:s25+$0x7E2E] =	vst v5  }
0x3c: {  	v5 =	vld [tilespmem:s1+$0x40]  }
0x3d: {  	[tilespmem:s25+$0x7F2F] =	vst v6  }
0x3e: {  	v6 =	vld [tilespmem:s26+$0x40]  }
0x3f: {  	[tilespmem:s25+$0x8131] =	vst v7  }
0x40: {  	v7 =	vld [tilespmem:s28+$0x40];
	[tilespmem:s25+$0x8040] =	vst v4  }
0x41: {  	v4 =	vld [tilespmem:s5+$0x50];
	[tilespmem:s25+$0x7E3E] =	vst v5  }
0x42: {  	v5 =	vld [tilespmem:s1+$0x50]  }
0x43: {  	[tilespmem:s25+$0x7F3F] =	vst v6  }
0x44: {  	v6 =	vld [tilespmem:s26+$0x50]  }
0x45: {  	[tilespmem:s25+$0x8141] =	vst v7  }
0x46: {  	v7 =	vld [tilespmem:s28+$0x50];
	[tilespmem:s25+$0x8050] =	vst v4  }
0x47: {  	v4 =	vld [tilespmem:s5+$0x60];
	[tilespmem:s25+$0x7E4E] =	vst v5  }
0x48: {  	v5 =	vld [tilespmem:s1+$0x60]  }
0x49: {  	[tilespmem:s25+$0x7F4F] =	vst v6  }
0x4a: {  	v6 =	vld [tilespmem:s26+$0x60]  }
0x4b: {  	[tilespmem:s25+$0x8151] =	vst v7  }
0x4c: {  	v7 =	vld [tilespmem:s28+$0x60];
	[tilespmem:s25+$0x8060] =	vst v4  }
0x4d: {  	v4 =	vld [tilespmem:s5+$0x70];
	[tilespmem:s25+$0x7E5E] =	vst v5  }
0x4e: {  	v5 =	vld [tilespmem:s1+$0x70]  }
0x4f: {  	[tilespmem:s25+$0x7F5F] =	vst v6  }
0x50: {  	v6 =	vld [tilespmem:s26+$0x70]  }
0x51: {  	[tilespmem:s25+$0x8161] =	vst v7  }
0x52: {  	v7 =	vld [tilespmem:s28+$0x70];
	[tilespmem:s25+$0x8070] =	vst v4  }
0x53: {  	v4 =	vld [tilespmem:s5+$0x400];
	[tilespmem:s25+$0x7E6E] =	vst v5  }
0x54: {  	s21 =	simm.s32 $0x808;
	v5 =	vld [tilespmem:s1+$0x400]  }
0x55: {  	s22 =	simm.s32 $0x0;
	s3 =	sand.u32 $0xFFFFFE00, s21;
	[tilespmem:s25+$0x7F6F] =	vst v6  }
0x56: {  	s4 =	sand.u32 $0xFFFFFE00, s22;
	s3 =	sadd.s32 $0x208, s3;
	v6 =	vld [tilespmem:s26+$0x400]  }
0x57: {  	s23 =	simm.s32 $0x404;
	s4 =	sadd.s32 $0x200, s4;
	s3 =	sshra.s32 s3, $0x2;
	[tilespmem:s25+$0x8171] =	vst v7  }
0x58: {  	s4 =	sshra.s32 s4, $0x2;
	v7 =	vld [tilespmem:s28+$0x400];
	[tilespmem:s3+$0x8000] =	vst v4;
	s3 =	sand.u32 $0xFFFFFE00, s23  }
0x59: {  	s2 =	simm.s32 $0xC0C;
	v4 =	vld [tilespmem:s5+$0x410];
	s3 =	sadd.s32 $0x204, s3;
	[tilespmem:s4+$0x8000] =	vst v5  }
0x5a: {  	s4 =	sand.u32 $0xFFFFFE00, s2;
	s3 =	sshra.s32 s3, $0x2;
	v5 =	vld [tilespmem:s1+$0x410]  }
0x5b: {  	s7 =	sadd.s32 $0x20C, s4;
	[tilespmem:s3+$0x8000] =	vst v6  }
0x5c: {  	s3 =	sshra.s32 s7, $0x2;
	v6 =	vld [tilespmem:s26+$0x410]  }
0x5d: {  	[tilespmem:s3+$0x8000] =	vst v7  }
0x5e: {  	s8 =	simm.s32 $0x300;
	s11 =	simm.s32 $0x400;
	s10 =	simm.s32 $0x200;
	v7 =	vld [tilespmem:s28+$0x410];
	[tilespmem:s25+$0x8090] =	vst v4  }
0x5f: {  	s9 =	sand.u32 $0x3800, s11;
	s7 =	simm.s32 $0x280;
	s3 =	sand.u32 $0x300, s8;
	v4 =	vld [tilespmem:s5+$0x420];
	[tilespmem:s25+$0x7E8E] =	vst v5  }
0x60: {  	s8 =	simm.s32 $0x380;
	s7 =	sand.u32 $0x280, s7;
	s29 =	sor.u32 s3, s9;
	v5 =	vld [tilespmem:s1+$0x420]  }
0x61: {  	s3 =	sand.u32 $0x200, s10;
	s12 =	sand.u32 $0x380, s8;
	s8 =	sor.u32 s7, s9;
	[tilespmem:s25+$0x7F8F] =	vst v6;
	v6 =	vld [tilespmem:s29+$0x0]  }
0x62: {  	s10 =	sor.u32 s3, s9;
	v9 =	vld [tilespmem:s8+$0x0]  }
0x63: {  	[tilespmem:s25+$0x8191] =	vst v7;
	v7 =	vld [tilespmem:s10+$0x0]  }
0x64: {  	v8 =	vld [tilespmem:s26+$0x420];
	[tilespmem:s25+$0x80A0] =	vst v4  }
0x65: {  	s7 =	simm.s32 $0x606;
	s4 =	sor.u32 s12, s9;
	v4 =	vld [tilespmem:s5+$0x430];
	[tilespmem:s25+$0x7E9E] =	vst v5  }
0x66: {  	v5 =	vld [tilespmem:s4+$0x0];
	[tilespmem:s7+$0x8000] =	vst v6  }
0x67: {  	[tilespmem:s7+$0x7EFF] =	vst v9;
	v6 =	vld [tilespmem:s29+$0x10]  }
0x68: {  	v9 =	vld [tilespmem:s8+$0x10];
	[tilespmem:s7+$0x7DFE] =	vst v7  }
0x69: {  	[tilespmem:s25+$0x7F9F] =	vst v8;
	v8 =	vld [tilespmem:s10+$0x10]  }
0x6a: {  	[tilespmem:s25+$0x80B0] =	vst v4;
	v4 =	vld [tilespmem:s28+$0x420]  }
0x6b: {  	[tilespmem:s7+$0x8101] =	vst v5;
	v7 =	vld [tilespmem:s5+$0x440]  }
0x6c: {  	v5 =	vld [tilespmem:s4+$0x10];
	[tilespmem:s7+$0x8010] =	vst v6  }
0x6d: {  	[tilespmem:s7+$0x7F0F] =	vst v9;
	v6 =	vld [tilespmem:s29+$0x20]  }
0x6e: {  	v9 =	vld [tilespmem:s8+$0x20];
	[tilespmem:s7+$0x7E0E] =	vst v8  }
0x6f: {  	v8 =	vld [tilespmem:s10+$0x20];
	[tilespmem:s25+$0x81A1] =	vst v4  }
0x70: {  	v4 =	vld [tilespmem:s1+$0x430];
	[tilespmem:s25+$0x80C0] =	vst v7  }
0x71: {  	[tilespmem:s7+$0x8111] =	vst v5;
	v7 =	vld [tilespmem:s5+$0x450]  }
0x72: {  	v5 =	vld [tilespmem:s4+$0x20];
	[tilespmem:s7+$0x8020] =	vst v6  }
0x73: {  	[tilespmem:s7+$0x7F1F] =	vst v9;
	v6 =	vld [tilespmem:s29+$0x30]  }
0x74: {  	v9 =	vld [tilespmem:s8+$0x30];
	[tilespmem:s7+$0x7E1E] =	vst v8  }
0x75: {  	[tilespmem:s25+$0x7EAE] =	vst v4;
	v4 =	vld [tilespmem:s26+$0x430]  }
0x76: {  	v8 =	vld [tilespmem:s10+$0x30];
	[tilespmem:s25+$0x80D0] =	vst v7  }
0x77: {  	[tilespmem:s7+$0x8121] =	vst v5;
	v7 =	vld [tilespmem:s5+$0x460]  }
0x78: {  	v5 =	vld [tilespmem:s4+$0x30];
	[tilespmem:s7+$0x8030] =	vst v6  }
0x79: {  	[tilespmem:s7+$0x7F2F] =	vst v9;
	v6 =	vld [tilespmem:s29+$0x40]  }
0x7a: {  	v9 =	vld [tilespmem:s8+$0x40];
	[tilespmem:s25+$0x7FAF] =	vst v4  }
0x7b: {  	v4 =	vld [tilespmem:s28+$0x430];
	[tilespmem:s7+$0x7E2E] =	vst v8  }
0x7c: {  	v8 =	vld [tilespmem:s10+$0x40];
	[tilespmem:s25+$0x80E0] =	vst v7  }
0x7d: {  	[tilespmem:s7+$0x8131] =	vst v5;
	v7 =	vld [tilespmem:s5+$0x470]  }
0x7e: {  	v5 =	vld [tilespmem:s4+$0x40];
	[tilespmem:s7+$0x8040] =	vst v6  }
0x7f: {  	[tilespmem:s7+$0x7F3F] =	vst v9;
	v6 =	vld [tilespmem:s29+$0x50]  }
0x80: {  	v9 =	vld [tilespmem:s8+$0x50];
	[tilespmem:s25+$0x81B1] =	vst v4  }
0x81: {  	v4 =	vld [tilespmem:s1+$0x440];
	[tilespmem:s7+$0x7E3E] =	vst v8  }
0x82: {  	v8 =	vld [tilespmem:s10+$0x50];
	[tilespmem:s25+$0x80F0] =	vst v7  }
0x83: {  	v7 =	vld [tilespmem:s26+$0x440];
	[tilespmem:s7+$0x8141] =	vst v5  }
0x84: {  	v5 =	vld [tilespmem:s4+$0x50];
	[tilespmem:s7+$0x8050] =	vst v6  }
0x85: {  	[tilespmem:s7+$0x7F4F] =	vst v9;
	v6 =	vld [tilespmem:s29+$0x60]  }
0x86: {  	v9 =	vld [tilespmem:s8+$0x60];
	[tilespmem:s25+$0x7EBE] =	vst v4  }
0x87: {  	v4 =	vld [tilespmem:s28+$0x440];
	[tilespmem:s7+$0x7E4E] =	vst v8  }
0x88: {  	v8 =	vld [tilespmem:s10+$0x60];
	[tilespmem:s25+$0x7FBF] =	vst v7  }
0x89: {  	v7 =	vld [tilespmem:s1+$0x450];
	[tilespmem:s7+$0x8151] =	vst v5  }
0x8a: {  	v5 =	vld [tilespmem:s4+$0x60];
	[tilespmem:s7+$0x8060] =	vst v6  }
0x8b: {  	[tilespmem:s7+$0x7F5F] =	vst v9;
	v6 =	vld [tilespmem:s29+$0x70]  }
0x8c: {  	[tilespmem:s25+$0x81C1] =	vst v4;
	v4 =	vld [tilespmem:s26+$0x450]  }
0x8d: {  	v9 =	vld [tilespmem:s8+$0x70];
	[tilespmem:s7+$0x7E5E] =	vst v8  }
0x8e: {  	[tilespmem:s25+$0x7ECE] =	vst v7;
	v8 =	vld [tilespmem:s10+$0x70]  }
0x8f: {  	v7 =	vld [tilespmem:s28+$0x450];
	[tilespmem:s7+$0x8161] =	vst v5  }
0x90: {  	v5 =	vld [tilespmem:s4+$0x70];
	[tilespmem:s7+$0x8070] =	vst v6  }
0x91: {  	[tilespmem:s25+$0x7FCF] =	vst v4;
	v6 =	vld [tilespmem:s29+$0x400]  }
0x92: {  	s13 =	simm.s32 $0x1818;
	v4 =	vld [tilespmem:s1+$0x460];
	[tilespmem:s7+$0x7F6F] =	vst v9  }
0x93: {  	s3 =	sand.u32 $0xFFFFFE00, s13;
	v9 =	vld [tilespmem:s8+$0x400];
	[tilespmem:s7+$0x7E6E] =	vst v8  }
0x94: {  	s9 =	simm.s32 $0x1414;
	s3 =	sadd.s32 $0x218, s3;
	[tilespmem:s25+$0x81D1] =	vst v7;
	v8 =	vld [tilespmem:s10+$0x400]  }
0x95: {  	s14 =	simm.s32 $0x1010;
	s9 =	sand.u32 $0xFFFFFE00, s9;
	s3 =	sshra.s32 s3, $0x2;
	v7 =	vld [tilespmem:s26+$0x460];
	[tilespmem:s7+$0x8171] =	vst v5  }
0x96: {  	s9 =	sadd.s32 $0x214, s9;
	s5 =	sand.u32 $0xFFFFFE00, s14;
	[tilespmem:s3+$0x8000] =	vst v6;
	v6 =	vld [tilespmem:s4+$0x400]  }
0x97: {  	s15 =	simm.s32 $0x1C1C;
	s17 =	sshra.s32 s9, $0x2;
	s5 =	sadd.s32 $0x210, s5;
	[tilespmem:s25+$0x7EDE] =	vst v4;
	v10 =	vld [tilespmem:s29+$0x410]  }
0x98: {  	s5 =	sshra.s32 s5, $0x2;
	v11 =	vld [tilespmem:s28+$0x460];
	[tilespmem:s17+$0x8000] =	vst v9;
	s3 =	sand.u32 $0xFFFFFE00, s15  }
0x99: {  	s30 =	simm.s32 $0x21C;
	v4 =	vld [tilespmem:s1+$0x470];
	s3 =	sadd.s32 $0x21C, s3;
	[tilespmem:s5+$0x8000] =	vst v8  }
0x9a: {  	s20 =	simm.s32 $0x4;
	s21 =	simm.s32 $0x1818;
	[tilespmem:s25+$0x7FDF] =	vst v7;
	v5 =	vld [tilespmem:s10+$0x410];
	s19 =	sshra.s32 s3, $0x2  }
0x9b: {  	s22 =	simm.s32 $0x606;
	s23 =	sshll.u32 s31, $0x1;
	s13 =	simm.s32 $0x505;
	v7 =	vld [tilespmem:s8+$0x410];
	[tilespmem:s19+$0x8000] =	vst v6  }
0x9c: {  	s12 =	simm.s32 $0x214;
	s9 =	simm.s32 $0x707;
	s17 =	simm.s32 $0x404;
	[tilespmem:s7+$0x8090] =	vst v10;
	v8 =	vld [tilespmem:s4+$0x410]  }
0x9d: {  	s1 =	simm.s32 $0x580;
	s15 =	simm.s32 $0x218;
	[tilespmem:s25+$0x81E1] =	vst v11;
	s19 =	simm.s32 $0x210;
	v6 =	vld [tilespmem:s29+$0x420]  }
.LBB2_3:
0x9e: {  	s3 =	sadd.s32 $0xFFFFFF80, s1;
	s20 =	sadd.s32 $0x4, s20;
	s11 =	sadd.s32 $0x400, s11;
	[tilespmem:s25+$0x7EEE] =	vst v4;
	v4 =	vld [tilespmem:s26+$0x470]  }
0x9f: {  	s26 =	sand.u32 $0x3800, s11;
	s3 =	sand.u32 $0x300, s3;
	p3 =	slt.u32 s20, $0x3C;
	[tilespmem:s7+$0x7E8E] =	vst v5;
	v5 =	vld [tilespmem:s28+$0x470]  }
0xa0: {  	s5 =	sadd.s32 $0xFFFFFE80, s1;
	s28 =	sadd.s32 $0xFFFFFF00, s1;
	s3 =	sor.u32 s3, s26;
	v9 =	vld [tilespmem:s10+$0x420];
	[tilespmem:s7+$0x7F8F] =	vst v7  }
0xa1: {  	s2 =	sand.u32 $0x380, s1;
	s5 =	sand.u32 $0x200, s5;
	s28 =	sand.u32 $0x280, s28;
	v7 =	vld [tilespmem:s3+$0x0];
	[tilespmem:s7+$0x8191] =	vst v8  }
0xa2: {  	s5 =	sor.u32 s5, s26;
	s2 =	sor.u32 s2, s26;
	s28 =	sor.u32 s28, s26;
	v8 =	vld [tilespmem:s8+$0x420];
	[tilespmem:s7+$0x80A0] =	vst v6  }
0xa3: {  	s26 =	smov.u32 s8;
	s8 =	smov.u32 s28;
	s28 =	smov.u32 s4;
	v6 =	vld [tilespmem:s29+$0x430];
	[tilespmem:s25+$0x7FEF] =	vst v4  }
0xa4: {  	s21 =	sadd.s32 $0x1010, s21;
	s4 =	smov.u32 s2;
	v4 =	vld [tilespmem:s5+$0x0];
	[tilespmem:s25+$0x81F1] =	vst v5;
	s25 =	smov.u32 s7  }
0xa5: {  	s7 =	sshra.s32 s21, $0x2;
	v5 =	vld [tilespmem:s8+$0x0];
	[tilespmem:s25+$0x7E9E] =	vst v9  }
0xa6: {  	[tilespmem:s7+$0x8000] =	vst v7;
	v7 =	vld [tilespmem:s4+$0x0]  }
0xa7: {  	v9 =	vld [tilespmem:s3+$0x10];
	[tilespmem:s25+$0x7F9F] =	vst v8  }
0xa8: {  	[tilespmem:s25+$0x80B0] =	vst v6;
	v6 =	vld [tilespmem:s28+$0x420]  }
0xa9: {  	[tilespmem:s7+$0x7DFE] =	vst v4;
	v4 =	vld [tilespmem:s29+$0x440]  }
0xaa: {  	v8 =	vld [tilespmem:s5+$0x10];
	[tilespmem:s7+$0x7EFF] =	vst v5  }
0xab: {  	v5 =	vld [tilespmem:s8+$0x10];
	[tilespmem:s7+$0x8101] =	vst v7  }
0xac: {  	[tilespmem:s7+$0x8010] =	vst v9;
	v7 =	vld [tilespmem:s4+$0x10]  }
0xad: {  	v9 =	vld [tilespmem:s3+$0x20];
	[tilespmem:s25+$0x81A1] =	vst v6  }
0xae: {  	v6 =	vld [tilespmem:s10+$0x430];
	[tilespmem:s25+$0x80C0] =	vst v4  }
0xaf: {  	[tilespmem:s7+$0x7E0E] =	vst v8;
	v4 =	vld [tilespmem:s29+$0x450]  }
0xb0: {  	v8 =	vld [tilespmem:s5+$0x20];
	[tilespmem:s7+$0x7F0F] =	vst v5  }
0xb1: {  	v5 =	vld [tilespmem:s8+$0x20];
	[tilespmem:s7+$0x8111] =	vst v7  }
0xb2: {  	[tilespmem:s7+$0x8020] =	vst v9;
	v7 =	vld [tilespmem:s4+$0x20]  }
0xb3: {  	v9 =	vld [tilespmem:s3+$0x30];
	[tilespmem:s25+$0x7EAE] =	vst v6  }
0xb4: {  	v6 =	vld [tilespmem:s26+$0x430];
	[tilespmem:s25+$0x80D0] =	vst v4  }
0xb5: {  	[tilespmem:s7+$0x7E1E] =	vst v8;
	v4 =	vld [tilespmem:s29+$0x460]  }
0xb6: {  	v8 =	vld [tilespmem:s5+$0x30];
	[tilespmem:s7+$0x7F1F] =	vst v5  }
0xb7: {  	v5 =	vld [tilespmem:s8+$0x30];
	[tilespmem:s7+$0x8121] =	vst v7  }
0xb8: {  	[tilespmem:s7+$0x8030] =	vst v9;
	v7 =	vld [tilespmem:s4+$0x30]  }
0xb9: {  	v9 =	vld [tilespmem:s3+$0x40];
	[tilespmem:s25+$0x7FAF] =	vst v6  }
0xba: {  	[tilespmem:s25+$0x80E0] =	vst v4;
	v4 =	vld [tilespmem:s28+$0x430]  }
0xbb: {  	[tilespmem:s7+$0x7E2E] =	vst v8;
	v6 =	vld [tilespmem:s29+$0x470];
	s29 =	smov.u32 s3  }
0xbc: {  	v8 =	vld [tilespmem:s5+$0x40];
	[tilespmem:s7+$0x7F2F] =	vst v5  }
0xbd: {  	v5 =	vld [tilespmem:s8+$0x40];
	[tilespmem:s7+$0x8131] =	vst v7  }
0xbe: {  	[tilespmem:s7+$0x8040] =	vst v9;
	v7 =	vld [tilespmem:s4+$0x40]  }
0xbf: {  	v9 =	vld [tilespmem:s29+$0x50];
	[tilespmem:s25+$0x81B1] =	vst v4  }
0xc0: {  	v4 =	vld [tilespmem:s10+$0x440];
	[tilespmem:s25+$0x80F0] =	vst v6  }
0xc1: {  	[tilespmem:s7+$0x7E3E] =	vst v8;
	v6 =	vld [tilespmem:s26+$0x440]  }
0xc2: {  	v8 =	vld [tilespmem:s5+$0x50];
	[tilespmem:s7+$0x7F3F] =	vst v5  }
0xc3: {  	v5 =	vld [tilespmem:s8+$0x50];
	[tilespmem:s7+$0x8141] =	vst v7  }
0xc4: {  	[tilespmem:s7+$0x8050] =	vst v9;
	v7 =	vld [tilespmem:s4+$0x50]  }
0xc5: {  	v9 =	vld [tilespmem:s29+$0x60];
	[tilespmem:s25+$0x7EBE] =	vst v4  }
0xc6: {  	[tilespmem:s25+$0x7FBF] =	vst v6;
	v4 =	vld [tilespmem:s28+$0x440]  }
0xc7: {  	[tilespmem:s7+$0x7E4E] =	vst v8;
	v6 =	vld [tilespmem:s10+$0x450]  }
0xc8: {  	v8 =	vld [tilespmem:s5+$0x60];
	[tilespmem:s7+$0x7F4F] =	vst v5  }
0xc9: {  	v5 =	vld [tilespmem:s8+$0x60];
	[tilespmem:s7+$0x8151] =	vst v7  }
0xca: {  	[tilespmem:s7+$0x8060] =	vst v9;
	v7 =	vld [tilespmem:s4+$0x60]  }
0xcb: {  	v9 =	vld [tilespmem:s29+$0x70];
	[tilespmem:s25+$0x81C1] =	vst v4  }
0xcc: {  	[tilespmem:s25+$0x7ECE] =	vst v6;
	v4 =	vld [tilespmem:s26+$0x450]  }
0xcd: {  	[tilespmem:s7+$0x7E5E] =	vst v8;
	v6 =	vld [tilespmem:s28+$0x450]  }
0xce: {  	v8 =	vld [tilespmem:s5+$0x70];
	[tilespmem:s7+$0x7F5F] =	vst v5  }
0xcf: {  	v5 =	vld [tilespmem:s8+$0x70];
	[tilespmem:s7+$0x8161] =	vst v7  }
0xd0: {  	[tilespmem:s7+$0x8070] =	vst v9;
	v7 =	vld [tilespmem:s4+$0x70]  }
0xd1: {  	s22 =	sadd.s32 $0x404, s22;
	v9 =	vld [tilespmem:s29+$0x400];
	[tilespmem:s25+$0x7FCF] =	vst v4  }
0xd2: {  	s9 =	sadd.s32 $0x404, s9;
	s2 =	sshll.u32 s22, $0x2;
	v4 =	vld [tilespmem:s10+$0x460];
	[tilespmem:s25+$0x81D1] =	vst v6  }
0xd3: {  	s30 =	sadd.s32 $0x10, s30;
	s15 =	sadd.s32 $0x10, s15;
	s2 =	sand.u32 $0xFFFFFE00, s2;
	[tilespmem:s7+$0x7E6E] =	vst v8;
	v6 =	vld [tilespmem:s26+$0x460]  }
0xd4: {  	s19 =	sadd.s32 $0x10, s19;
	s17 =	sadd.s32 $0x404, s17;
	s2 =	sadd.s32 s2, s15;
	v8 =	vld [tilespmem:s5+$0x400];
	[tilespmem:s7+$0x7F6F] =	vst v5  }
0xd5: {  	s13 =	sadd.s32 $0x404, s13;
	s2 =	sshra.s32 s2, $0x2;
	s3 =	sshll.u32 s17, $0x2;
	v10 =	vld [tilespmem:s8+$0x400];
	[tilespmem:s7+$0x8171] =	vst v7  }
0xd6: {  	s12 =	sadd.s32 $0x10, s12;
	s14 =	sshll.u32 s13, $0x2;
	s3 =	sand.u32 $0xFFFFFE00, s3;
	[tilespmem:s2+$0x8000] =	vst v9;
	v9 =	vld [tilespmem:s4+$0x400]  }
0xd7: {  	s14 =	sand.u32 $0xFFFFFE00, s14;
	s3 =	sadd.s32 s3, s19;
	s2 =	sshll.u32 s9, $0x2;
	v11 =	vld [tilespmem:s29+$0x410];
	[tilespmem:s25+$0x7EDE] =	vst v4  }
0xd8: {  	s14 =	sadd.s32 s14, s12;
	s3 =	sshra.s32 s3, $0x2;
	s2 =	sand.u32 $0xFFFFFE00, s2;
	[tilespmem:s25+$0x7FDF] =	vst v6;
	v12 =	vld [tilespmem:s28+$0x460]  }
.Ltmp2:
0xd9: {  	s2 =	sadd.s32 s2, s30;
	[tilespmem:s3+$0x8000] =	vst v8;
	s3 =	sshra.s32 s14, $0x2;
	v4 =	vld [tilespmem:s10+$0x470];
	(pc) =	sbr.rel @p3 .LBB2_3-.Ltmp2, $4  }
0xda: {  	s2 =	sshra.s32 s2, $0x2;
	s10 =	smov.u32 s5;
	v5 =	vld [tilespmem:s5+$0x410];
	[tilespmem:s3+$0x8000] =	vst v10  }
0xdb: {  	v7 =	vld [tilespmem:s8+$0x410];
	[tilespmem:s2+$0x8000] =	vst v9  }
0xdc: {  	[tilespmem:s7+$0x8090] =	vst v11;
	v8 =	vld [tilespmem:s4+$0x410]  }
0xdd: {  	s1 =	sadd.s32 $0x200, s1;
	v6 =	vld [tilespmem:s29+$0x420];
	[tilespmem:s25+$0x81E1] =	vst v12  }
0xde: {  	_ = 	snop  }
0xdf: {  	[tilespmem:s7+$0x7E8E] =	vst v5  }
0xe0: {  	v5 =	vld [tilespmem:s10+$0x420];
	[tilespmem:s7+$0x7F8F] =	vst v7  }
0xe1: {  	[tilespmem:s7+$0x8191] =	vst v8;
	v7 =	vld [tilespmem:s8+$0x420]  }
0xe2: {  	v8 =	vld [tilespmem:s4+$0x420];
	_ =	sdelay $0x1  }
0xe3: {  	[tilespmem:s7+$0x80A0] =	vst v6  }
0xe4: {  	v6 =	vld [tilespmem:s29+$0x430];
	[tilespmem:s7+$0x7E9E] =	vst v5  }
0xe5: {  	[tilespmem:s7+$0x7F9F] =	vst v7;
	v5 =	vld [tilespmem:s10+$0x430]  }
0xe6: {  	[tilespmem:s7+$0x81A1] =	vst v8;
	v7 =	vld [tilespmem:s8+$0x430]  }
0xe7: {  	v8 =	vld [tilespmem:s4+$0x430];
	_ =	sdelay $0x1  }
0xe8: {  	[tilespmem:s7+$0x80B0] =	vst v6  }
0xe9: {  	v6 =	vld [tilespmem:s29+$0x440];
	[tilespmem:s7+$0x7EAE] =	vst v5  }
0xea: {  	[tilespmem:s7+$0x7FAF] =	vst v7;
	v5 =	vld [tilespmem:s10+$0x440]  }
0xeb: {  	[tilespmem:s7+$0x81B1] =	vst v8;
	v7 =	vld [tilespmem:s8+$0x440]  }
0xec: {  	v8 =	vld [tilespmem:s4+$0x440];
	_ =	sdelay $0x1  }
0xed: {  	[tilespmem:s7+$0x80C0] =	vst v6  }
0xee: {  	v6 =	vld [tilespmem:s29+$0x450];
	[tilespmem:s7+$0x7EBE] =	vst v5  }
0xef: {  	[tilespmem:s7+$0x7FBF] =	vst v7;
	v5 =	vld [tilespmem:s10+$0x450]  }
0xf0: {  	[tilespmem:s7+$0x81C1] =	vst v8;
	v7 =	vld [tilespmem:s8+$0x450]  }
0xf1: {  	v8 =	vld [tilespmem:s4+$0x450];
	_ =	sdelay $0x1  }
0xf2: {  	[tilespmem:s7+$0x80D0] =	vst v6  }
0xf3: {  	v6 =	vld [tilespmem:s29+$0x460];
	[tilespmem:s7+$0x7ECE] =	vst v5  }
0xf4: {  	[tilespmem:s7+$0x7FCF] =	vst v7;
	v5 =	vld [tilespmem:s10+$0x460]  }
0xf5: {  	[tilespmem:s7+$0x81D1] =	vst v8;
	v7 =	vld [tilespmem:s8+$0x460]  }
0xf6: {  	v8 =	vld [tilespmem:s4+$0x460]  }
0xf7: {  	[tilespmem:s25+$0x7EEE] =	vst v4;
	v4 =	vld [tilespmem:s26+$0x470]  }
0xf8: {  	v9 =	vld [tilespmem:s28+$0x470];
	[tilespmem:s7+$0x80E0] =	vst v6  }
0xf9: {  	v6 =	vld [tilespmem:s29+$0x470];
	[tilespmem:s7+$0x7EDE] =	vst v5  }
0xfa: {  	[tilespmem:s7+$0x7FDF] =	vst v7;
	v5 =	vld [tilespmem:s10+$0x470]  }
0xfb: {  	[tilespmem:s7+$0x81E1] =	vst v8;
	v7 =	vld [tilespmem:s8+$0x470]  }
0xfc: {  	s1 =	simm.s32 $0x2;
	[tilespmem:s25+$0x7FEF] =	vst v4;
	v4 =	vld [tilespmem:s4+$0x470]  }
0xfd: {  	[tilespmem:s25+$0x81F1] =	vst v9;
	v8 =	vadd.s32 s1, v0  }
0xfe: {  	[tilespmem:s7+$0x80F0] =	vst v6;
	v6 =	vadd.s32 s24, v0  }
0xff: {  	[tilespmem:s7+$0x7EEE] =	vst v5  }
0x100: {  	s2 =	simm.s32 $0x4;
	[tilespmem:s7+$0x7FEF] =	vst v7  }
0x101: {  	s26 =	simm.s32 $0x6;
	[tilespmem:s7+$0x81F1] =	vst v4;
	v4 =	vadd.s32 s2, v0  }
0x102: {  	v5 =	vadd.s32 s26, v0;
	v7 =	vld.idx.msk [tilespmem:v8+s16+$0x0], $0xffff  }
0x103: {  	v6 =	vld.idx.msk [tilespmem:v6+s16+$0x0], $0xffff;
	v8 =	vadd.s32 s1, v1  }
0x104: {  	v9 =	vadd.s32 s24, v1;
	_ =	sdelay $0x1  }
0x105: {  	s7 =	simm.s32 $0xC180;
	v4 =	vld.idx.msk [tilespmem:v4+s16+$0x0], $0xffff  }
0x106: {  	v10 =	vadd.s32 s2, v1;
	v5 =	vld.idx.msk [tilespmem:v5+s16+$0x0], $0xffff;
	[tilespmem:s7+$0xFFFFFF80] =	vst v7  }
0x107: {  	v7 =	vadd.s32 s26, v1;
	[tilespmem:s7+$0xFFFFFF00] =	vst v6;
	v6 =	vld.idx.msk [tilespmem:v8+s16+$0x0], $0xffff  }
0x108: {  	v8 =	vld.idx.msk [tilespmem:v9+s16+$0x0], $0xffff;
	v9 =	vadd.s32 s1, v2  }
0x109: {  	v11 =	vadd.s32 s24, v2  }
0x10a: {  	[tilespmem:s7+$0x0] =	vst v4  }
0x10b: {  	s28 =	simm.s32 $0x8;
	[tilespmem:s7+$0x80] =	vst v5;
	v4 =	vld.idx.msk [tilespmem:v10+s16+$0x0], $0xffff  }
0x10c: {  	v12 =	vadd.s32 s28, v0;
	v5 =	vld.idx.msk [tilespmem:v7+s16+$0x0], $0xffff;
	[tilespmem:s7+$0xFFFFFF90] =	vst v6  }
0x10d: {  	[tilespmem:s7+$0xFFFFFF10] =	vst v8;
	v8 =	vadd.s32 s26, v2;
	v6 =	vld.idx.msk [tilespmem:v9+s16+$0x0], $0xffff  }
0x10e: {  	v9 =	vadd.s32 s1, v3;
	v10 =	vld.idx.msk [tilespmem:v11+s16+$0x0], $0xffff  }
0x10f: {  	s5 =	simm.s32 $0xC;
	v11 =	vadd.s32 s24, v3  }
0x110: {  	[tilespmem:s7+$0x10] =	vst v4;
	v4 =	vadd.s32 s5, v0  }
0x111: {  	s29 =	simm.s32 $0xA;
	v12 =	vld.idx.msk [tilespmem:v12+s16+$0x0], $0xffff;
	v7 =	vadd.s32 s2, v2;
	[tilespmem:s7+$0x90] =	vst v5  }
0x112: {  	s30 =	simm.s32 $0xE;
	v5 =	vadd.s32 s29, v0;
	v8 =	vld.idx.msk [tilespmem:v8+s16+$0x0], $0xffff;
	[tilespmem:s7+$0xFFFFFFA0] =	vst v6  }
0x113: {  	s3 =	simm.s32 $0x3;
	v6 =	vadd.s32 s30, v0;
	[tilespmem:s7+$0xFFFFFF20] =	vst v10;
	v9 =	vld.idx.msk [tilespmem:v9+s16+$0x0], $0xffff  }
0x114: {  	v10 =	vld.idx.msk [tilespmem:v11+s16+$0x0], $0xffff;
	v11 =	vadd.s32 s3, v0  }
0x115: {  	v13 =	vadd.s32 s26, v3;
	v4 =	vld.idx.msk [tilespmem:v4+s16+$0x0], $0xffff  }
0x116: {  	v14 =	vadd.s32 s5, v1;
	s4 =	simm.s32 $0xC380;
	v7 =	vld.idx.msk [tilespmem:v7+s16+$0x0], $0xffff  }
0x117: {  	v15 =	vadd.s32 s28, v1;
	[tilespmem:s4+$0xFFFFFF00] =	vst v12;
	v5 =	vld.idx.msk [tilespmem:v5+s16+$0x0], $0xffff  }
0x118: {  	v16 =	vadd.s32 s29, v1;
	v6 =	vld.idx.msk [tilespmem:v6+s16+$0x0], $0xffff;
	[tilespmem:s7+$0xFFFFFFB0] =	vst v9  }
0x119: {  	[tilespmem:s7+$0xA0] =	vst v8;
	v9 =	vadd.s32 s2, v3;
	v8 =	vld.idx.msk [tilespmem:v11+s16+$0x0], $0xffff  }
0x11a: {  	v11 =	vld.idx.msk [tilespmem:v13+s16+$0x0], $0xffff;
	v13 =	vadd.s32 s30, v1;
	[tilespmem:s4+$0x0] =	vst v4  }
0x11b: {  	[tilespmem:s7+$0x20] =	vst v7;
	v4 =	vadd.s32 s3, v1;
	v12 =	vld.idx.msk [tilespmem:v14+s16+$0x0], $0xffff  }
0x11c: {  	[tilespmem:s4+$0xFFFFFF80] =	vst v5;
	v5 =	vadd.s32 s5, v2;
	v14 =	vld.idx.msk [tilespmem:v15+s16+$0x0], $0xffff  }
0x11d: {  	s9 =	simm.s32 $0x7;
	v7 =	vld.idx.msk [tilespmem:v16+s16+$0x0], $0xffff;
	v15 =	vadd.s32 s28, v2;
	[tilespmem:s4+$0x80] =	vst v6  }
0x11e: {  	v6 =	vadd.s32 s9, v0;
	v9 =	vld.idx.msk [tilespmem:v9+s16+$0x0], $0xffff;
	[tilespmem:s7+$0xFFFFFFC0] =	vst v8  }
0x11f: {  	v8 =	vadd.s32 s29, v2;
	v13 =	vld.idx.msk [tilespmem:v13+s16+$0x0], $0xffff;
	[tilespmem:s7+$0xB0] =	vst v11  }
0x120: {  	v11 =	vadd.s32 s30, v2;
	v4 =	vld.idx.msk [tilespmem:v4+s16+$0x0], $0xffff;
	[tilespmem:s4+$0x10] =	vst v12  }
0x121: {  	s13 =	simm.s32 $0x5;
	v12 =	vadd.s32 s3, v2;
	[tilespmem:s4+$0xFFFFFF10] =	vst v14;
	v5 =	vld.idx.msk [tilespmem:v5+s16+$0x0], $0xffff  }
0x122: {  	s12 =	simm.s32 $0x1;
	[tilespmem:s7+$0xFFFFFF30] =	vst v10;
	v14 =	vadd.s32 s13, v0;
	v15 =	vld.idx.msk [tilespmem:v15+s16+$0x0], $0xffff  }
0x123: {  	s10 =	simm.s32 $0x10;
	[tilespmem:s4+$0xFFFFFF90] =	vst v7;
	v7 =	vadd.s32 s12, v0;
	v6 =	vld.idx.msk [tilespmem:v6+s16+$0x0], $0xffff  }
0x124: {  	v10 =	vadd.s32 s10, v0;
	v8 =	vld.idx.msk [tilespmem:v8+s16+$0x0], $0xffff;
	[tilespmem:s4+$0x90] =	vst v13  }
0x125: {  	v13 =	vadd.s32 s9, v1;
	[tilespmem:s7+$0xFFFFFFD0] =	vst v4;
	v11 =	vld.idx.msk [tilespmem:v11+s16+$0x0], $0xffff  }
0x126: {  	[tilespmem:s7+$0x30] =	vst v9;
	v4 =	vadd.s32 s28, v3;
	v9 =	vld.idx.msk [tilespmem:v12+s16+$0x0], $0xffff  }
0x127: {  	s11 =	simm.s32 $0x16;
	v16 =	vadd.s32 s29, v3;
	v12 =	vld.idx.msk [tilespmem:v14+s16+$0x0], $0xffff;
	[tilespmem:s4+$0xFFFFFF20] =	vst v15  }
0x128: {  	s1 =	simm.s32 $0x14;
	v7 =	vld.idx.msk [tilespmem:v7+s16+$0x0], $0xffff;
	v14 =	vadd.s32 s11, v0;
	[tilespmem:s7+$0xC0] =	vst v6  }
0x129: {  	v6 =	vld.idx.msk [tilespmem:v10+s16+$0x0], $0xffff;
	v10 =	vadd.s32 s1, v0;
	[tilespmem:s4+$0x20] =	vst v5  }
0x12a: {  	s15 =	simm.s32 $0x12;
	[tilespmem:s4+$0xFFFFFFA0] =	vst v8;
	v8 =	vadd.s32 s12, v1;
	v5 =	vld.idx.msk [tilespmem:v13+s16+$0x0], $0xffff  }
0x12b: {  	v13 =	vadd.s32 s15, v0;
	v4 =	vld.idx.msk [tilespmem:v4+s16+$0x0], $0xffff;
	[tilespmem:s4+$0xA0] =	vst v11  }
0x12c: {  	v15 =	vld.idx.msk [tilespmem:v16+s16+$0x0], $0xffff;
	v16 =	vadd.s32 s30, v3;
	[tilespmem:s7+$0xFFFFFFE0] =	vst v9  }
0x12d: {  	s8 =	simm.s32 $0xC580;
	v9 =	vadd.s32 s13, v1;
	v14 =	vld.idx.msk [tilespmem:v14+s16+$0x0], $0xffff;
	[tilespmem:s7+$0xFFFFFF40] =	vst v7  }
0x12e: {  	v11 =	vadd.s32 s10, v1;
	[tilespmem:s8+$0xFFFFFF00] =	vst v6;
	v6 =	vld.idx.msk [tilespmem:v10+s16+$0x0], $0xffff  }
0x12f: {  	s20 =	simm.s32 $0xB;
	v7 =	vld.idx.msk [tilespmem:v8+s16+$0x0], $0xffff;
	v8 =	vadd.s32 s9, v2  }
0x130: {  	[tilespmem:s7+$0x40] =	vst v12;
	v12 =	vadd.s32 s20, v0;
	v13 =	vld.idx.msk [tilespmem:v13+s16+$0x0], $0xffff  }
0x131: {  	v10 =	vadd.s32 s3, v3;
	[tilespmem:s7+$0xD0] =	vst v5;
	v16 =	vld.idx.msk [tilespmem:v16+s16+$0x0], $0xffff  }
0x132: {  	[tilespmem:s4+$0xFFFFFF30] =	vst v4;
	v4 =	vadd.s32 s12, v2;
	v9 =	vld.idx.msk [tilespmem:v9+s16+$0x0], $0xffff  }
0x133: {  	[tilespmem:s4+$0xFFFFFFB0] =	vst v15;
	v15 =	vadd.s32 s13, v2;
	v11 =	vld.idx.msk [tilespmem:v11+s16+$0x0], $0xffff  }
0x134: {  	[tilespmem:s8+$0x80] =	vst v14;
	v5 =	vld.idx.msk [tilespmem:v8+s16+$0x0], $0xffff;
	v8 =	vadd.s32 s1, v1  }
0x135: {  	[tilespmem:s7+$0xFFFFFF50] =	vst v7;
	v7 =	vld.idx.msk [tilespmem:v12+s16+$0x0], $0xffff;
	v12 =	vadd.s32 s5, v3  }
0x136: {  	v10 =	vld.idx.msk [tilespmem:v10+s16+$0x0], $0xffff;
	[tilespmem:s4+$0xB0] =	vst v16;
	v16 =	vadd.s32 s11, v1  }
0x137: {  	v14 =	vadd.s32 s20, v1;
	v4 =	vld.idx.msk [tilespmem:v4+s16+$0x0], $0xffff;
	[tilespmem:s7+$0x50] =	vst v9  }
0x138: {  	v17 =	vadd.s32 s9, v3;
	[tilespmem:s8+$0x0] =	vst v6;
	v6 =	vld.idx.msk [tilespmem:v15+s16+$0x0], $0xffff  }
0x139: {  	[tilespmem:s8+$0xFFFFFF80] =	vst v13;
	v9 =	vadd.s32 s15, v1;
	v8 =	vld.idx.msk [tilespmem:v8+s16+$0x0], $0xffff  }
0x13a: {  	v15 =	vadd.s32 s13, v3;
	[tilespmem:s7+$0xE0] =	vst v5;
	v12 =	vld.idx.msk [tilespmem:v12+s16+$0x0], $0xffff  }
0x13b: {  	v13 =	vadd.s32 s12, v3;
	[tilespmem:s4+$0xFFFFFFC0] =	vst v7;
	v5 =	vld.idx.msk [tilespmem:v16+s16+$0x0], $0xffff  }
0x13c: {  	v18 =	vadd.s32 s10, v2;
	[tilespmem:s8+$0xFFFFFF10] =	vst v11;
	v19 =	vld.idx.msk [tilespmem:v14+s16+$0x0], $0xffff  }
0x13d: {  	s9 =	simm.s32 $0xF;
	[tilespmem:s7+$0xFFFFFFF0] =	vst v10;
	v16 =	vadd.s32 s1, v2;
	v7 =	vld.idx.msk [tilespmem:v17+s16+$0x0], $0xffff  }
0x13e: {  	v22 =	vadd.s32 s9, v0;
	v9 =	vld.idx.msk [tilespmem:v9+s16+$0x0], $0xffff;
	[tilespmem:s7+$0x60] =	vst v6  }
0x13f: {  	v20 =	vadd.s32 s15, v2;
	[tilespmem:s7+$0xFFFFFF60] =	vst v4;
	v21 =	vld.idx.msk [tilespmem:v15+s16+$0x0], $0xffff  }
0x140: {  	s5 =	simm.s32 $0xD;
	v14 =	vadd.s32 s20, v2;
	v10 =	vld.idx.msk [tilespmem:v13+s16+$0x0], $0xffff;
	[tilespmem:s8+$0x10] =	vst v8  }
0x141: {  	s12 =	simm.s32 $0x9;
	v13 =	vadd.s32 s5, v0;
	[tilespmem:s4+$0x30] =	vst v12;
	v8 =	vld.idx.msk [tilespmem:v18+s16+$0x0], $0xffff  }
0x142: {  	v6 =	vld.idx.msk [tilespmem:v16+s16+$0x0], $0xffff;
	v16 =	vadd.s32 s12, v0;
	[tilespmem:s4+$0xFFFFFFD0] =	vst v19  }
0x143: {  	v15 =	vadd.s32 s11, v2;
	v12 =	vld.idx.msk [tilespmem:v22+s16+$0x0], $0xffff;
	[tilespmem:s8+$0xFFFFFF90] =	vst v9  }
0x144: {  	s13 =	simm.s32 $0x8;
	v4 =	vadd.s32 s15, v3;
	s15 =	simm.s32 $0x18;
	v9 =	vadd.s32 s10, v3;
	v11 =	vld.idx.msk [tilespmem:v20+s16+$0x0], $0xffff;
	[tilespmem:s7+$0x70] =	vst v21  }
.LBB2_5:
0x145: {  	v17 =	vadd.s32 s15, v0;
	s17 =	sadd.s32 $0x2, s15;
	s13 =	sadd.s32 $0x4, s13;
	v14 =	vld.idx.msk [tilespmem:v14+s16+$0x0], $0xffff;
	[tilespmem:s7+$0xFFFFFF70] =	vst v10  }
0x146: {  	s3 =	sadd.s32 $0x4, s15;
	v10 =	vadd.s32 s17, v0;
	v18 =	vadd.s32 s17, v3;
	p3 =	slt.u32 s13, $0x7C;
	v13 =	vld.idx.msk [tilespmem:v13+s16+$0x0], $0xffff;
	[tilespmem:s7+$0xF0] =	vst v7;
	s7 =	smov.u32 s4  }
0x147: {  	s2 =	sadd.s32 $0x6, s15;
	v7 =	vadd.s32 s3, v0;
	s4 =	smov.u32 s8;
	[tilespmem:s8+$0x90] =	vst v5;
	v5 =	vld.idx.msk [tilespmem:v16+s16+$0x0], $0xffff;
	v16 =	vadd.s32 s9, v1  }
0x148: {  	v19 =	vadd.s32 s2, v0;
	[tilespmem:s8+$0xFFFFFF20] =	vst v8;
	v8 =	vld.idx.msk [tilespmem:v15+s16+$0x0], $0xffff  }
0x149: {  	v9 =	vld.idx.msk [tilespmem:v9+s16+$0x0], $0xffff;
	[tilespmem:s8+$0xFFFFFFA0] =	vst v11;
	v11 =	vadd.s32 s12, v1  }
0x14a: {  	v20 =	vadd.s32 s11, v3;
	s11 =	smov.u32 s2;
	v15 =	vld.idx.msk [tilespmem:v4+s16+$0x0], $0xffff;
	[tilespmem:s7+$0xC0] =	vst v12;
	v4 =	vmov v18  }
0x14b: {  	v12 =	vld.idx.msk [tilespmem:v17+s16+$0x0], $0xffff;
	[tilespmem:s7+$0xFFFFFFE0] =	vst v14;
	v14 =	vadd.s32 s5, v1  }
0x14c: {  	v17 =	vadd.s32 s15, v1;
	[tilespmem:s8+$0x20] =	vst v6;
	v6 =	vld.idx.msk [tilespmem:v16+s16+$0x0], $0xffff  }
0x14d: {  	v16 =	vadd.s32 s17, v1;
	v18 =	vld.idx.msk [tilespmem:v19+s16+$0x0], $0xffff;
	[tilespmem:s7+$0xFFFFFF40] =	vst v5  }
0x14e: {  	v5 =	vadd.s32 s3, v1;
	[tilespmem:s8+$0xA0] =	vst v8;
	v8 =	vld.idx.msk [tilespmem:v11+s16+$0x0], $0xffff;
	v11 =	vadd.s32 s9, v2  }
0x14f: {  	s2 =	sadd.s32 $0x3, s10;
	v19 =	vadd.s32 s11, v1;
	s8 =	sadd.s32 $0x200, s8;
	v20 =	vld.idx.msk [tilespmem:v20+s16+$0x0], $0xffff;
	[tilespmem:s7+$0x40] =	vst v13  }
0x150: {  	v13 =	vadd.s32 s2, v0;
	[tilespmem:s4+$0xFFFFFFB0] =	vst v15;
	v14 =	vld.idx.msk [tilespmem:v14+s16+$0x0], $0xffff  }
0x151: {  	[tilespmem:s8+$0xFFFFFF00] =	vst v12;
	v7 =	vld.idx.msk [tilespmem:v7+s16+$0x0], $0xffff;
	v12 =	vadd.s32 s20, v3;
	s20 =	smov.u32 s2  }
0x152: {  	v15 =	vadd.s32 s5, v2;
	v10 =	vld.idx.msk [tilespmem:v10+s16+$0x0], $0xffff;
	[tilespmem:s7+$0xD0] =	vst v6  }
0x153: {  	v6 =	vadd.s32 s12, v2;
	[tilespmem:s4+$0xFFFFFF30] =	vst v9;
	v9 =	vld.idx.msk [tilespmem:v11+s16+$0x0], $0xffff  }
0x154: {  	v11 =	vld.idx.msk [tilespmem:v17+s16+$0x0], $0xffff;
	[tilespmem:s7+$0xFFFFFF50] =	vst v8  }
0x155: {  	v8 =	vld.idx.msk [tilespmem:v13+s16+$0x0], $0xffff;
	v13 =	vadd.s32 s1, v3;
	[tilespmem:s4+$0xB0] =	vst v20;
	s1 =	smov.u32 s3  }
0x156: {  	v12 =	vld.idx.msk [tilespmem:v12+s16+$0x0], $0xffff;
	[tilespmem:s7+$0x50] =	vst v14  }
0x157: {  	[tilespmem:s8+$0x0] =	vst v7;
	v7 =	vld.idx.msk [tilespmem:v15+s16+$0x0], $0xffff  }
0x158: {  	v14 =	vadd.s32 s20, v1;
	[tilespmem:s8+$0x80] =	vst v18;
	v6 =	vld.idx.msk [tilespmem:v6+s16+$0x0], $0xffff  }
0x159: {  	v17 =	vadd.s32 s5, v3;
	v15 =	vld.idx.msk [tilespmem:v5+s16+$0x0], $0xffff;
	[tilespmem:s7+$0xE0] =	vst v9  }
0x15a: {  	[tilespmem:s8+$0xFFFFFF80] =	vst v10;
	v9 =	vld.idx.msk [tilespmem:v13+s16+$0x0], $0xffff;
	v10 =	vadd.s32 s12, v3;
	v13 =	vadd.s32 s9, v3  }
0x15b: {  	v5 =	vld.idx.msk [tilespmem:v19+s16+$0x0], $0xffff;
	[tilespmem:s4+$0xFFFFFFC0] =	vst v8  }
0x15c: {  	v8 =	vadd.s32 s1, v2;
	v16 =	vld.idx.msk [tilespmem:v16+s16+$0x0], $0xffff;
	[tilespmem:s7+$0xFFFFFFF0] =	vst v12  }
0x15d: {  	v12 =	vadd.s32 s15, v2;
	v18 =	vld.idx.msk [tilespmem:v14+s16+$0x0], $0xffff;
	[tilespmem:s7+$0x60] =	vst v7  }
0x15e: {  	s9 =	sadd.s32 $0x7, s10;
	v19 =	vadd.s32 s17, v2;
	[tilespmem:s7+$0xFFFFFF60] =	vst v6;
	v17 =	vld.idx.msk [tilespmem:v17+s16+$0x0], $0xffff  }
0x15f: {  	v20 =	vadd.s32 s9, v0;
	[tilespmem:s8+$0x10] =	vst v15;
	v10 =	vld.idx.msk [tilespmem:v10+s16+$0x0], $0xffff  }
.Ltmp3:
0x160: {  	s5 =	sadd.s32 $0x5, s10;
	v14 =	vadd.s32 s20, v2;
	[tilespmem:s4+$0x30] =	vst v9;
	v7 =	vld.idx.msk [tilespmem:v13+s16+$0x0], $0xffff;
	(pc) =	sbr.rel @p3 .LBB2_5-.Ltmp3, $4  }
0x161: {  	s12 =	sadd.s32 $0x1, s10;
	s10 =	smov.u32 s15;
	v13 =	vadd.s32 s5, v0;
	[tilespmem:s8+$0xFFFFFF10] =	vst v11;
	v6 =	vld.idx.msk [tilespmem:v8+s16+$0x0], $0xffff  }
0x162: {  	v8 =	vld.idx.msk [tilespmem:v12+s16+$0x0], $0xffff;
	[tilespmem:s8+$0xFFFFFF90] =	vst v16;
	v16 =	vadd.s32 s12, v0  }
0x163: {  	v15 =	vadd.s32 s11, v2;
	v11 =	vld.idx.msk [tilespmem:v19+s16+$0x0], $0xffff;
	[tilespmem:s4+$0xFFFFFFD0] =	vst v18  }
0x164: {  	s15 =	sadd.s32 $0x8, s15;
	v9 =	vadd.s32 s10, v3;
	v12 =	vld.idx.msk [tilespmem:v20+s16+$0x0], $0xffff;
	[tilespmem:s7+$0x70] =	vst v17  }
0x165: {  	_ =	sdelay $0x1  }
0x166: {  	[tilespmem:s7+$0xFFFFFF70] =	vst v10  }
0x167: {  	[tilespmem:s7+$0xF0] =	vst v7  }
0x168: {  	v10 =	vld.idx.msk [tilespmem:v14+s16+$0x0], $0xffff;
	[tilespmem:s8+$0x90] =	vst v5;
	v5 =	vadd.s32 s9, v1  }
0x169: {  	v7 =	vld.idx.msk [tilespmem:v16+s16+$0x0], $0xffff;
	[tilespmem:s8+$0xFFFFFF20] =	vst v8  }
0x16a: {  	v8 =	vld.idx.msk [tilespmem:v15+s16+$0x0], $0xffff;
	[tilespmem:s8+$0xFFFFFFA0] =	vst v11;
	v11 =	vadd.s32 s1, v3  }
0x16b: {  	v13 =	vld.idx.msk [tilespmem:v13+s16+$0x0], $0xffff;
	v53 =	vadd.s32 s12, v1;
	[tilespmem:s8+$0x20] =	vst v6  }
0x16c: {  	v54 =	vadd.s32 s11, v3;
	[tilespmem:s4+$0xC0] =	vst v12;
	v4 =	vld.idx.msk [tilespmem:v4+s16+$0x0], $0xffff  }
0x16d: {  	[tilespmem:s4+$0xFFFFFFE0] =	vst v10;
	v10 =	vadd.s32 s5, v1;
	v5 =	vld.idx.msk [tilespmem:v5+s16+$0x0], $0xffff  }
0x16e: {  	s21 =	sadd.s32 $0x3, s10;
	v6 =	vld.idx.msk [tilespmem:v9+s16+$0x0], $0xffff;
	[tilespmem:s4+$0xFFFFFF40] =	vst v7;
	v7 =	vadd.s32 s9, v2  }
0x16f: {  	s2 =	sadd.s32 $0x5, s10;
	[tilespmem:s8+$0xA0] =	vst v8;
	v8 =	vadd.s32 s21, v0;
	v9 =	vld.idx.msk [tilespmem:v11+s16+$0x0], $0xffff  }
0x170: {  	s3 =	sadd.s32 $0x1, s10;
	v55 =	vadd.s32 s2, v0;
	[tilespmem:s4+$0x40] =	vst v13;
	v11 =	vld.idx.msk [tilespmem:v53+s16+$0x0], $0xffff  }
0x171: {  	s22 =	sadd.s32 $0x7, s10;
	v12 =	vld.idx.msk [tilespmem:v54+s16+$0x0], $0xffff;
	[tilespmem:s8+$0xFFFFFFB0] =	vst v4;
	v4 =	vadd.s32 s3, v0  }
0x172: {  	v10 =	vld.idx.msk [tilespmem:v10+s16+$0x0], $0xffff;
	[tilespmem:s4+$0xD0] =	vst v5;
	v5 =	vadd.s32 s22, v0  }
0x173: {  	v56 =	vadd.s32 s20, v3;
	[tilespmem:s8+$0xFFFFFF30] =	vst v6;
	v6 =	vld.idx.msk [tilespmem:v7+s16+$0x0], $0xffff  }
0x174: {  	v7 =	vadd.s32 s5, v2;
	v8 =	vld.idx.msk [tilespmem:v8+s16+$0x0], $0xffff;
	[tilespmem:s8+$0x30] =	vst v9  }
0x175: {  	[tilespmem:s4+$0xFFFFFF50] =	vst v11;
	v9 =	vadd.s32 s21, v1;
	v11 =	vld.idx.msk [tilespmem:v55+s16+$0x0], $0xffff  }
0x176: {  	v57 =	vadd.s32 s2, v1;
	[tilespmem:s8+$0xB0] =	vst v12;
	v4 =	vld.idx.msk [tilespmem:v4+s16+$0x0], $0xffff  }
0x177: {  	[tilespmem:s4+$0x50] =	vst v10;
	v5 =	vld.idx.msk [tilespmem:v5+s16+$0x0], $0xffff;
	v10 =	vadd.s32 s3, v1  }
0x178: {  	v58 =	vld.idx.msk [tilespmem:v56+s16+$0x0], $0xffff;
	[tilespmem:s4+$0xE0] =	vst v6;
	v6 =	vadd.s32 s22, v1  }
0x179: {  	v59 =	vadd.s32 s12, v2;
	v7 =	vld.idx.msk [tilespmem:v7+s16+$0x0], $0xffff;
	[tilespmem:s8+$0xFFFFFFC0] =	vst v8  }
0x17a: {  	v8 =	vadd.s32 s5, v3;
	v9 =	vld.idx.msk [tilespmem:v9+s16+$0x0], $0xffff;
	[tilespmem:s8+$0x40] =	vst v11  }
0x17b: {  	v11 =	vadd.s32 s21, v2;
	[tilespmem:s8+$0xFFFFFF40] =	vst v4;
	v4 =	vld.idx.msk [tilespmem:v57+s16+$0x0], $0xffff  }
0x17c: {  	[tilespmem:s8+$0xC0] =	vst v5;
	v5 =	vld.idx.msk [tilespmem:v10+s16+$0x0], $0xffff;
	v10 =	vadd.s32 s2, v2  }
0x17d: {  	v60 =	vadd.s32 s3, v2;
	[tilespmem:s4+$0xFFFFFFF0] =	vst v58;
	v6 =	vld.idx.msk [tilespmem:v6+s16+$0x0], $0xffff  }
0x17e: {  	v61 =	vld.idx.msk [tilespmem:v59+s16+$0x0], $0xffff;
	[tilespmem:s4+$0x60] =	vst v7;
	v7 =	vadd.s32 s22, v2  }
0x17f: {  	v62 =	vadd.s32 s12, v3;
	v8 =	vld.idx.msk [tilespmem:v8+s16+$0x0], $0xffff;
	[tilespmem:s8+$0xFFFFFFD0] =	vst v9  }
0x180: {  	v9 =	vadd.s32 s9, v3;
	v11 =	vld.idx.msk [tilespmem:v11+s16+$0x0], $0xffff;
	[tilespmem:s8+$0x50] =	vst v4  }
0x181: {  	v4 =	vadd.s32 s21, v3;
	[tilespmem:s8+$0xFFFFFF50] =	vst v5;
	v5 =	vld.idx.msk [tilespmem:v10+s16+$0x0], $0xffff  }
0x182: {  	[tilespmem:s8+$0xD0] =	vst v6;
	v6 =	vld.idx.msk [tilespmem:v60+s16+$0x0], $0xffff;
	v10 =	vadd.s32 s2, v3  }
0x183: {  	v63 =	vadd.s32 s3, v3;
	[tilespmem:s4+$0xFFFFFF60] =	vst v61;
	v7 =	vld.idx.msk [tilespmem:v7+s16+$0x0], $0xffff  }
0x184: {  	v13 =	vld.idx.msk [tilespmem:v62+s16+$0x0], $0xffff;
	[tilespmem:s4+$0x70] =	vst v8;
	v8 =	vadd.s32 s22, v3  }
0x185: {  	v9 =	vld.idx.msk [tilespmem:v9+s16+$0x0], $0xffff;
	[tilespmem:s8+$0xFFFFFFE0] =	vst v11  }
0x186: {  	v4 =	vld.idx.msk [tilespmem:v4+s16+$0x0], $0xffff;
	[tilespmem:s8+$0x60] =	vst v5  }
0x187: {  	[tilespmem:s8+$0xFFFFFF60] =	vst v6;
	v5 =	vld.idx.msk [tilespmem:v10+s16+$0x0], $0xffff  }
0x188: {  	[tilespmem:s8+$0xE0] =	vst v7;
	v6 =	vld.idx.msk [tilespmem:v63+s16+$0x0], $0xffff  }
0x189: {  	[tilespmem:s4+$0xFFFFFF70] =	vst v13;
	v7 =	vld.idx.msk [tilespmem:v8+s16+$0x0], $0xffff  }
0x18a: {  	[tilespmem:s4+$0xF0] =	vst v9  }
0x18b: {  	[tilespmem:s8+$0xFFFFFFF0] =	vst v4  }
0x18c: {  	[tilespmem:s8+$0x70] =	vst v5  }
0x18d: {  	s24 =	sshll.u32 s31, $0x11;
	[tilespmem:s8+$0xFFFFFF70] =	vst v6  }
0x18e: {  	s25 =	simm.s32 $0x0;
	s26 =	simm.s32 $0xC080;
	s1 =	sadd.s32 s24, s6;
	[tilespmem:s8+$0xF0] =	vst v7  }
0x18f: {  	[hbm4b:s1+s25] =	stream.linear.scatter [tilespmem:s26], [sflag:$0x3], $0x4000, $0x38;
	[tilespmem:$0x14080] =	vst v63  }
0x190: {  	s23 =	sor.u32 $0x1, s23;
	_ =	swait.ge [sflag:s18], $0x4000  }
0x191: {  	p3 =	sgt.u32 s23, $0x78;
	s1 =	rddreg [dreg:$0x5];
	[sflag:s18] =	ssyncset.done $0x0  }
0x192: {  	s0 =	sadd.s32 @!p3 s1, s0;
	[sflag:s18] =	ssyncadd.s32 $0xFFFFC000  }
0x193: {  	s3 =	simm.s32 @!p3 $0x0;
	s0 =	sshll.u32 @!p3 s0, $0x8;
	s1 =	rddreg [dreg:$0x0]  }
0x194: {  	s2 =	simm.s32 @!p3 $0x7A1400;
	s0 =	sadd.s32 @!p3 s1, s0;
	s1 =	simm.s32 @!p3 $0x800  }
0x195: {  	[tilespmem:s3], [sflag:$0x1] =	stream.strided.gather @!p3 [hbm4b:s0+s1], $0x4000, s2, s1, $0x38;
	[tilespmem:$0x14080] =	vst v63  }
0x196: {  	s7 =	simm.s32 $0x0;
	s1 =	simm.s32 @!p2 $0x4;
	s0 =	simm.s32 $0x0  }
0x197: {  	s4 =	simm.s32 $0x180;
	_ =	swait.ge @!p2 [sflag:s1], $0x4000;
	s5 =	sand.u32 $0x3800, s0  }
0x198: {  	s2 =	sand.u32 $0x380, s4;
	[sflag:s1] =	ssyncset.done @!p2 $0x0;
	s3 =	sor.u32 $0x4000, s5  }
0x199: {  	[sflag:s1] =	ssyncadd.s32 @!p2 $0xFFFFC000;
	s5 =	sor.u32 s2, s3;
	s1 =	sand.u32 $0x200, s7  }
0x19a: {  	s8 =	simm.s32 $0x80;
	v4 =	vld [tilespmem:s5+$0x0];
	s1 =	sor.u32 s1, s3  }
0x19b: {  	s2 =	sand.u32 $0x280, s8;
	v5 =	vld [tilespmem:s1+$0x0]  }
0x19c: {  	s9 =	simm.s32 $0x100;
	s25 =	sor.u32 s2, s3  }
0x19d: {  	s2 =	sand.u32 $0x300, s9;
	v6 =	vld [tilespmem:s25+$0x0]  }
0x19e: {  	s24 =	simm.s32 $0x202;
	s26 =	sor.u32 s2, s3  }
0x19f: {  	v7 =	vld [tilespmem:s26+$0x0];
	[tilespmem:s24+$0x8101] =	vst v4  }
0x1a0: {  	v4 =	vld [tilespmem:s5+$0x10];
	[tilespmem:s24+$0x7DFE] =	vst v5  }
0x1a1: {  	v5 =	vld [tilespmem:s1+$0x10]  }
0x1a2: {  	[tilespmem:s24+$0x7EFF] =	vst v6  }
0x1a3: {  	v6 =	vld [tilespmem:s25+$0x10]  }
0x1a4: {  	[tilespmem:s24+$0x8000] =	vst v7  }
0x1a5: {  	v7 =	vld [tilespmem:s26+$0x10];
	[tilespmem:s24+$0x8111] =	vst v4  }
0x1a6: {  	v4 =	vld [tilespmem:s5+$0x20];
	[tilespmem:s24+$0x7E0E] =	vst v5  }
0x1a7: {  	v5 =	vld [tilespmem:s1+$0x20]  }
0x1a8: {  	[tilespmem:s24+$0x7F0F] =	vst v6  }
0x1a9: {  	v6 =	vld [tilespmem:s25+$0x20]  }
0x1aa: {  	[tilespmem:s24+$0x8010] =	vst v7  }
0x1ab: {  	v7 =	vld [tilespmem:s26+$0x20];
	[tilespmem:s24+$0x8121] =	vst v4  }
0x1ac: {  	v4 =	vld [tilespmem:s5+$0x30];
	[tilespmem:s24+$0x7E1E] =	vst v5  }
0x1ad: {  	v5 =	vld [tilespmem:s1+$0x30]  }
0x1ae: {  	[tilespmem:s24+$0x7F1F] =	vst v6  }
0x1af: {  	v6 =	vld [tilespmem:s25+$0x30]  }
0x1b0: {  	[tilespmem:s24+$0x8020] =	vst v7  }
0x1b1: {  	v7 =	vld [tilespmem:s26+$0x30];
	[tilespmem:s24+$0x8131] =	vst v4  }
0x1b2: {  	v4 =	vld [tilespmem:s5+$0x40];
	[tilespmem:s24+$0x7E2E] =	vst v5  }
0x1b3: {  	v5 =	vld [tilespmem:s1+$0x40]  }
0x1b4: {  	[tilespmem:s24+$0x7F2F] =	vst v6  }
0x1b5: {  	v6 =	vld [tilespmem:s25+$0x40]  }
0x1b6: {  	[tilespmem:s24+$0x8030] =	vst v7  }
0x1b7: {  	v7 =	vld [tilespmem:s26+$0x40];
	[tilespmem:s24+$0x8141] =	vst v4  }
0x1b8: {  	v4 =	vld [tilespmem:s5+$0x50];
	[tilespmem:s24+$0x7E3E] =	vst v5  }
0x1b9: {  	v5 =	vld [tilespmem:s1+$0x50]  }
0x1ba: {  	[tilespmem:s24+$0x7F3F] =	vst v6  }
0x1bb: {  	v6 =	vld [tilespmem:s25+$0x50]  }
0x1bc: {  	[tilespmem:s24+$0x8040] =	vst v7  }
0x1bd: {  	v7 =	vld [tilespmem:s26+$0x50];
	[tilespmem:s24+$0x8151] =	vst v4  }
0x1be: {  	v4 =	vld [tilespmem:s5+$0x60];
	[tilespmem:s24+$0x7E4E] =	vst v5  }
0x1bf: {  	v5 =	vld [tilespmem:s1+$0x60]  }
0x1c0: {  	[tilespmem:s24+$0x7F4F] =	vst v6  }
0x1c1: {  	v6 =	vld [tilespmem:s25+$0x60]  }
0x1c2: {  	[tilespmem:s24+$0x8050] =	vst v7  }
0x1c3: {  	v7 =	vld [tilespmem:s26+$0x60];
	[tilespmem:s24+$0x8161] =	vst v4  }
0x1c4: {  	v4 =	vld [tilespmem:s5+$0x70];
	[tilespmem:s24+$0x7E5E] =	vst v5  }
0x1c5: {  	v5 =	vld [tilespmem:s1+$0x70]  }
0x1c6: {  	[tilespmem:s24+$0x7F5F] =	vst v6  }
0x1c7: {  	v6 =	vld [tilespmem:s25+$0x70]  }
0x1c8: {  	[tilespmem:s24+$0x8060] =	vst v7  }
0x1c9: {  	v7 =	vld [tilespmem:s26+$0x70];
	[tilespmem:s24+$0x8171] =	vst v4  }
0x1ca: {  	v4 =	vld [tilespmem:s5+$0x400];
	[tilespmem:s24+$0x7E6E] =	vst v5  }
0x1cb: {  	s10 =	simm.s32 $0xC0C;
	v5 =	vld [tilespmem:s1+$0x400]  }
0x1cc: {  	s11 =	simm.s32 $0x0;
	s2 =	sand.u32 $0xFFFFFE00, s10;
	[tilespmem:s24+$0x7F6F] =	vst v6  }
0x1cd: {  	s3 =	sand.u32 $0xFFFFFE00, s11;
	s2 =	sadd.s32 $0x20C, s2;
	v6 =	vld [tilespmem:s25+$0x400]  }
0x1ce: {  	s12 =	simm.s32 $0x404;
	s3 =	sadd.s32 $0x200, s3;
	s2 =	sshra.s32 s2, $0x2;
	[tilespmem:s24+$0x8070] =	vst v7  }
0x1cf: {  	s3 =	sshra.s32 s3, $0x2;
	v7 =	vld [tilespmem:s26+$0x400];
	[tilespmem:s2+$0x8000] =	vst v4;
	s2 =	sand.u32 $0xFFFFFE00, s12  }
0x1d0: {  	s13 =	simm.s32 $0x808;
	v4 =	vld [tilespmem:s5+$0x410];
	s2 =	sadd.s32 $0x204, s2;
	[tilespmem:s3+$0x8000] =	vst v5  }
0x1d1: {  	s3 =	sand.u32 $0xFFFFFE00, s13;
	s2 =	sshra.s32 s2, $0x2;
	v5 =	vld [tilespmem:s1+$0x410]  }
0x1d2: {  	s14 =	sadd.s32 $0x208, s3;
	[tilespmem:s2+$0x8000] =	vst v6  }
0x1d3: {  	s2 =	sshra.s32 s14, $0x2;
	v6 =	vld [tilespmem:s25+$0x410]  }
0x1d4: {  	s15 =	simm.s32 $0x400;
	[tilespmem:s2+$0x8000] =	vst v7  }
0x1d5: {  	s17 =	sand.u32 $0x3800, s15;
	s4 =	simm.s32 $0x380;
	v7 =	vld [tilespmem:s26+$0x410];
	[tilespmem:s24+$0x8191] =	vst v4  }
0x1d6: {  	s21 =	simm.s32 $0x280;
	s19 =	sand.u32 $0x380, s4;
	s2 =	sor.u32 $0x4000, s17;
	v4 =	vld [tilespmem:s5+$0x420];
	[tilespmem:s24+$0x7E8E] =	vst v5  }
0x1d7: {  	s20 =	simm.s32 $0x200;
	s7 =	sand.u32 $0x280, s21;
	s28 =	sor.u32 s19, s2;
	v5 =	vld [tilespmem:s1+$0x420]  }
0x1d8: {  	s3 =	sand.u32 $0x200, s20;
	s7 =	sor.u32 s7, s2;
	[tilespmem:s24+$0x7F8F] =	vst v6;
	v6 =	vld [tilespmem:s28+$0x0]  }
0x1d9: {  	s10 =	sor.u32 s3, s2;
	v9 =	vld [tilespmem:s7+$0x0]  }
0x1da: {  	s22 =	simm.s32 $0x300;
	[tilespmem:s24+$0x8090] =	vst v7;
	v7 =	vld [tilespmem:s10+$0x0]  }
0x1db: {  	s8 =	sand.u32 $0x300, s22;
	v8 =	vld [tilespmem:s25+$0x420];
	[tilespmem:s24+$0x81A1] =	vst v4  }
0x1dc: {  	s29 =	simm.s32 $0x606;
	s8 =	sor.u32 s8, s2;
	v4 =	vld [tilespmem:s5+$0x430];
	[tilespmem:s24+$0x7E9E] =	vst v5  }
0x1dd: {  	v5 =	vld [tilespmem:s8+$0x0];
	[tilespmem:s29+$0x8101] =	vst v6  }
0x1de: {  	[tilespmem:s29+$0x7EFF] =	vst v9;
	v6 =	vld [tilespmem:s28+$0x10]  }
0x1df: {  	v9 =	vld [tilespmem:s7+$0x10];
	[tilespmem:s29+$0x7DFE] =	vst v7  }
0x1e0: {  	[tilespmem:s24+$0x7F9F] =	vst v8;
	v7 =	vld [tilespmem:s10+$0x10]  }
0x1e1: {  	v8 =	vld [tilespmem:s26+$0x420];
	[tilespmem:s24+$0x81B1] =	vst v4  }
0x1e2: {  	[tilespmem:s29+$0x8000] =	vst v5;
	v4 =	vld [tilespmem:s5+$0x440]  }
0x1e3: {  	v5 =	vld [tilespmem:s8+$0x10];
	[tilespmem:s29+$0x8111] =	vst v6  }
0x1e4: {  	[tilespmem:s29+$0x7F0F] =	vst v9;
	v6 =	vld [tilespmem:s28+$0x20]  }
0x1e5: {  	v9 =	vld [tilespmem:s7+$0x20];
	[tilespmem:s29+$0x7E0E] =	vst v7  }
0x1e6: {  	[tilespmem:s24+$0x80A0] =	vst v8;
	v7 =	vld [tilespmem:s10+$0x20]  }
0x1e7: {  	v8 =	vld [tilespmem:s1+$0x430];
	[tilespmem:s24+$0x81C1] =	vst v4  }
0x1e8: {  	[tilespmem:s29+$0x8010] =	vst v5;
	v4 =	vld [tilespmem:s5+$0x450]  }
0x1e9: {  	v5 =	vld [tilespmem:s8+$0x20];
	[tilespmem:s29+$0x8121] =	vst v6  }
0x1ea: {  	[tilespmem:s29+$0x7F1F] =	vst v9;
	v6 =	vld [tilespmem:s28+$0x30]  }
0x1eb: {  	v9 =	vld [tilespmem:s7+$0x30];
	[tilespmem:s29+$0x7E1E] =	vst v7  }
0x1ec: {  	[tilespmem:s24+$0x7EAE] =	vst v8;
	v7 =	vld [tilespmem:s10+$0x30]  }
0x1ed: {  	v8 =	vld [tilespmem:s25+$0x430];
	[tilespmem:s24+$0x81D1] =	vst v4  }
0x1ee: {  	[tilespmem:s29+$0x8020] =	vst v5;
	v4 =	vld [tilespmem:s5+$0x460]  }
0x1ef: {  	v5 =	vld [tilespmem:s8+$0x30];
	[tilespmem:s29+$0x8131] =	vst v6  }
0x1f0: {  	[tilespmem:s29+$0x7F2F] =	vst v9;
	v6 =	vld [tilespmem:s28+$0x40]  }
0x1f1: {  	v9 =	vld [tilespmem:s7+$0x40];
	[tilespmem:s29+$0x7E2E] =	vst v7  }
0x1f2: {  	[tilespmem:s24+$0x7FAF] =	vst v8;
	v7 =	vld [tilespmem:s10+$0x40]  }
0x1f3: {  	v8 =	vld [tilespmem:s26+$0x430];
	[tilespmem:s24+$0x81E1] =	vst v4  }
0x1f4: {  	[tilespmem:s29+$0x8030] =	vst v5;
	v4 =	vld [tilespmem:s5+$0x470]  }
0x1f5: {  	v5 =	vld [tilespmem:s8+$0x40];
	[tilespmem:s29+$0x8141] =	vst v6  }
0x1f6: {  	[tilespmem:s29+$0x7F3F] =	vst v9;
	v6 =	vld [tilespmem:s28+$0x50]  }
0x1f7: {  	v9 =	vld [tilespmem:s7+$0x50];
	[tilespmem:s29+$0x7E3E] =	vst v7  }
0x1f8: {  	[tilespmem:s24+$0x80B0] =	vst v8;
	v7 =	vld [tilespmem:s10+$0x50]  }
0x1f9: {  	v8 =	vld [tilespmem:s1+$0x440];
	[tilespmem:s24+$0x81F1] =	vst v4  }
0x1fa: {  	v4 =	vld [tilespmem:s25+$0x440];
	[tilespmem:s29+$0x8040] =	vst v5  }
0x1fb: {  	v5 =	vld [tilespmem:s8+$0x50];
	[tilespmem:s29+$0x8151] =	vst v6  }
0x1fc: {  	[tilespmem:s29+$0x7F4F] =	vst v9;
	v6 =	vld [tilespmem:s28+$0x60]  }
0x1fd: {  	v9 =	vld [tilespmem:s7+$0x60];
	[tilespmem:s29+$0x7E4E] =	vst v7  }
0x1fe: {  	[tilespmem:s24+$0x7EBE] =	vst v8;
	v8 =	vld [tilespmem:s10+$0x60]  }
0x1ff: {  	[tilespmem:s24+$0x7FBF] =	vst v4;
	v4 =	vld [tilespmem:s26+$0x440]  }
0x200: {  	v7 =	vld [tilespmem:s1+$0x450];
	[tilespmem:s29+$0x8050] =	vst v5  }
0x201: {  	v5 =	vld [tilespmem:s8+$0x60];
	[tilespmem:s29+$0x8161] =	vst v6  }
0x202: {  	[tilespmem:s29+$0x7F5F] =	vst v9;
	v6 =	vld [tilespmem:s28+$0x70]  }
0x203: {  	v9 =	vld [tilespmem:s7+$0x70];
	[tilespmem:s29+$0x7E5E] =	vst v8  }
0x204: {  	[tilespmem:s24+$0x80C0] =	vst v4;
	v4 =	vld [tilespmem:s25+$0x450]  }
0x205: {  	[tilespmem:s24+$0x7ECE] =	vst v7;
	v8 =	vld [tilespmem:s10+$0x70]  }
0x206: {  	v7 =	vld [tilespmem:s26+$0x450];
	[tilespmem:s29+$0x8060] =	vst v5  }
0x207: {  	v5 =	vld [tilespmem:s8+$0x70];
	[tilespmem:s29+$0x8171] =	vst v6  }
0x208: {  	[tilespmem:s29+$0x7F6F] =	vst v9;
	v6 =	vld [tilespmem:s28+$0x400]  }
0x209: {  	s9 =	simm.s32 $0x1C1C;
	v9 =	vld [tilespmem:s7+$0x400];
	[tilespmem:s24+$0x7FCF] =	vst v4  }
0x20a: {  	s11 =	simm.s32 $0x1010;
	s12 =	simm.s32 $0x1414;
	s2 =	sand.u32 $0xFFFFFE00, s9;
	v4 =	vld [tilespmem:s1+$0x460];
	[tilespmem:s29+$0x7E6E] =	vst v8  }
0x20b: {  	s14 =	sand.u32 $0xFFFFFE00, s12;
	s3 =	sand.u32 $0xFFFFFE00, s11;
	s2 =	sadd.s32 $0x21C, s2;
	[tilespmem:s24+$0x80D0] =	vst v7;
	v8 =	vld [tilespmem:s10+$0x400]  }
0x20c: {  	s13 =	sadd.s32 $0x210, s3;
	s3 =	sadd.s32 $0x214, s14;
	s2 =	sshra.s32 s2, $0x2;
	v7 =	vld [tilespmem:s25+$0x460];
	[tilespmem:s29+$0x8070] =	vst v5  }
0x20d: {  	s17 =	sshra.s32 s3, $0x2;
	v10 =	vld [tilespmem:s8+$0x400];
	[tilespmem:s2+$0x8000] =	vst v6  }
0x20e: {  	s15 =	simm.s32 $0x1818;
	[tilespmem:s17+$0x8000] =	vst v9;
	v6 =	vld [tilespmem:s28+$0x410]  }
0x20f: {  	s5 =	sand.u32 $0xFFFFFE00, s15;
	v11 =	vld [tilespmem:s26+$0x460];
	[tilespmem:s24+$0x7EDE] =	vst v4;
	s2 =	sshra.s32 s13, $0x2  }
0x210: {  	s5 =	sadd.s32 $0x218, s5;
	[tilespmem:s2+$0x8000] =	vst v8;
	v4 =	vld [tilespmem:s1+$0x470]  }
0x211: {  	s30 =	simm.s32 $0x404;
	s21 =	simm.s32 $0x707;
	s19 =	sshra.s32 s5, $0x2;
	[tilespmem:s24+$0x7FDF] =	vst v7;
	v5 =	vld [tilespmem:s10+$0x410]  }
0x212: {  	s22 =	simm.s32 $0x210;
	s20 =	simm.s32 $0x1818;
	s12 =	simm.s32 $0x800;
	v7 =	vld [tilespmem:s7+$0x410];
	[tilespmem:s19+$0x8000] =	vst v10  }
0x213: {  	s11 =	simm.s32 $0x4;
	s9 =	simm.s32 $0x21C;
	s15 =	simm.s32 $0x214;
	v8 =	vld [tilespmem:s8+$0x410];
	[tilespmem:s29+$0x8191] =	vst v6  }
0x214: {  	s17 =	simm.s32 $0x218;
	s13 =	simm.s32 $0x606;
	[tilespmem:s24+$0x80E0] =	vst v11;
	s19 =	simm.s32 $0x505;
	v6 =	vld [tilespmem:s28+$0x420]  }
.LBB2_7:
0x215: {  	s1 =	sand.u32 $0x3800, s12;
	s11 =	sadd.s32 $0x4, s11;
	s4 =	sadd.s32 $0x200, s4;
	[tilespmem:s24+$0x7EEE] =	vst v4;
	v4 =	vld [tilespmem:s25+$0x470]  }
0x216: {  	s2 =	sor.u32 $0x4000, s1;
	s1 =	sand.u32 $0x380, s4;
	p2 =	slt.u32 s11, $0x3C;
	[tilespmem:s29+$0x7E8E] =	vst v5;
	v5 =	vld [tilespmem:s26+$0x470]  }
0x217: {  	s3 =	sadd.s32 $0xFFFFFE80, s4;
	s14 =	sadd.s32 $0xFFFFFF00, s4;
	s5 =	sor.u32 s1, s2;
	v9 =	vld [tilespmem:s10+$0x420];
	[tilespmem:s29+$0x7F8F] =	vst v7  }
0x218: {  	s1 =	sand.u32 $0x200, s3;
	s3 =	sand.u32 $0x280, s14;
	s14 =	sadd.s32 $0xFFFFFF80, s4;
	v7 =	vld [tilespmem:s5+$0x0];
	[tilespmem:s29+$0x8090] =	vst v8  }
0x219: {  	s1 =	sor.u32 s1, s2;
	s3 =	sor.u32 s3, s2;
	s14 =	sand.u32 $0x300, s14;
	v8 =	vld [tilespmem:s7+$0x420];
	[tilespmem:s29+$0x81A1] =	vst v6  }
0x21a: {  	s25 =	smov.u32 s7;
	s2 =	sor.u32 s14, s2;
	s7 =	smov.u32 s3;
	v6 =	vld [tilespmem:s28+$0x430];
	[tilespmem:s24+$0x7FEF] =	vst v4  }
0x21b: {  	s20 =	sadd.s32 $0x1010, s20;
	s26 =	smov.u32 s8;
	s8 =	smov.u32 s2;
	v4 =	vld [tilespmem:s1+$0x0];
	[tilespmem:s24+$0x80F0] =	vst v5  }
0x21c: {  	s24 =	smov.u32 s29;
	v5 =	vld [tilespmem:s7+$0x0];
	[tilespmem:s29+$0x7E9E] =	vst v9;
	s29 =	sshra.s32 s20, $0x2  }
0x21d: {  	v9 =	vld [tilespmem:s8+$0x0];
	[tilespmem:s29+$0x8101] =	vst v7  }
0x21e: {  	v7 =	vld [tilespmem:s5+$0x10];
	[tilespmem:s24+$0x7F9F] =	vst v8  }
0x21f: {  	v8 =	vld [tilespmem:s26+$0x420];
	[tilespmem:s24+$0x81B1] =	vst v6  }
0x220: {  	[tilespmem:s29+$0x7DFE] =	vst v4;
	v4 =	vld [tilespmem:s28+$0x440]  }
0x221: {  	v6 =	vld [tilespmem:s1+$0x10];
	[tilespmem:s29+$0x7EFF] =	vst v5  }
0x222: {  	v5 =	vld [tilespmem:s7+$0x10];
	[tilespmem:s29+$0x8000] =	vst v9  }
0x223: {  	v9 =	vld [tilespmem:s8+$0x10];
	[tilespmem:s29+$0x8111] =	vst v7  }
0x224: {  	v7 =	vld [tilespmem:s5+$0x20];
	[tilespmem:s24+$0x80A0] =	vst v8  }
0x225: {  	v8 =	vld [tilespmem:s10+$0x430];
	[tilespmem:s24+$0x81C1] =	vst v4  }
0x226: {  	[tilespmem:s29+$0x7E0E] =	vst v6;
	v4 =	vld [tilespmem:s28+$0x450]  }
0x227: {  	v6 =	vld [tilespmem:s1+$0x20];
	[tilespmem:s29+$0x7F0F] =	vst v5  }
0x228: {  	v5 =	vld [tilespmem:s7+$0x20];
	[tilespmem:s29+$0x8010] =	vst v9  }
0x229: {  	v9 =	vld [tilespmem:s8+$0x20];
	[tilespmem:s29+$0x8121] =	vst v7  }
0x22a: {  	v7 =	vld [tilespmem:s5+$0x30];
	[tilespmem:s24+$0x7EAE] =	vst v8  }
0x22b: {  	v8 =	vld [tilespmem:s25+$0x430];
	[tilespmem:s24+$0x81D1] =	vst v4  }
0x22c: {  	[tilespmem:s29+$0x7E1E] =	vst v6;
	v4 =	vld [tilespmem:s28+$0x460]  }
0x22d: {  	v6 =	vld [tilespmem:s1+$0x30];
	[tilespmem:s29+$0x7F1F] =	vst v5  }
0x22e: {  	v5 =	vld [tilespmem:s7+$0x30];
	[tilespmem:s29+$0x8020] =	vst v9  }
0x22f: {  	v9 =	vld [tilespmem:s8+$0x30];
	[tilespmem:s29+$0x8131] =	vst v7  }
0x230: {  	v7 =	vld [tilespmem:s5+$0x40];
	[tilespmem:s24+$0x7FAF] =	vst v8  }
0x231: {  	v8 =	vld [tilespmem:s26+$0x430];
	[tilespmem:s24+$0x81E1] =	vst v4  }
0x232: {  	[tilespmem:s29+$0x7E2E] =	vst v6;
	v4 =	vld [tilespmem:s28+$0x470];
	s28 =	smov.u32 s5  }
0x233: {  	v6 =	vld [tilespmem:s1+$0x40];
	[tilespmem:s29+$0x7F2F] =	vst v5  }
0x234: {  	v5 =	vld [tilespmem:s7+$0x40];
	[tilespmem:s29+$0x8030] =	vst v9  }
0x235: {  	v9 =	vld [tilespmem:s8+$0x40];
	[tilespmem:s29+$0x8141] =	vst v7  }
0x236: {  	v7 =	vld [tilespmem:s28+$0x50];
	[tilespmem:s24+$0x80B0] =	vst v8  }
0x237: {  	v8 =	vld [tilespmem:s10+$0x440];
	[tilespmem:s24+$0x81F1] =	vst v4  }
0x238: {  	[tilespmem:s29+$0x7E3E] =	vst v6;
	v4 =	vld [tilespmem:s25+$0x440]  }
0x239: {  	v6 =	vld [tilespmem:s1+$0x50];
	[tilespmem:s29+$0x7F3F] =	vst v5  }
0x23a: {  	v5 =	vld [tilespmem:s7+$0x50];
	[tilespmem:s29+$0x8040] =	vst v9  }
0x23b: {  	v9 =	vld [tilespmem:s8+$0x50];
	[tilespmem:s29+$0x8151] =	vst v7  }
0x23c: {  	v7 =	vld [tilespmem:s28+$0x60];
	[tilespmem:s24+$0x7EBE] =	vst v8  }
0x23d: {  	[tilespmem:s24+$0x7FBF] =	vst v4;
	v4 =	vld [tilespmem:s26+$0x440]  }
0x23e: {  	[tilespmem:s29+$0x7E4E] =	vst v6;
	v6 =	vld [tilespmem:s10+$0x450]  }
0x23f: {  	v8 =	vld [tilespmem:s1+$0x60];
	[tilespmem:s29+$0x7F4F] =	vst v5  }
0x240: {  	v5 =	vld [tilespmem:s7+$0x60];
	[tilespmem:s29+$0x8050] =	vst v9  }
0x241: {  	v9 =	vld [tilespmem:s8+$0x60];
	[tilespmem:s29+$0x8161] =	vst v7  }
0x242: {  	v7 =	vld [tilespmem:s28+$0x70];
	[tilespmem:s24+$0x80C0] =	vst v4  }
0x243: {  	[tilespmem:s24+$0x7ECE] =	vst v6;
	v4 =	vld [tilespmem:s25+$0x450]  }
0x244: {  	[tilespmem:s29+$0x7E5E] =	vst v8;
	v6 =	vld [tilespmem:s26+$0x450]  }
0x245: {  	v8 =	vld [tilespmem:s1+$0x70];
	[tilespmem:s29+$0x7F5F] =	vst v5  }
0x246: {  	v5 =	vld [tilespmem:s7+$0x70];
	[tilespmem:s29+$0x8060] =	vst v9  }
0x247: {  	v9 =	vld [tilespmem:s8+$0x70];
	[tilespmem:s29+$0x8171] =	vst v7  }
0x248: {  	s21 =	sadd.s32 $0x404, s21;
	v7 =	vld [tilespmem:s28+$0x400];
	[tilespmem:s24+$0x7FCF] =	vst v4  }
0x249: {  	s22 =	sadd.s32 $0x10, s22;
	s2 =	sshll.u32 s21, $0x2;
	v4 =	vld [tilespmem:s10+$0x460];
	[tilespmem:s24+$0x80D0] =	vst v6  }
0x24a: {  	s9 =	sadd.s32 $0x10, s9;
	s30 =	sadd.s32 $0x404, s30;
	s2 =	sand.u32 $0xFFFFFE00, s2;
	[tilespmem:s29+$0x7E6E] =	vst v8;
	v6 =	vld [tilespmem:s25+$0x460]  }
0x24b: {  	s15 =	sadd.s32 $0x10, s15;
	s19 =	sadd.s32 $0x404, s19;
	s2 =	sadd.s32 s2, s9;
	v8 =	vld [tilespmem:s1+$0x400];
	[tilespmem:s29+$0x7F6F] =	vst v5  }
0x24c: {  	s17 =	sadd.s32 $0x10, s17;
	s3 =	sshll.u32 s30, $0x2;
	s2 =	sshra.s32 s2, $0x2;
	v10 =	vld [tilespmem:s7+$0x400];
	[tilespmem:s29+$0x8070] =	vst v9  }
0x24d: {  	s13 =	sadd.s32 $0x404, s13;
	s3 =	sand.u32 $0xFFFFFE00, s3;
	s5 =	sshll.u32 s19, $0x2;
	v9 =	vld [tilespmem:s8+$0x400];
	[tilespmem:s2+$0x8000] =	vst v7  }
0x24e: {  	s2 =	sadd.s32 s3, s22;
	s3 =	sand.u32 $0xFFFFFE00, s5;
	s5 =	sshll.u32 s13, $0x2;
	v11 =	vld [tilespmem:s28+$0x410];
	[tilespmem:s24+$0x7EDE] =	vst v4  }
0x24f: {  	s3 =	sadd.s32 s3, s15;
	s5 =	sand.u32 $0xFFFFFE00, s5;
	s2 =	sshra.s32 s2, $0x2;
	[tilespmem:s24+$0x7FDF] =	vst v6;
	v12 =	vld [tilespmem:s26+$0x460]  }
.Ltmp4:
0x250: {  	s5 =	sadd.s32 s5, s17;
	[tilespmem:s2+$0x8000] =	vst v8;
	s2 =	sshra.s32 s3, $0x2;
	v4 =	vld [tilespmem:s10+$0x470];
	(pc) =	sbr.rel @p2 .LBB2_7-.Ltmp4, $4  }
0x251: {  	s10 =	smov.u32 s1;
	v5 =	vld [tilespmem:s1+$0x410];
	[tilespmem:s2+$0x8000] =	vst v10;
	s2 =	sshra.s32 s5, $0x2  }
0x252: {  	v7 =	vld [tilespmem:s7+$0x410];
	[tilespmem:s2+$0x8000] =	vst v9  }
0x253: {  	v8 =	vld [tilespmem:s8+$0x410];
	[tilespmem:s29+$0x8191] =	vst v11  }
0x254: {  	s12 =	sadd.s32 $0x400, s12;
	v6 =	vld [tilespmem:s28+$0x420];
	[tilespmem:s24+$0x80E0] =	vst v12  }
0x255: {  	_ = 	snop  }
0x256: {  	[tilespmem:s29+$0x7E8E] =	vst v5  }
0x257: {  	v5 =	vld [tilespmem:s10+$0x420];
	[tilespmem:s29+$0x7F8F] =	vst v7  }
0x258: {  	[tilespmem:s29+$0x8090] =	vst v8;
	v7 =	vld [tilespmem:s7+$0x420]  }
0x259: {  	v8 =	vld [tilespmem:s8+$0x420];
	_ =	sdelay $0x1  }
0x25a: {  	[tilespmem:s29+$0x81A1] =	vst v6  }
0x25b: {  	v6 =	vld [tilespmem:s28+$0x430];
	[tilespmem:s29+$0x7E9E] =	vst v5  }
0x25c: {  	[tilespmem:s29+$0x7F9F] =	vst v7;
	v5 =	vld [tilespmem:s10+$0x430]  }
0x25d: {  	[tilespmem:s29+$0x80A0] =	vst v8;
	v7 =	vld [tilespmem:s7+$0x430]  }
0x25e: {  	v8 =	vld [tilespmem:s8+$0x430];
	_ =	sdelay $0x1  }
0x25f: {  	[tilespmem:s29+$0x81B1] =	vst v6  }
0x260: {  	v6 =	vld [tilespmem:s28+$0x440];
	[tilespmem:s29+$0x7EAE] =	vst v5  }
0x261: {  	[tilespmem:s29+$0x7FAF] =	vst v7;
	v5 =	vld [tilespmem:s10+$0x440]  }
0x262: {  	[tilespmem:s29+$0x80B0] =	vst v8;
	v7 =	vld [tilespmem:s7+$0x440]  }
0x263: {  	v8 =	vld [tilespmem:s8+$0x440];
	_ =	sdelay $0x1  }
0x264: {  	[tilespmem:s29+$0x81C1] =	vst v6  }
0x265: {  	v6 =	vld [tilespmem:s28+$0x450];
	[tilespmem:s29+$0x7EBE] =	vst v5  }
0x266: {  	[tilespmem:s29+$0x7FBF] =	vst v7;
	v5 =	vld [tilespmem:s10+$0x450]  }
0x267: {  	[tilespmem:s29+$0x80C0] =	vst v8;
	v7 =	vld [tilespmem:s7+$0x450]  }
0x268: {  	v8 =	vld [tilespmem:s8+$0x450];
	_ =	sdelay $0x1  }
0x269: {  	[tilespmem:s29+$0x81D1] =	vst v6  }
0x26a: {  	v6 =	vld [tilespmem:s28+$0x460];
	[tilespmem:s29+$0x7ECE] =	vst v5  }
0x26b: {  	[tilespmem:s29+$0x7FCF] =	vst v7;
	v5 =	vld [tilespmem:s10+$0x460]  }
0x26c: {  	[tilespmem:s29+$0x80D0] =	vst v8;
	v7 =	vld [tilespmem:s7+$0x460]  }
0x26d: {  	v8 =	vld [tilespmem:s8+$0x460]  }
0x26e: {  	[tilespmem:s24+$0x7EEE] =	vst v4;
	v4 =	vld [tilespmem:s25+$0x470]  }
0x26f: {  	v9 =	vld [tilespmem:s26+$0x470];
	[tilespmem:s29+$0x81E1] =	vst v6  }
0x270: {  	v6 =	vld [tilespmem:s28+$0x470];
	[tilespmem:s29+$0x7EDE] =	vst v5  }
0x271: {  	[tilespmem:s29+$0x7FDF] =	vst v7;
	v5 =	vld [tilespmem:s10+$0x470]  }
0x272: {  	[tilespmem:s29+$0x80E0] =	vst v8;
	v7 =	vld [tilespmem:s7+$0x470]  }
0x273: {  	s1 =	simm.s32 $0x2;
	[tilespmem:s24+$0x7FEF] =	vst v4;
	v4 =	vld [tilespmem:s8+$0x470]  }
0x274: {  	[tilespmem:s24+$0x80F0] =	vst v9;
	v8 =	vadd.s32 s1, v0  }
0x275: {  	[tilespmem:s29+$0x81F1] =	vst v6;
	v6 =	vadd.s32 s0, v0  }
0x276: {  	[tilespmem:s29+$0x7EEE] =	vst v5  }
0x277: {  	s2 =	simm.s32 $0x4;
	[tilespmem:s29+$0x7FEF] =	vst v7  }
0x278: {  	s26 =	simm.s32 $0x6;
	[tilespmem:s29+$0x80F0] =	vst v4;
	v4 =	vadd.s32 s2, v0  }
0x279: {  	v5 =	vadd.s32 s26, v0;
	v7 =	vld.idx.msk [tilespmem:v8+s16+$0x0], $0xffff  }
0x27a: {  	v6 =	vld.idx.msk [tilespmem:v6+s16+$0x0], $0xffff;
	v8 =	vadd.s32 s1, v1  }
0x27b: {  	v9 =	vadd.s32 s0, v1;
	_ =	sdelay $0x1  }
0x27c: {  	s4 =	simm.s32 $0x10180;
	v4 =	vld.idx.msk [tilespmem:v4+s16+$0x0], $0xffff  }
0x27d: {  	v10 =	vadd.s32 s2, v1;
	v5 =	vld.idx.msk [tilespmem:v5+s16+$0x0], $0xffff;
	[tilespmem:s4+$0xFFFFFF80] =	vst v7  }
0x27e: {  	v7 =	vadd.s32 s26, v1;
	[tilespmem:s4+$0xFFFFFF00] =	vst v6;
	v6 =	vld.idx.msk [tilespmem:v8+s16+$0x0], $0xffff  }
0x27f: {  	v8 =	vld.idx.msk [tilespmem:v9+s16+$0x0], $0xffff;
	v9 =	vadd.s32 s1, v2  }
0x280: {  	v11 =	vadd.s32 s0, v2  }
0x281: {  	[tilespmem:s4+$0x0] =	vst v4  }
0x282: {  	s28 =	simm.s32 $0x8;
	[tilespmem:s4+$0x80] =	vst v5;
	v4 =	vld.idx.msk [tilespmem:v10+s16+$0x0], $0xffff  }
0x283: {  	v12 =	vadd.s32 s28, v0;
	v5 =	vld.idx.msk [tilespmem:v7+s16+$0x0], $0xffff;
	[tilespmem:s4+$0xFFFFFF90] =	vst v6  }
0x284: {  	[tilespmem:s4+$0xFFFFFF10] =	vst v8;
	v8 =	vadd.s32 s26, v2;
	v6 =	vld.idx.msk [tilespmem:v9+s16+$0x0], $0xffff  }
0x285: {  	v9 =	vadd.s32 s1, v3;
	v10 =	vld.idx.msk [tilespmem:v11+s16+$0x0], $0xffff  }
0x286: {  	s5 =	simm.s32 $0xC;
	v11 =	vadd.s32 s0, v3  }
0x287: {  	[tilespmem:s4+$0x10] =	vst v4;
	v4 =	vadd.s32 s5, v0  }
0x288: {  	s29 =	simm.s32 $0xA;
	v12 =	vld.idx.msk [tilespmem:v12+s16+$0x0], $0xffff;
	v7 =	vadd.s32 s2, v2;
	[tilespmem:s4+$0x90] =	vst v5  }
0x289: {  	s30 =	simm.s32 $0xE;
	v5 =	vadd.s32 s29, v0;
	v8 =	vld.idx.msk [tilespmem:v8+s16+$0x0], $0xffff;
	[tilespmem:s4+$0xFFFFFFA0] =	vst v6  }
0x28a: {  	s3 =	simm.s32 $0x3;
	v6 =	vadd.s32 s30, v0;
	[tilespmem:s4+$0xFFFFFF20] =	vst v10;
	v9 =	vld.idx.msk [tilespmem:v9+s16+$0x0], $0xffff  }
0x28b: {  	v10 =	vld.idx.msk [tilespmem:v11+s16+$0x0], $0xffff;
	v11 =	vadd.s32 s3, v0  }
0x28c: {  	v13 =	vadd.s32 s26, v3;
	v4 =	vld.idx.msk [tilespmem:v4+s16+$0x0], $0xffff  }
0x28d: {  	v14 =	vadd.s32 s5, v1;
	s0 =	simm.s32 $0x10380;
	v7 =	vld.idx.msk [tilespmem:v7+s16+$0x0], $0xffff  }
0x28e: {  	v15 =	vadd.s32 s28, v1;
	[tilespmem:s0+$0xFFFFFF00] =	vst v12;
	v5 =	vld.idx.msk [tilespmem:v5+s16+$0x0], $0xffff  }
0x28f: {  	v16 =	vadd.s32 s29, v1;
	v6 =	vld.idx.msk [tilespmem:v6+s16+$0x0], $0xffff;
	[tilespmem:s4+$0xFFFFFFB0] =	vst v9  }
0x290: {  	[tilespmem:s4+$0xA0] =	vst v8;
	v9 =	vadd.s32 s2, v3;
	v8 =	vld.idx.msk [tilespmem:v11+s16+$0x0], $0xffff  }
0x291: {  	v11 =	vld.idx.msk [tilespmem:v13+s16+$0x0], $0xffff;
	v13 =	vadd.s32 s30, v1;
	[tilespmem:s0+$0x0] =	vst v4  }
0x292: {  	[tilespmem:s4+$0x20] =	vst v7;
	v4 =	vadd.s32 s3, v1;
	v12 =	vld.idx.msk [tilespmem:v14+s16+$0x0], $0xffff  }
0x293: {  	[tilespmem:s0+$0xFFFFFF80] =	vst v5;
	v5 =	vadd.s32 s5, v2;
	v14 =	vld.idx.msk [tilespmem:v15+s16+$0x0], $0xffff  }
0x294: {  	s9 =	simm.s32 $0x7;
	v7 =	vld.idx.msk [tilespmem:v16+s16+$0x0], $0xffff;
	v15 =	vadd.s32 s28, v2;
	[tilespmem:s0+$0x80] =	vst v6  }
0x295: {  	v6 =	vadd.s32 s9, v0;
	v9 =	vld.idx.msk [tilespmem:v9+s16+$0x0], $0xffff;
	[tilespmem:s4+$0xFFFFFFC0] =	vst v8  }
0x296: {  	v8 =	vadd.s32 s29, v2;
	v13 =	vld.idx.msk [tilespmem:v13+s16+$0x0], $0xffff;
	[tilespmem:s4+$0xB0] =	vst v11  }
0x297: {  	v11 =	vadd.s32 s30, v2;
	v4 =	vld.idx.msk [tilespmem:v4+s16+$0x0], $0xffff;
	[tilespmem:s0+$0x10] =	vst v12  }
0x298: {  	s13 =	simm.s32 $0x5;
	v12 =	vadd.s32 s3, v2;
	[tilespmem:s0+$0xFFFFFF10] =	vst v14;
	v5 =	vld.idx.msk [tilespmem:v5+s16+$0x0], $0xffff  }
0x299: {  	s12 =	simm.s32 $0x1;
	[tilespmem:s4+$0xFFFFFF30] =	vst v10;
	v14 =	vadd.s32 s13, v0;
	v15 =	vld.idx.msk [tilespmem:v15+s16+$0x0], $0xffff  }
0x29a: {  	s8 =	simm.s32 $0x10;
	[tilespmem:s0+$0xFFFFFF90] =	vst v7;
	v7 =	vadd.s32 s12, v0;
	v6 =	vld.idx.msk [tilespmem:v6+s16+$0x0], $0xffff  }
0x29b: {  	v10 =	vadd.s32 s8, v0;
	v8 =	vld.idx.msk [tilespmem:v8+s16+$0x0], $0xffff;
	[tilespmem:s0+$0x90] =	vst v13  }
0x29c: {  	v13 =	vadd.s32 s9, v1;
	[tilespmem:s4+$0xFFFFFFD0] =	vst v4;
	v11 =	vld.idx.msk [tilespmem:v11+s16+$0x0], $0xffff  }
0x29d: {  	[tilespmem:s4+$0x30] =	vst v9;
	v4 =	vadd.s32 s28, v3;
	v9 =	vld.idx.msk [tilespmem:v12+s16+$0x0], $0xffff  }
0x29e: {  	s10 =	simm.s32 $0x16;
	v16 =	vadd.s32 s29, v3;
	v12 =	vld.idx.msk [tilespmem:v14+s16+$0x0], $0xffff;
	[tilespmem:s0+$0xFFFFFF20] =	vst v15  }
0x29f: {  	s1 =	simm.s32 $0x14;
	v7 =	vld.idx.msk [tilespmem:v7+s16+$0x0], $0xffff;
	v14 =	vadd.s32 s10, v0;
	[tilespmem:s4+$0xC0] =	vst v6  }
0x2a0: {  	v6 =	vld.idx.msk [tilespmem:v10+s16+$0x0], $0xffff;
	v10 =	vadd.s32 s1, v0;
	[tilespmem:s0+$0x20] =	vst v5  }
0x2a1: {  	s15 =	simm.s32 $0x12;
	[tilespmem:s0+$0xFFFFFFA0] =	vst v8;
	v8 =	vadd.s32 s12, v1;
	v5 =	vld.idx.msk [tilespmem:v13+s16+$0x0], $0xffff  }
0x2a2: {  	v13 =	vadd.s32 s15, v0;
	v4 =	vld.idx.msk [tilespmem:v4+s16+$0x0], $0xffff;
	[tilespmem:s0+$0xA0] =	vst v11  }
0x2a3: {  	v15 =	vld.idx.msk [tilespmem:v16+s16+$0x0], $0xffff;
	v16 =	vadd.s32 s30, v3;
	[tilespmem:s4+$0xFFFFFFE0] =	vst v9  }
0x2a4: {  	s7 =	simm.s32 $0x10580;
	v9 =	vadd.s32 s13, v1;
	v14 =	vld.idx.msk [tilespmem:v14+s16+$0x0], $0xffff;
	[tilespmem:s4+$0xFFFFFF40] =	vst v7  }
0x2a5: {  	v11 =	vadd.s32 s8, v1;
	[tilespmem:s7+$0xFFFFFF00] =	vst v6;
	v6 =	vld.idx.msk [tilespmem:v10+s16+$0x0], $0xffff  }
0x2a6: {  	s11 =	simm.s32 $0xB;
	v7 =	vld.idx.msk [tilespmem:v8+s16+$0x0], $0xffff;
	v8 =	vadd.s32 s9, v2  }
0x2a7: {  	[tilespmem:s4+$0x40] =	vst v12;
	v12 =	vadd.s32 s11, v0;
	v13 =	vld.idx.msk [tilespmem:v13+s16+$0x0], $0xffff  }
0x2a8: {  	v10 =	vadd.s32 s3, v3;
	[tilespmem:s4+$0xD0] =	vst v5;
	v16 =	vld.idx.msk [tilespmem:v16+s16+$0x0], $0xffff  }
0x2a9: {  	[tilespmem:s0+$0xFFFFFF30] =	vst v4;
	v4 =	vadd.s32 s12, v2;
	v9 =	vld.idx.msk [tilespmem:v9+s16+$0x0], $0xffff  }
0x2aa: {  	[tilespmem:s0+$0xFFFFFFB0] =	vst v15;
	v15 =	vadd.s32 s13, v2;
	v11 =	vld.idx.msk [tilespmem:v11+s16+$0x0], $0xffff  }
0x2ab: {  	[tilespmem:s7+$0x80] =	vst v14;
	v5 =	vld.idx.msk [tilespmem:v8+s16+$0x0], $0xffff;
	v8 =	vadd.s32 s1, v1  }
0x2ac: {  	[tilespmem:s4+$0xFFFFFF50] =	vst v7;
	v7 =	vld.idx.msk [tilespmem:v12+s16+$0x0], $0xffff;
	v12 =	vadd.s32 s5, v3  }
0x2ad: {  	v10 =	vld.idx.msk [tilespmem:v10+s16+$0x0], $0xffff;
	[tilespmem:s0+$0xB0] =	vst v16;
	v16 =	vadd.s32 s10, v1  }
0x2ae: {  	v14 =	vadd.s32 s11, v1;
	v4 =	vld.idx.msk [tilespmem:v4+s16+$0x0], $0xffff;
	[tilespmem:s4+$0x50] =	vst v9  }
0x2af: {  	v17 =	vadd.s32 s9, v3;
	[tilespmem:s7+$0x0] =	vst v6;
	v6 =	vld.idx.msk [tilespmem:v15+s16+$0x0], $0xffff  }
0x2b0: {  	[tilespmem:s7+$0xFFFFFF80] =	vst v13;
	v9 =	vadd.s32 s15, v1;
	v8 =	vld.idx.msk [tilespmem:v8+s16+$0x0], $0xffff  }
0x2b1: {  	v15 =	vadd.s32 s13, v3;
	[tilespmem:s4+$0xE0] =	vst v5;
	v12 =	vld.idx.msk [tilespmem:v12+s16+$0x0], $0xffff  }
0x2b2: {  	v13 =	vadd.s32 s12, v3;
	[tilespmem:s0+$0xFFFFFFC0] =	vst v7;
	v5 =	vld.idx.msk [tilespmem:v16+s16+$0x0], $0xffff  }
0x2b3: {  	v18 =	vadd.s32 s8, v2;
	[tilespmem:s7+$0xFFFFFF10] =	vst v11;
	v19 =	vld.idx.msk [tilespmem:v14+s16+$0x0], $0xffff  }
0x2b4: {  	s9 =	simm.s32 $0xF;
	[tilespmem:s4+$0xFFFFFFF0] =	vst v10;
	v16 =	vadd.s32 s1, v2;
	v7 =	vld.idx.msk [tilespmem:v17+s16+$0x0], $0xffff  }
0x2b5: {  	v22 =	vadd.s32 s9, v0;
	v9 =	vld.idx.msk [tilespmem:v9+s16+$0x0], $0xffff;
	[tilespmem:s4+$0x60] =	vst v6  }
0x2b6: {  	v20 =	vadd.s32 s15, v2;
	[tilespmem:s4+$0xFFFFFF60] =	vst v4;
	v21 =	vld.idx.msk [tilespmem:v15+s16+$0x0], $0xffff  }
0x2b7: {  	s5 =	simm.s32 $0xD;
	v14 =	vadd.s32 s11, v2;
	v10 =	vld.idx.msk [tilespmem:v13+s16+$0x0], $0xffff;
	[tilespmem:s7+$0x10] =	vst v8  }
0x2b8: {  	s12 =	simm.s32 $0x9;
	v13 =	vadd.s32 s5, v0;
	[tilespmem:s0+$0x30] =	vst v12;
	v8 =	vld.idx.msk [tilespmem:v18+s16+$0x0], $0xffff  }
0x2b9: {  	v6 =	vld.idx.msk [tilespmem:v16+s16+$0x0], $0xffff;
	v16 =	vadd.s32 s12, v0;
	[tilespmem:s0+$0xFFFFFFD0] =	vst v19  }
0x2ba: {  	v15 =	vadd.s32 s10, v2;
	v12 =	vld.idx.msk [tilespmem:v22+s16+$0x0], $0xffff;
	[tilespmem:s7+$0xFFFFFF90] =	vst v9  }
0x2bb: {  	s13 =	simm.s32 $0x8;
	v4 =	vadd.s32 s15, v3;
	s15 =	simm.s32 $0x18;
	v9 =	vadd.s32 s8, v3;
	v11 =	vld.idx.msk [tilespmem:v20+s16+$0x0], $0xffff;
	[tilespmem:s4+$0x70] =	vst v21  }
.LBB2_9:
0x2bc: {  	v17 =	vadd.s32 s15, v0;
	s17 =	sadd.s32 $0x2, s15;
	s13 =	sadd.s32 $0x4, s13;
	v14 =	vld.idx.msk [tilespmem:v14+s16+$0x0], $0xffff;
	[tilespmem:s4+$0xFFFFFF70] =	vst v10  }
0x2bd: {  	s3 =	sadd.s32 $0x4, s15;
	v10 =	vadd.s32 s17, v0;
	v18 =	vadd.s32 s17, v3;
	p2 =	slt.u32 s13, $0x7C;
	v13 =	vld.idx.msk [tilespmem:v13+s16+$0x0], $0xffff;
	[tilespmem:s4+$0xF0] =	vst v7;
	s4 =	smov.u32 s0  }
0x2be: {  	s2 =	sadd.s32 $0x6, s15;
	v7 =	vadd.s32 s3, v0;
	s0 =	smov.u32 s7;
	[tilespmem:s7+$0x90] =	vst v5;
	v5 =	vld.idx.msk [tilespmem:v16+s16+$0x0], $0xffff;
	v16 =	vadd.s32 s9, v1  }
0x2bf: {  	v19 =	vadd.s32 s2, v0;
	[tilespmem:s7+$0xFFFFFF20] =	vst v8;
	v8 =	vld.idx.msk [tilespmem:v15+s16+$0x0], $0xffff  }
0x2c0: {  	v9 =	vld.idx.msk [tilespmem:v9+s16+$0x0], $0xffff;
	[tilespmem:s7+$0xFFFFFFA0] =	vst v11;
	v11 =	vadd.s32 s12, v1  }
0x2c1: {  	v20 =	vadd.s32 s10, v3;
	s10 =	smov.u32 s2;
	v15 =	vld.idx.msk [tilespmem:v4+s16+$0x0], $0xffff;
	[tilespmem:s4+$0xC0] =	vst v12;
	v4 =	vmov v18  }
0x2c2: {  	v12 =	vld.idx.msk [tilespmem:v17+s16+$0x0], $0xffff;
	[tilespmem:s4+$0xFFFFFFE0] =	vst v14;
	v14 =	vadd.s32 s5, v1  }
0x2c3: {  	v17 =	vadd.s32 s15, v1;
	[tilespmem:s7+$0x20] =	vst v6;
	v6 =	vld.idx.msk [tilespmem:v16+s16+$0x0], $0xffff  }
0x2c4: {  	v16 =	vadd.s32 s17, v1;
	v18 =	vld.idx.msk [tilespmem:v19+s16+$0x0], $0xffff;
	[tilespmem:s4+$0xFFFFFF40] =	vst v5  }
0x2c5: {  	v5 =	vadd.s32 s3, v1;
	[tilespmem:s7+$0xA0] =	vst v8;
	v8 =	vld.idx.msk [tilespmem:v11+s16+$0x0], $0xffff;
	v11 =	vadd.s32 s9, v2  }
0x2c6: {  	s2 =	sadd.s32 $0x3, s8;
	v19 =	vadd.s32 s10, v1;
	s7 =	sadd.s32 $0x200, s7;
	v20 =	vld.idx.msk [tilespmem:v20+s16+$0x0], $0xffff;
	[tilespmem:s4+$0x40] =	vst v13  }
0x2c7: {  	v13 =	vadd.s32 s2, v0;
	[tilespmem:s0+$0xFFFFFFB0] =	vst v15;
	v14 =	vld.idx.msk [tilespmem:v14+s16+$0x0], $0xffff  }
0x2c8: {  	[tilespmem:s7+$0xFFFFFF00] =	vst v12;
	v7 =	vld.idx.msk [tilespmem:v7+s16+$0x0], $0xffff;
	v12 =	vadd.s32 s11, v3;
	s11 =	smov.u32 s2  }
0x2c9: {  	v15 =	vadd.s32 s5, v2;
	v10 =	vld.idx.msk [tilespmem:v10+s16+$0x0], $0xffff;
	[tilespmem:s4+$0xD0] =	vst v6  }
0x2ca: {  	v6 =	vadd.s32 s12, v2;
	[tilespmem:s0+$0xFFFFFF30] =	vst v9;
	v9 =	vld.idx.msk [tilespmem:v11+s16+$0x0], $0xffff  }
0x2cb: {  	v11 =	vld.idx.msk [tilespmem:v17+s16+$0x0], $0xffff;
	[tilespmem:s4+$0xFFFFFF50] =	vst v8  }
0x2cc: {  	v8 =	vld.idx.msk [tilespmem:v13+s16+$0x0], $0xffff;
	v13 =	vadd.s32 s1, v3;
	[tilespmem:s0+$0xB0] =	vst v20;
	s1 =	smov.u32 s3  }
0x2cd: {  	v12 =	vld.idx.msk [tilespmem:v12+s16+$0x0], $0xffff;
	[tilespmem:s4+$0x50] =	vst v14  }
0x2ce: {  	[tilespmem:s7+$0x0] =	vst v7;
	v7 =	vld.idx.msk [tilespmem:v15+s16+$0x0], $0xffff  }
0x2cf: {  	v14 =	vadd.s32 s11, v1;
	[tilespmem:s7+$0x80] =	vst v18;
	v6 =	vld.idx.msk [tilespmem:v6+s16+$0x0], $0xffff  }
0x2d0: {  	v17 =	vadd.s32 s5, v3;
	v15 =	vld.idx.msk [tilespmem:v5+s16+$0x0], $0xffff;
	[tilespmem:s4+$0xE0] =	vst v9  }
0x2d1: {  	[tilespmem:s7+$0xFFFFFF80] =	vst v10;
	v9 =	vld.idx.msk [tilespmem:v13+s16+$0x0], $0xffff;
	v10 =	vadd.s32 s12, v3;
	v13 =	vadd.s32 s9, v3  }
0x2d2: {  	v5 =	vld.idx.msk [tilespmem:v19+s16+$0x0], $0xffff;
	[tilespmem:s0+$0xFFFFFFC0] =	vst v8  }
0x2d3: {  	v8 =	vadd.s32 s1, v2;
	v16 =	vld.idx.msk [tilespmem:v16+s16+$0x0], $0xffff;
	[tilespmem:s4+$0xFFFFFFF0] =	vst v12  }
0x2d4: {  	v12 =	vadd.s32 s15, v2;
	v18 =	vld.idx.msk [tilespmem:v14+s16+$0x0], $0xffff;
	[tilespmem:s4+$0x60] =	vst v7  }
0x2d5: {  	s9 =	sadd.s32 $0x7, s8;
	v19 =	vadd.s32 s17, v2;
	[tilespmem:s4+$0xFFFFFF60] =	vst v6;
	v17 =	vld.idx.msk [tilespmem:v17+s16+$0x0], $0xffff  }
0x2d6: {  	v20 =	vadd.s32 s9, v0;
	[tilespmem:s7+$0x10] =	vst v15;
	v10 =	vld.idx.msk [tilespmem:v10+s16+$0x0], $0xffff  }
.Ltmp5:
0x2d7: {  	s5 =	sadd.s32 $0x5, s8;
	v14 =	vadd.s32 s11, v2;
	[tilespmem:s0+$0x30] =	vst v9;
	v7 =	vld.idx.msk [tilespmem:v13+s16+$0x0], $0xffff;
	(pc) =	sbr.rel @p2 .LBB2_9-.Ltmp5, $4  }
0x2d8: {  	s12 =	sadd.s32 $0x1, s8;
	s8 =	smov.u32 s15;
	v13 =	vadd.s32 s5, v0;
	[tilespmem:s7+$0xFFFFFF10] =	vst v11;
	v6 =	vld.idx.msk [tilespmem:v8+s16+$0x0], $0xffff  }
0x2d9: {  	v8 =	vld.idx.msk [tilespmem:v12+s16+$0x0], $0xffff;
	[tilespmem:s7+$0xFFFFFF90] =	vst v16;
	v16 =	vadd.s32 s12, v0  }
0x2da: {  	v15 =	vadd.s32 s10, v2;
	v11 =	vld.idx.msk [tilespmem:v19+s16+$0x0], $0xffff;
	[tilespmem:s0+$0xFFFFFFD0] =	vst v18  }
0x2db: {  	s15 =	sadd.s32 $0x8, s15;
	v9 =	vadd.s32 s8, v3;
	v12 =	vld.idx.msk [tilespmem:v20+s16+$0x0], $0xffff;
	[tilespmem:s4+$0x70] =	vst v17  }
0x2dc: {  	_ =	sdelay $0x1  }
0x2dd: {  	[tilespmem:s4+$0xFFFFFF70] =	vst v10  }
0x2de: {  	[tilespmem:s4+$0xF0] =	vst v7  }
0x2df: {  	v29 =	vld.idx.msk [tilespmem:v14+s16+$0x0], $0xffff;
	[tilespmem:s7+$0x90] =	vst v5;
	v5 =	vadd.s32 s9, v1  }
0x2e0: {  	v30 =	vld.idx.msk [tilespmem:v16+s16+$0x0], $0xffff;
	[tilespmem:s7+$0x20] =	vst v6  }
0x2e1: {  	v32 =	vadd.s32 s1, v3;
	v13 =	vld.idx.msk [tilespmem:v13+s16+$0x0], $0xffff;
	[tilespmem:s7+$0xFFFFFF20] =	vst v8  }
0x2e2: {  	v33 =	vadd.s32 s12, v1;
	v31 =	vld.idx.msk [tilespmem:v15+s16+$0x0], $0xffff;
	[tilespmem:s7+$0xFFFFFFA0] =	vst v11  }
0x2e3: {  	v34 =	vadd.s32 s10, v3;
	[tilespmem:s0+$0xC0] =	vst v12;
	v4 =	vld.idx.msk [tilespmem:v4+s16+$0x0], $0xffff  }
0x2e4: {  	v35 =	vadd.s32 s5, v1;
	[tilespmem:s0+$0xFFFFFFE0] =	vst v29;
	v5 =	vld.idx.msk [tilespmem:v5+s16+$0x0], $0xffff  }
0x2e5: {  	s25 =	sadd.s32 $0x3, s8;
	v42 =	vadd.s32 s11, v3;
	v36 =	vld.idx.msk [tilespmem:v9+s16+$0x0], $0xffff;
	[tilespmem:s0+$0xFFFFFF40] =	vst v30  }
0x2e6: {  	s2 =	sadd.s32 $0x5, s8;
	v38 =	vadd.s32 s25, v0;
	v39 =	vld.idx.msk [tilespmem:v32+s16+$0x0], $0xffff;
	[tilespmem:s0+$0x40] =	vst v13  }
0x2e7: {  	s3 =	sadd.s32 $0x1, s8;
	v41 =	vadd.s32 s2, v0;
	[tilespmem:s7+$0xA0] =	vst v31;
	v40 =	vld.idx.msk [tilespmem:v33+s16+$0x0], $0xffff  }
0x2e8: {  	s26 =	sadd.s32 $0x7, s8;
	v12 =	vld.idx.msk [tilespmem:v34+s16+$0x0], $0xffff;
	[tilespmem:s7+$0xFFFFFFB0] =	vst v4;
	v4 =	vadd.s32 s3, v0  }
0x2e9: {  	v10 =	vld.idx.msk [tilespmem:v35+s16+$0x0], $0xffff;
	[tilespmem:s0+$0xD0] =	vst v5;
	v5 =	vadd.s32 s26, v0  }
0x2ea: {  	v37 =	vadd.s32 s9, v2;
	v49 =	vld.idx.msk [tilespmem:v42+s16+$0x0], $0xffff;
	[tilespmem:s7+$0xFFFFFF30] =	vst v36  }
0x2eb: {  	v44 =	vadd.s32 s5, v2;
	v8 =	vld.idx.msk [tilespmem:v38+s16+$0x0], $0xffff;
	[tilespmem:s7+$0x30] =	vst v39  }
0x2ec: {  	v45 =	vadd.s32 s25, v1;
	[tilespmem:s0+$0xFFFFFF50] =	vst v40;
	v46 =	vld.idx.msk [tilespmem:v41+s16+$0x0], $0xffff  }
0x2ed: {  	v47 =	vadd.s32 s2, v1;
	[tilespmem:s7+$0xB0] =	vst v12;
	v4 =	vld.idx.msk [tilespmem:v4+s16+$0x0], $0xffff  }
0x2ee: {  	v48 =	vadd.s32 s3, v1;
	[tilespmem:s0+$0x50] =	vst v10;
	v5 =	vld.idx.msk [tilespmem:v5+s16+$0x0], $0xffff  }
0x2ef: {  	v50 =	vadd.s32 s26, v1;
	v43 =	vld.idx.msk [tilespmem:v37+s16+$0x0], $0xffff;
	[tilespmem:s0+$0xFFFFFFF0] =	vst v49  }
0x2f0: {  	v51 =	vadd.s32 s12, v2;
	v7 =	vld.idx.msk [tilespmem:v44+s16+$0x0], $0xffff;
	[tilespmem:s7+$0xFFFFFFC0] =	vst v8  }
0x2f1: {  	v52 =	vadd.s32 s5, v3;
	v9 =	vld.idx.msk [tilespmem:v45+s16+$0x0], $0xffff;
	[tilespmem:s7+$0x40] =	vst v46  }
0x2f2: {  	v53 =	vadd.s32 s25, v2;
	[tilespmem:s7+$0xFFFFFF40] =	vst v4;
	v4 =	vld.idx.msk [tilespmem:v47+s16+$0x0], $0xffff  }
0x2f3: {  	v54 =	vadd.s32 s2, v2;
	[tilespmem:s7+$0xC0] =	vst v5;
	v5 =	vld.idx.msk [tilespmem:v48+s16+$0x0], $0xffff  }
0x2f4: {  	v55 =	vadd.s32 s3, v2;
	[tilespmem:s0+$0xE0] =	vst v43;
	v6 =	vld.idx.msk [tilespmem:v50+s16+$0x0], $0xffff  }
0x2f5: {  	v57 =	vadd.s32 s26, v2;
	v56 =	vld.idx.msk [tilespmem:v51+s16+$0x0], $0xffff;
	[tilespmem:s0+$0x60] =	vst v7  }
0x2f6: {  	v58 =	vadd.s32 s12, v3;
	v8 =	vld.idx.msk [tilespmem:v52+s16+$0x0], $0xffff;
	[tilespmem:s7+$0xFFFFFFD0] =	vst v9  }
0x2f7: {  	v59 =	vadd.s32 s9, v3;
	v11 =	vld.idx.msk [tilespmem:v53+s16+$0x0], $0xffff;
	[tilespmem:s7+$0x50] =	vst v4  }
0x2f8: {  	v4 =	vadd.s32 s25, v3;
	[tilespmem:s7+$0xFFFFFF50] =	vst v5;
	v5 =	vld.idx.msk [tilespmem:v54+s16+$0x0], $0xffff  }
0x2f9: {  	v61 =	vadd.s32 s2, v3;
	[tilespmem:s7+$0xD0] =	vst v6;
	v60 =	vld.idx.msk [tilespmem:v55+s16+$0x0], $0xffff  }
0x2fa: {  	v62 =	vadd.s32 s3, v3;
	[tilespmem:s0+$0xFFFFFF60] =	vst v56;
	v7 =	vld.idx.msk [tilespmem:v57+s16+$0x0], $0xffff  }
0x2fb: {  	v63 =	vadd.s32 s26, v3;
	v13 =	vld.idx.msk [tilespmem:v58+s16+$0x0], $0xffff;
	[tilespmem:s0+$0x70] =	vst v8  }
0x2fc: {  	v9 =	vld.idx.msk [tilespmem:v59+s16+$0x0], $0xffff;
	[tilespmem:s7+$0xFFFFFFE0] =	vst v11  }
0x2fd: {  	v4 =	vld.idx.msk [tilespmem:v4+s16+$0x0], $0xffff;
	[tilespmem:s7+$0x60] =	vst v5  }
0x2fe: {  	[tilespmem:s7+$0xFFFFFF60] =	vst v60;
	v5 =	vld.idx.msk [tilespmem:v61+s16+$0x0], $0xffff  }
0x2ff: {  	[tilespmem:s7+$0xE0] =	vst v7;
	v6 =	vld.idx.msk [tilespmem:v62+s16+$0x0], $0xffff  }
0x300: {  	s31 =	sadd.s32 $0x1, s31;
	[tilespmem:s0+$0xFFFFFF70] =	vst v13;
	v7 =	vld.idx.msk [tilespmem:v63+s16+$0x0], $0xffff  }
0x301: {  	p2 =	sne.s32 s31, $0x3D;
	[tilespmem:s0+$0xF0] =	vst v9  }
.Ltmp6:
0x302: {  	[tilespmem:s7+$0xFFFFFFF0] =	vst v4;
	(pc) =	sbr.rel @p2 .LBB2_2-.Ltmp6, $4  }
0x303: {  	[tilespmem:s7+$0x70] =	vst v5  }
0x304: {  	s28 =	sshll.u32 s23, $0x10;
	[tilespmem:s7+$0xFFFFFF70] =	vst v6  }
0x305: {  	s29 =	simm.s32 $0x0;
	s30 =	simm.s32 $0x10080;
	s0 =	sadd.s32 s28, s6;
	[tilespmem:s7+$0xF0] =	vst v7  }
0x306: {  	[hbm4b:s0+s29] =	stream.linear.scatter [tilespmem:s30], [sflag:$0x4], $0x4000, $0x38;
	[tilespmem:$0x14080] =	vst v63  }
0x307: {  	s0 =	simm.s32 $0x3  }
0x308: {  	_ =	swait.ge [sflag:s0], $0x4000  }
.Ltmp7:
0x309: {  	[sflag:s0] =	ssyncset.done $0x0;
	(pc) =	sbr.rel @p0 .LBB2_17-.Ltmp7, $4  }
0x30a: {  	s31 =	simm.s32 $0x4;
	[sflag:s0] =	ssyncadd.s32 $0xFFFFC000  }
0x30b: {  	_ =	swait.ge [sflag:s31], $0x4000  }
0x30c: {  	[sflag:s31] =	ssyncset.done $0x0  }
0x30d: {  	[sflag:s31] =	ssyncadd.s32 $0xFFFFC000  }
0x30e: {  	s0 =	simm.s32 $0x0;
	s1 =	rddreg [dreg:$0x6]  }
0x30f: {  	s2 =	simm.s32 $0x800;
	s3 =	simm.s32 $0x7A1400;
	s29 =	simm.s32 $0x5  }
0x310: {  	[tilespmem:s0], [sflag:$0x5] =	stream.strided.gather [hbm4b:s1+s2], $0x4000, s3, s2, $0x38;
	[tilespmem:$0x14080] =	vst v63  }
0x311: {  	s30 =	simm.s32 $0x100;
	s4 =	simm.s32 $0x0;
	_ =	swait.ge [sflag:s29], $0x4000  }
0x312: {  	s31 =	sand.u32 $0x3800, s0;
	s1 =	sand.u32 $0x300, s30;
	[sflag:s29] =	ssyncset.done $0x0  }
0x313: {  	s5 =	sor.u32 s1, s31;
	s1 =	sand.u32 $0x200, s4;
	[sflag:s29] =	ssyncadd.s32 $0xFFFFC000  }
0x314: {  	s1 =	sor.u32 s1, s31;
	v4 =	vld [tilespmem:s5+$0x0]  }
0x315: {  	s7 =	simm.s32 $0x80;
	v5 =	vld [tilespmem:s1+$0x0]  }
0x316: {  	s8 =	simm.s32 $0x180;
	s3 =	sand.u32 $0x280, s7  }
0x317: {  	s24 =	sor.u32 s3, s31;
	s3 =	sand.u32 $0x380, s8  }
0x318: {  	s23 =	simm.s32 $0x202;
	s25 =	sor.u32 s3, s31;
	v6 =	vld [tilespmem:s24+$0x0]  }
0x319: {  	v7 =	vld [tilespmem:s25+$0x0];
	[tilespmem:s23+$0x8000] =	vst v4  }
0x31a: {  	[tilespmem:s23+$0x7DFE] =	vst v5;
	v4 =	vld [tilespmem:s5+$0x10]  }
0x31b: {  	v5 =	vld [tilespmem:s1+$0x10];
	_ =	sdelay $0x1  }
0x31c: {  	[tilespmem:s23+$0x7EFF] =	vst v6  }
0x31d: {  	[tilespmem:s23+$0x8101] =	vst v7;
	v6 =	vld [tilespmem:s24+$0x10]  }
0x31e: {  	v7 =	vld [tilespmem:s25+$0x10];
	[tilespmem:s23+$0x8010] =	vst v4  }
0x31f: {  	[tilespmem:s23+$0x7E0E] =	vst v5;
	v4 =	vld [tilespmem:s5+$0x20]  }
0x320: {  	v5 =	vld [tilespmem:s1+$0x20];
	_ =	sdelay $0x1  }
0x321: {  	[tilespmem:s23+$0x7F0F] =	vst v6  }
0x322: {  	[tilespmem:s23+$0x8111] =	vst v7;
	v6 =	vld [tilespmem:s24+$0x20]  }
0x323: {  	v7 =	vld [tilespmem:s25+$0x20];
	[tilespmem:s23+$0x8020] =	vst v4  }
0x324: {  	[tilespmem:s23+$0x7E1E] =	vst v5;
	v4 =	vld [tilespmem:s5+$0x30]  }
0x325: {  	v5 =	vld [tilespmem:s1+$0x30];
	_ =	sdelay $0x1  }
0x326: {  	[tilespmem:s23+$0x7F1F] =	vst v6  }
0x327: {  	[tilespmem:s23+$0x8121] =	vst v7;
	v6 =	vld [tilespmem:s24+$0x30]  }
0x328: {  	v7 =	vld [tilespmem:s25+$0x30];
	[tilespmem:s23+$0x8030] =	vst v4  }
0x329: {  	[tilespmem:s23+$0x7E2E] =	vst v5;
	v4 =	vld [tilespmem:s5+$0x40]  }
0x32a: {  	v5 =	vld [tilespmem:s1+$0x40];
	_ =	sdelay $0x1  }
0x32b: {  	[tilespmem:s23+$0x7F2F] =	vst v6  }
0x32c: {  	[tilespmem:s23+$0x8131] =	vst v7;
	v6 =	vld [tilespmem:s24+$0x40]  }
0x32d: {  	v7 =	vld [tilespmem:s25+$0x40];
	[tilespmem:s23+$0x8040] =	vst v4  }
0x32e: {  	[tilespmem:s23+$0x7E3E] =	vst v5;
	v4 =	vld [tilespmem:s5+$0x50]  }
0x32f: {  	v5 =	vld [tilespmem:s1+$0x50];
	_ =	sdelay $0x1  }
0x330: {  	[tilespmem:s23+$0x7F3F] =	vst v6  }
0x331: {  	[tilespmem:s23+$0x8141] =	vst v7;
	v6 =	vld [tilespmem:s24+$0x50]  }
0x332: {  	v7 =	vld [tilespmem:s25+$0x50];
	[tilespmem:s23+$0x8050] =	vst v4  }
0x333: {  	[tilespmem:s23+$0x7E4E] =	vst v5;
	v4 =	vld [tilespmem:s5+$0x60]  }
0x334: {  	v5 =	vld [tilespmem:s1+$0x60];
	_ =	sdelay $0x1  }
0x335: {  	[tilespmem:s23+$0x7F4F] =	vst v6  }
0x336: {  	[tilespmem:s23+$0x8151] =	vst v7;
	v6 =	vld [tilespmem:s24+$0x60]  }
0x337: {  	v7 =	vld [tilespmem:s25+$0x60];
	[tilespmem:s23+$0x8060] =	vst v4  }
0x338: {  	[tilespmem:s23+$0x7E5E] =	vst v5;
	v4 =	vld [tilespmem:s5+$0x70]  }
0x339: {  	v5 =	vld [tilespmem:s1+$0x70];
	_ =	sdelay $0x1  }
0x33a: {  	[tilespmem:s23+$0x7F5F] =	vst v6  }
0x33b: {  	[tilespmem:s23+$0x8161] =	vst v7;
	v6 =	vld [tilespmem:s24+$0x70]  }
0x33c: {  	v7 =	vld [tilespmem:s25+$0x70];
	[tilespmem:s23+$0x8070] =	vst v4  }
0x33d: {  	[tilespmem:s23+$0x7E6E] =	vst v5;
	v4 =	vld [tilespmem:s5+$0x400]  }
0x33e: {  	s9 =	simm.s32 $0x808;
	v5 =	vld [tilespmem:s1+$0x400]  }
0x33f: {  	s10 =	simm.s32 $0x0;
	s2 =	sand.u32 $0xFFFFFE00, s9  }
0x340: {  	s2 =	sadd.s32 $0x208, s2;
	s3 =	sand.u32 $0xFFFFFE00, s10;
	[tilespmem:s23+$0x7F6F] =	vst v6  }
0x341: {  	s2 =	sshra.s32 s2, $0x2;
	s3 =	sadd.s32 $0x200, s3;
	[tilespmem:s23+$0x8171] =	vst v7;
	v6 =	vld [tilespmem:s24+$0x400]  }
0x342: {  	s11 =	simm.s32 $0x404;
	s3 =	sshra.s32 s3, $0x2;
	v7 =	vld [tilespmem:s25+$0x400];
	[tilespmem:s2+$0x8000] =	vst v4  }
0x343: {  	s12 =	simm.s32 $0xC0C;
	s2 =	sand.u32 $0xFFFFFE00, s11;
	[tilespmem:s3+$0x8000] =	vst v5;
	v4 =	vld [tilespmem:s5+$0x410]  }
0x344: {  	s3 =	sand.u32 $0xFFFFFE00, s12;
	s2 =	sadd.s32 $0x204, s2;
	v5 =	vld [tilespmem:s1+$0x410]  }
0x345: {  	s13 =	sadd.s32 $0x20C, s3;
	s2 =	sshra.s32 s2, $0x2  }
0x346: {  	[tilespmem:s2+$0x8000] =	vst v6;
	s2 =	sshra.s32 s13, $0x2  }
0x347: {  	v6 =	vld [tilespmem:s24+$0x410];
	[tilespmem:s2+$0x8000] =	vst v7  }
0x348: {  	s4 =	simm.s32 $0x280;
	s11 =	simm.s32 $0x400;
	v7 =	vld [tilespmem:s25+$0x410];
	[tilespmem:s23+$0x8090] =	vst v4  }
0x349: {  	s14 =	simm.s32 $0x300;
	s4 =	sand.u32 $0x280, s4;
	s15 =	sand.u32 $0x3800, s11;
	[tilespmem:s23+$0x7E8E] =	vst v5;
	v4 =	vld [tilespmem:s5+$0x420]  }
0x34a: {  	s8 =	sor.u32 s4, s15;
	s2 =	sand.u32 $0x300, s14;
	v5 =	vld [tilespmem:s1+$0x420]  }
0x34b: {  	s17 =	simm.s32 $0x200;
	v9 =	vld [tilespmem:s8+$0x0];
	s26 =	sor.u32 s2, s15  }
0x34c: {  	s7 =	simm.s32 $0x380;
	s2 =	sand.u32 $0x200, s17;
	[tilespmem:s23+$0x7F8F] =	vst v6;
	v6 =	vld [tilespmem:s26+$0x0]  }
0x34d: {  	s19 =	sand.u32 $0x380, s7;
	s10 =	sor.u32 s2, s15;
	v8 =	vld [tilespmem:s24+$0x420];
	[tilespmem:s23+$0x8191] =	vst v7  }
0x34e: {  	s4 =	sor.u32 s19, s15;
	v7 =	vld [tilespmem:s10+$0x0];
	[tilespmem:s23+$0x80A0] =	vst v4  }
0x34f: {  	s7 =	simm.s32 $0x606;
	[tilespmem:s23+$0x7E9E] =	vst v5;
	v5 =	vld [tilespmem:s4+$0x0]  }
0x350: {  	[tilespmem:s7+$0x7EFF] =	vst v9;
	v4 =	vld [tilespmem:s5+$0x430]  }
0x351: {  	[tilespmem:s7+$0x8000] =	vst v6  }
0x352: {  	v6 =	vld [tilespmem:s26+$0x10];
	[tilespmem:s23+$0x7F9F] =	vst v8  }
0x353: {  	v9 =	vld [tilespmem:s8+$0x10];
	[tilespmem:s7+$0x7DFE] =	vst v7  }
0x354: {  	v8 =	vld [tilespmem:s10+$0x10];
	[tilespmem:s7+$0x8101] =	vst v5  }
0x355: {  	[tilespmem:s23+$0x80B0] =	vst v4;
	v4 =	vld [tilespmem:s25+$0x420]  }
0x356: {  	v5 =	vld [tilespmem:s4+$0x10]  }
0x357: {  	v7 =	vld [tilespmem:s5+$0x440];
	[tilespmem:s7+$0x8010] =	vst v6  }
0x358: {  	[tilespmem:s7+$0x7F0F] =	vst v9;
	v6 =	vld [tilespmem:s26+$0x20]  }
0x359: {  	v9 =	vld [tilespmem:s8+$0x20];
	[tilespmem:s7+$0x7E0E] =	vst v8  }
0x35a: {  	v8 =	vld [tilespmem:s10+$0x20];
	[tilespmem:s23+$0x81A1] =	vst v4  }
0x35b: {  	v4 =	vld [tilespmem:s1+$0x430];
	[tilespmem:s7+$0x8111] =	vst v5  }
0x35c: {  	[tilespmem:s23+$0x80C0] =	vst v7;
	v5 =	vld [tilespmem:s4+$0x20]  }
0x35d: {  	v7 =	vld [tilespmem:s5+$0x450];
	[tilespmem:s7+$0x8020] =	vst v6  }
0x35e: {  	[tilespmem:s7+$0x7F1F] =	vst v9;
	v6 =	vld [tilespmem:s26+$0x30]  }
0x35f: {  	v9 =	vld [tilespmem:s8+$0x30];
	[tilespmem:s7+$0x7E1E] =	vst v8  }
0x360: {  	[tilespmem:s23+$0x7EAE] =	vst v4;
	v4 =	vld [tilespmem:s24+$0x430]  }
0x361: {  	v8 =	vld [tilespmem:s10+$0x30];
	[tilespmem:s7+$0x8121] =	vst v5  }
0x362: {  	[tilespmem:s23+$0x80D0] =	vst v7;
	v5 =	vld [tilespmem:s4+$0x30]  }
0x363: {  	v7 =	vld [tilespmem:s5+$0x460];
	[tilespmem:s7+$0x8030] =	vst v6  }
0x364: {  	[tilespmem:s7+$0x7F2F] =	vst v9;
	v6 =	vld [tilespmem:s26+$0x40]  }
0x365: {  	v9 =	vld [tilespmem:s8+$0x40];
	[tilespmem:s23+$0x7FAF] =	vst v4  }
0x366: {  	v4 =	vld [tilespmem:s25+$0x430];
	[tilespmem:s7+$0x7E2E] =	vst v8  }
0x367: {  	v8 =	vld [tilespmem:s10+$0x40];
	[tilespmem:s7+$0x8131] =	vst v5  }
0x368: {  	[tilespmem:s23+$0x80E0] =	vst v7;
	v5 =	vld [tilespmem:s4+$0x40]  }
0x369: {  	v7 =	vld [tilespmem:s5+$0x470];
	[tilespmem:s7+$0x8040] =	vst v6  }
0x36a: {  	[tilespmem:s7+$0x7F3F] =	vst v9;
	v6 =	vld [tilespmem:s26+$0x50]  }
0x36b: {  	v9 =	vld [tilespmem:s8+$0x50];
	[tilespmem:s23+$0x81B1] =	vst v4  }
0x36c: {  	v4 =	vld [tilespmem:s1+$0x440];
	[tilespmem:s7+$0x7E3E] =	vst v8  }
0x36d: {  	v8 =	vld [tilespmem:s10+$0x50];
	[tilespmem:s7+$0x8141] =	vst v5  }
0x36e: {  	[tilespmem:s23+$0x80F0] =	vst v7;
	v7 =	vld [tilespmem:s24+$0x440]  }
0x36f: {  	v5 =	vld [tilespmem:s4+$0x50];
	[tilespmem:s7+$0x8050] =	vst v6  }
0x370: {  	[tilespmem:s7+$0x7F4F] =	vst v9;
	v6 =	vld [tilespmem:s26+$0x60]  }
0x371: {  	v9 =	vld [tilespmem:s8+$0x60];
	[tilespmem:s23+$0x7EBE] =	vst v4  }
0x372: {  	v4 =	vld [tilespmem:s25+$0x440];
	[tilespmem:s7+$0x7E4E] =	vst v8  }
0x373: {  	v8 =	vld [tilespmem:s10+$0x60];
	[tilespmem:s23+$0x7FBF] =	vst v7  }
0x374: {  	v7 =	vld [tilespmem:s1+$0x450];
	[tilespmem:s7+$0x8151] =	vst v5  }
0x375: {  	v5 =	vld [tilespmem:s4+$0x60];
	[tilespmem:s7+$0x8060] =	vst v6  }
0x376: {  	[tilespmem:s7+$0x7F5F] =	vst v9;
	v6 =	vld [tilespmem:s26+$0x70]  }
0x377: {  	v9 =	vld [tilespmem:s8+$0x70];
	[tilespmem:s23+$0x81C1] =	vst v4  }
0x378: {  	v4 =	vld [tilespmem:s24+$0x450];
	[tilespmem:s7+$0x7E5E] =	vst v8  }
0x379: {  	[tilespmem:s23+$0x7ECE] =	vst v7;
	v8 =	vld [tilespmem:s10+$0x70]  }
0x37a: {  	v7 =	vld [tilespmem:s25+$0x450];
	[tilespmem:s7+$0x8161] =	vst v5  }
0x37b: {  	v5 =	vld [tilespmem:s4+$0x70];
	[tilespmem:s7+$0x8070] =	vst v6  }
0x37c: {  	[tilespmem:s7+$0x7F6F] =	vst v9;
	v6 =	vld [tilespmem:s26+$0x400]  }
0x37d: {  	s20 =	simm.s32 $0x1818;
	v9 =	vld [tilespmem:s8+$0x400];
	[tilespmem:s23+$0x7FCF] =	vst v4  }
0x37e: {  	s22 =	simm.s32 $0x1414;
	s2 =	sand.u32 $0xFFFFFE00, s20;
	v4 =	vld [tilespmem:s1+$0x460];
	[tilespmem:s7+$0x7E6E] =	vst v8  }
0x37f: {  	s2 =	sadd.s32 $0x218, s2;
	s5 =	sand.u32 $0xFFFFFE00, s22;
	[tilespmem:s23+$0x81D1] =	vst v7;
	v8 =	vld [tilespmem:s10+$0x400]  }
0x380: {  	s21 =	simm.s32 $0x1010;
	s2 =	sshra.s32 s2, $0x2;
	s5 =	sadd.s32 $0x214, s5;
	v7 =	vld [tilespmem:s24+$0x460];
	[tilespmem:s7+$0x8171] =	vst v5  }
0x381: {  	s3 =	sand.u32 $0xFFFFFE00, s21;
	s30 =	sshra.s32 s5, $0x2;
	[tilespmem:s2+$0x8000] =	vst v6;
	v6 =	vld [tilespmem:s4+$0x400]  }
0x382: {  	s29 =	simm.s32 $0x1C1C;
	s3 =	sadd.s32 $0x210, s3;
	[tilespmem:s30+$0x8000] =	vst v9;
	v10 =	vld [tilespmem:s26+$0x410]  }
0x383: {  	s3 =	sshra.s32 s3, $0x2;
	[tilespmem:s23+$0x7EDE] =	vst v4;
	v11 =	vld [tilespmem:s25+$0x460];
	s2 =	sand.u32 $0xFFFFFE00, s29  }
0x384: {  	v4 =	vld [tilespmem:s1+$0x470];
	s2 =	sadd.s32 $0x21C, s2;
	[tilespmem:s3+$0x8000] =	vst v8  }
0x385: {  	s28 =	simm.s32 $0x21C;
	s9 =	simm.s32 $0x707;
	[tilespmem:s23+$0x7FDF] =	vst v7;
	v5 =	vld [tilespmem:s10+$0x410];
	s31 =	sshra.s32 s2, $0x2  }
0x386: {  	s12 =	simm.s32 $0x214;
	s21 =	simm.s32 $0x1818;
	s19 =	simm.s32 $0x210;
	v7 =	vld [tilespmem:s8+$0x410];
	[tilespmem:s31+$0x8000] =	vst v6  }
0x387: {  	s13 =	simm.s32 $0x505;
	s17 =	simm.s32 $0x404;
	s20 =	simm.s32 $0x4;
	[tilespmem:s7+$0x8090] =	vst v10;
	v8 =	vld [tilespmem:s4+$0x410]  }
0x388: {  	s15 =	simm.s32 $0x218;
	s22 =	simm.s32 $0x606;
	s1 =	simm.s32 $0x580;
	[tilespmem:s23+$0x81E1] =	vst v11;
	v6 =	vld [tilespmem:s26+$0x420]  }
.LBB2_13:
0x389: {  	s2 =	sadd.s32 $0xFFFFFF80, s1;
	s20 =	sadd.s32 $0x4, s20;
	s11 =	sadd.s32 $0x400, s11;
	[tilespmem:s23+$0x7EEE] =	vst v4;
	v4 =	vld [tilespmem:s24+$0x470]  }
0x38a: {  	s14 =	sand.u32 $0x3800, s11;
	s2 =	sand.u32 $0x300, s2;
	p2 =	slt.u32 s20, $0x3C;
	[tilespmem:s7+$0x7E8E] =	vst v5;
	v5 =	vld [tilespmem:s25+$0x470]  }
0x38b: {  	s5 =	sadd.s32 $0xFFFFFE80, s1;
	s24 =	sadd.s32 $0xFFFFFF00, s1;
	s3 =	sor.u32 s2, s14;
	v9 =	vld [tilespmem:s10+$0x420];
	[tilespmem:s7+$0x7F8F] =	vst v7  }
0x38c: {  	s24 =	sand.u32 $0x280, s24;
	s25 =	sand.u32 $0x380, s1;
	s2 =	sand.u32 $0x200, s5;
	v7 =	vld [tilespmem:s3+$0x0];
	[tilespmem:s7+$0x8191] =	vst v8  }
0x38d: {  	s5 =	sor.u32 s2, s14;
	s2 =	sor.u32 s24, s14;
	s14 =	sor.u32 s25, s14;
	v8 =	vld [tilespmem:s8+$0x420];
	[tilespmem:s7+$0x80A0] =	vst v6  }
0x38e: {  	s24 =	smov.u32 s8;
	s25 =	smov.u32 s4;
	s8 =	smov.u32 s2;
	v6 =	vld [tilespmem:s26+$0x430];
	[tilespmem:s23+$0x7FEF] =	vst v4  }
0x38f: {  	s21 =	sadd.s32 $0x1010, s21;
	s4 =	smov.u32 s14;
	v4 =	vld [tilespmem:s5+$0x0];
	[tilespmem:s23+$0x81F1] =	vst v5;
	s23 =	smov.u32 s7  }
0x390: {  	s7 =	sshra.s32 s21, $0x2;
	v5 =	vld [tilespmem:s8+$0x0];
	[tilespmem:s23+$0x7E9E] =	vst v9  }
0x391: {  	[tilespmem:s7+$0x8000] =	vst v7;
	v7 =	vld [tilespmem:s4+$0x0]  }
0x392: {  	v9 =	vld [tilespmem:s3+$0x10];
	[tilespmem:s23+$0x7F9F] =	vst v8  }
0x393: {  	[tilespmem:s23+$0x80B0] =	vst v6;
	v6 =	vld [tilespmem:s25+$0x420]  }
0x394: {  	[tilespmem:s7+$0x7DFE] =	vst v4;
	v4 =	vld [tilespmem:s26+$0x440]  }
0x395: {  	v8 =	vld [tilespmem:s5+$0x10];
	[tilespmem:s7+$0x7EFF] =	vst v5  }
0x396: {  	v5 =	vld [tilespmem:s8+$0x10];
	[tilespmem:s7+$0x8101] =	vst v7  }
0x397: {  	[tilespmem:s7+$0x8010] =	vst v9;
	v7 =	vld [tilespmem:s4+$0x10]  }
0x398: {  	v9 =	vld [tilespmem:s3+$0x20];
	[tilespmem:s23+$0x81A1] =	vst v6  }
0x399: {  	v6 =	vld [tilespmem:s10+$0x430];
	[tilespmem:s23+$0x80C0] =	vst v4  }
0x39a: {  	[tilespmem:s7+$0x7E0E] =	vst v8;
	v4 =	vld [tilespmem:s26+$0x450]  }
0x39b: {  	v8 =	vld [tilespmem:s5+$0x20];
	[tilespmem:s7+$0x7F0F] =	vst v5  }
0x39c: {  	v5 =	vld [tilespmem:s8+$0x20];
	[tilespmem:s7+$0x8111] =	vst v7  }
0x39d: {  	[tilespmem:s7+$0x8020] =	vst v9;
	v7 =	vld [tilespmem:s4+$0x20]  }
0x39e: {  	v9 =	vld [tilespmem:s3+$0x30];
	[tilespmem:s23+$0x7EAE] =	vst v6  }
0x39f: {  	v6 =	vld [tilespmem:s24+$0x430];
	[tilespmem:s23+$0x80D0] =	vst v4  }
0x3a0: {  	[tilespmem:s7+$0x7E1E] =	vst v8;
	v4 =	vld [tilespmem:s26+$0x460]  }
0x3a1: {  	v8 =	vld [tilespmem:s5+$0x30];
	[tilespmem:s7+$0x7F1F] =	vst v5  }
0x3a2: {  	v5 =	vld [tilespmem:s8+$0x30];
	[tilespmem:s7+$0x8121] =	vst v7  }
0x3a3: {  	[tilespmem:s7+$0x8030] =	vst v9;
	v7 =	vld [tilespmem:s4+$0x30]  }
0x3a4: {  	v9 =	vld [tilespmem:s3+$0x40];
	[tilespmem:s23+$0x7FAF] =	vst v6  }
0x3a5: {  	[tilespmem:s23+$0x80E0] =	vst v4;
	v4 =	vld [tilespmem:s25+$0x430]  }
0x3a6: {  	[tilespmem:s7+$0x7E2E] =	vst v8;
	v6 =	vld [tilespmem:s26+$0x470];
	s26 =	smov.u32 s3  }
0x3a7: {  	v8 =	vld [tilespmem:s5+$0x40];
	[tilespmem:s7+$0x7F2F] =	vst v5  }
0x3a8: {  	v5 =	vld [tilespmem:s8+$0x40];
	[tilespmem:s7+$0x8131] =	vst v7  }
0x3a9: {  	[tilespmem:s7+$0x8040] =	vst v9;
	v7 =	vld [tilespmem:s4+$0x40]  }
0x3aa: {  	v9 =	vld [tilespmem:s26+$0x50];
	[tilespmem:s23+$0x81B1] =	vst v4  }
0x3ab: {  	v4 =	vld [tilespmem:s10+$0x440];
	[tilespmem:s23+$0x80F0] =	vst v6  }
0x3ac: {  	[tilespmem:s7+$0x7E3E] =	vst v8;
	v6 =	vld [tilespmem:s24+$0x440]  }
0x3ad: {  	v8 =	vld [tilespmem:s5+$0x50];
	[tilespmem:s7+$0x7F3F] =	vst v5  }
0x3ae: {  	v5 =	vld [tilespmem:s8+$0x50];
	[tilespmem:s7+$0x8141] =	vst v7  }
0x3af: {  	[tilespmem:s7+$0x8050] =	vst v9;
	v7 =	vld [tilespmem:s4+$0x50]  }
0x3b0: {  	v9 =	vld [tilespmem:s26+$0x60];
	[tilespmem:s23+$0x7EBE] =	vst v4  }
0x3b1: {  	[tilespmem:s23+$0x7FBF] =	vst v6;
	v4 =	vld [tilespmem:s25+$0x440]  }
0x3b2: {  	[tilespmem:s7+$0x7E4E] =	vst v8;
	v6 =	vld [tilespmem:s10+$0x450]  }
0x3b3: {  	v8 =	vld [tilespmem:s5+$0x60];
	[tilespmem:s7+$0x7F4F] =	vst v5  }
0x3b4: {  	v5 =	vld [tilespmem:s8+$0x60];
	[tilespmem:s7+$0x8151] =	vst v7  }
0x3b5: {  	[tilespmem:s7+$0x8060] =	vst v9;
	v7 =	vld [tilespmem:s4+$0x60]  }
0x3b6: {  	v9 =	vld [tilespmem:s26+$0x70];
	[tilespmem:s23+$0x81C1] =	vst v4  }
0x3b7: {  	[tilespmem:s23+$0x7ECE] =	vst v6;
	v4 =	vld [tilespmem:s24+$0x450]  }
0x3b8: {  	[tilespmem:s7+$0x7E5E] =	vst v8;
	v6 =	vld [tilespmem:s25+$0x450]  }
0x3b9: {  	v8 =	vld [tilespmem:s5+$0x70];
	[tilespmem:s7+$0x7F5F] =	vst v5  }
0x3ba: {  	v5 =	vld [tilespmem:s8+$0x70];
	[tilespmem:s7+$0x8161] =	vst v7  }
0x3bb: {  	[tilespmem:s7+$0x8070] =	vst v9;
	v7 =	vld [tilespmem:s4+$0x70]  }
0x3bc: {  	s22 =	sadd.s32 $0x404, s22;
	v9 =	vld [tilespmem:s26+$0x400];
	[tilespmem:s23+$0x7FCF] =	vst v4  }
0x3bd: {  	s9 =	sadd.s32 $0x404, s9;
	s2 =	sshll.u32 s22, $0x2;
	v4 =	vld [tilespmem:s10+$0x460];
	[tilespmem:s23+$0x81D1] =	vst v6  }
0x3be: {  	s28 =	sadd.s32 $0x10, s28;
	s15 =	sadd.s32 $0x10, s15;
	s2 =	sand.u32 $0xFFFFFE00, s2;
	[tilespmem:s7+$0x7E6E] =	vst v8;
	v6 =	vld [tilespmem:s24+$0x460]  }
0x3bf: {  	s19 =	sadd.s32 $0x10, s19;
	s17 =	sadd.s32 $0x404, s17;
	s2 =	sadd.s32 s2, s15;
	v8 =	vld [tilespmem:s5+$0x400];
	[tilespmem:s7+$0x7F6F] =	vst v5  }
0x3c0: {  	s13 =	sadd.s32 $0x404, s13;
	s2 =	sshra.s32 s2, $0x2;
	s3 =	sshll.u32 s17, $0x2;
	v10 =	vld [tilespmem:s8+$0x400];
	[tilespmem:s7+$0x8171] =	vst v7  }
0x3c1: {  	s12 =	sadd.s32 $0x10, s12;
	s14 =	sshll.u32 s13, $0x2;
	s3 =	sand.u32 $0xFFFFFE00, s3;
	[tilespmem:s2+$0x8000] =	vst v9;
	v9 =	vld [tilespmem:s4+$0x400]  }
0x3c2: {  	s14 =	sand.u32 $0xFFFFFE00, s14;
	s3 =	sadd.s32 s3, s19;
	s2 =	sshll.u32 s9, $0x2;
	v11 =	vld [tilespmem:s26+$0x410];
	[tilespmem:s23+$0x7EDE] =	vst v4  }
0x3c3: {  	s14 =	sadd.s32 s14, s12;
	s3 =	sshra.s32 s3, $0x2;
	s2 =	sand.u32 $0xFFFFFE00, s2;
	[tilespmem:s23+$0x7FDF] =	vst v6;
	v12 =	vld [tilespmem:s25+$0x460]  }
.Ltmp8:
0x3c4: {  	s2 =	sadd.s32 s2, s28;
	[tilespmem:s3+$0x8000] =	vst v8;
	s3 =	sshra.s32 s14, $0x2;
	v4 =	vld [tilespmem:s10+$0x470];
	(pc) =	sbr.rel @p2 .LBB2_13-.Ltmp8, $4  }
0x3c5: {  	s2 =	sshra.s32 s2, $0x2;
	s10 =	smov.u32 s5;
	v5 =	vld [tilespmem:s5+$0x410];
	[tilespmem:s3+$0x8000] =	vst v10  }
0x3c6: {  	v7 =	vld [tilespmem:s8+$0x410];
	[tilespmem:s2+$0x8000] =	vst v9  }
0x3c7: {  	[tilespmem:s7+$0x8090] =	vst v11;
	v8 =	vld [tilespmem:s4+$0x410]  }
0x3c8: {  	s1 =	sadd.s32 $0x200, s1;
	v6 =	vld [tilespmem:s26+$0x420];
	[tilespmem:s23+$0x81E1] =	vst v12  }
0x3c9: {  	_ = 	snop  }
0x3ca: {  	[tilespmem:s7+$0x7E8E] =	vst v5  }
0x3cb: {  	v5 =	vld [tilespmem:s10+$0x420];
	[tilespmem:s7+$0x7F8F] =	vst v7  }
0x3cc: {  	[tilespmem:s7+$0x8191] =	vst v8;
	v7 =	vld [tilespmem:s8+$0x420]  }
0x3cd: {  	v8 =	vld [tilespmem:s4+$0x420];
	_ =	sdelay $0x1  }
0x3ce: {  	[tilespmem:s7+$0x80A0] =	vst v6  }
0x3cf: {  	v6 =	vld [tilespmem:s26+$0x430];
	[tilespmem:s7+$0x7E9E] =	vst v5  }
0x3d0: {  	[tilespmem:s7+$0x7F9F] =	vst v7;
	v5 =	vld [tilespmem:s10+$0x430]  }
0x3d1: {  	[tilespmem:s7+$0x81A1] =	vst v8;
	v7 =	vld [tilespmem:s8+$0x430]  }
0x3d2: {  	v8 =	vld [tilespmem:s4+$0x430];
	_ =	sdelay $0x1  }
0x3d3: {  	[tilespmem:s7+$0x80B0] =	vst v6  }
0x3d4: {  	v6 =	vld [tilespmem:s26+$0x440];
	[tilespmem:s7+$0x7EAE] =	vst v5  }
0x3d5: {  	[tilespmem:s7+$0x7FAF] =	vst v7;
	v5 =	vld [tilespmem:s10+$0x440]  }
0x3d6: {  	[tilespmem:s7+$0x81B1] =	vst v8;
	v7 =	vld [tilespmem:s8+$0x440]  }
0x3d7: {  	v8 =	vld [tilespmem:s4+$0x440];
	_ =	sdelay $0x1  }
0x3d8: {  	[tilespmem:s7+$0x80C0] =	vst v6  }
0x3d9: {  	v6 =	vld [tilespmem:s26+$0x450];
	[tilespmem:s7+$0x7EBE] =	vst v5  }
0x3da: {  	[tilespmem:s7+$0x7FBF] =	vst v7;
	v5 =	vld [tilespmem:s10+$0x450]  }
0x3db: {  	[tilespmem:s7+$0x81C1] =	vst v8;
	v7 =	vld [tilespmem:s8+$0x450]  }
0x3dc: {  	v8 =	vld [tilespmem:s4+$0x450];
	_ =	sdelay $0x1  }
0x3dd: {  	[tilespmem:s7+$0x80D0] =	vst v6  }
0x3de: {  	v6 =	vld [tilespmem:s26+$0x460];
	[tilespmem:s7+$0x7ECE] =	vst v5  }
0x3df: {  	[tilespmem:s7+$0x7FCF] =	vst v7;
	v5 =	vld [tilespmem:s10+$0x460]  }
0x3e0: {  	[tilespmem:s7+$0x81D1] =	vst v8;
	v7 =	vld [tilespmem:s8+$0x460]  }
0x3e1: {  	v8 =	vld [tilespmem:s4+$0x460]  }
0x3e2: {  	[tilespmem:s23+$0x7EEE] =	vst v4;
	v4 =	vld [tilespmem:s24+$0x470]  }
0x3e3: {  	v9 =	vld [tilespmem:s25+$0x470];
	[tilespmem:s7+$0x80E0] =	vst v6  }
0x3e4: {  	v6 =	vld [tilespmem:s26+$0x470];
	[tilespmem:s7+$0x7EDE] =	vst v5  }
0x3e5: {  	[tilespmem:s7+$0x7FDF] =	vst v7;
	v5 =	vld [tilespmem:s10+$0x470]  }
0x3e6: {  	[tilespmem:s7+$0x81E1] =	vst v8;
	v7 =	vld [tilespmem:s8+$0x470]  }
0x3e7: {  	s1 =	simm.s32 $0x2;
	[tilespmem:s23+$0x7FEF] =	vst v4;
	v4 =	vld [tilespmem:s4+$0x470]  }
0x3e8: {  	[tilespmem:s23+$0x81F1] =	vst v9;
	v8 =	vadd.s32 s1, v0  }
0x3e9: {  	[tilespmem:s7+$0x80F0] =	vst v6;
	v6 =	vadd.s32 s0, v0  }
0x3ea: {  	[tilespmem:s7+$0x7EEE] =	vst v5  }
0x3eb: {  	s2 =	simm.s32 $0x4;
	[tilespmem:s7+$0x7FEF] =	vst v7  }
0x3ec: {  	s28 =	simm.s32 $0x6;
	[tilespmem:s7+$0x81F1] =	vst v4;
	v4 =	vadd.s32 s2, v0  }
0x3ed: {  	v5 =	vadd.s32 s28, v0;
	v7 =	vld.idx.msk [tilespmem:v8+s16+$0x0], $0xffff  }
0x3ee: {  	v6 =	vld.idx.msk [tilespmem:v6+s16+$0x0], $0xffff;
	v8 =	vadd.s32 s1, v1  }
0x3ef: {  	v9 =	vadd.s32 s0, v1;
	_ =	sdelay $0x1  }
0x3f0: {  	s4 =	simm.s32 $0xC180;
	v4 =	vld.idx.msk [tilespmem:v4+s16+$0x0], $0xffff  }
0x3f1: {  	v10 =	vadd.s32 s2, v1;
	v5 =	vld.idx.msk [tilespmem:v5+s16+$0x0], $0xffff;
	[tilespmem:s4+$0xFFFFFF80] =	vst v7  }
0x3f2: {  	v7 =	vadd.s32 s28, v1;
	[tilespmem:s4+$0xFFFFFF00] =	vst v6;
	v6 =	vld.idx.msk [tilespmem:v8+s16+$0x0], $0xffff  }
0x3f3: {  	v8 =	vld.idx.msk [tilespmem:v9+s16+$0x0], $0xffff;
	v9 =	vadd.s32 s1, v2  }
0x3f4: {  	v11 =	vadd.s32 s0, v2  }
0x3f5: {  	[tilespmem:s4+$0x0] =	vst v4  }
0x3f6: {  	s29 =	simm.s32 $0x8;
	[tilespmem:s4+$0x80] =	vst v5;
	v4 =	vld.idx.msk [tilespmem:v10+s16+$0x0], $0xffff  }
0x3f7: {  	v12 =	vadd.s32 s29, v0;
	v5 =	vld.idx.msk [tilespmem:v7+s16+$0x0], $0xffff;
	[tilespmem:s4+$0xFFFFFF90] =	vst v6  }
0x3f8: {  	[tilespmem:s4+$0xFFFFFF10] =	vst v8;
	v8 =	vadd.s32 s28, v2;
	v6 =	vld.idx.msk [tilespmem:v9+s16+$0x0], $0xffff  }
0x3f9: {  	v9 =	vadd.s32 s1, v3;
	v10 =	vld.idx.msk [tilespmem:v11+s16+$0x0], $0xffff  }
0x3fa: {  	s5 =	simm.s32 $0xC;
	v11 =	vadd.s32 s0, v3  }
0x3fb: {  	[tilespmem:s4+$0x10] =	vst v4;
	v4 =	vadd.s32 s5, v0  }
0x3fc: {  	s30 =	simm.s32 $0xA;
	v12 =	vld.idx.msk [tilespmem:v12+s16+$0x0], $0xffff;
	v7 =	vadd.s32 s2, v2;
	[tilespmem:s4+$0x90] =	vst v5  }
0x3fd: {  	s31 =	simm.s32 $0xE;
	v5 =	vadd.s32 s30, v0;
	v8 =	vld.idx.msk [tilespmem:v8+s16+$0x0], $0xffff;
	[tilespmem:s4+$0xFFFFFFA0] =	vst v6  }
0x3fe: {  	s3 =	simm.s32 $0x3;
	v6 =	vadd.s32 s31, v0;
	[tilespmem:s4+$0xFFFFFF20] =	vst v10;
	v9 =	vld.idx.msk [tilespmem:v9+s16+$0x0], $0xffff  }
0x3ff: {  	v10 =	vld.idx.msk [tilespmem:v11+s16+$0x0], $0xffff;
	v11 =	vadd.s32 s3, v0  }
0x400: {  	v13 =	vadd.s32 s28, v3;
	v4 =	vld.idx.msk [tilespmem:v4+s16+$0x0], $0xffff  }
0x401: {  	v14 =	vadd.s32 s5, v1;
	s0 =	simm.s32 $0xC380;
	v7 =	vld.idx.msk [tilespmem:v7+s16+$0x0], $0xffff  }
0x402: {  	v15 =	vadd.s32 s29, v1;
	[tilespmem:s0+$0xFFFFFF00] =	vst v12;
	v5 =	vld.idx.msk [tilespmem:v5+s16+$0x0], $0xffff  }
0x403: {  	v16 =	vadd.s32 s30, v1;
	v6 =	vld.idx.msk [tilespmem:v6+s16+$0x0], $0xffff;
	[tilespmem:s4+$0xFFFFFFB0] =	vst v9  }
0x404: {  	[tilespmem:s4+$0xA0] =	vst v8;
	v9 =	vadd.s32 s2, v3;
	v8 =	vld.idx.msk [tilespmem:v11+s16+$0x0], $0xffff  }
0x405: {  	v11 =	vld.idx.msk [tilespmem:v13+s16+$0x0], $0xffff;
	v13 =	vadd.s32 s31, v1;
	[tilespmem:s0+$0x0] =	vst v4  }
0x406: {  	[tilespmem:s4+$0x20] =	vst v7;
	v4 =	vadd.s32 s3, v1;
	v12 =	vld.idx.msk [tilespmem:v14+s16+$0x0], $0xffff  }
0x407: {  	[tilespmem:s0+$0xFFFFFF80] =	vst v5;
	v5 =	vadd.s32 s5, v2;
	v14 =	vld.idx.msk [tilespmem:v15+s16+$0x0], $0xffff  }
0x408: {  	s9 =	simm.s32 $0x7;
	v7 =	vld.idx.msk [tilespmem:v16+s16+$0x0], $0xffff;
	v15 =	vadd.s32 s29, v2;
	[tilespmem:s0+$0x80] =	vst v6  }
0x409: {  	v6 =	vadd.s32 s9, v0;
	v9 =	vld.idx.msk [tilespmem:v9+s16+$0x0], $0xffff;
	[tilespmem:s4+$0xFFFFFFC0] =	vst v8  }
0x40a: {  	v8 =	vadd.s32 s30, v2;
	v13 =	vld.idx.msk [tilespmem:v13+s16+$0x0], $0xffff;
	[tilespmem:s4+$0xB0] =	vst v11  }
0x40b: {  	v11 =	vadd.s32 s31, v2;
	v4 =	vld.idx.msk [tilespmem:v4+s16+$0x0], $0xffff;
	[tilespmem:s0+$0x10] =	vst v12  }
0x40c: {  	s13 =	simm.s32 $0x5;
	v12 =	vadd.s32 s3, v2;
	[tilespmem:s0+$0xFFFFFF10] =	vst v14;
	v5 =	vld.idx.msk [tilespmem:v5+s16+$0x0], $0xffff  }
0x40d: {  	s12 =	simm.s32 $0x1;
	[tilespmem:s4+$0xFFFFFF30] =	vst v10;
	v14 =	vadd.s32 s13, v0;
	v15 =	vld.idx.msk [tilespmem:v15+s16+$0x0], $0xffff  }
0x40e: {  	s8 =	simm.s32 $0x10;
	[tilespmem:s0+$0xFFFFFF90] =	vst v7;
	v7 =	vadd.s32 s12, v0;
	v6 =	vld.idx.msk [tilespmem:v6+s16+$0x0], $0xffff  }
0x40f: {  	v10 =	vadd.s32 s8, v0;
	v8 =	vld.idx.msk [tilespmem:v8+s16+$0x0], $0xffff;
	[tilespmem:s0+$0x90] =	vst v13  }
0x410: {  	v13 =	vadd.s32 s9, v1;
	[tilespmem:s4+$0xFFFFFFD0] =	vst v4;
	v11 =	vld.idx.msk [tilespmem:v11+s16+$0x0], $0xffff  }
0x411: {  	[tilespmem:s4+$0x30] =	vst v9;
	v4 =	vadd.s32 s29, v3;
	v9 =	vld.idx.msk [tilespmem:v12+s16+$0x0], $0xffff  }
0x412: {  	s10 =	simm.s32 $0x16;
	v16 =	vadd.s32 s30, v3;
	v12 =	vld.idx.msk [tilespmem:v14+s16+$0x0], $0xffff;
	[tilespmem:s0+$0xFFFFFF20] =	vst v15  }
0x413: {  	s1 =	simm.s32 $0x14;
	v7 =	vld.idx.msk [tilespmem:v7+s16+$0x0], $0xffff;
	v14 =	vadd.s32 s10, v0;
	[tilespmem:s4+$0xC0] =	vst v6  }
0x414: {  	v6 =	vld.idx.msk [tilespmem:v10+s16+$0x0], $0xffff;
	v10 =	vadd.s32 s1, v0;
	[tilespmem:s0+$0x20] =	vst v5  }
0x415: {  	s15 =	simm.s32 $0x12;
	[tilespmem:s0+$0xFFFFFFA0] =	vst v8;
	v8 =	vadd.s32 s12, v1;
	v5 =	vld.idx.msk [tilespmem:v13+s16+$0x0], $0xffff  }
0x416: {  	v13 =	vadd.s32 s15, v0;
	v4 =	vld.idx.msk [tilespmem:v4+s16+$0x0], $0xffff;
	[tilespmem:s0+$0xA0] =	vst v11  }
0x417: {  	v15 =	vld.idx.msk [tilespmem:v16+s16+$0x0], $0xffff;
	v16 =	vadd.s32 s31, v3;
	[tilespmem:s4+$0xFFFFFFE0] =	vst v9  }
0x418: {  	s7 =	simm.s32 $0xC580;
	v9 =	vadd.s32 s13, v1;
	v14 =	vld.idx.msk [tilespmem:v14+s16+$0x0], $0xffff;
	[tilespmem:s4+$0xFFFFFF40] =	vst v7  }
0x419: {  	v11 =	vadd.s32 s8, v1;
	[tilespmem:s7+$0xFFFFFF00] =	vst v6;
	v6 =	vld.idx.msk [tilespmem:v10+s16+$0x0], $0xffff  }
0x41a: {  	s11 =	simm.s32 $0xB;
	v7 =	vld.idx.msk [tilespmem:v8+s16+$0x0], $0xffff;
	v8 =	vadd.s32 s9, v2  }
0x41b: {  	[tilespmem:s4+$0x40] =	vst v12;
	v12 =	vadd.s32 s11, v0;
	v13 =	vld.idx.msk [tilespmem:v13+s16+$0x0], $0xffff  }
0x41c: {  	v10 =	vadd.s32 s3, v3;
	[tilespmem:s4+$0xD0] =	vst v5;
	v16 =	vld.idx.msk [tilespmem:v16+s16+$0x0], $0xffff  }
0x41d: {  	[tilespmem:s0+$0xFFFFFF30] =	vst v4;
	v4 =	vadd.s32 s12, v2;
	v9 =	vld.idx.msk [tilespmem:v9+s16+$0x0], $0xffff  }
0x41e: {  	[tilespmem:s0+$0xFFFFFFB0] =	vst v15;
	v15 =	vadd.s32 s13, v2;
	v11 =	vld.idx.msk [tilespmem:v11+s16+$0x0], $0xffff  }
0x41f: {  	[tilespmem:s7+$0x80] =	vst v14;
	v5 =	vld.idx.msk [tilespmem:v8+s16+$0x0], $0xffff;
	v8 =	vadd.s32 s1, v1  }
0x420: {  	[tilespmem:s4+$0xFFFFFF50] =	vst v7;
	v7 =	vld.idx.msk [tilespmem:v12+s16+$0x0], $0xffff;
	v12 =	vadd.s32 s5, v3  }
0x421: {  	v10 =	vld.idx.msk [tilespmem:v10+s16+$0x0], $0xffff;
	[tilespmem:s0+$0xB0] =	vst v16;
	v16 =	vadd.s32 s10, v1  }
0x422: {  	v14 =	vadd.s32 s11, v1;
	v4 =	vld.idx.msk [tilespmem:v4+s16+$0x0], $0xffff;
	[tilespmem:s4+$0x50] =	vst v9  }
0x423: {  	v17 =	vadd.s32 s9, v3;
	[tilespmem:s7+$0x0] =	vst v6;
	v6 =	vld.idx.msk [tilespmem:v15+s16+$0x0], $0xffff  }
0x424: {  	[tilespmem:s7+$0xFFFFFF80] =	vst v13;
	v9 =	vadd.s32 s15, v1;
	v8 =	vld.idx.msk [tilespmem:v8+s16+$0x0], $0xffff  }
0x425: {  	v15 =	vadd.s32 s13, v3;
	[tilespmem:s4+$0xE0] =	vst v5;
	v12 =	vld.idx.msk [tilespmem:v12+s16+$0x0], $0xffff  }
0x426: {  	v13 =	vadd.s32 s12, v3;
	[tilespmem:s0+$0xFFFFFFC0] =	vst v7;
	v5 =	vld.idx.msk [tilespmem:v16+s16+$0x0], $0xffff  }
0x427: {  	v18 =	vadd.s32 s8, v2;
	[tilespmem:s7+$0xFFFFFF10] =	vst v11;
	v19 =	vld.idx.msk [tilespmem:v14+s16+$0x0], $0xffff  }
0x428: {  	s9 =	simm.s32 $0xF;
	[tilespmem:s4+$0xFFFFFFF0] =	vst v10;
	v16 =	vadd.s32 s1, v2;
	v7 =	vld.idx.msk [tilespmem:v17+s16+$0x0], $0xffff  }
0x429: {  	v22 =	vadd.s32 s9, v0;
	v9 =	vld.idx.msk [tilespmem:v9+s16+$0x0], $0xffff;
	[tilespmem:s4+$0x60] =	vst v6  }
0x42a: {  	v20 =	vadd.s32 s15, v2;
	[tilespmem:s4+$0xFFFFFF60] =	vst v4;
	v21 =	vld.idx.msk [tilespmem:v15+s16+$0x0], $0xffff  }
0x42b: {  	s5 =	simm.s32 $0xD;
	v14 =	vadd.s32 s11, v2;
	v10 =	vld.idx.msk [tilespmem:v13+s16+$0x0], $0xffff;
	[tilespmem:s7+$0x10] =	vst v8  }
0x42c: {  	s12 =	simm.s32 $0x9;
	v13 =	vadd.s32 s5, v0;
	[tilespmem:s0+$0x30] =	vst v12;
	v8 =	vld.idx.msk [tilespmem:v18+s16+$0x0], $0xffff  }
0x42d: {  	v6 =	vld.idx.msk [tilespmem:v16+s16+$0x0], $0xffff;
	v16 =	vadd.s32 s12, v0;
	[tilespmem:s0+$0xFFFFFFD0] =	vst v19  }
0x42e: {  	v15 =	vadd.s32 s10, v2;
	v12 =	vld.idx.msk [tilespmem:v22+s16+$0x0], $0xffff;
	[tilespmem:s7+$0xFFFFFF90] =	vst v9  }
0x42f: {  	s13 =	simm.s32 $0x8;
	v4 =	vadd.s32 s15, v3;
	s15 =	simm.s32 $0x18;
	v9 =	vadd.s32 s8, v3;
	v11 =	vld.idx.msk [tilespmem:v20+s16+$0x0], $0xffff;
	[tilespmem:s4+$0x70] =	vst v21  }
.LBB2_15:
0x430: {  	v17 =	vadd.s32 s15, v0;
	s17 =	sadd.s32 $0x2, s15;
	s13 =	sadd.s32 $0x4, s13;
	v14 =	vld.idx.msk [tilespmem:v14+s16+$0x0], $0xffff;
	[tilespmem:s4+$0xFFFFFF70] =	vst v10  }
0x431: {  	s3 =	sadd.s32 $0x4, s15;
	v10 =	vadd.s32 s17, v0;
	v18 =	vadd.s32 s17, v3;
	p2 =	slt.u32 s13, $0x7C;
	v13 =	vld.idx.msk [tilespmem:v13+s16+$0x0], $0xffff;
	[tilespmem:s4+$0xF0] =	vst v7;
	s4 =	smov.u32 s0  }
0x432: {  	s2 =	sadd.s32 $0x6, s15;
	v7 =	vadd.s32 s3, v0;
	s0 =	smov.u32 s7;
	[tilespmem:s7+$0x90] =	vst v5;
	v5 =	vld.idx.msk [tilespmem:v16+s16+$0x0], $0xffff;
	v16 =	vadd.s32 s9, v1  }
0x433: {  	v19 =	vadd.s32 s2, v0;
	[tilespmem:s7+$0xFFFFFF20] =	vst v8;
	v8 =	vld.idx.msk [tilespmem:v15+s16+$0x0], $0xffff  }
0x434: {  	v9 =	vld.idx.msk [tilespmem:v9+s16+$0x0], $0xffff;
	[tilespmem:s7+$0xFFFFFFA0] =	vst v11;
	v11 =	vadd.s32 s12, v1  }
0x435: {  	v20 =	vadd.s32 s10, v3;
	s10 =	smov.u32 s2;
	v15 =	vld.idx.msk [tilespmem:v4+s16+$0x0], $0xffff;
	[tilespmem:s4+$0xC0] =	vst v12;
	v4 =	vmov v18  }
0x436: {  	v12 =	vld.idx.msk [tilespmem:v17+s16+$0x0], $0xffff;
	[tilespmem:s4+$0xFFFFFFE0] =	vst v14;
	v14 =	vadd.s32 s5, v1  }
0x437: {  	v17 =	vadd.s32 s15, v1;
	[tilespmem:s7+$0x20] =	vst v6;
	v6 =	vld.idx.msk [tilespmem:v16+s16+$0x0], $0xffff  }
0x438: {  	v16 =	vadd.s32 s17, v1;
	v18 =	vld.idx.msk [tilespmem:v19+s16+$0x0], $0xffff;
	[tilespmem:s4+$0xFFFFFF40] =	vst v5  }
0x439: {  	v5 =	vadd.s32 s3, v1;
	[tilespmem:s7+$0xA0] =	vst v8;
	v8 =	vld.idx.msk [tilespmem:v11+s16+$0x0], $0xffff;
	v11 =	vadd.s32 s9, v2  }
0x43a: {  	s2 =	sadd.s32 $0x3, s8;
	v19 =	vadd.s32 s10, v1;
	s7 =	sadd.s32 $0x200, s7;
	v20 =	vld.idx.msk [tilespmem:v20+s16+$0x0], $0xffff;
	[tilespmem:s4+$0x40] =	vst v13  }
0x43b: {  	v13 =	vadd.s32 s2, v0;
	[tilespmem:s0+$0xFFFFFFB0] =	vst v15;
	v14 =	vld.idx.msk [tilespmem:v14+s16+$0x0], $0xffff  }
0x43c: {  	[tilespmem:s7+$0xFFFFFF00] =	vst v12;
	v7 =	vld.idx.msk [tilespmem:v7+s16+$0x0], $0xffff;
	v12 =	vadd.s32 s11, v3;
	s11 =	smov.u32 s2  }
0x43d: {  	v15 =	vadd.s32 s5, v2;
	v10 =	vld.idx.msk [tilespmem:v10+s16+$0x0], $0xffff;
	[tilespmem:s4+$0xD0] =	vst v6  }
0x43e: {  	v6 =	vadd.s32 s12, v2;
	[tilespmem:s0+$0xFFFFFF30] =	vst v9;
	v9 =	vld.idx.msk [tilespmem:v11+s16+$0x0], $0xffff  }
0x43f: {  	v11 =	vld.idx.msk [tilespmem:v17+s16+$0x0], $0xffff;
	[tilespmem:s4+$0xFFFFFF50] =	vst v8  }
0x440: {  	v8 =	vld.idx.msk [tilespmem:v13+s16+$0x0], $0xffff;
	v13 =	vadd.s32 s1, v3;
	[tilespmem:s0+$0xB0] =	vst v20;
	s1 =	smov.u32 s3  }
0x441: {  	v12 =	vld.idx.msk [tilespmem:v12+s16+$0x0], $0xffff;
	[tilespmem:s4+$0x50] =	vst v14  }
0x442: {  	[tilespmem:s7+$0x0] =	vst v7;
	v7 =	vld.idx.msk [tilespmem:v15+s16+$0x0], $0xffff  }
0x443: {  	v14 =	vadd.s32 s11, v1;
	[tilespmem:s7+$0x80] =	vst v18;
	v6 =	vld.idx.msk [tilespmem:v6+s16+$0x0], $0xffff  }
0x444: {  	v17 =	vadd.s32 s5, v3;
	v15 =	vld.idx.msk [tilespmem:v5+s16+$0x0], $0xffff;
	[tilespmem:s4+$0xE0] =	vst v9  }
0x445: {  	[tilespmem:s7+$0xFFFFFF80] =	vst v10;
	v9 =	vld.idx.msk [tilespmem:v13+s16+$0x0], $0xffff;
	v10 =	vadd.s32 s12, v3;
	v13 =	vadd.s32 s9, v3  }
0x446: {  	v5 =	vld.idx.msk [tilespmem:v19+s16+$0x0], $0xffff;
	[tilespmem:s0+$0xFFFFFFC0] =	vst v8  }
0x447: {  	v8 =	vadd.s32 s1, v2;
	v16 =	vld.idx.msk [tilespmem:v16+s16+$0x0], $0xffff;
	[tilespmem:s4+$0xFFFFFFF0] =	vst v12  }
0x448: {  	v12 =	vadd.s32 s15, v2;
	v18 =	vld.idx.msk [tilespmem:v14+s16+$0x0], $0xffff;
	[tilespmem:s4+$0x60] =	vst v7  }
0x449: {  	s9 =	sadd.s32 $0x7, s8;
	v19 =	vadd.s32 s17, v2;
	[tilespmem:s4+$0xFFFFFF60] =	vst v6;
	v17 =	vld.idx.msk [tilespmem:v17+s16+$0x0], $0xffff  }
0x44a: {  	v20 =	vadd.s32 s9, v0;
	[tilespmem:s7+$0x10] =	vst v15;
	v10 =	vld.idx.msk [tilespmem:v10+s16+$0x0], $0xffff  }
.Ltmp9:
0x44b: {  	s5 =	sadd.s32 $0x5, s8;
	v14 =	vadd.s32 s11, v2;
	[tilespmem:s0+$0x30] =	vst v9;
	v7 =	vld.idx.msk [tilespmem:v13+s16+$0x0], $0xffff;
	(pc) =	sbr.rel @p2 .LBB2_15-.Ltmp9, $4  }
0x44c: {  	s12 =	sadd.s32 $0x1, s8;
	s8 =	smov.u32 s15;
	v13 =	vadd.s32 s5, v0;
	[tilespmem:s7+$0xFFFFFF10] =	vst v11;
	v6 =	vld.idx.msk [tilespmem:v8+s16+$0x0], $0xffff  }
0x44d: {  	v8 =	vld.idx.msk [tilespmem:v12+s16+$0x0], $0xffff;
	[tilespmem:s7+$0xFFFFFF90] =	vst v16;
	v16 =	vadd.s32 s12, v0  }
0x44e: {  	v15 =	vadd.s32 s10, v2;
	v11 =	vld.idx.msk [tilespmem:v19+s16+$0x0], $0xffff;
	[tilespmem:s0+$0xFFFFFFD0] =	vst v18  }
0x44f: {  	s15 =	sadd.s32 $0x8, s15;
	v9 =	vadd.s32 s8, v3;
	v12 =	vld.idx.msk [tilespmem:v20+s16+$0x0], $0xffff;
	[tilespmem:s4+$0x70] =	vst v17  }
0x450: {  	_ =	sdelay $0x1  }
0x451: {  	[tilespmem:s4+$0xFFFFFF70] =	vst v10  }
0x452: {  	[tilespmem:s4+$0xF0] =	vst v7  }
0x453: {  	v29 =	vld.idx.msk [tilespmem:v14+s16+$0x0], $0xffff;
	[tilespmem:s7+$0x90] =	vst v5;
	v5 =	vadd.s32 s9, v1  }
0x454: {  	v30 =	vld.idx.msk [tilespmem:v16+s16+$0x0], $0xffff;
	[tilespmem:s7+$0x20] =	vst v6  }
0x455: {  	v32 =	vadd.s32 s1, v3;
	v13 =	vld.idx.msk [tilespmem:v13+s16+$0x0], $0xffff;
	[tilespmem:s7+$0xFFFFFF20] =	vst v8  }
0x456: {  	v33 =	vadd.s32 s12, v1;
	v31 =	vld.idx.msk [tilespmem:v15+s16+$0x0], $0xffff;
	[tilespmem:s7+$0xFFFFFFA0] =	vst v11  }
0x457: {  	v34 =	vadd.s32 s10, v3;
	[tilespmem:s0+$0xC0] =	vst v12;
	v4 =	vld.idx.msk [tilespmem:v4+s16+$0x0], $0xffff  }
0x458: {  	v35 =	vadd.s32 s5, v1;
	[tilespmem:s0+$0xFFFFFFE0] =	vst v29;
	v5 =	vld.idx.msk [tilespmem:v5+s16+$0x0], $0xffff  }
0x459: {  	s25 =	sadd.s32 $0x3, s8;
	v42 =	vadd.s32 s11, v3;
	v36 =	vld.idx.msk [tilespmem:v9+s16+$0x0], $0xffff;
	[tilespmem:s0+$0xFFFFFF40] =	vst v30  }
0x45a: {  	s2 =	sadd.s32 $0x5, s8;
	v38 =	vadd.s32 s25, v0;
	v39 =	vld.idx.msk [tilespmem:v32+s16+$0x0], $0xffff;
	[tilespmem:s0+$0x40] =	vst v13  }
0x45b: {  	s3 =	sadd.s32 $0x1, s8;
	v41 =	vadd.s32 s2, v0;
	[tilespmem:s7+$0xA0] =	vst v31;
	v40 =	vld.idx.msk [tilespmem:v33+s16+$0x0], $0xffff  }
0x45c: {  	s26 =	sadd.s32 $0x7, s8;
	v12 =	vld.idx.msk [tilespmem:v34+s16+$0x0], $0xffff;
	[tilespmem:s7+$0xFFFFFFB0] =	vst v4;
	v4 =	vadd.s32 s3, v0  }
0x45d: {  	v10 =	vld.idx.msk [tilespmem:v35+s16+$0x0], $0xffff;
	[tilespmem:s0+$0xD0] =	vst v5;
	v5 =	vadd.s32 s26, v0  }
0x45e: {  	v37 =	vadd.s32 s9, v2;
	v49 =	vld.idx.msk [tilespmem:v42+s16+$0x0], $0xffff;
	[tilespmem:s7+$0xFFFFFF30] =	vst v36  }
0x45f: {  	v44 =	vadd.s32 s5, v2;
	v8 =	vld.idx.msk [tilespmem:v38+s16+$0x0], $0xffff;
	[tilespmem:s7+$0x30] =	vst v39  }
0x460: {  	v45 =	vadd.s32 s25, v1;
	[tilespmem:s0+$0xFFFFFF50] =	vst v40;
	v46 =	vld.idx.msk [tilespmem:v41+s16+$0x0], $0xffff  }
0x461: {  	v47 =	vadd.s32 s2, v1;
	[tilespmem:s7+$0xB0] =	vst v12;
	v4 =	vld.idx.msk [tilespmem:v4+s16+$0x0], $0xffff  }
0x462: {  	v48 =	vadd.s32 s3, v1;
	[tilespmem:s0+$0x50] =	vst v10;
	v5 =	vld.idx.msk [tilespmem:v5+s16+$0x0], $0xffff  }
0x463: {  	v50 =	vadd.s32 s26, v1;
	v43 =	vld.idx.msk [tilespmem:v37+s16+$0x0], $0xffff;
	[tilespmem:s0+$0xFFFFFFF0] =	vst v49  }
0x464: {  	v51 =	vadd.s32 s12, v2;
	v7 =	vld.idx.msk [tilespmem:v44+s16+$0x0], $0xffff;
	[tilespmem:s7+$0xFFFFFFC0] =	vst v8  }
0x465: {  	v52 =	vadd.s32 s5, v3;
	v9 =	vld.idx.msk [tilespmem:v45+s16+$0x0], $0xffff;
	[tilespmem:s7+$0x40] =	vst v46  }
0x466: {  	v53 =	vadd.s32 s25, v2;
	[tilespmem:s7+$0xFFFFFF40] =	vst v4;
	v4 =	vld.idx.msk [tilespmem:v47+s16+$0x0], $0xffff  }
0x467: {  	v54 =	vadd.s32 s2, v2;
	[tilespmem:s7+$0xC0] =	vst v5;
	v5 =	vld.idx.msk [tilespmem:v48+s16+$0x0], $0xffff  }
0x468: {  	v55 =	vadd.s32 s3, v2;
	[tilespmem:s0+$0xE0] =	vst v43;
	v6 =	vld.idx.msk [tilespmem:v50+s16+$0x0], $0xffff  }
0x469: {  	v57 =	vadd.s32 s26, v2;
	v56 =	vld.idx.msk [tilespmem:v51+s16+$0x0], $0xffff;
	[tilespmem:s0+$0x60] =	vst v7  }
0x46a: {  	v58 =	vadd.s32 s12, v3;
	v8 =	vld.idx.msk [tilespmem:v52+s16+$0x0], $0xffff;
	[tilespmem:s7+$0xFFFFFFD0] =	vst v9  }
0x46b: {  	v59 =	vadd.s32 s9, v3;
	v11 =	vld.idx.msk [tilespmem:v53+s16+$0x0], $0xffff;
	[tilespmem:s7+$0x50] =	vst v4  }
0x46c: {  	v4 =	vadd.s32 s25, v3;
	[tilespmem:s7+$0xFFFFFF50] =	vst v5;
	v5 =	vld.idx.msk [tilespmem:v54+s16+$0x0], $0xffff  }
0x46d: {  	v61 =	vadd.s32 s2, v3;
	[tilespmem:s7+$0xD0] =	vst v6;
	v60 =	vld.idx.msk [tilespmem:v55+s16+$0x0], $0xffff  }
0x46e: {  	v62 =	vadd.s32 s3, v3;
	[tilespmem:s0+$0xFFFFFF60] =	vst v56;
	v7 =	vld.idx.msk [tilespmem:v57+s16+$0x0], $0xffff  }
0x46f: {  	v63 =	vadd.s32 s26, v3;
	v13 =	vld.idx.msk [tilespmem:v58+s16+$0x0], $0xffff;
	[tilespmem:s0+$0x70] =	vst v8  }
0x470: {  	v9 =	vld.idx.msk [tilespmem:v59+s16+$0x0], $0xffff;
	[tilespmem:s7+$0xFFFFFFE0] =	vst v11  }
0x471: {  	v4 =	vld.idx.msk [tilespmem:v4+s16+$0x0], $0xffff;
	[tilespmem:s7+$0x60] =	vst v5  }
0x472: {  	[tilespmem:s7+$0xFFFFFF60] =	vst v60;
	v5 =	vld.idx.msk [tilespmem:v61+s16+$0x0], $0xffff  }
0x473: {  	[tilespmem:s7+$0xE0] =	vst v7;
	v6 =	vld.idx.msk [tilespmem:v62+s16+$0x0], $0xffff  }
0x474: {  	[tilespmem:s0+$0xFFFFFF70] =	vst v13;
	v7 =	vld.idx.msk [tilespmem:v63+s16+$0x0], $0xffff  }
0x475: {  	[tilespmem:s0+$0xF0] =	vst v9  }
0x476: {  	[tilespmem:s7+$0xFFFFFFF0] =	vst v4  }
0x477: {  	[tilespmem:s7+$0x70] =	vst v5  }
0x478: {  	[tilespmem:s7+$0xFFFFFF70] =	vst v6  }
0x479: {  	s28 =	simm.s32 $0x0;
	[tilespmem:s7+$0xF0] =	vst v7  }
0x47a: {  	s30 =	simm.s32 $0xC080;
	s31 =	simm.s32 $0x5;
	s29 =	rddreg [dreg:$0x7]  }
0x47b: {  	[hbm4b:s29+s28] =	stream.linear.scatter [tilespmem:s30], [sflag:$0x5], $0x4000, $0x38;
	[tilespmem:$0x14080] =	vst v63  }
0x47c: {  	_ =	swait.ge [sflag:s31], $0x4000  }
0x47d: {  	[sflag:s31] =	ssyncset.done $0x0  }
0x47e: {  	[sflag:s31] =	ssyncadd.s32 $0xFFFFC000  }
.LBB2_17:
.Ltmp10:
0x47f: {  	(pc) =	sbr.rel @p1 .LBB2_23-.Ltmp10, $2  }
0x480: {  	_ =	sdelay $0x2  }
0x481: {  	s1 =	rddreg [dreg:$0xb]  }
0x482: {  	s0 =	simm.s32 $0x0;
	s2 =	rddreg [dreg:$0x8]  }
0x483: {  	[tilespmem:s0], [sflag:$0x5] =	stream.linear.gather [hbm4b:s2+s0], $0x400, $0x38;
	[tilespmem:$0x14080] =	vst v63  }
0x484: {  	s3 =	simm.s32 $0x800;
	s1 =	sadd.s32 $0xF4280, s2  }
0x485: {  	[tilespmem:s3], [sflag:$0x5] =	stream.linear.gather [hbm4b:s1+s0], $0x400, $0x38;
	[tilespmem:$0x14080] =	vst v63  }
0x486: {  	s7 =	simm.s32 $0x1000;
	s5 =	sadd.s32 $0x1E8500, s2  }
0x487: {  	[tilespmem:s7], [sflag:$0x5] =	stream.linear.gather [hbm4b:s5+s0], $0x400, $0x38;
	[tilespmem:$0x14080] =	vst v63  }
0x488: {  	s9 =	simm.s32 $0x1800;
	s8 =	sadd.s32 $0x2DC780, s2  }
0x489: {  	[tilespmem:s9], [sflag:$0x5] =	stream.linear.gather [hbm4b:s8+s0], $0x400, $0x38;
	[tilespmem:$0x14080] =	vst v63  }
0x48a: {  	s11 =	simm.s32 $0x2000;
	s10 =	sadd.s32 $0x3D0A00, s2  }
0x48b: {  	[tilespmem:s11], [sflag:$0x5] =	stream.linear.gather [hbm4b:s10+s0], $0x400, $0x38;
	[tilespmem:$0x14080] =	vst v63  }
0x48c: {  	s13 =	simm.s32 $0x2800;
	s12 =	sadd.s32 $0x4C4C80, s2  }
0x48d: {  	[tilespmem:s13], [sflag:$0x5] =	stream.linear.gather [hbm4b:s12+s0], $0x400, $0x38;
	[tilespmem:$0x14080] =	vst v63  }
0x48e: {  	s15 =	simm.s32 $0x3000;
	s14 =	sadd.s32 $0x5B8F00, s2  }
0x48f: {  	[tilespmem:s15], [sflag:$0x5] =	stream.linear.gather [hbm4b:s14+s0], $0x400, $0x38;
	[tilespmem:$0x14080] =	vst v63  }
0x490: {  	s19 =	simm.s32 $0x3800;
	s20 =	simm.s32 $0x5;
	s17 =	sadd.s32 $0x6AD180, s2  }
0x491: {  	[tilespmem:s19], [sflag:$0x5] =	stream.linear.gather [hbm4b:s17+s0], $0x400, $0x38;
	[tilespmem:$0x14080] =	vst v63  }
0x492: {  	s21 =	simm.s32 $0x180;
	s24 =	simm.s32 $0x80;
	_ =	swait.ge [sflag:s20], $0x2000  }
0x493: {  	s22 =	sand.u32 $0x3800, s0;
	s1 =	sand.u32 $0x380, s21;
	[sflag:s20] =	ssyncset.done $0x0  }
0x494: {  	s23 =	sor.u32 s1, s22;
	s1 =	sand.u32 $0x280, s24;
	[sflag:s20] =	ssyncadd.s32 $0xFFFFE000  }
0x495: {  	s12 =	sor.u32 s1, s22;
	v4 =	vld [tilespmem:s23+$0x0]  }
0x496: {  	s4 =	simm.s32 $0x100;
	v5 =	vld [tilespmem:s12+$0x0]  }
0x497: {  	s25 =	sand.u32 $0x300, s4  }
0x498: {  	s26 =	sand.u32 $0x200, s0;
	s15 =	sor.u32 s25, s22  }
0x499: {  	s4 =	simm.s32 $0x8202;
	s1 =	sor.u32 s26, s22;
	v6 =	vld [tilespmem:s15+$0x0]  }
0x49a: {  	v7 =	vld [tilespmem:s1+$0x0];
	[tilespmem:s4+$0x101] =	vst v4  }
0x49b: {  	[tilespmem:s4+$0xFFFFFEFF] =	vst v5;
	v4 =	vld [tilespmem:s23+$0x10]  }
0x49c: {  	v5 =	vld [tilespmem:s12+$0x10];
	_ =	sdelay $0x1  }
0x49d: {  	[tilespmem:s4+$0x0] =	vst v6  }
0x49e: {  	[tilespmem:s4+$0xFFFFFDFE] =	vst v7;
	v6 =	vld [tilespmem:s15+$0x10]  }
0x49f: {  	v7 =	vld [tilespmem:s1+$0x10];
	[tilespmem:s4+$0x111] =	vst v4  }
0x4a0: {  	[tilespmem:s4+$0xFFFFFF0F] =	vst v5;
	v4 =	vld [tilespmem:s23+$0x20]  }
0x4a1: {  	v5 =	vld [tilespmem:s12+$0x20];
	_ =	sdelay $0x1  }
0x4a2: {  	[tilespmem:s4+$0x10] =	vst v6  }
0x4a3: {  	[tilespmem:s4+$0xFFFFFE0E] =	vst v7;
	v6 =	vld [tilespmem:s15+$0x20]  }
0x4a4: {  	v7 =	vld [tilespmem:s1+$0x20];
	[tilespmem:s4+$0x121] =	vst v4  }
0x4a5: {  	[tilespmem:s4+$0xFFFFFF1F] =	vst v5;
	v4 =	vld [tilespmem:s23+$0x30]  }
0x4a6: {  	v5 =	vld [tilespmem:s12+$0x30];
	_ =	sdelay $0x1  }
0x4a7: {  	[tilespmem:s4+$0x20] =	vst v6  }
0x4a8: {  	[tilespmem:s4+$0xFFFFFE1E] =	vst v7;
	v6 =	vld [tilespmem:s15+$0x30]  }
0x4a9: {  	v7 =	vld [tilespmem:s1+$0x30];
	[tilespmem:s4+$0x131] =	vst v4  }
0x4aa: {  	[tilespmem:s4+$0xFFFFFF2F] =	vst v5;
	v4 =	vld [tilespmem:s23+$0x40]  }
0x4ab: {  	v5 =	vld [tilespmem:s12+$0x40];
	_ =	sdelay $0x1  }
0x4ac: {  	s28 =	simm.s32 $0x380;
	s11 =	simm.s32 $0x400;
	[tilespmem:s4+$0x30] =	vst v6  }
0x4ad: {  	s2 =	sand.u32 $0x380, s28;
	s5 =	sand.u32 $0x3800, s11;
	[tilespmem:s4+$0xFFFFFE2E] =	vst v7;
	v6 =	vld [tilespmem:s15+$0x40]  }
0x4ae: {  	s29 =	simm.s32 $0x300;
	s7 =	sor.u32 s2, s5;
	v7 =	vld [tilespmem:s1+$0x40];
	[tilespmem:s4+$0x141] =	vst v4  }
0x4af: {  	s8 =	simm.s32 $0x280;
	s2 =	sand.u32 $0x300, s29;
	[tilespmem:s4+$0xFFFFFF3F] =	vst v5;
	v5 =	vld [tilespmem:s7+$0x0]  }
0x4b0: {  	s8 =	sand.u32 $0x280, s8;
	s10 =	sor.u32 s2, s5;
	v4 =	vld [tilespmem:s23+$0x50]  }
0x4b1: {  	s30 =	simm.s32 $0x200;
	s9 =	sor.u32 s8, s5;
	v9 =	vld [tilespmem:s10+$0x0]  }
0x4b2: {  	s31 =	sand.u32 $0x200, s30;
	[tilespmem:s4+$0x40] =	vst v6;
	v6 =	vld [tilespmem:s9+$0x0]  }
0x4b3: {  	s8 =	simm.s32 $0x8606;
	s5 =	sor.u32 s31, s5;
	[tilespmem:s4+$0xFFFFFE3E] =	vst v7;
	v8 =	vld [tilespmem:s12+$0x50]  }
0x4b4: {  	v7 =	vld [tilespmem:s5+$0x0];
	[tilespmem:s8+$0x101] =	vst v5  }
0x4b5: {  	[tilespmem:s4+$0x151] =	vst v4;
	v5 =	vld [tilespmem:s7+$0x10]  }
0x4b6: {  	[tilespmem:s8+$0x0] =	vst v9;
	v4 =	vld [tilespmem:s23+$0x60]  }
0x4b7: {  	v9 =	vld [tilespmem:s10+$0x10];
	[tilespmem:s8+$0xFFFFFEFF] =	vst v6  }
0x4b8: {  	[tilespmem:s4+$0xFFFFFF4F] =	vst v8;
	v8 =	vld [tilespmem:s9+$0x10]  }
0x4b9: {  	v6 =	vld [tilespmem:s15+$0x50];
	[tilespmem:s8+$0xFFFFFDFE] =	vst v7  }
0x4ba: {  	v7 =	vld [tilespmem:s5+$0x10];
	[tilespmem:s8+$0x111] =	vst v5  }
0x4bb: {  	[tilespmem:s4+$0x161] =	vst v4;
	v5 =	vld [tilespmem:s7+$0x20]  }
0x4bc: {  	[tilespmem:s8+$0x10] =	vst v9;
	v4 =	vld [tilespmem:s23+$0x70]  }
0x4bd: {  	v9 =	vld [tilespmem:s10+$0x20];
	[tilespmem:s8+$0xFFFFFF0F] =	vst v8  }
0x4be: {  	[tilespmem:s4+$0x50] =	vst v6;
	v8 =	vld [tilespmem:s9+$0x20]  }
0x4bf: {  	v6 =	vld [tilespmem:s1+$0x50];
	[tilespmem:s8+$0xFFFFFE0E] =	vst v7  }
0x4c0: {  	v7 =	vld [tilespmem:s5+$0x20];
	[tilespmem:s8+$0x121] =	vst v5  }
0x4c1: {  	[tilespmem:s4+$0x171] =	vst v4;
	v4 =	vld [tilespmem:s12+$0x60]  }
0x4c2: {  	[tilespmem:s8+$0x20] =	vst v9;
	v5 =	vld [tilespmem:s7+$0x30]  }
0x4c3: {  	v9 =	vld [tilespmem:s10+$0x30];
	[tilespmem:s8+$0xFFFFFF1F] =	vst v8  }
0x4c4: {  	[tilespmem:s4+$0xFFFFFE4E] =	vst v6;
	v10 =	vld [tilespmem:s9+$0x30]  }
0x4c5: {  	v6 =	vld [tilespmem:s15+$0x60];
	[tilespmem:s8+$0xFFFFFE1E] =	vst v7  }
0x4c6: {  	v11 =	vld [tilespmem:s5+$0x30];
	[tilespmem:s4+$0xFFFFFF5F] =	vst v4  }
0x4c7: {  	v4 =	vld [tilespmem:s1+$0x60];
	[tilespmem:s8+$0x131] =	vst v5  }
0x4c8: {  	[tilespmem:s8+$0x30] =	vst v9;
	v8 =	vld [tilespmem:s7+$0x40]  }
0x4c9: {  	[tilespmem:s8+$0xFFFFFF2F] =	vst v10;
	v5 =	vld [tilespmem:s12+$0x70]  }
0x4ca: {  	[tilespmem:s4+$0x60] =	vst v6;
	v7 =	vld [tilespmem:s9+$0x40]  }
0x4cb: {  	v6 =	vld [tilespmem:s10+$0x40];
	[tilespmem:s8+$0xFFFFFE2E] =	vst v11  }
0x4cc: {  	s13 =	simm.s32 $0x400;
	s12 =	simm.s32 $0x4;
	[tilespmem:s4+$0xFFFFFE5E] =	vst v4;
	v4 =	vld [tilespmem:s15+$0x70]  }
.LBB2_19:
0x4cd: {  	s2 =	sadd.s32 $0x180, s13;
	s12 =	sadd.s32 $0x4, s12;
	v9 =	vld [tilespmem:s5+$0x40];
	[tilespmem:s8+$0x141] =	vst v8;
	s11 =	sadd.s32 $0x400, s11  }
0x4ce: {  	s3 =	sand.u32 $0x3800, s11;
	s2 =	sand.u32 $0x380, s2;
	p2 =	slt.u32 s12, $0x3C;
	v8 =	vld [tilespmem:s7+$0x50];
	[tilespmem:s4+$0xFFFFFF6F] =	vst v5  }
0x4cf: {  	s14 =	sadd.s32 $0x80, s13;
	s15 =	sadd.s32 $0x100, s13;
	s2 =	sor.u32 s2, s3;
	[tilespmem:s8+$0xFFFFFF3F] =	vst v7;
	v5 =	vld [tilespmem:s1+$0x70]  }
0x4d0: {  	s14 =	sand.u32 $0x280, s14;
	s17 =	sand.u32 $0x300, s15;
	s1 =	sand.u32 $0x200, s13;
	v7 =	vld [tilespmem:s2+$0x0];
	[tilespmem:s8+$0x40] =	vst v6  }
0x4d1: {  	s15 =	sor.u32 s14, s3;
	s19 =	sor.u32 s1, s3;
	s3 =	sor.u32 s17, s3;
	v6 =	vld [tilespmem:s9+$0x50];
	[tilespmem:s4+$0x70] =	vst v4  }
0x4d2: {  	s1 =	smov.u32 s5;
	s5 =	smov.u32 s19;
	v4 =	vld [tilespmem:s15+$0x0];
	[tilespmem:s8+$0xFFFFFE3E] =	vst v9  }
0x4d3: {  	v9 =	vld [tilespmem:s3+$0x0];
	[tilespmem:s8+$0x151] =	vst v8  }
0x4d4: {  	v8 =	vld [tilespmem:s7+$0x60];
	[tilespmem:s4+$0xFFFFFE6E] =	vst v5;
	s4 =	smov.u32 s8;
	s8 =	sadd.s32 $0x404, s8  }
0x4d5: {  	v5 =	vld [tilespmem:s5+$0x0];
	[tilespmem:s8+$0x101] =	vst v7  }
0x4d6: {  	v7 =	vld [tilespmem:s2+$0x10];
	[tilespmem:s4+$0xFFFFFF4F] =	vst v6  }
0x4d7: {  	[tilespmem:s8+$0xFFFFFEFF] =	vst v4;
	v4 =	vld [tilespmem:s10+$0x50]  }
0x4d8: {  	v6 =	vld [tilespmem:s15+$0x10];
	[tilespmem:s8+$0x0] =	vst v9  }
0x4d9: {  	v9 =	vld [tilespmem:s3+$0x10];
	[tilespmem:s4+$0x161] =	vst v8  }
0x4da: {  	[tilespmem:s8+$0xFFFFFDFE] =	vst v5;
	v5 =	vld [tilespmem:s7+$0x70];
	s7 =	smov.u32 s2  }
0x4db: {  	v8 =	vld [tilespmem:s5+$0x10];
	[tilespmem:s8+$0x111] =	vst v7  }
0x4dc: {  	v7 =	vld [tilespmem:s7+$0x20];
	[tilespmem:s4+$0x50] =	vst v4  }
0x4dd: {  	[tilespmem:s8+$0xFFFFFF0F] =	vst v6;
	v4 =	vld [tilespmem:s1+$0x50]  }
0x4de: {  	v6 =	vld [tilespmem:s15+$0x20];
	[tilespmem:s8+$0x10] =	vst v9  }
0x4df: {  	v9 =	vld [tilespmem:s3+$0x20];
	[tilespmem:s4+$0x171] =	vst v5  }
0x4e0: {  	[tilespmem:s8+$0xFFFFFE0E] =	vst v8;
	v5 =	vld [tilespmem:s9+$0x60]  }
0x4e1: {  	v8 =	vld [tilespmem:s5+$0x20];
	[tilespmem:s8+$0x121] =	vst v7  }
0x4e2: {  	v7 =	vld [tilespmem:s7+$0x30];
	[tilespmem:s4+$0xFFFFFE4E] =	vst v4  }
0x4e3: {  	[tilespmem:s8+$0xFFFFFF1F] =	vst v6;
	v4 =	vld [tilespmem:s10+$0x60]  }
0x4e4: {  	v6 =	vld [tilespmem:s15+$0x30];
	[tilespmem:s8+$0x20] =	vst v9  }
0x4e5: {  	v9 =	vld [tilespmem:s3+$0x30];
	[tilespmem:s4+$0xFFFFFF5F] =	vst v5  }
0x4e6: {  	[tilespmem:s8+$0xFFFFFE1E] =	vst v8;
	v10 =	vld [tilespmem:s1+$0x60]  }
0x4e7: {  	v11 =	vld [tilespmem:s5+$0x30];
	[tilespmem:s8+$0x131] =	vst v7  }
.Ltmp11:
0x4e8: {  	v8 =	vld [tilespmem:s7+$0x40];
	[tilespmem:s4+$0x60] =	vst v4;
	(pc) =	sbr.rel @p2 .LBB2_19-.Ltmp11, $4  }
0x4e9: {  	[tilespmem:s8+$0xFFFFFF2F] =	vst v6;
	v5 =	vld [tilespmem:s9+$0x70];
	s9 =	smov.u32 s15  }
0x4ea: {  	v7 =	vld [tilespmem:s9+$0x40];
	[tilespmem:s8+$0x30] =	vst v9  }
0x4eb: {  	v6 =	vld [tilespmem:s3+$0x40];
	[tilespmem:s4+$0xFFFFFE5E] =	vst v10  }
0x4ec: {  	s13 =	sadd.s32 $0x200, s13;
	[tilespmem:s8+$0xFFFFFE2E] =	vst v11;
	v4 =	vld [tilespmem:s10+$0x70];
	s10 =	smov.u32 s3  }
0x4ed: {  	v9 =	vld [tilespmem:s5+$0x40];
	_ =	sdelay $0x1  }
0x4ee: {  	[tilespmem:s8+$0x141] =	vst v8  }
0x4ef: {  	v8 =	vld [tilespmem:s7+$0x50];
	[tilespmem:s8+$0xFFFFFF3F] =	vst v7  }
0x4f0: {  	[tilespmem:s8+$0x40] =	vst v6;
	v6 =	vld [tilespmem:s9+$0x50]  }
0x4f1: {  	v7 =	vld [tilespmem:s10+$0x50];
	[tilespmem:s8+$0xFFFFFE3E] =	vst v9  }
0x4f2: {  	v9 =	vld [tilespmem:s5+$0x50];
	_ =	sdelay $0x1  }
0x4f3: {  	[tilespmem:s8+$0x151] =	vst v8  }
0x4f4: {  	v8 =	vld [tilespmem:s7+$0x60];
	[tilespmem:s8+$0xFFFFFF4F] =	vst v6  }
0x4f5: {  	[tilespmem:s8+$0x50] =	vst v7;
	v6 =	vld [tilespmem:s9+$0x60]  }
0x4f6: {  	v7 =	vld [tilespmem:s10+$0x60];
	[tilespmem:s8+$0xFFFFFE4E] =	vst v9  }
0x4f7: {  	v9 =	vld [tilespmem:s5+$0x60]  }
0x4f8: {  	[tilespmem:s4+$0xFFFFFF6F] =	vst v5  }
0x4f9: {  	v5 =	vld [tilespmem:s1+$0x70];
	[tilespmem:s8+$0x161] =	vst v8  }
0x4fa: {  	v8 =	vld [tilespmem:s7+$0x70];
	[tilespmem:s8+$0xFFFFFF5F] =	vst v6  }
0x4fb: {  	[tilespmem:s8+$0x60] =	vst v7;
	v6 =	vld [tilespmem:s9+$0x70]  }
0x4fc: {  	v7 =	vld [tilespmem:s10+$0x70];
	[tilespmem:s8+$0xFFFFFE5E] =	vst v9  }
0x4fd: {  	s24 =	simm.s32 $0x2;
	[tilespmem:s4+$0x70] =	vst v4;
	v4 =	vld [tilespmem:s5+$0x70]  }
0x4fe: {  	[tilespmem:s4+$0xFFFFFE6E] =	vst v5;
	v5 =	vadd.s32 s24, v0  }
0x4ff: {  	[tilespmem:s8+$0x171] =	vst v8;
	v8 =	vadd.s32 s0, v0  }
0x500: {  	[tilespmem:s8+$0xFFFFFF6F] =	vst v6  }
0x501: {  	s2 =	simm.s32 $0x4;
	[tilespmem:s8+$0x70] =	vst v7  }
0x502: {  	s25 =	simm.s32 $0x6;
	[tilespmem:s8+$0xFFFFFE6E] =	vst v4;
	v4 =	vadd.s32 s2, v0  }
0x503: {  	v6 =	vadd.s32 s25, v0;
	v5 =	vld.idx.msk [tilespmem:v5+s16+$0x0], $0xffff  }
0x504: {  	v7 =	vld.idx.msk [tilespmem:v8+s16+$0x0], $0xffff;
	v8 =	vadd.s32 s24, v1  }
0x505: {  	v9 =	vadd.s32 s0, v1;
	_ =	sdelay $0x1  }
0x506: {  	s4 =	simm.s32 $0xC180;
	v4 =	vld.idx.msk [tilespmem:v4+s16+$0x0], $0xffff  }
0x507: {  	v10 =	vadd.s32 s2, v1;
	v6 =	vld.idx.msk [tilespmem:v6+s16+$0x0], $0xffff;
	[tilespmem:s4+$0xFFFFFF80] =	vst v5  }
0x508: {  	v5 =	vadd.s32 s25, v1;
	[tilespmem:s4+$0xFFFFFF00] =	vst v7;
	v7 =	vld.idx.msk [tilespmem:v8+s16+$0x0], $0xffff  }
0x509: {  	v8 =	vld.idx.msk [tilespmem:v9+s16+$0x0], $0xffff;
	v9 =	vadd.s32 s24, v2  }
0x50a: {  	v11 =	vadd.s32 s0, v2  }
0x50b: {  	[tilespmem:s4+$0x0] =	vst v4  }
0x50c: {  	s28 =	simm.s32 $0x8;
	[tilespmem:s4+$0x80] =	vst v6;
	v4 =	vld.idx.msk [tilespmem:v10+s16+$0x0], $0xffff  }
0x50d: {  	v12 =	vadd.s32 s28, v0;
	v5 =	vld.idx.msk [tilespmem:v5+s16+$0x0], $0xffff;
	[tilespmem:s4+$0xFFFFFF90] =	vst v7  }
0x50e: {  	[tilespmem:s4+$0xFFFFFF10] =	vst v8;
	v8 =	vadd.s32 s25, v2;
	v7 =	vld.idx.msk [tilespmem:v9+s16+$0x0], $0xffff  }
0x50f: {  	v9 =	vadd.s32 s24, v3;
	v10 =	vld.idx.msk [tilespmem:v11+s16+$0x0], $0xffff  }
0x510: {  	s26 =	simm.s32 $0xC;
	v11 =	vadd.s32 s0, v3  }
0x511: {  	[tilespmem:s4+$0x10] =	vst v4;
	v4 =	vadd.s32 s26, v0  }
0x512: {  	s29 =	simm.s32 $0xA;
	v12 =	vld.idx.msk [tilespmem:v12+s16+$0x0], $0xffff;
	v6 =	vadd.s32 s2, v2;
	[tilespmem:s4+$0x90] =	vst v5  }
0x513: {  	s30 =	simm.s32 $0xE;
	v5 =	vadd.s32 s29, v0;
	v8 =	vld.idx.msk [tilespmem:v8+s16+$0x0], $0xffff;
	[tilespmem:s4+$0xFFFFFFA0] =	vst v7  }
0x514: {  	s3 =	simm.s32 $0x3;
	v7 =	vadd.s32 s30, v0;
	[tilespmem:s4+$0xFFFFFF20] =	vst v10;
	v9 =	vld.idx.msk [tilespmem:v9+s16+$0x0], $0xffff  }
0x515: {  	v10 =	vld.idx.msk [tilespmem:v11+s16+$0x0], $0xffff;
	v11 =	vadd.s32 s3, v0  }
0x516: {  	v13 =	vadd.s32 s25, v3;
	v4 =	vld.idx.msk [tilespmem:v4+s16+$0x0], $0xffff  }
0x517: {  	v14 =	vadd.s32 s26, v1;
	s0 =	simm.s32 $0xC380;
	v6 =	vld.idx.msk [tilespmem:v6+s16+$0x0], $0xffff  }
0x518: {  	v15 =	vadd.s32 s28, v1;
	[tilespmem:s0+$0xFFFFFF00] =	vst v12;
	v5 =	vld.idx.msk [tilespmem:v5+s16+$0x0], $0xffff  }
0x519: {  	v16 =	vadd.s32 s29, v1;
	v7 =	vld.idx.msk [tilespmem:v7+s16+$0x0], $0xffff;
	[tilespmem:s4+$0xFFFFFFB0] =	vst v9  }
0x51a: {  	[tilespmem:s4+$0xA0] =	vst v8;
	v9 =	vadd.s32 s2, v3;
	v8 =	vld.idx.msk [tilespmem:v11+s16+$0x0], $0xffff  }
0x51b: {  	v11 =	vld.idx.msk [tilespmem:v13+s16+$0x0], $0xffff;
	v13 =	vadd.s32 s30, v1;
	[tilespmem:s0+$0x0] =	vst v4  }
0x51c: {  	[tilespmem:s4+$0x20] =	vst v6;
	v4 =	vadd.s32 s3, v1;
	v12 =	vld.idx.msk [tilespmem:v14+s16+$0x0], $0xffff  }
0x51d: {  	[tilespmem:s0+$0xFFFFFF80] =	vst v5;
	v5 =	vadd.s32 s26, v2;
	v14 =	vld.idx.msk [tilespmem:v15+s16+$0x0], $0xffff  }
0x51e: {  	s31 =	simm.s32 $0x7;
	v6 =	vld.idx.msk [tilespmem:v16+s16+$0x0], $0xffff;
	v15 =	vadd.s32 s28, v2;
	[tilespmem:s0+$0x80] =	vst v7  }
0x51f: {  	v7 =	vadd.s32 s31, v0;
	v9 =	vld.idx.msk [tilespmem:v9+s16+$0x0], $0xffff;
	[tilespmem:s4+$0xFFFFFFC0] =	vst v8  }
0x520: {  	v8 =	vadd.s32 s29, v2;
	v13 =	vld.idx.msk [tilespmem:v13+s16+$0x0], $0xffff;
	[tilespmem:s4+$0xB0] =	vst v11  }
0x521: {  	v11 =	vadd.s32 s30, v2;
	v4 =	vld.idx.msk [tilespmem:v4+s16+$0x0], $0xffff;
	[tilespmem:s0+$0x10] =	vst v12  }
0x522: {  	s13 =	simm.s32 $0x5;
	v12 =	vadd.s32 s3, v2;
	[tilespmem:s0+$0xFFFFFF10] =	vst v14;
	v5 =	vld.idx.msk [tilespmem:v5+s16+$0x0], $0xffff  }
0x523: {  	s12 =	simm.s32 $0x1;
	[tilespmem:s4+$0xFFFFFF30] =	vst v10;
	v14 =	vadd.s32 s13, v0;
	v15 =	vld.idx.msk [tilespmem:v15+s16+$0x0], $0xffff  }
0x524: {  	s8 =	simm.s32 $0x10;
	[tilespmem:s0+$0xFFFFFF90] =	vst v6;
	v6 =	vadd.s32 s12, v0;
	v7 =	vld.idx.msk [tilespmem:v7+s16+$0x0], $0xffff  }
0x525: {  	v10 =	vadd.s32 s8, v0;
	v8 =	vld.idx.msk [tilespmem:v8+s16+$0x0], $0xffff;
	[tilespmem:s0+$0x90] =	vst v13  }
0x526: {  	v13 =	vadd.s32 s31, v1;
	[tilespmem:s4+$0xFFFFFFD0] =	vst v4;
	v11 =	vld.idx.msk [tilespmem:v11+s16+$0x0], $0xffff  }
0x527: {  	[tilespmem:s4+$0x30] =	vst v9;
	v4 =	vadd.s32 s28, v3;
	v9 =	vld.idx.msk [tilespmem:v12+s16+$0x0], $0xffff  }
0x528: {  	s10 =	simm.s32 $0x16;
	v16 =	vadd.s32 s29, v3;
	v12 =	vld.idx.msk [tilespmem:v14+s16+$0x0], $0xffff;
	[tilespmem:s0+$0xFFFFFF20] =	vst v15  }
0x529: {  	s1 =	simm.s32 $0x14;
	v6 =	vld.idx.msk [tilespmem:v6+s16+$0x0], $0xffff;
	v14 =	vadd.s32 s10, v0;
	[tilespmem:s4+$0xC0] =	vst v7  }
0x52a: {  	v7 =	vld.idx.msk [tilespmem:v10+s16+$0x0], $0xffff;
	v10 =	vadd.s32 s1, v0;
	[tilespmem:s0+$0x20] =	vst v5  }
0x52b: {  	s15 =	simm.s32 $0x12;
	[tilespmem:s0+$0xFFFFFFA0] =	vst v8;
	v8 =	vadd.s32 s12, v1;
	v5 =	vld.idx.msk [tilespmem:v13+s16+$0x0], $0xffff  }
0x52c: {  	v13 =	vadd.s32 s15, v0;
	v4 =	vld.idx.msk [tilespmem:v4+s16+$0x0], $0xffff;
	[tilespmem:s0+$0xA0] =	vst v11  }
0x52d: {  	v15 =	vld.idx.msk [tilespmem:v16+s16+$0x0], $0xffff;
	v16 =	vadd.s32 s30, v3;
	[tilespmem:s4+$0xFFFFFFE0] =	vst v9  }
0x52e: {  	s7 =	simm.s32 $0xC580;
	v9 =	vadd.s32 s13, v1;
	v14 =	vld.idx.msk [tilespmem:v14+s16+$0x0], $0xffff;
	[tilespmem:s4+$0xFFFFFF40] =	vst v6  }
0x52f: {  	v11 =	vadd.s32 s8, v1;
	[tilespmem:s7+$0xFFFFFF00] =	vst v7;
	v7 =	vld.idx.msk [tilespmem:v10+s16+$0x0], $0xffff  }
0x530: {  	s11 =	simm.s32 $0xB;
	v6 =	vld.idx.msk [tilespmem:v8+s16+$0x0], $0xffff;
	v8 =	vadd.s32 s31, v2  }
0x531: {  	[tilespmem:s4+$0x40] =	vst v12;
	v12 =	vadd.s32 s11, v0;
	v13 =	vld.idx.msk [tilespmem:v13+s16+$0x0], $0xffff  }
0x532: {  	v10 =	vadd.s32 s3, v3;
	[tilespmem:s4+$0xD0] =	vst v5;
	v16 =	vld.idx.msk [tilespmem:v16+s16+$0x0], $0xffff  }
0x533: {  	[tilespmem:s0+$0xFFFFFF30] =	vst v4;
	v4 =	vadd.s32 s12, v2;
	v9 =	vld.idx.msk [tilespmem:v9+s16+$0x0], $0xffff  }
0x534: {  	[tilespmem:s0+$0xFFFFFFB0] =	vst v15;
	v15 =	vadd.s32 s13, v2;
	v11 =	vld.idx.msk [tilespmem:v11+s16+$0x0], $0xffff  }
0x535: {  	[tilespmem:s7+$0x80] =	vst v14;
	v5 =	vld.idx.msk [tilespmem:v8+s16+$0x0], $0xffff;
	v8 =	vadd.s32 s1, v1  }
0x536: {  	[tilespmem:s4+$0xFFFFFF50] =	vst v6;
	v6 =	vld.idx.msk [tilespmem:v12+s16+$0x0], $0xffff;
	v12 =	vadd.s32 s26, v3  }
0x537: {  	v10 =	vld.idx.msk [tilespmem:v10+s16+$0x0], $0xffff;
	[tilespmem:s0+$0xB0] =	vst v16;
	v16 =	vadd.s32 s10, v1  }
0x538: {  	v14 =	vadd.s32 s11, v1;
	v4 =	vld.idx.msk [tilespmem:v4+s16+$0x0], $0xffff;
	[tilespmem:s4+$0x50] =	vst v9  }
0x539: {  	[tilespmem:s7+$0x0] =	vst v7;
	v9 =	vadd.s32 s15, v1;
	v7 =	vld.idx.msk [tilespmem:v15+s16+$0x0], $0xffff  }
0x53a: {  	[tilespmem:s7+$0xFFFFFF80] =	vst v13;
	v13 =	vadd.s32 s12, v3;
	v8 =	vld.idx.msk [tilespmem:v8+s16+$0x0], $0xffff  }
0x53b: {  	v15 =	vadd.s32 s13, v3;
	[tilespmem:s4+$0xE0] =	vst v5;
	v12 =	vld.idx.msk [tilespmem:v12+s16+$0x0], $0xffff  }
0x53c: {  	v17 =	vadd.s32 s31, v3;
	s9 =	simm.s32 $0xF;
	[tilespmem:s0+$0xFFFFFFC0] =	vst v6;
	v5 =	vld.idx.msk [tilespmem:v16+s16+$0x0], $0xffff  }
0x53d: {  	v21 =	vadd.s32 s9, v0;
	[tilespmem:s4+$0xFFFFFFF0] =	vst v10;
	v18 =	vld.idx.msk [tilespmem:v14+s16+$0x0], $0xffff  }
0x53e: {  	v16 =	vadd.s32 s8, v2;
	[tilespmem:s4+$0xFFFFFF60] =	vst v4;
	v9 =	vld.idx.msk [tilespmem:v9+s16+$0x0], $0xffff  }
0x53f: {  	v6 =	vadd.s32 s1, v2;
	v10 =	vld.idx.msk [tilespmem:v13+s16+$0x0], $0xffff;
	[tilespmem:s4+$0x60] =	vst v7  }
0x540: {  	v19 =	vadd.s32 s15, v2;
	[tilespmem:s7+$0xFFFFFF10] =	vst v11;
	v20 =	vld.idx.msk [tilespmem:v15+s16+$0x0], $0xffff  }
0x541: {  	s5 =	simm.s32 $0xD;
	v14 =	vadd.s32 s11, v2;
	v7 =	vld.idx.msk [tilespmem:v17+s16+$0x0], $0xffff;
	[tilespmem:s7+$0x10] =	vst v8  }
0x542: {  	s12 =	simm.s32 $0x9;
	v13 =	vadd.s32 s5, v0;
	[tilespmem:s0+$0x30] =	vst v12;
	v12 =	vld.idx.msk [tilespmem:v21+s16+$0x0], $0xffff  }
0x543: {  	v8 =	vld.idx.msk [tilespmem:v16+s16+$0x0], $0xffff;
	v16 =	vadd.s32 s12, v0;
	[tilespmem:s0+$0xFFFFFFD0] =	vst v18  }
0x544: {  	v15 =	vadd.s32 s10, v2;
	v6 =	vld.idx.msk [tilespmem:v6+s16+$0x0], $0xffff;
	[tilespmem:s7+$0xFFFFFF90] =	vst v9  }
0x545: {  	s13 =	simm.s32 $0x8;
	v4 =	vadd.s32 s15, v3;
	s15 =	simm.s32 $0x18;
	v9 =	vadd.s32 s8, v3;
	v11 =	vld.idx.msk [tilespmem:v19+s16+$0x0], $0xffff;
	[tilespmem:s4+$0x70] =	vst v20  }
.LBB2_21:
0x546: {  	v17 =	vadd.s32 s15, v0;
	s17 =	sadd.s32 $0x2, s15;
	s13 =	sadd.s32 $0x4, s13;
	v14 =	vld.idx.msk [tilespmem:v14+s16+$0x0], $0xffff;
	[tilespmem:s4+$0xFFFFFF70] =	vst v10  }
0x547: {  	s3 =	sadd.s32 $0x4, s15;
	v10 =	vadd.s32 s17, v0;
	v18 =	vadd.s32 s17, v3;
	p2 =	slt.u32 s13, $0x3C;
	v13 =	vld.idx.msk [tilespmem:v13+s16+$0x0], $0xffff;
	[tilespmem:s4+$0xF0] =	vst v7;
	s4 =	smov.u32 s0  }
0x548: {  	s2 =	sadd.s32 $0x6, s15;
	v7 =	vadd.s32 s3, v0;
	s0 =	smov.u32 s7;
	[tilespmem:s7+$0x90] =	vst v5;
	v5 =	vld.idx.msk [tilespmem:v16+s16+$0x0], $0xffff;
	v16 =	vadd.s32 s9, v1  }
0x549: {  	v19 =	vadd.s32 s2, v0;
	[tilespmem:s7+$0xFFFFFF20] =	vst v8;
	v8 =	vld.idx.msk [tilespmem:v15+s16+$0x0], $0xffff  }
0x54a: {  	v9 =	vld.idx.msk [tilespmem:v9+s16+$0x0], $0xffff;
	[tilespmem:s7+$0xFFFFFFA0] =	vst v11;
	v11 =	vadd.s32 s12, v1  }
0x54b: {  	v20 =	vadd.s32 s10, v3;
	s10 =	smov.u32 s2;
	v15 =	vld.idx.msk [tilespmem:v4+s16+$0x0], $0xffff;
	[tilespmem:s4+$0xC0] =	vst v12;
	v4 =	vmov v18  }
0x54c: {  	v12 =	vld.idx.msk [tilespmem:v17+s16+$0x0], $0xffff;
	[tilespmem:s4+$0xFFFFFFE0] =	vst v14;
	v14 =	vadd.s32 s5, v1  }
0x54d: {  	v17 =	vadd.s32 s15, v1;
	[tilespmem:s7+$0x20] =	vst v6;
	v6 =	vld.idx.msk [tilespmem:v16+s16+$0x0], $0xffff  }
0x54e: {  	v16 =	vadd.s32 s17, v1;
	v18 =	vld.idx.msk [tilespmem:v19+s16+$0x0], $0xffff;
	[tilespmem:s4+$0xFFFFFF40] =	vst v5  }
0x54f: {  	v5 =	vadd.s32 s3, v1;
	[tilespmem:s7+$0xA0] =	vst v8;
	v8 =	vld.idx.msk [tilespmem:v11+s16+$0x0], $0xffff;
	v11 =	vadd.s32 s9, v2  }
0x550: {  	s2 =	sadd.s32 $0x3, s8;
	v19 =	vadd.s32 s10, v1;
	s7 =	sadd.s32 $0x200, s7;
	v20 =	vld.idx.msk [tilespmem:v20+s16+$0x0], $0xffff;
	[tilespmem:s4+$0x40] =	vst v13  }
0x551: {  	v13 =	vadd.s32 s2, v0;
	[tilespmem:s0+$0xFFFFFFB0] =	vst v15;
	v14 =	vld.idx.msk [tilespmem:v14+s16+$0x0], $0xffff  }
0x552: {  	[tilespmem:s7+$0xFFFFFF00] =	vst v12;
	v7 =	vld.idx.msk [tilespmem:v7+s16+$0x0], $0xffff;
	v12 =	vadd.s32 s11, v3;
	s11 =	smov.u32 s2  }
0x553: {  	v15 =	vadd.s32 s5, v2;
	v10 =	vld.idx.msk [tilespmem:v10+s16+$0x0], $0xffff;
	[tilespmem:s4+$0xD0] =	vst v6  }
0x554: {  	v6 =	vadd.s32 s12, v2;
	[tilespmem:s0+$0xFFFFFF30] =	vst v9;
	v9 =	vld.idx.msk [tilespmem:v11+s16+$0x0], $0xffff  }
0x555: {  	v11 =	vld.idx.msk [tilespmem:v17+s16+$0x0], $0xffff;
	[tilespmem:s4+$0xFFFFFF50] =	vst v8  }
0x556: {  	v8 =	vld.idx.msk [tilespmem:v13+s16+$0x0], $0xffff;
	v13 =	vadd.s32 s1, v3;
	[tilespmem:s0+$0xB0] =	vst v20;
	s1 =	smov.u32 s3  }
0x557: {  	v12 =	vld.idx.msk [tilespmem:v12+s16+$0x0], $0xffff;
	[tilespmem:s4+$0x50] =	vst v14  }
0x558: {  	[tilespmem:s7+$0x0] =	vst v7;
	v7 =	vld.idx.msk [tilespmem:v15+s16+$0x0], $0xffff  }
0x559: {  	v14 =	vadd.s32 s11, v1;
	[tilespmem:s7+$0x80] =	vst v18;
	v6 =	vld.idx.msk [tilespmem:v6+s16+$0x0], $0xffff  }
0x55a: {  	v17 =	vadd.s32 s5, v3;
	v15 =	vld.idx.msk [tilespmem:v5+s16+$0x0], $0xffff;
	[tilespmem:s4+$0xE0] =	vst v9  }
0x55b: {  	[tilespmem:s7+$0xFFFFFF80] =	vst v10;
	v9 =	vld.idx.msk [tilespmem:v13+s16+$0x0], $0xffff;
	v10 =	vadd.s32 s12, v3;
	v13 =	vadd.s32 s9, v3  }
0x55c: {  	v5 =	vld.idx.msk [tilespmem:v19+s16+$0x0], $0xffff;
	[tilespmem:s0+$0xFFFFFFC0] =	vst v8  }
0x55d: {  	v8 =	vadd.s32 s1, v2;
	v16 =	vld.idx.msk [tilespmem:v16+s16+$0x0], $0xffff;
	[tilespmem:s4+$0xFFFFFFF0] =	vst v12  }
0x55e: {  	v12 =	vadd.s32 s15, v2;
	v18 =	vld.idx.msk [tilespmem:v14+s16+$0x0], $0xffff;
	[tilespmem:s4+$0x60] =	vst v7  }
0x55f: {  	s9 =	sadd.s32 $0x7, s8;
	v19 =	vadd.s32 s17, v2;
	[tilespmem:s4+$0xFFFFFF60] =	vst v6;
	v17 =	vld.idx.msk [tilespmem:v17+s16+$0x0], $0xffff  }
0x560: {  	v20 =	vadd.s32 s9, v0;
	[tilespmem:s7+$0x10] =	vst v15;
	v10 =	vld.idx.msk [tilespmem:v10+s16+$0x0], $0xffff  }
.Ltmp12:
0x561: {  	s5 =	sadd.s32 $0x5, s8;
	v14 =	vadd.s32 s11, v2;
	[tilespmem:s0+$0x30] =	vst v9;
	v7 =	vld.idx.msk [tilespmem:v13+s16+$0x0], $0xffff;
	(pc) =	sbr.rel @p2 .LBB2_21-.Ltmp12, $4  }
0x562: {  	s12 =	sadd.s32 $0x1, s8;
	s8 =	smov.u32 s15;
	v13 =	vadd.s32 s5, v0;
	[tilespmem:s7+$0xFFFFFF10] =	vst v11;
	v6 =	vld.idx.msk [tilespmem:v8+s16+$0x0], $0xffff  }
0x563: {  	v8 =	vld.idx.msk [tilespmem:v12+s16+$0x0], $0xffff;
	[tilespmem:s7+$0xFFFFFF90] =	vst v16;
	v16 =	vadd.s32 s12, v0  }
0x564: {  	v15 =	vadd.s32 s10, v2;
	v11 =	vld.idx.msk [tilespmem:v19+s16+$0x0], $0xffff;
	[tilespmem:s0+$0xFFFFFFD0] =	vst v18  }
0x565: {  	s15 =	sadd.s32 $0x8, s15;
	v9 =	vadd.s32 s8, v3;
	v12 =	vld.idx.msk [tilespmem:v20+s16+$0x0], $0xffff;
	[tilespmem:s4+$0x70] =	vst v17  }
0x566: {  	_ =	sdelay $0x1  }
0x567: {  	[tilespmem:s4+$0xFFFFFF70] =	vst v10  }
0x568: {  	[tilespmem:s4+$0xF0] =	vst v7  }
0x569: {  	v29 =	vld.idx.msk [tilespmem:v14+s16+$0x0], $0xffff;
	[tilespmem:s7+$0x90] =	vst v5;
	v5 =	vadd.s32 s9, v1  }
0x56a: {  	v30 =	vld.idx.msk [tilespmem:v16+s16+$0x0], $0xffff;
	[tilespmem:s7+$0x20] =	vst v6  }
0x56b: {  	v32 =	vadd.s32 s1, v3;
	v13 =	vld.idx.msk [tilespmem:v13+s16+$0x0], $0xffff;
	[tilespmem:s7+$0xFFFFFF20] =	vst v8  }
0x56c: {  	v33 =	vadd.s32 s12, v1;
	v31 =	vld.idx.msk [tilespmem:v15+s16+$0x0], $0xffff;
	[tilespmem:s7+$0xFFFFFFA0] =	vst v11  }
0x56d: {  	v34 =	vadd.s32 s10, v3;
	[tilespmem:s0+$0xC0] =	vst v12;
	v4 =	vld.idx.msk [tilespmem:v4+s16+$0x0], $0xffff  }
0x56e: {  	v35 =	vadd.s32 s5, v1;
	[tilespmem:s0+$0xFFFFFFE0] =	vst v29;
	v5 =	vld.idx.msk [tilespmem:v5+s16+$0x0], $0xffff  }
0x56f: {  	s25 =	sadd.s32 $0x3, s8;
	v42 =	vadd.s32 s11, v3;
	v36 =	vld.idx.msk [tilespmem:v9+s16+$0x0], $0xffff;
	[tilespmem:s0+$0xFFFFFF40] =	vst v30  }
0x570: {  	s2 =	sadd.s32 $0x5, s8;
	v38 =	vadd.s32 s25, v0;
	v39 =	vld.idx.msk [tilespmem:v32+s16+$0x0], $0xffff;
	[tilespmem:s0+$0x40] =	vst v13  }
0x571: {  	s3 =	sadd.s32 $0x1, s8;
	v41 =	vadd.s32 s2, v0;
	[tilespmem:s7+$0xA0] =	vst v31;
	v40 =	vld.idx.msk [tilespmem:v33+s16+$0x0], $0xffff  }
0x572: {  	s26 =	sadd.s32 $0x7, s8;
	v12 =	vld.idx.msk [tilespmem:v34+s16+$0x0], $0xffff;
	[tilespmem:s7+$0xFFFFFFB0] =	vst v4;
	v4 =	vadd.s32 s3, v0  }
0x573: {  	v10 =	vld.idx.msk [tilespmem:v35+s16+$0x0], $0xffff;
	[tilespmem:s0+$0xD0] =	vst v5;
	v5 =	vadd.s32 s26, v0  }
0x574: {  	v37 =	vadd.s32 s9, v2;
	v49 =	vld.idx.msk [tilespmem:v42+s16+$0x0], $0xffff;
	[tilespmem:s7+$0xFFFFFF30] =	vst v36  }
0x575: {  	v44 =	vadd.s32 s5, v2;
	v8 =	vld.idx.msk [tilespmem:v38+s16+$0x0], $0xffff;
	[tilespmem:s7+$0x30] =	vst v39  }
0x576: {  	v45 =	vadd.s32 s25, v1;
	[tilespmem:s0+$0xFFFFFF50] =	vst v40;
	v46 =	vld.idx.msk [tilespmem:v41+s16+$0x0], $0xffff  }
0x577: {  	v47 =	vadd.s32 s2, v1;
	[tilespmem:s7+$0xB0] =	vst v12;
	v4 =	vld.idx.msk [tilespmem:v4+s16+$0x0], $0xffff  }
0x578: {  	v48 =	vadd.s32 s3, v1;
	[tilespmem:s0+$0x50] =	vst v10;
	v5 =	vld.idx.msk [tilespmem:v5+s16+$0x0], $0xffff  }
0x579: {  	v50 =	vadd.s32 s26, v1;
	v43 =	vld.idx.msk [tilespmem:v37+s16+$0x0], $0xffff;
	[tilespmem:s0+$0xFFFFFFF0] =	vst v49  }
0x57a: {  	v51 =	vadd.s32 s12, v2;
	v7 =	vld.idx.msk [tilespmem:v44+s16+$0x0], $0xffff;
	[tilespmem:s7+$0xFFFFFFC0] =	vst v8  }
0x57b: {  	v52 =	vadd.s32 s5, v3;
	v9 =	vld.idx.msk [tilespmem:v45+s16+$0x0], $0xffff;
	[tilespmem:s7+$0x40] =	vst v46  }
0x57c: {  	v53 =	vadd.s32 s25, v2;
	[tilespmem:s7+$0xFFFFFF40] =	vst v4;
	v4 =	vld.idx.msk [tilespmem:v47+s16+$0x0], $0xffff  }
0x57d: {  	v54 =	vadd.s32 s2, v2;
	[tilespmem:s7+$0xC0] =	vst v5;
	v5 =	vld.idx.msk [tilespmem:v48+s16+$0x0], $0xffff  }
0x57e: {  	v55 =	vadd.s32 s3, v2;
	[tilespmem:s0+$0xE0] =	vst v43;
	v6 =	vld.idx.msk [tilespmem:v50+s16+$0x0], $0xffff  }
0x57f: {  	v57 =	vadd.s32 s26, v2;
	v56 =	vld.idx.msk [tilespmem:v51+s16+$0x0], $0xffff;
	[tilespmem:s0+$0x60] =	vst v7  }
0x580: {  	v58 =	vadd.s32 s12, v3;
	v8 =	vld.idx.msk [tilespmem:v52+s16+$0x0], $0xffff;
	[tilespmem:s7+$0xFFFFFFD0] =	vst v9  }
0x581: {  	v59 =	vadd.s32 s9, v3;
	v11 =	vld.idx.msk [tilespmem:v53+s16+$0x0], $0xffff;
	[tilespmem:s7+$0x50] =	vst v4  }
0x582: {  	v4 =	vadd.s32 s25, v3;
	[tilespmem:s7+$0xFFFFFF50] =	vst v5;
	v5 =	vld.idx.msk [tilespmem:v54+s16+$0x0], $0xffff  }
0x583: {  	v61 =	vadd.s32 s2, v3;
	[tilespmem:s7+$0xD0] =	vst v6;
	v60 =	vld.idx.msk [tilespmem:v55+s16+$0x0], $0xffff  }
0x584: {  	v62 =	vadd.s32 s3, v3;
	[tilespmem:s0+$0xFFFFFF60] =	vst v56;
	v7 =	vld.idx.msk [tilespmem:v57+s16+$0x0], $0xffff  }
0x585: {  	v63 =	vadd.s32 s26, v3;
	v13 =	vld.idx.msk [tilespmem:v58+s16+$0x0], $0xffff;
	[tilespmem:s0+$0x70] =	vst v8  }
0x586: {  	v9 =	vld.idx.msk [tilespmem:v59+s16+$0x0], $0xffff;
	[tilespmem:s7+$0xFFFFFFE0] =	vst v11  }
0x587: {  	v4 =	vld.idx.msk [tilespmem:v4+s16+$0x0], $0xffff;
	[tilespmem:s7+$0x60] =	vst v5  }
0x588: {  	[tilespmem:s7+$0xFFFFFF60] =	vst v60;
	v5 =	vld.idx.msk [tilespmem:v61+s16+$0x0], $0xffff  }
0x589: {  	[tilespmem:s7+$0xE0] =	vst v7;
	v6 =	vld.idx.msk [tilespmem:v62+s16+$0x0], $0xffff  }
0x58a: {  	[tilespmem:s0+$0xFFFFFF70] =	vst v13;
	v7 =	vld.idx.msk [tilespmem:v63+s16+$0x0], $0xffff  }
0x58b: {  	[tilespmem:s0+$0xF0] =	vst v9  }
0x58c: {  	[tilespmem:s7+$0xFFFFFFF0] =	vst v4  }
0x58d: {  	[tilespmem:s7+$0x70] =	vst v5  }
0x58e: {  	[tilespmem:s7+$0xFFFFFF70] =	vst v6  }
0x58f: {  	s28 =	simm.s32 $0x0;
	s30 =	simm.s32 $0xC080;
	[tilespmem:s7+$0xF0] =	vst v7  }
.Ltmp13:
0x590: {  	s31 =	simm.s32 $0x5;
	s29 =	rddreg [dreg:$0x9];
	(pc) =	sbr.rel .LBB2_23-.Ltmp13, $4  }
0x591: {  	[hbm4b:s29+s28] =	stream.linear.scatter [tilespmem:s30], [sflag:$0x5], $0x1000, $0x38;
	[tilespmem:$0x14080] =	vst v63  }
0x592: {  	_ =	swait.ge [sflag:s31], $0x1000  }
0x593: {  	[sflag:s31] =	ssyncset.done $0x0  }
0x594: {  	s1 =	rddreg [dreg:$0xb];
	[sflag:s31] =	ssyncadd.s32 $0xFFFFF000  }
.LBB2_24:
0x595: {  	_ =	sfence.sel $0x180000  }
0x596: {  	[bflag:$0x0] =	sbarrier.arrive $0xFFFF  }
0x597: {  	_ =	strace $0x90000047  }
0x598: {  	[bflag:$0x2] =	sbarrier.arrive $0xFFFF  }
0x599: {  	s0 =	rddreg [dreg:$0x2]  }
0x59a: {  	s0 =	sadd.s32 @!p0 $0x100000, s0  }
0x59b: {  	[sflag:s0] =	ssyncadd.tile.s32 @!p0 $0x1;
	_ =	shalt  }
.Lfunc_end2:
_tile_overlayer_lowered:
.L_overlay_start_2:
0x59c: {  	(tag) =	ssettag $0x2  }
0x59d: {  	s0 =	rddreg [dreg:$0x0];
	s2 =	stileid.u32  }
0x59e: {  	s1 =	rddreg [dreg:$0x1];
	p0 =	sne.s32 s2, $0x0  }
0x59f: {  	s3 =	rddreg [dreg:$0x2];
	[bflag:$0x3] =	sbarrier.arrive $0xFFFF;
	s2 =	simm.s32 @!p0 $0x1C05  }
0x5a0: {  	[timem:s3], [sflag:s2] =	dma.local @!p0 [hbm:s0], s1  }
0x5a1: {  	s0 =	simm.s32 @!p0 $0x5  }
0x5a2: {  	_ =	swait.ge @!p0 [sflag:s0], s1  }
0x5a3: {  	s1 =	ssub.s32 @!p0 $0x0, s1;
	[sflag:s0] =	ssyncset.done @!p0 $0x0  }
0x5a4: {  	[sflag:s0] =	ssyncadd.s32 @!p0 s1  }
0x5a5: {  	[bflag:$0x3] =	sbarrier.arrive $0xFFFF  }
0x5a6: {  	_ =	shalt  }

// kernel: kernel.7.cloned.1.call-start
scs
__scs_entry_jumppad:
0x0: {  	(pc) =	sbr.rel $0x88, $3  }
0x1: {  	(tag) =	ssettag $0x0;
	lr =	simm.s32 $0x1  }
0x2: {  	[smem:$0x3F9F] =	sst lr;
	_ =	strace $0xD0000000  }
0x3: {  	_ = 	snop  }
0x4: {  	_ = 	snop  }
0x5: {  	_ = 	snop  }
0x6: {  	_ = 	snop  }
0x7: {  	_ = 	snop  }
__scs_overlays_trampoline_lowered:
0x8: {  	[smem:$0x3FAE] =	sst s0  }
0x9: {  	[smem:$0x3FAF] =	sst s1  }
0xa: {  	[smem:$0x3FB0] =	sst s2  }
0xb: {  	[smem:$0x3FB1] =	sst s3  }
0xc: {  	[smem:$0x3FB2] =	sst s4  }
0xd: {  	[smem:$0x3FB3] =	sst s5  }
0xe: {  	[smem:$0x3FB4] =	sst s6  }
0xf: {  	[smem:$0x3FB5] =	sst s7  }
0x10: {  	[smem:$0x3FB6] =	sst s8  }
0x11: {  	[smem:$0x3FB7] =	sst s9;
	s0 =	simm.s32 @!p0 $0x0  }
0x12: {  	s1 =	sld [smem:$0x3F9D];
	s0 =	simm.s32 @p0 $0x1  }
0x13: {  	[smem:$0x3FB8] =	sst s0;
	s0 =	simm.s32 @!p1 $0x0  }
0x14: {  	s2 =	sld [smem:$0x3F9C];
	s0 =	simm.s32 @p1 $0x1  }
0x15: {  	[smem:$0x3FB9] =	sst s0;
	s0 =	simm.s32 @!p2 $0x0  }
0x16: {  	s3 =	sld [smem:$0x3FDB];
	s0 =	simm.s32 @p2 $0x1  }
0x17: {  	s4 =	simm.s32 $0x1BF5;
	[smem:$0x3FBB] =	sst s0  }
0x18: {  	s0 =	sld [smem:$0x3F9E];
	_ =	swait.ge [sflag:s4], $0x0  }
0x19: {  	s7 =	sld [smem:$0x3F9F]  }
0x1a: {  	s8 =	sadd.s32 $0xFFFFE003, lr  }
0x1b: {  	s9 =	sadd.s32 $0xFFFFFEF7, lr;
	s5 =	simm.s32 $0xFFFFFFFF;
	p2 =	slt.u32 s8, $0xFFFFF086  }
0x1c: {  	p1 =	slt.u32 s9, $0xF7A;
	s5 =	simm.s32 @!p2 $0x0  }
0x1d: {  	s5 =	simm.s32 @p1 $0x1;
	p0 =	seq.s32 s7, s2  }
0x1e: {  	s7 =	smul.u32 @!p0 $0xF7A, s2;
	p2 =	seq.s32 @!p0 s5, $0x0  }
0x1f: {  	s9 =	smul.u32 $0xF7A, s1;
	s8 =	simm.s32 @!p0 $0x1BF5;
	p2 =	por !p2, p0  }
0x20: {  	[sflag:s8] =	ssyncset.s32 @!p0 $0xFFFFF086;
	s6 =	sadd.s32 @!p0 s3, s7;
	s7 =	simm.s32 @!p0 $0x108  }
0x21: {  	s3 =	sadd.s32 s3, s9;
	s6 =	sadd.s32 @!p0 $0x88, s6;
	s7 =	simm.s32 @p2 $0x1082  }
0x22: {  	[simem:s7], [sflag:s8] =	dma.local @!p0 [hbm:s6], $0xF7A  }
0x23: {  	s9 =	sor.u32 $0xD0000000, s2;
	s6 =	simm.s32 $0x108;
	_ =	swait.ge @!p0 [sflag:s8], $0x0  }
0x24: {  	s3 =	sadd.s32 $0x88, s3;
	s6 =	simm.s32 @!p1 $0x1082;
	[sflag:s4] =	ssyncset.s32 $0xFFFFF086  }
0x25: {  	[simem:s6], [sflag:s4] =	dma.local [hbm:s3], $0xF7A  }
0x26: {  	[smem:$0x3F9F] =	sst s1;
	(tag) =	ssettag s2;
	_ =	strace s9  }
0x27: {  	s1 =	sld [smem:$0x3FAF]  }
0x28: {  	s2 =	sld [smem:$0x3FB0]  }
0x29: {  	s4 =	sld [smem:$0x3FB2]  }
0x2a: {  	p0 =	seq.s32 s5, $0x0;
	s5 =	sld [smem:$0x3FB3]  }
0x2b: {  	s6 =	sld [smem:$0x3FB4]  }
0x2c: {  	s7 =	sld [smem:$0x3FB5]  }
0x2d: {  	s3 =	simm.s32 $0x108;
	s8 =	sld [smem:$0x3FB6]  }
0x2e: {  	s3 =	simm.s32 @!p0 $0x1082;
	s9 =	sld [smem:$0x3FB7]  }
0x2f: {  	lr =	sadd.s32 s0, s3;
	s0 =	sld [smem:$0x3FAE]  }
0x30: {  	s3 =	sld [smem:$0x3FB1]  }
0x31: {  	[smem:$0x3FBA] =	sst s10  }
0x32: {  	s10 =	sld [smem:$0x3FB8];
	_ =	sdelay $0x3  }
0x33: {  	p0 =	seq.s32 s10, $0x1;
	s10 =	sld [smem:$0x3FBA];
	_ =	sdelay $0x3  }
0x34: {  	[smem:$0x3FBA] =	sst s10  }
0x35: {  	s10 =	sld [smem:$0x3FB9];
	_ =	sdelay $0x3  }
0x36: {  	p1 =	seq.s32 s10, $0x1;
	s10 =	sld [smem:$0x3FBA];
	_ =	sdelay $0x3  }
0x37: {  	[smem:$0x3FBA] =	sst s10  }
0x38: {  	s10 =	sld [smem:$0x3FBB]  }
0x39: {  	_ = 	snop;
	(pc) =	sbr.ind lr, $3  }
0x3a: {  	_ = 	snop  }
0x3b: {  	_ = 	snop  }
0x3c: {  	p2 =	seq.s32 s10, $0x1;
	s10 =	sld [smem:$0x3FBA]  }
0x3d: {  	_ =	shalt  }
0x3e: {  	_ =	shalt  }
0x3f: {  	_ =	shalt  }
0x40: {  	_ =	shalt  }
0x41: {  	_ =	shalt  }
0x42: {  	_ =	shalt  }
0x43: {  	_ =	shalt  }
0x44: {  	_ =	shalt  }
0x45: {  	_ =	shalt  }
0x46: {  	_ =	shalt  }
0x47: {  	_ =	shalt  }
0x48: {  	_ =	shalt  }
0x49: {  	_ =	shalt  }
0x4a: {  	_ =	shalt  }
0x4b: {  	_ =	shalt  }
0x4c: {  	_ =	shalt  }
0x4d: {  	_ =	shalt  }
0x4e: {  	_ =	shalt  }
0x4f: {  	_ =	shalt  }
0x50: {  	_ =	shalt  }
0x51: {  	_ =	shalt  }
0x52: {  	_ =	shalt  }
0x53: {  	_ =	shalt  }
0x54: {  	_ =	shalt  }
0x55: {  	_ =	shalt  }
0x56: {  	_ =	shalt  }
0x57: {  	_ =	shalt  }
0x58: {  	_ =	shalt  }
0x59: {  	_ =	shalt  }
0x5a: {  	_ =	shalt  }
0x5b: {  	_ =	shalt  }
0x5c: {  	_ =	shalt  }
0x5d: {  	_ =	shalt  }
0x5e: {  	_ =	shalt  }
0x5f: {  	_ =	shalt  }
0x60: {  	_ =	shalt  }
0x61: {  	_ =	shalt  }
0x62: {  	_ =	shalt  }
0x63: {  	_ =	shalt  }
0x64: {  	_ =	shalt  }
0x65: {  	_ =	shalt  }
0x66: {  	_ =	shalt  }
0x67: {  	_ =	shalt  }
0x68: {  	_ =	shalt  }
0x69: {  	_ =	shalt  }
0x6a: {  	_ =	shalt  }
0x6b: {  	_ =	shalt  }
0x6c: {  	_ =	shalt  }
0x6d: {  	_ =	shalt  }
0x6e: {  	_ =	shalt  }
0x6f: {  	_ =	shalt  }
0x70: {  	_ =	shalt  }
0x71: {  	_ =	shalt  }
0x72: {  	_ =	shalt  }
0x73: {  	_ =	shalt  }
0x74: {  	_ =	shalt  }
0x75: {  	_ =	shalt  }
0x76: {  	_ =	shalt  }
0x77: {  	_ =	shalt  }
0x78: {  	_ =	shalt  }
0x79: {  	_ =	shalt  }
0x7a: {  	_ =	shalt  }
0x7b: {  	_ =	shalt  }
0x7c: {  	_ =	shalt  }
0x7d: {  	_ =	shalt  }
0x7e: {  	_ =	shalt  }
0x7f: {  	_ =	shalt  }
0x80: {  	_ =	shalt  }
0x81: {  	_ =	shalt  }
0x82: {  	_ =	shalt  }
0x83: {  	_ =	shalt  }
0x84: {  	_ =	shalt  }
0x85: {  	_ =	shalt  }
0x86: {  	_ =	shalt  }
0x87: {  	_ =	shalt  }
.Lfunc_end0:
.L_simem_size_0:
called_computation.1_lowered:
.L_overlay_start_0:
0x88: {  	s2 =	sld [smem:$0x3FD9]  }
0x89: {  	s3 =	sld [smem:$0x3FFE];
	_ =	sdelay $0x1  }
0x8a: {  	s1 =	srdreg.scid  }
0x8b: {  	s0 =	sand.u32 $0x1, s1  }
0x8c: {  	s17 =	sshll.u32 s0, $0xA;
	s2 =	sadd.s32 s3, s2  }
0x8d: {  	s2 =	sadd.s32 s2, s17  }
0x8e: {  	[smem:$0x3FC6] =	sst s2  }
0x8f: {  	_ = 	snop  }
0x90: {  	s2 =	sld [smem:$0x3FD0];
	(tm) =	ssettm $0x1  }
0x91: {  	s18 =	sld [smem:$0x3FFB];
	_ =	sdelay $0x3  }
0x92: {  	_ =	strace s18  }
0x93: {  	s3 =	sld [smem:$0x3FFC];
	_ =	sdelay $0x3  }
0x94: {  	_ =	strace s3  }
0x95: {  	s3 =	sld [smem:$0x3FFD];
	_ =	sdelay $0x3  }
0x96: {  	_ =	strace s3  }
0x97: {  	_ =	strace $0x8FFFFFFF  }
0x98: {  	s19 =	sld [smem:$0x3FDB];
	_ =	sdelay $0x1  }
0x99: {  	s4 =	simm.s32 $_scs_section_size  }
0x9a: {  	s5 =	simm.s32 $_size__tile_overlayer_lowered;
	s6 =	simm.s32 $_tile_overlayer_lowered  }
0x9b: {  	s22 =	simm.s32 $0x1BFF;
	s21 =	sshll.u32 s6, $0x1;
	s3 =	sadd.s32 s4, s19  }
0x9c: {  	s7 =	simm.s32 $0x0;
	s20 =	sshll.u32 s5, $0x1;
	s5 =	sadd.s32 s21, s3  }
0x9d: {  	[timem:s7], [sflag:s22] =	dma.local [hbm:s5], s20  }
0x9e: {  	_ =	swait.ge [sflag:s22], s20  }
0x9f: {  	s4 =	ssub.s32 $0x0, s20;
	[sflag:s22] =	ssyncset.done $0x0  }
0xa0: {  	[sflag:s22] =	ssyncadd.s32 s4;
	_ =	sdelay $0x1  }
0xa1: {  	s23 =	simm.s32 $0x1B8B  }
0xa2: {  	_ =	swait.ge [sflag:s23], $0x1  }
0xa3: {  	[sflag:s23] =	ssyncset.done $0x0  }
0xa4: {  	s25 =	simm.s32 $0x1B8E;
	s24 =	sld [smem:$0x3FFE];
	[sflag:s23] =	ssyncadd.s32 $0xFFFFFFFF  }
0xa5: {  	s26 =	simm.s32 $execute0_lowered;
	[smem:$0x3FD2] =	sst s25  }
0xa6: {  	s5 =	sshll.u32 s26, $0x1;
	_ =	strace $0x80000049;
	[dreg:$0x1] =	wrdreg $0xFFFFFFFF  }
0xa7: {  	s28 =	simm.s32 $_size_execute0_lowered;
	s3 =	sadd.s32 s3, s5;
	[dreg:$0x0] =	wrdreg $0x0  }
0xa8: {  	s5 =	sshll.u32 s28, $0x1;
	[dreg:$0x2] =	wrdreg s3  }
0xa9: {  	[dreg:$0x3] =	wrdreg s5  }
0xaa: {  	[dreg:$0x4] =	wrdreg $0xC0  }
0xab: {  	_ =	task [dreg:s7], $0x5FFFF  }
0xac: {  	[dreg:$0x1] =	wrdreg $0xFFFFFFFF  }
0xad: {  	[dreg:$0x0] =	wrdreg $0x60  }
0xae: {  	[dreg:$0x2] =	wrdreg s24  }
0xaf: {  	[dreg:$0x3] =	wrdreg s2  }
0xb0: {  	[dreg:$0x4] =	wrdreg $0x9  }
0xb1: {  	_ =	task.clear_ibuf [dreg:s7], $0x5FFFF;
	_ =	strace $0x90000049  }
0xb2: {  	s29 =	simm.s32 $0x9;
	_ =	strace $0x8000004B  }
0xb3: {  	_ =	swait.ge [sflag:s29], $0x1  }
0xb4: {  	[sflag:s29] =	ssyncadd.s32 $0xFFFFFFFF  }
0xb5: {  	_ =	strace $0x9000004B  }
0xb6: {  	_ =	sfence  }
0xb7: {  	s30 =	sld [smem:$0x0];
	_ =	sdelay $0x2  }
0xb8: {  	s31 =	sshll.u32 s1, $0xD;
	s1 =	sshrl.u32 s1, $0x2  }
0xb9: {  	s3 =	sand.u32 $0x4000, s31;
	s1 =	sadd.s32 s1, s30  }
0xba: {  	s0 =	sor.u32 s3, s0;
	s1 =	sshll.u32 s1, $0x11  }
0xbb: {  	s0 =	sor.u32 s1, s0  }
0xbc: {  	s0 =	sadd.s32 $0x8F2B, s0  }
0xbd: {  	[sflag:s0] =	ssyncadd.remote.s32 $0x1  }
0xbe: {  	_ =	sfence.sel $0xFFFF  }
0xbf: {  	[dreg:$0x0] =	wrdreg $0xFFFFFFFF;
	(pc) =	sbr.abs _section_cstart, $3  }
0xc0: {  	[dreg:$0x1] =	wrdreg $0xFFFFFFFF  }
0xc1: {  	_ =	task.clear_ibuf [dreg:s7], $0x2FFFF;
	_ =	strace $0x9FFFFFFF  }
0xc2: {  	(tm) =	ssettm $0x7FFFFFFF  }
0xc3: {  	_ =	shalt  }
tec
execute0_lowered:
.L_overlay_start_1:
0x0: {  	(tag) =	ssettag $0x1  }
0x1: {  	s4 =	rddreg [dreg:$0x0];
	s1 =	srdreg.scid  }
0x2: {  	s0 =	stileid.u32;
	s2 =	rddreg [dreg:$0x1]  }
0x3: {  	s3 =	simm.s32 $0x0;
	s9 =	simm.s32 $0x80;
	s10 =	simm.s32 $0x6400  }
0x4: {  	s11 =	simm.s32 $0x1;
	s12 =	simm.s32 $0x8400;
	s13 =	simm.s32 $0xA400  }
0x5: {  	s14 =	simm.s32 $0x2;
	s15 =	simm.s32 $0xC600;
	s16 =	simm.s32 $0x3  }
0x6: {  	s17 =	simm.s32 $0x4;
	s5 =	sand.u32 $0x1, s1;
	s6 =	sshll.u32 s0, $0x1  }
0x7: {  	s18 =	simm.s32 $0x0;
	s1 =	rddreg [dreg:$0x2];
	s6 =	sor.u32 s5, s6  }
0x8: {  	v0 =	vlaneseq.u32;
	[smem:$0x7FF] =	sst s3;
	s5 =	ssub.s32 $0x2, s5;
	s7 =	smul.u32 $0xC80, s6  }
0x9: {  	v0 =	vmul.u32 $0x88, v0;
	_ =	strace $0x8000004A;
	s8 =	sshrl.u32 s5, $0x1;
	s6 =	smul.u32 $0xC8, s6  }
0xa: {  	s8 =	ssub.s32 s5, s8;
	s7 =	sadd.s32 s7, s4;
	s4 =	sadd.s32 $0xA00, s4  }
0xb: {  	v1 =	vadd.s32 $0x880, v0;
	v2 =	vadd.s32 $0x1100, v0;
	v3 =	vadd.s32 $0x1980, v0;
	s5 =	sadd.s32 $0x7A1C00, s7;
	s7 =	smax.u32 s8, $0x1;
	s8 =	simm.s32 $0x5  }
.LBB2_1:
0xc: {  	[tilespmem:s3], [sflag:$0x5] =	stream.linear.gather [hbm4b:s5+s3], $0x6400, $0x38;
	[tilespmem:$0xE800] =	vst v63  }
0xd: {  	_ =	swait.ge [sflag:s8], $0x6400  }
0xe: {  	[sflag:s8] =	ssyncset.done $0x0  }
0xf: {  	s19 =	simm.s32 $0x0;
	[sflag:s8] =	ssyncadd.s32 $0xFFFF9C00  }
0x10: {  	[tilespmem:s10], [sflag:$0x1] =	stream.indirect.gather [hbm4b:s4+s9], $0x40, s3, s9, $0xb8;
	[tilespmem:$0xE800] =	vst v63  }
.LBB2_2:
0x11: {  	_ =	swait.ge [sflag:s11], $0x2000;
	s20 =	sshll.u32 s19, $0x8  }
0x12: {  	[sflag:s11] =	ssyncset.done $0x0;
	s20 =	sand.u32 $0x3FFFFF00, s20  }
0x13: {  	p0 =	seq.s32 s19, $0x0;
	[sflag:s11] =	ssyncadd.s32 $0xFFFFE000;
	s21 =	sor.u32 $0x80, s20  }
0x14: {  	[tilespmem:s12], [sflag:$0x2] =	stream.indirect.gather [hbm4b:s4+s9], $0x40, s21, s9, $0xb8;
	[tilespmem:$0xE800] =	vst v63  }
0x15: {  	s21 =	simm.s32 @!p0 $0x3  }
0x16: {  	_ =	swait.ge @!p0 [sflag:s21], $0x2000  }
0x17: {  	[sflag:s21] =	ssyncset.done @!p0 $0x0  }
0x18: {  	s22 =	simm.s32 $0x3;
	[sflag:s21] =	ssyncadd.s32 @!p0 $0xFFFFE000;
	s21 =	simm.s32 $0x6480  }
0x19: {  	v4 =	vmov s22;
	v5 =	vld [tilespmem:s21+$0x40]  }
0x1a: {  	v9 =	vand.u32 $0x7F, v4  }
0x1b: {  	s26 =	simm.s32 $0x0;
	v4 =	vadd.s32 v0, v9  }
0x1c: {  	s28 =	simm.s32 $0x1;
	s23 =	simm.s32 $0x2;
	v6 =	vmov s26;
	v7 =	vld [tilespmem:s21+$0xFFFFFF80]  }
0x1d: {  	v11 =	vmov s23;
	v8 =	vand.u32 $0x7C, v6;
	v6 =	vmov s28;
	v10 =	vld [tilespmem:s21+$0xFFFFFFC0]  }
0x1e: {  	v12 =	vadd.s32 v0, v8;
	v15 =	vand.u32 $0x7D, v6;
	v6 =	vld [tilespmem:s21+$0x0];
	v5 =	vmul.f32 $8.000000000e+00, v5  }
0x1f: {  	v17 =	vand.u32 $0x7E, v11;
	v13 =	vadd.s32 v0, v15  }
0x20: {  	v11 =	vadd.s32 v0, v17;
	[tilespmem:v4+s13+$0x0] =	vst.idx.msk $0xffff, v5  }
0x21: {  	v4 =	vmul.f32 $8.000000000e+00, v7;
	v5 =	vld [tilespmem:s21+$0x50]  }
0x22: {  	v7 =	vmul.f32 $8.000000000e+00, v10  }
0x23: {  	[tilespmem:v12+s13+$0x0] =	vst.idx.msk $0xffff, v4;
	v4 =	vmul.f32 $8.000000000e+00, v6;
	v6 =	vadd.s32 v1, v9  }
0x24: {  	[tilespmem:v13+s13+$0x0] =	vst.idx.msk $0xffff, v7;
	v10 =	vld [tilespmem:s21+$0xFFFFFF90]  }
0x25: {  	v7 =	vld [tilespmem:s21+$0xFFFFFFD0];
	[tilespmem:v11+s13+$0x0] =	vst.idx.msk $0xffff, v4  }
0x26: {  	v11 =	vld [tilespmem:s21+$0x10];
	v4 =	vmul.f32 $8.000000000e+00, v5  }
0x27: {  	s29 =	simm.s32 $0x4;
	s24 =	simm.s32 $0x7;
	s22 =	simm.s32 $0x6580;
	v12 =	vadd.s32 v1, v15  }
0x28: {  	v14 =	vld [tilespmem:s22+$0x40];
	v13 =	vadd.s32 v1, v17;
	v5 =	vmov s29;
	[tilespmem:v6+s13+$0x0] =	vst.idx.msk $0xffff, v4;
	v6 =	vmov s24  }
0x29: {  	v16 =	vadd.s32 v1, v8;
	v4 =	vand.u32 $0x7C, v5;
	v5 =	vand.u32 $0x7F, v6;
	v18 =	vld [tilespmem:s21+$0x60]  }
0x2a: {  	s30 =	simm.s32 $0x5;
	v22 =	vadd.s32 v2, v9;
	v19 =	vld [tilespmem:s22+$0xFFFFFF80];
	v6 =	vmul.f32 $8.000000000e+00, v7;
	v20 =	vadd.s32 v0, v5  }
0x2b: {  	s31 =	simm.s32 $0x6;
	v21 =	vld [tilespmem:s22+$0xFFFFFFC0];
	v10 =	vmul.f32 $8.000000000e+00, v10;
	v7 =	vmul.f32 $8.000000000e+00, v11;
	v11 =	vmov s30  }
0x2c: {  	v23 =	vadd.s32 v0, v4;
	[tilespmem:v12+s13+$0x0] =	vst.idx.msk $0xffff, v6;
	v12 =	vmov s31;
	v6 =	vand.u32 $0x7D, v11;
	v11 =	vld [tilespmem:s22+$0x0]  }
0x2d: {  	[tilespmem:v13+s13+$0x0] =	vst.idx.msk $0xffff, v7;
	v13 =	vadd.s32 v0, v6;
	v7 =	vand.u32 $0x7E, v12;
	v12 =	vmul.f32 $8.000000000e+00, v14;
	v14 =	vld [tilespmem:s21+$0xFFFFFFE0]  }
0x2e: {  	[tilespmem:v16+s13+$0x0] =	vst.idx.msk $0xffff, v10;
	v10 =	vadd.s32 v0, v7;
	v16 =	vld [tilespmem:s21+$0x20];
	v18 =	vmul.f32 $8.000000000e+00, v18  }
0x2f: {  	v19 =	vmul.f32 $8.000000000e+00, v19;
	[tilespmem:v20+s13+$0x0] =	vst.idx.msk $0xffff, v12;
	v12 =	vld [tilespmem:s21+$0xFFFFFFA0];
	v20 =	vadd.s32 v2, v15  }
0x30: {  	v25 =	vadd.s32 v2, v17;
	v21 =	vmul.f32 $8.000000000e+00, v21;
	v24 =	vld [tilespmem:s22+$0x50];
	[tilespmem:v22+s13+$0x0] =	vst.idx.msk $0xffff, v18  }
0x31: {  	[tilespmem:v23+s13+$0x0] =	vst.idx.msk $0xffff, v19;
	v19 =	vadd.s32 v2, v8;
	v11 =	vmul.f32 $8.000000000e+00, v11;
	v22 =	vld [tilespmem:s21+$0x70]  }
0x32: {  	v23 =	vld [tilespmem:s22+$0xFFFFFF90];
	[tilespmem:v13+s13+$0x0] =	vst.idx.msk $0xffff, v21;
	v21 =	vadd.s32 v1, v5;
	v14 =	vmul.f32 $8.000000000e+00, v14  }
0x33: {  	v27 =	vadd.s32 v3, v9;
	v26 =	vld [tilespmem:s22+$0xFFFFFFD0];
	[tilespmem:v10+s13+$0x0] =	vst.idx.msk $0xffff, v11;
	v10 =	vmul.f32 $8.000000000e+00, v16  }
0x34: {  	v18 =	vadd.s32 v1, v4;
	v13 =	vld [tilespmem:s22+$0x10];
	v9 =	vmul.f32 $8.000000000e+00, v12;
	[tilespmem:v20+s13+$0x0] =	vst.idx.msk $0xffff, v14  }
0x35: {  	s24 =	simm.s32 $0x8;
	v16 =	vadd.s32 v1, v6;
	[tilespmem:v25+s13+$0x0] =	vst.idx.msk $0xffff, v10;
	v14 =	vmul.f32 $8.000000000e+00, v24;
	v12 =	vld [tilespmem:s21+$0xFFFFFFF0]  }
0x36: {  	v20 =	vmov s24;
	v10 =	vadd.s32 v1, v7;
	v11 =	vld [tilespmem:s21+$0x30];
	[tilespmem:v19+s13+$0x0] =	vst.idx.msk $0xffff, v9;
	v63 =	vmul.f32 $8.000000000e+00, v22  }
0x37: {  	s25 =	simm.s32 $0xB;
	s23 =	simm.s32 $0x6680;
	v15 =	vadd.s32 v3, v15;
	v9 =	vand.u32 $0x7C, v20;
	v20 =	vmul.f32 $8.000000000e+00, v23;
	[tilespmem:v21+s13+$0x0] =	vst.idx.msk $0xffff, v14;
	v14 =	vld [tilespmem:s21+$0xFFFFFFB0]  }
0x38: {  	v17 =	vadd.s32 v3, v17;
	v22 =	vmov s25;
	v19 =	vld [tilespmem:s23+$0x40];
	s25 =	simm.s32 $0xC;
	s21 =	sshll.u32 s19, $0x1;
	v21 =	vmul.f32 $8.000000000e+00, v26;
	[tilespmem:v27+s13+$0x0] =	vst.idx.msk $0xffff, v63  }
.LBB2_3:
0x39: {  	p1 =	slt.u32 s25, $0x7C;
	s26 =	sadd.s32 $0x1, s24;
	v22 =	vand.u32 $0x7F, v22;
	[tilespmem:v18+s13+$0x0] =	vst.idx.msk $0xffff, v20;
	v13 =	vmul.f32 $8.000000000e+00, v13;
	v18 =	vld [tilespmem:s22+$0x60];
	v20 =	vadd.s32 v3, v8;
	v8 =	vmovc v4  }
0x3a: {  	v4 =	vmovc v9;
	v23 =	vld [tilespmem:s23+$0xFFFFFF80];
	v24 =	vmov s26;
	s26 =	sadd.s32 $0x2, s24;
	v25 =	vadd.s32 v0, v22;
	[tilespmem:v16+s13+$0x0] =	vst.idx.msk $0xffff, v21;
	v12 =	vmul.f32 $8.000000000e+00, v12;
	s24 =	smov.u32 s25  }
0x3b: {  	v9 =	vld [tilespmem:s23+$0xFFFFFFC0];
	v16 =	vmov s26;
	[tilespmem:v10+s13+$0x0] =	vst.idx.msk $0xffff, v13;
	v10 =	vadd.s32 v2, v5;
	v11 =	vmul.f32 $8.000000000e+00, v11  }
0x3c: {  	v13 =	vadd.s32 v0, v4;
	v21 =	vand.u32 $0x7D, v24;
	v24 =	vld [tilespmem:s23+$0x0];
	v14 =	vmul.f32 $8.000000000e+00, v14;
	[tilespmem:v15+s13+$0x0] =	vst.idx.msk $0xffff, v12  }
0x3d: {  	v12 =	vadd.s32 v0, v21;
	v26 =	vand.u32 $0x7E, v16;
	v15 =	vmul.f32 $8.000000000e+00, v19;
	v16 =	vld [tilespmem:s22+$0xFFFFFFE0];
	[tilespmem:v17+s13+$0x0] =	vst.idx.msk $0xffff, v11  }
0x3e: {  	v11 =	vadd.s32 v0, v26;
	v17 =	vld [tilespmem:s22+$0x20];
	v18 =	vmul.f32 $8.000000000e+00, v18;
	[tilespmem:v20+s13+$0x0] =	vst.idx.msk $0xffff, v14  }
0x3f: {  	v19 =	vadd.s32 v2, v6;
	v14 =	vmul.f32 $8.000000000e+00, v23;
	[tilespmem:v25+s13+$0x0] =	vst.idx.msk $0xffff, v15;
	v15 =	vld [tilespmem:s22+$0xFFFFFFA0]  }
0x40: {  	v23 =	vadd.s32 v2, v7;
	v9 =	vmul.f32 $8.000000000e+00, v9;
	v20 =	vld [tilespmem:s23+$0x50];
	[tilespmem:v10+s13+$0x0] =	vst.idx.msk $0xffff, v18  }
0x41: {  	[tilespmem:v13+s13+$0x0] =	vst.idx.msk $0xffff, v14;
	v10 =	vmul.f32 $8.000000000e+00, v24;
	v14 =	vadd.s32 v2, v8;
	v24 =	vld [tilespmem:s22+$0x70]  }
0x42: {  	v27 =	vadd.s32 v1, v22;
	v25 =	vld [tilespmem:s23+$0xFFFFFF90];
	[tilespmem:v12+s13+$0x0] =	vst.idx.msk $0xffff, v9;
	v9 =	vmul.f32 $8.000000000e+00, v16  }
0x43: {  	v29 =	vadd.s32 v3, v5;
	v5 =	vmov v22;
	v28 =	vld [tilespmem:s23+$0xFFFFFFD0];
	[tilespmem:v11+s13+$0x0] =	vst.idx.msk $0xffff, v10;
	v10 =	vmul.f32 $8.000000000e+00, v17  }
.Ltmp0:
0x44: {  	v18 =	vadd.s32 v1, v4;
	v13 =	vld [tilespmem:s23+$0x10];
	v11 =	vmul.f32 $8.000000000e+00, v15;
	[tilespmem:v19+s13+$0x0] =	vst.idx.msk $0xffff, v9;
	(pc) =	sbr.rel @p1 .LBB2_3-.Ltmp0, $4  }
0x45: {  	v16 =	vadd.s32 v1, v21;
	v15 =	vmul.f32 $8.000000000e+00, v20;
	v12 =	vld [tilespmem:s22+$0xFFFFFFF0];
	[tilespmem:v23+s13+$0x0] =	vst.idx.msk $0xffff, v10  }
0x46: {  	v9 =	vmov s25;
	v10 =	vadd.s32 v1, v26;
	[tilespmem:v14+s13+$0x0] =	vst.idx.msk $0xffff, v11;
	v11 =	vld [tilespmem:s22+$0x30];
	v23 =	vmul.f32 $8.000000000e+00, v24  }
0x47: {  	s26 =	sadd.s32 $0x3, s25;
	v9 =	vand.u32 $0x7C, v9;
	v20 =	vmul.f32 $8.000000000e+00, v25;
	[tilespmem:v27+s13+$0x0] =	vst.idx.msk $0xffff, v15;
	v14 =	vld [tilespmem:s22+$0xFFFFFFB0];
	v15 =	vadd.s32 v3, v6;
	v6 =	vmovc v21;
	s22 =	smov.u32 s23;
	s23 =	sadd.s32 $0x100, s23  }
0x48: {  	v22 =	vmov s26;
	v17 =	vadd.s32 v3, v7;
	v7 =	vmovc v26;
	s25 =	sadd.s32 $0x4, s25;
	v19 =	vld [tilespmem:s23+$0x40];
	v21 =	vmul.f32 $8.000000000e+00, v28;
	[tilespmem:v29+s13+$0x0] =	vst.idx.msk $0xffff, v23  }
0x49: {  	s25 =	sadd.s32 $0x1, s24;
	v22 =	vand.u32 $0x7F, v22;
	v28 =	vld [tilespmem:s23+$0xFFFFFF80]  }
0x4a: {  	s29 =	sadd.s32 $0x2, s24;
	v24 =	vld [tilespmem:s23+$0xFFFFFFC0];
	v23 =	vmov s25;
	v25 =	vadd.s32 v0, v22  }
0x4b: {  	v27 =	vld [tilespmem:s23+$0x0];
	v51 =	vadd.s32 v0, v9;
	v26 =	vmov s29;
	v23 =	vand.u32 $0x7D, v23  }
0x4c: {  	v26 =	vand.u32 $0x7E, v26;
	v29 =	vadd.s32 v0, v23  }
0x4d: {  	[tilespmem:v18+s13+$0x0] =	vst.idx.msk $0xffff, v20;
	v30 =	vadd.s32 v0, v26;
	v19 =	vmul.f32 $8.000000000e+00, v19  }
0x4e: {  	[tilespmem:v16+s13+$0x0] =	vst.idx.msk $0xffff, v21;
	v54 =	vmul.f32 $8.000000000e+00, v28  }
0x4f: {  	v52 =	vmul.f32 $8.000000000e+00, v24;
	[tilespmem:v25+s13+$0x0] =	vst.idx.msk $0xffff, v19  }
0x50: {  	v53 =	vmul.f32 $8.000000000e+00, v27;
	v55 =	vld [tilespmem:s23+$0x50];
	[tilespmem:v51+s13+$0x0] =	vst.idx.msk $0xffff, v54  }
0x51: {  	v13 =	vmul.f32 $8.000000000e+00, v13;
	v8 =	vadd.s32 v3, v8;
	[tilespmem:v29+s13+$0x0] =	vst.idx.msk $0xffff, v52;
	v59 =	vld [tilespmem:s23+$0xFFFFFF90]  }
0x52: {  	v12 =	vmul.f32 $8.000000000e+00, v12;
	v57 =	vadd.s32 v1, v22;
	[tilespmem:v30+s13+$0x0] =	vst.idx.msk $0xffff, v53;
	v56 =	vld [tilespmem:s23+$0xFFFFFFD0]  }
0x53: {  	[tilespmem:v10+s13+$0x0] =	vst.idx.msk $0xffff, v13;
	v58 =	vmul.f32 $8.000000000e+00, v11;
	v28 =	vadd.s32 v1, v9;
	v19 =	vld [tilespmem:s23+$0x10]  }
0x54: {  	v61 =	vld [tilespmem:s22+$0x60];
	v60 =	vadd.s32 v1, v23;
	v14 =	vmul.f32 $8.000000000e+00, v14;
	[tilespmem:v15+s13+$0x0] =	vst.idx.msk $0xffff, v12  }
0x55: {  	v32 =	vld [tilespmem:s22+$0xFFFFFFA0];
	v62 =	vadd.s32 v1, v26;
	[tilespmem:v17+s13+$0x0] =	vst.idx.msk $0xffff, v58;
	v16 =	vmul.f32 $8.000000000e+00, v55  }
0x56: {  	[tilespmem:v8+s13+$0x0] =	vst.idx.msk $0xffff, v14;
	v29 =	vadd.s32 v2, v5;
	v30 =	vld [tilespmem:s22+$0x20];
	v11 =	vmul.f32 $8.000000000e+00, v59  }
0x57: {  	v38 =	vadd.s32 v2, v4;
	v63 =	vld [tilespmem:s22+$0xFFFFFFE0];
	v31 =	vmul.f32 $8.000000000e+00, v56;
	[tilespmem:v57+s13+$0x0] =	vst.idx.msk $0xffff, v16  }
0x58: {  	v35 =	vadd.s32 v2, v7;
	v34 =	vmul.f32 $8.000000000e+00, v19;
	v36 =	vld [tilespmem:s23+$0x60];
	[tilespmem:v28+s13+$0x0] =	vst.idx.msk $0xffff, v11  }
0x59: {  	v33 =	vadd.s32 v2, v6;
	v37 =	vmul.f32 $8.000000000e+00, v61;
	[tilespmem:v60+s13+$0x0] =	vst.idx.msk $0xffff, v31;
	v43 =	vld [tilespmem:s23+$0xFFFFFFA0]  }
0x5a: {  	v40 =	vadd.s32 v2, v22;
	v14 =	vmul.f32 $8.000000000e+00, v32;
	[tilespmem:v62+s13+$0x0] =	vst.idx.msk $0xffff, v34;
	v39 =	vld [tilespmem:s23+$0xFFFFFFE0]  }
0x5b: {  	v48 =	vadd.s32 v2, v9;
	[tilespmem:v29+s13+$0x0] =	vst.idx.msk $0xffff, v37;
	v42 =	vmul.f32 $8.000000000e+00, v30;
	v41 =	vld [tilespmem:s23+$0x20]  }
0x5c: {  	v44 =	vadd.s32 v2, v23;
	v15 =	vmul.f32 $8.000000000e+00, v63;
	[tilespmem:v38+s13+$0x0] =	vst.idx.msk $0xffff, v14;
	v45 =	vld [tilespmem:s22+$0x70]  }
0x5d: {  	v46 =	vadd.s32 v2, v26;
	v14 =	vld [tilespmem:s22+$0xFFFFFFB0];
	[tilespmem:v35+s13+$0x0] =	vst.idx.msk $0xffff, v42;
	v47 =	vmul.f32 $8.000000000e+00, v36  }
0x5e: {  	v5 =	vadd.s32 v3, v5;
	[tilespmem:v33+s13+$0x0] =	vst.idx.msk $0xffff, v15;
	v49 =	vld [tilespmem:s22+$0x30];
	v53 =	vmul.f32 $8.000000000e+00, v43  }
0x5f: {  	v4 =	vadd.s32 v3, v4;
	v21 =	vld [tilespmem:s22+$0xFFFFFFF0];
	v12 =	vmul.f32 $8.000000000e+00, v39;
	[tilespmem:v40+s13+$0x0] =	vst.idx.msk $0xffff, v47  }
0x60: {  	v52 =	vadd.s32 v3, v7;
	v51 =	vmul.f32 $8.000000000e+00, v41;
	v10 =	vld [tilespmem:s23+$0x70];
	[tilespmem:v48+s13+$0x0] =	vst.idx.msk $0xffff, v53  }
0x61: {  	v50 =	vadd.s32 v3, v6;
	v54 =	vmul.f32 $8.000000000e+00, v45;
	[tilespmem:v44+s13+$0x0] =	vst.idx.msk $0xffff, v12;
	v59 =	vld [tilespmem:s23+$0xFFFFFFB0]  }
0x62: {  	v57 =	vadd.s32 v3, v22;
	v14 =	vmul.f32 $8.000000000e+00, v14;
	[tilespmem:v46+s13+$0x0] =	vst.idx.msk $0xffff, v51;
	v55 =	vld [tilespmem:s23+$0xFFFFFFF0]  }
0x63: {  	v62 =	vadd.s32 v3, v9;
	[tilespmem:v5+s13+$0x0] =	vst.idx.msk $0xffff, v54;
	v5 =	vmul.f32 $8.000000000e+00, v49;
	v58 =	vld [tilespmem:s23+$0x30]  }
0x64: {  	v56 =	vmul.f32 $8.000000000e+00, v21;
	v60 =	vadd.s32 v3, v23;
	[tilespmem:v4+s13+$0x0] =	vst.idx.msk $0xffff, v14  }
0x65: {  	v61 =	vadd.s32 v3, v26;
	[tilespmem:v52+s13+$0x0] =	vst.idx.msk $0xffff, v5;
	v5 =	vmul.f32 $8.000000000e+00, v10  }
0x66: {  	s30 =	sadd.s32 s6, s21;
	[tilespmem:v50+s13+$0x0] =	vst.idx.msk $0xffff, v56;
	v63 =	vmul.f32 $8.000000000e+00, v59  }
0x67: {  	s31 =	sshll.u32 s30, $0x7;
	v4 =	vmul.f32 $8.000000000e+00, v55;
	[tilespmem:v57+s13+$0x0] =	vst.idx.msk $0xffff, v5  }
0x68: {  	s22 =	sshll.u32 s30, $0xA;
	s23 =	sand.u32 $0xF00, s31;
	v5 =	vmul.f32 $8.000000000e+00, v58;
	[tilespmem:v62+s13+$0x0] =	vst.idx.msk $0xffff, v63  }
0x69: {  	s22 =	sand.u32 $0xFFF8000, s22;
	s23 =	sadd.s32 s2, s23;
	[tilespmem:v60+s13+$0x0] =	vst.idx.msk $0xffff, v4  }
0x6a: {  	s24 =	simm.s32 $0xA400;
	s23 =	sadd.s32 s22, s23;
	[tilespmem:v61+s13+$0x0] =	vst.idx.msk $0xffff, v5  }
0x6b: {  	[hbm4b:s23+s3] =	stream.linear.scatter [tilespmem:s24], [sflag:$0x3], $0x80, $0x38;
	[tilespmem:$0xE800] =	vst v63  }
0x6c: {  	s25 =	simm.s32 $0xA488;
	s26 =	sadd.s32 $0x10, s23  }
0x6d: {  	[hbm4b:s26+s3] =	stream.linear.scatter [tilespmem:s25], [sflag:$0x3], $0x80, $0x38;
	[tilespmem:$0xE800] =	vst v63  }
0x6e: {  	s28 =	simm.s32 $0xA510;
	s30 =	simm.s32 $0xA598;
	s29 =	sadd.s32 $0x20, s23  }
0x6f: {  	[hbm4b:s29+s3] =	stream.linear.scatter [tilespmem:s28], [sflag:$0x3], $0x80, $0x38;
	[tilespmem:$0xE800] =	vst v63  }
0x70: {  	s22 =	simm.s32 $0x440;
	s31 =	sadd.s32 $0x30, s23;
	s24 =	simm.s32 $0x2200  }
0x71: {  	[hbm4b:s31+s3] =	stream.linear.scatter [tilespmem:s30], [sflag:$0x3], $0x80, $0x38;
	[tilespmem:$0xE800] =	vst v63  }
0x72: {  	s25 =	simm.s32 $0xA620;
	s26 =	sadd.s32 $0x40, s23;
	s28 =	simm.s32 $0xA6A8  }
0x73: {  	[hbm4b:s26+s3] =	stream.linear.scatter [tilespmem:s25], [sflag:$0x3], $0x80, $0x38;
	[tilespmem:$0xE800] =	vst v63  }
0x74: {  	s29 =	sadd.s32 $0x50, s23;
	s30 =	simm.s32 $0xA730;
	s31 =	sadd.s32 $0x60, s23  }
0x75: {  	[hbm4b:s29+s3] =	stream.linear.scatter [tilespmem:s28], [sflag:$0x3], $0x80, $0x38;
	[tilespmem:$0xE800] =	vst v63  }
0x76: {  	s25 =	simm.s32 $0xA7B8;
	s26 =	sadd.s32 $0x70, s23;
	s23 =	sadd.s32 $0x1000, s23  }
0x77: {  	[hbm4b:s31+s3] =	stream.linear.scatter [tilespmem:s30], [sflag:$0x3], $0x80, $0x38;
	[tilespmem:$0xE800] =	vst v63  }
.LBB2_5:
0x78: {  	[hbm4b:s26+s3] =	stream.linear.scatter [tilespmem:s25], [sflag:$0x3], $0x80, $0x38;
	[tilespmem:$0xE800] =	vst v63  }
0x79: {  	s25 =	smov.u32 s22;
	s22 =	smov.u32 s24  }
0x7a: {  	s28 =	sadd.s32 $0x1100, s24;
	s22 =	sshra.s32 s22, $0x2;
	s26 =	sadd.s32 $0xA400, s25  }
0x7b: {  	[hbm4b:s23+s3] =	stream.linear.scatter [tilespmem:s26], [sflag:$0x3], $0x80, $0x38;
	[tilespmem:$0xE800] =	vst v63  }
0x7c: {  	p1 =	sne.s32 s24, $0x7700;
	s24 =	sadd.s32 $0xA488, s25;
	s26 =	sadd.s32 $0x10, s23  }
0x7d: {  	[hbm4b:s26+s3] =	stream.linear.scatter [tilespmem:s24], [sflag:$0x3], $0x80, $0x38;
	[tilespmem:$0xE800] =	vst v63  }
0x7e: {  	s24 =	sadd.s32 $0xA510, s25;
	s26 =	sadd.s32 $0x20, s23  }
0x7f: {  	[hbm4b:s26+s3] =	stream.linear.scatter [tilespmem:s24], [sflag:$0x3], $0x80, $0x38;
	[tilespmem:$0xE800] =	vst v63  }
0x80: {  	s24 =	sadd.s32 $0xA598, s25;
	s26 =	sadd.s32 $0x30, s23  }
0x81: {  	[hbm4b:s26+s3] =	stream.linear.scatter [tilespmem:s24], [sflag:$0x3], $0x80, $0x38;
	[tilespmem:$0xE800] =	vst v63  }
0x82: {  	s24 =	sadd.s32 $0xA620, s25;
	s26 =	sadd.s32 $0x40, s23  }
0x83: {  	[hbm4b:s26+s3] =	stream.linear.scatter [tilespmem:s24], [sflag:$0x3], $0x80, $0x38;
	[tilespmem:$0xE800] =	vst v63  }
.Ltmp1:
0x84: {  	s24 =	sadd.s32 $0xA6A8, s25;
	s26 =	sadd.s32 $0x50, s23;
	(pc) =	sbr.rel @p1 .LBB2_5-.Ltmp1, $4  }
0x85: {  	[hbm4b:s26+s3] =	stream.linear.scatter [tilespmem:s24], [sflag:$0x3], $0x80, $0x38;
	[tilespmem:$0xE800] =	vst v63  }
0x86: {  	s24 =	sadd.s32 $0xA730, s25;
	s26 =	sadd.s32 $0x60, s23;
	s25 =	sadd.s32 $0xA7B8, s25  }
0x87: {  	[hbm4b:s26+s3] =	stream.linear.scatter [tilespmem:s24], [sflag:$0x3], $0x80, $0x38;
	[tilespmem:$0xE800] =	vst v63  }
0x88: {  	s26 =	sadd.s32 $0x70, s23;
	s23 =	sadd.s32 $0x1000, s23;
	s24 =	smov.u32 s28  }
0x89: {  	[hbm4b:s26+s3] =	stream.linear.scatter [tilespmem:s25], [sflag:$0x3], $0x80, $0x38;
	[tilespmem:$0xE800] =	vst v63  }
0x8a: {  	s24 =	sadd.s32 $0xA400, s22  }
0x8b: {  	[hbm4b:s23+s3] =	stream.linear.scatter [tilespmem:s24], [sflag:$0x3], $0x80, $0x38;
	[tilespmem:$0xE800] =	vst v63  }
0x8c: {  	s28 =	sadd.s32 $0xA488, s22;
	s29 =	sadd.s32 $0x10, s23  }
0x8d: {  	[hbm4b:s29+s3] =	stream.linear.scatter [tilespmem:s28], [sflag:$0x3], $0x80, $0x38;
	[tilespmem:$0xE800] =	vst v63  }
0x8e: {  	s30 =	sadd.s32 $0xA510, s22;
	s31 =	sadd.s32 $0x20, s23  }
0x8f: {  	[hbm4b:s31+s3] =	stream.linear.scatter [tilespmem:s30], [sflag:$0x3], $0x80, $0x38;
	[tilespmem:$0xE800] =	vst v63  }
0x90: {  	s25 =	sadd.s32 $0xA598, s22;
	s26 =	sadd.s32 $0x30, s23  }
0x91: {  	[hbm4b:s26+s3] =	stream.linear.scatter [tilespmem:s25], [sflag:$0x3], $0x80, $0x38;
	[tilespmem:$0xE800] =	vst v63  }
0x92: {  	s28 =	sadd.s32 $0xA620, s22;
	s29 =	sadd.s32 $0x40, s23  }
0x93: {  	[hbm4b:s29+s3] =	stream.linear.scatter [tilespmem:s28], [sflag:$0x3], $0x80, $0x38;
	[tilespmem:$0xE800] =	vst v63  }
0x94: {  	s30 =	sadd.s32 $0xA6A8, s22;
	s31 =	sadd.s32 $0x50, s23  }
0x95: {  	[hbm4b:s31+s3] =	stream.linear.scatter [tilespmem:s30], [sflag:$0x3], $0x80, $0x38;
	[tilespmem:$0xE800] =	vst v63  }
0x96: {  	s26 =	sadd.s32 $0xA730, s22;
	s28 =	sadd.s32 $0x60, s23  }
0x97: {  	[hbm4b:s28+s3] =	stream.linear.scatter [tilespmem:s26], [sflag:$0x3], $0x80, $0x38;
	[tilespmem:$0xE800] =	vst v63  }
0x98: {  	s21 =	sor.u32 $0x1, s21;
	s29 =	sadd.s32 $0xA7B8, s22;
	s30 =	sadd.s32 $0x70, s23  }
0x99: {  	[hbm4b:s30+s3] =	stream.linear.scatter [tilespmem:s29], [sflag:$0x3], $0x80, $0x38;
	[tilespmem:$0xE800] =	vst v63  }
0x9a: {  	p1 =	sgt.u32 s21, $0xC6;
	_ =	swait.ge [sflag:s14], $0x2000  }
0x9b: {  	s20 =	sadd.s32 @!p1 $0x100, s20;
	[sflag:s14] =	ssyncset.done $0x0  }
0x9c: {  	s22 =	simm.s32 @!p1 $0x80;
	s23 =	simm.s32 @!p1 $0x6400;
	[sflag:s14] =	ssyncadd.s32 $0xFFFFE000  }
0x9d: {  	[tilespmem:s23], [sflag:$0x1] =	stream.indirect.gather @!p1 [hbm4b:s4+s22], $0x40, s20, s22, $0xb8;
	[tilespmem:$0xE800] =	vst v63  }
0x9e: {  	s20 =	simm.s32 @!p0 $0x4  }
0x9f: {  	_ =	swait.ge @!p0 [sflag:s20], $0x2000  }
0xa0: {  	[sflag:s20] =	ssyncset.done @!p0 $0x0  }
0xa1: {  	s24 =	simm.s32 $0x8480;
	s31 =	simm.s32 $0x3;
	[sflag:s20] =	ssyncadd.s32 @!p0 $0xFFFFE000  }
0xa2: {  	v4 =	vmov s31;
	v5 =	vld [tilespmem:s24+$0x40]  }
0xa3: {  	v9 =	vand.u32 $0x7F, v4  }
0xa4: {  	v4 =	vadd.s32 v0, v9;
	s22 =	simm.s32 $0x0  }
0xa5: {  	s25 =	simm.s32 $0x2;
	s23 =	simm.s32 $0x1;
	v6 =	vmov s22;
	v7 =	vld [tilespmem:s24+$0xFFFFFF80]  }
0xa6: {  	v11 =	vmov s25;
	v8 =	vand.u32 $0x7C, v6;
	v6 =	vmov s23;
	v10 =	vld [tilespmem:s24+$0xFFFFFFC0]  }
0xa7: {  	v12 =	vadd.s32 v0, v8;
	v15 =	vand.u32 $0x7D, v6;
	v6 =	vld [tilespmem:s24+$0x0];
	v5 =	vmul.f32 $8.000000000e+00, v5  }
0xa8: {  	v17 =	vand.u32 $0x7E, v11;
	v13 =	vadd.s32 v0, v15  }
0xa9: {  	v11 =	vadd.s32 v0, v17;
	[tilespmem:v4+s15+$0x0] =	vst.idx.msk $0xffff, v5  }
0xaa: {  	v4 =	vmul.f32 $8.000000000e+00, v7;
	v5 =	vld [tilespmem:s24+$0x50]  }
0xab: {  	v7 =	vmul.f32 $8.000000000e+00, v10  }
0xac: {  	[tilespmem:v12+s15+$0x0] =	vst.idx.msk $0xffff, v4;
	v4 =	vmul.f32 $8.000000000e+00, v6;
	v6 =	vadd.s32 v1, v9  }
0xad: {  	[tilespmem:v13+s15+$0x0] =	vst.idx.msk $0xffff, v7;
	v10 =	vld [tilespmem:s24+$0xFFFFFF90]  }
0xae: {  	v7 =	vld [tilespmem:s24+$0xFFFFFFD0];
	[tilespmem:v11+s15+$0x0] =	vst.idx.msk $0xffff, v4  }
0xaf: {  	v11 =	vld [tilespmem:s24+$0x10];
	v4 =	vmul.f32 $8.000000000e+00, v5  }
0xb0: {  	s26 =	simm.s32 $0x4;
	s28 =	simm.s32 $0x7;
	s20 =	simm.s32 $0x8580;
	v12 =	vadd.s32 v1, v15  }
0xb1: {  	v14 =	vld [tilespmem:s20+$0x40];
	v13 =	vadd.s32 v1, v17;
	v5 =	vmov s26;
	[tilespmem:v6+s15+$0x0] =	vst.idx.msk $0xffff, v4;
	v6 =	vmov s28  }
0xb2: {  	v16 =	vadd.s32 v1, v8;
	v4 =	vand.u32 $0x7C, v5;
	v5 =	vand.u32 $0x7F, v6;
	v18 =	vld [tilespmem:s24+$0x60]  }
0xb3: {  	v22 =	vadd.s32 v2, v9;
	s29 =	simm.s32 $0x5;
	v19 =	vld [tilespmem:s20+$0xFFFFFF80];
	v6 =	vmul.f32 $8.000000000e+00, v7;
	v20 =	vadd.s32 v0, v5  }
0xb4: {  	s30 =	simm.s32 $0x6;
	v21 =	vld [tilespmem:s20+$0xFFFFFFC0];
	v10 =	vmul.f32 $8.000000000e+00, v10;
	v7 =	vmul.f32 $8.000000000e+00, v11;
	v11 =	vmov s29  }
0xb5: {  	v23 =	vadd.s32 v0, v4;
	[tilespmem:v12+s15+$0x0] =	vst.idx.msk $0xffff, v6;
	v12 =	vmov s30;
	v6 =	vand.u32 $0x7D, v11;
	v11 =	vld [tilespmem:s20+$0x0]  }
0xb6: {  	[tilespmem:v13+s15+$0x0] =	vst.idx.msk $0xffff, v7;
	v13 =	vadd.s32 v0, v6;
	v7 =	vand.u32 $0x7E, v12;
	v12 =	vmul.f32 $8.000000000e+00, v14;
	v14 =	vld [tilespmem:s24+$0xFFFFFFE0]  }
0xb7: {  	[tilespmem:v16+s15+$0x0] =	vst.idx.msk $0xffff, v10;
	v10 =	vadd.s32 v0, v7;
	v16 =	vld [tilespmem:s24+$0x20];
	v18 =	vmul.f32 $8.000000000e+00, v18  }
0xb8: {  	v19 =	vmul.f32 $8.000000000e+00, v19;
	[tilespmem:v20+s15+$0x0] =	vst.idx.msk $0xffff, v12;
	v12 =	vld [tilespmem:s24+$0xFFFFFFA0];
	v20 =	vadd.s32 v2, v15  }
0xb9: {  	v25 =	vadd.s32 v2, v17;
	v21 =	vmul.f32 $8.000000000e+00, v21;
	v24 =	vld [tilespmem:s20+$0x50];
	[tilespmem:v22+s15+$0x0] =	vst.idx.msk $0xffff, v18  }
0xba: {  	[tilespmem:v23+s15+$0x0] =	vst.idx.msk $0xffff, v19;
	v19 =	vadd.s32 v2, v8;
	v11 =	vmul.f32 $8.000000000e+00, v11;
	v22 =	vld [tilespmem:s24+$0x70]  }
0xbb: {  	v23 =	vld [tilespmem:s20+$0xFFFFFF90];
	[tilespmem:v13+s15+$0x0] =	vst.idx.msk $0xffff, v21;
	v21 =	vadd.s32 v1, v5;
	v14 =	vmul.f32 $8.000000000e+00, v14  }
0xbc: {  	v27 =	vadd.s32 v3, v9;
	v26 =	vld [tilespmem:s20+$0xFFFFFFD0];
	[tilespmem:v10+s15+$0x0] =	vst.idx.msk $0xffff, v11;
	v10 =	vmul.f32 $8.000000000e+00, v16  }
0xbd: {  	v18 =	vadd.s32 v1, v4;
	v13 =	vld [tilespmem:s20+$0x10];
	v9 =	vmul.f32 $8.000000000e+00, v12;
	[tilespmem:v20+s15+$0x0] =	vst.idx.msk $0xffff, v14  }
0xbe: {  	s23 =	simm.s32 $0x8;
	v16 =	vadd.s32 v1, v6;
	[tilespmem:v25+s15+$0x0] =	vst.idx.msk $0xffff, v10;
	v14 =	vmul.f32 $8.000000000e+00, v24;
	v12 =	vld [tilespmem:s24+$0xFFFFFFF0]  }
0xbf: {  	v20 =	vmov s23;
	v10 =	vadd.s32 v1, v7;
	v11 =	vld [tilespmem:s24+$0x30];
	[tilespmem:v19+s15+$0x0] =	vst.idx.msk $0xffff, v9;
	v63 =	vmul.f32 $8.000000000e+00, v22  }
0xc0: {  	s31 =	simm.s32 $0xB;
	s22 =	simm.s32 $0x8680;
	v15 =	vadd.s32 v3, v15;
	v9 =	vand.u32 $0x7C, v20;
	v20 =	vmul.f32 $8.000000000e+00, v23;
	[tilespmem:v21+s15+$0x0] =	vst.idx.msk $0xffff, v14;
	v14 =	vld [tilespmem:s24+$0xFFFFFFB0]  }
0xc1: {  	v17 =	vadd.s32 v3, v17;
	v22 =	vmov s31;
	v19 =	vld [tilespmem:s22+$0x40];
	s24 =	simm.s32 $0xC;
	v21 =	vmul.f32 $8.000000000e+00, v26;
	[tilespmem:v27+s15+$0x0] =	vst.idx.msk $0xffff, v63  }
.LBB2_7:
0xc2: {  	p0 =	slt.u32 s24, $0x7C;
	s25 =	sadd.s32 $0x1, s23;
	v22 =	vand.u32 $0x7F, v22;
	[tilespmem:v18+s15+$0x0] =	vst.idx.msk $0xffff, v20;
	v13 =	vmul.f32 $8.000000000e+00, v13;
	v18 =	vld [tilespmem:s20+$0x60];
	v20 =	vadd.s32 v3, v8;
	v8 =	vmovc v4  }
0xc3: {  	v4 =	vmovc v9;
	v23 =	vld [tilespmem:s22+$0xFFFFFF80];
	v24 =	vmov s25;
	s25 =	sadd.s32 $0x2, s23;
	v25 =	vadd.s32 v0, v22;
	[tilespmem:v16+s15+$0x0] =	vst.idx.msk $0xffff, v21;
	v12 =	vmul.f32 $8.000000000e+00, v12;
	s23 =	smov.u32 s24  }
0xc4: {  	v9 =	vld [tilespmem:s22+$0xFFFFFFC0];
	v16 =	vmov s25;
	[tilespmem:v10+s15+$0x0] =	vst.idx.msk $0xffff, v13;
	v10 =	vadd.s32 v2, v5;
	v11 =	vmul.f32 $8.000000000e+00, v11  }
0xc5: {  	v13 =	vadd.s32 v0, v4;
	v21 =	vand.u32 $0x7D, v24;
	v24 =	vld [tilespmem:s22+$0x0];
	v14 =	vmul.f32 $8.000000000e+00, v14;
	[tilespmem:v15+s15+$0x0] =	vst.idx.msk $0xffff, v12  }
0xc6: {  	v12 =	vadd.s32 v0, v21;
	v26 =	vand.u32 $0x7E, v16;
	v15 =	vmul.f32 $8.000000000e+00, v19;
	v16 =	vld [tilespmem:s20+$0xFFFFFFE0];
	[tilespmem:v17+s15+$0x0] =	vst.idx.msk $0xffff, v11  }
0xc7: {  	v11 =	vadd.s32 v0, v26;
	v17 =	vld [tilespmem:s20+$0x20];
	v18 =	vmul.f32 $8.000000000e+00, v18;
	[tilespmem:v20+s15+$0x0] =	vst.idx.msk $0xffff, v14  }
0xc8: {  	v19 =	vadd.s32 v2, v6;
	v14 =	vmul.f32 $8.000000000e+00, v23;
	[tilespmem:v25+s15+$0x0] =	vst.idx.msk $0xffff, v15;
	v15 =	vld [tilespmem:s20+$0xFFFFFFA0]  }
0xc9: {  	v23 =	vadd.s32 v2, v7;
	v9 =	vmul.f32 $8.000000000e+00, v9;
	v20 =	vld [tilespmem:s22+$0x50];
	[tilespmem:v10+s15+$0x0] =	vst.idx.msk $0xffff, v18  }
0xca: {  	[tilespmem:v13+s15+$0x0] =	vst.idx.msk $0xffff, v14;
	v10 =	vmul.f32 $8.000000000e+00, v24;
	v14 =	vadd.s32 v2, v8;
	v24 =	vld [tilespmem:s20+$0x70]  }
0xcb: {  	v27 =	vadd.s32 v1, v22;
	v25 =	vld [tilespmem:s22+$0xFFFFFF90];
	[tilespmem:v12+s15+$0x0] =	vst.idx.msk $0xffff, v9;
	v9 =	vmul.f32 $8.000000000e+00, v16  }
0xcc: {  	v29 =	vadd.s32 v3, v5;
	v5 =	vmov v22;
	v28 =	vld [tilespmem:s22+$0xFFFFFFD0];
	[tilespmem:v11+s15+$0x0] =	vst.idx.msk $0xffff, v10;
	v10 =	vmul.f32 $8.000000000e+00, v17  }
.Ltmp2:
0xcd: {  	v18 =	vadd.s32 v1, v4;
	v13 =	vld [tilespmem:s22+$0x10];
	v11 =	vmul.f32 $8.000000000e+00, v15;
	[tilespmem:v19+s15+$0x0] =	vst.idx.msk $0xffff, v9;
	(pc) =	sbr.rel @p0 .LBB2_7-.Ltmp2, $4  }
0xce: {  	v16 =	vadd.s32 v1, v21;
	v15 =	vmul.f32 $8.000000000e+00, v20;
	v12 =	vld [tilespmem:s20+$0xFFFFFFF0];
	[tilespmem:v23+s15+$0x0] =	vst.idx.msk $0xffff, v10  }
0xcf: {  	v9 =	vmov s24;
	v10 =	vadd.s32 v1, v26;
	[tilespmem:v14+s15+$0x0] =	vst.idx.msk $0xffff, v11;
	v11 =	vld [tilespmem:s20+$0x30];
	v23 =	vmul.f32 $8.000000000e+00, v24  }
0xd0: {  	s25 =	sadd.s32 $0x3, s24;
	v9 =	vand.u32 $0x7C, v9;
	v20 =	vmul.f32 $8.000000000e+00, v25;
	[tilespmem:v27+s15+$0x0] =	vst.idx.msk $0xffff, v15;
	v14 =	vld [tilespmem:s20+$0xFFFFFFB0];
	v15 =	vadd.s32 v3, v6;
	v6 =	vmovc v21;
	s20 =	smov.u32 s22;
	s22 =	sadd.s32 $0x100, s22  }
0xd1: {  	v22 =	vmov s25;
	v17 =	vadd.s32 v3, v7;
	v7 =	vmovc v26;
	s24 =	sadd.s32 $0x4, s24;
	v19 =	vld [tilespmem:s22+$0x40];
	v21 =	vmul.f32 $8.000000000e+00, v28;
	[tilespmem:v29+s15+$0x0] =	vst.idx.msk $0xffff, v23  }
0xd2: {  	s24 =	sadd.s32 $0x1, s23;
	v22 =	vand.u32 $0x7F, v22;
	v28 =	vld [tilespmem:s22+$0xFFFFFF80]  }
0xd3: {  	v24 =	vld [tilespmem:s22+$0xFFFFFFC0];
	v23 =	vmov s24;
	s24 =	sadd.s32 $0x2, s23;
	v25 =	vadd.s32 v0, v22  }
0xd4: {  	v27 =	vld [tilespmem:s22+$0x0];
	v51 =	vadd.s32 v0, v9;
	v26 =	vmov s24;
	v23 =	vand.u32 $0x7D, v23  }
0xd5: {  	v29 =	vadd.s32 v0, v23;
	v26 =	vand.u32 $0x7E, v26  }
0xd6: {  	[tilespmem:v18+s15+$0x0] =	vst.idx.msk $0xffff, v20;
	v30 =	vadd.s32 v0, v26;
	v19 =	vmul.f32 $8.000000000e+00, v19  }
0xd7: {  	[tilespmem:v16+s15+$0x0] =	vst.idx.msk $0xffff, v21;
	v54 =	vmul.f32 $8.000000000e+00, v28  }
0xd8: {  	v52 =	vmul.f32 $8.000000000e+00, v24;
	[tilespmem:v25+s15+$0x0] =	vst.idx.msk $0xffff, v19  }
0xd9: {  	v53 =	vmul.f32 $8.000000000e+00, v27;
	v55 =	vld [tilespmem:s22+$0x50];
	[tilespmem:v51+s15+$0x0] =	vst.idx.msk $0xffff, v54  }
0xda: {  	v13 =	vmul.f32 $8.000000000e+00, v13;
	v8 =	vadd.s32 v3, v8;
	[tilespmem:v29+s15+$0x0] =	vst.idx.msk $0xffff, v52;
	v59 =	vld [tilespmem:s22+$0xFFFFFF90]  }
0xdb: {  	v12 =	vmul.f32 $8.000000000e+00, v12;
	v57 =	vadd.s32 v1, v22;
	v56 =	vld [tilespmem:s22+$0xFFFFFFD0];
	[tilespmem:v30+s15+$0x0] =	vst.idx.msk $0xffff, v53  }
0xdc: {  	[tilespmem:v10+s15+$0x0] =	vst.idx.msk $0xffff, v13;
	v58 =	vmul.f32 $8.000000000e+00, v11;
	v28 =	vadd.s32 v1, v9;
	v19 =	vld [tilespmem:s22+$0x10]  }
0xdd: {  	v61 =	vld [tilespmem:s20+$0x60];
	v60 =	vadd.s32 v1, v23;
	v14 =	vmul.f32 $8.000000000e+00, v14;
	[tilespmem:v15+s15+$0x0] =	vst.idx.msk $0xffff, v12  }
0xde: {  	v32 =	vld [tilespmem:s20+$0xFFFFFFA0];
	v62 =	vadd.s32 v1, v26;
	[tilespmem:v17+s15+$0x0] =	vst.idx.msk $0xffff, v58;
	v16 =	vmul.f32 $8.000000000e+00, v55  }
0xdf: {  	[tilespmem:v8+s15+$0x0] =	vst.idx.msk $0xffff, v14;
	v29 =	vadd.s32 v2, v5;
	v30 =	vld [tilespmem:s20+$0x20];
	v11 =	vmul.f32 $8.000000000e+00, v59  }
0xe0: {  	v38 =	vadd.s32 v2, v4;
	v63 =	vld [tilespmem:s20+$0xFFFFFFE0];
	v31 =	vmul.f32 $8.000000000e+00, v56;
	[tilespmem:v57+s15+$0x0] =	vst.idx.msk $0xffff, v16  }
0xe1: {  	v35 =	vadd.s32 v2, v7;
	v34 =	vmul.f32 $8.000000000e+00, v19;
	v36 =	vld [tilespmem:s22+$0x60];
	[tilespmem:v28+s15+$0x0] =	vst.idx.msk $0xffff, v11  }
0xe2: {  	v33 =	vadd.s32 v2, v6;
	v37 =	vmul.f32 $8.000000000e+00, v61;
	[tilespmem:v60+s15+$0x0] =	vst.idx.msk $0xffff, v31;
	v43 =	vld [tilespmem:s22+$0xFFFFFFA0]  }
0xe3: {  	v40 =	vadd.s32 v2, v22;
	v14 =	vmul.f32 $8.000000000e+00, v32;
	[tilespmem:v62+s15+$0x0] =	vst.idx.msk $0xffff, v34;
	v39 =	vld [tilespmem:s22+$0xFFFFFFE0]  }
0xe4: {  	v48 =	vadd.s32 v2, v9;
	[tilespmem:v29+s15+$0x0] =	vst.idx.msk $0xffff, v37;
	v42 =	vmul.f32 $8.000000000e+00, v30;
	v41 =	vld [tilespmem:s22+$0x20]  }
0xe5: {  	v44 =	vadd.s32 v2, v23;
	v15 =	vmul.f32 $8.000000000e+00, v63;
	[tilespmem:v38+s15+$0x0] =	vst.idx.msk $0xffff, v14;
	v45 =	vld [tilespmem:s20+$0x70]  }
0xe6: {  	v46 =	vadd.s32 v2, v26;
	v14 =	vld [tilespmem:s20+$0xFFFFFFB0];
	[tilespmem:v35+s15+$0x0] =	vst.idx.msk $0xffff, v42;
	v47 =	vmul.f32 $8.000000000e+00, v36  }
0xe7: {  	v5 =	vadd.s32 v3, v5;
	[tilespmem:v33+s15+$0x0] =	vst.idx.msk $0xffff, v15;
	v49 =	vld [tilespmem:s20+$0x30];
	v53 =	vmul.f32 $8.000000000e+00, v43  }
0xe8: {  	v4 =	vadd.s32 v3, v4;
	v21 =	vld [tilespmem:s20+$0xFFFFFFF0];
	v12 =	vmul.f32 $8.000000000e+00, v39;
	[tilespmem:v40+s15+$0x0] =	vst.idx.msk $0xffff, v47  }
0xe9: {  	v52 =	vadd.s32 v3, v7;
	v51 =	vmul.f32 $8.000000000e+00, v41;
	v10 =	vld [tilespmem:s22+$0x70];
	[tilespmem:v48+s15+$0x0] =	vst.idx.msk $0xffff, v53  }
0xea: {  	v50 =	vadd.s32 v3, v6;
	v54 =	vmul.f32 $8.000000000e+00, v45;
	[tilespmem:v44+s15+$0x0] =	vst.idx.msk $0xffff, v12;
	v59 =	vld [tilespmem:s22+$0xFFFFFFB0]  }
0xeb: {  	v57 =	vadd.s32 v3, v22;
	v14 =	vmul.f32 $8.000000000e+00, v14;
	v55 =	vld [tilespmem:s22+$0xFFFFFFF0];
	[tilespmem:v46+s15+$0x0] =	vst.idx.msk $0xffff, v51  }
0xec: {  	v62 =	vadd.s32 v3, v9;
	[tilespmem:v5+s15+$0x0] =	vst.idx.msk $0xffff, v54;
	v5 =	vmul.f32 $8.000000000e+00, v49;
	v58 =	vld [tilespmem:s22+$0x30]  }
0xed: {  	v56 =	vmul.f32 $8.000000000e+00, v21;
	v60 =	vadd.s32 v3, v23;
	[tilespmem:v4+s15+$0x0] =	vst.idx.msk $0xffff, v14  }
0xee: {  	v61 =	vadd.s32 v3, v26;
	[tilespmem:v52+s15+$0x0] =	vst.idx.msk $0xffff, v5;
	v5 =	vmul.f32 $8.000000000e+00, v10  }
0xef: {  	s25 =	sadd.s32 s6, s21;
	[tilespmem:v50+s15+$0x0] =	vst.idx.msk $0xffff, v56;
	v63 =	vmul.f32 $8.000000000e+00, v59  }
0xf0: {  	s21 =	sshll.u32 s25, $0x7;
	v4 =	vmul.f32 $8.000000000e+00, v55;
	[tilespmem:v57+s15+$0x0] =	vst.idx.msk $0xffff, v5  }
0xf1: {  	s21 =	sand.u32 $0xF80, s21;
	s20 =	sshll.u32 s25, $0xA;
	v5 =	vmul.f32 $8.000000000e+00, v58;
	[tilespmem:v62+s15+$0x0] =	vst.idx.msk $0xffff, v63  }
0xf2: {  	s21 =	sadd.s32 s2, s21;
	s20 =	sand.u32 $0xFFF8000, s20;
	[tilespmem:v60+s15+$0x0] =	vst.idx.msk $0xffff, v4  }
0xf3: {  	s26 =	simm.s32 $0xC600;
	s21 =	sadd.s32 s20, s21;
	[tilespmem:v61+s15+$0x0] =	vst.idx.msk $0xffff, v5  }
0xf4: {  	[hbm4b:s21+s3] =	stream.linear.scatter [tilespmem:s26], [sflag:$0x4], $0x80, $0x38;
	[tilespmem:$0xE800] =	vst v63  }
0xf5: {  	s28 =	simm.s32 $0xC688;
	s29 =	sadd.s32 $0x10, s21  }
0xf6: {  	[hbm4b:s29+s3] =	stream.linear.scatter [tilespmem:s28], [sflag:$0x4], $0x80, $0x38;
	[tilespmem:$0xE800] =	vst v63  }
0xf7: {  	s30 =	simm.s32 $0xC710;
	s23 =	simm.s32 $0xC798;
	s31 =	sadd.s32 $0x20, s21  }
0xf8: {  	[hbm4b:s31+s3] =	stream.linear.scatter [tilespmem:s30], [sflag:$0x4], $0x80, $0x38;
	[tilespmem:$0xE800] =	vst v63  }
0xf9: {  	s25 =	simm.s32 $0xC820;
	s20 =	simm.s32 $0x440;
	s24 =	sadd.s32 $0x30, s21  }
0xfa: {  	[hbm4b:s24+s3] =	stream.linear.scatter [tilespmem:s23], [sflag:$0x4], $0x80, $0x38;
	[tilespmem:$0xE800] =	vst v63  }
0xfb: {  	s22 =	simm.s32 $0x2200;
	s26 =	sadd.s32 $0x40, s21;
	s28 =	simm.s32 $0xC8A8  }
0xfc: {  	[hbm4b:s26+s3] =	stream.linear.scatter [tilespmem:s25], [sflag:$0x4], $0x80, $0x38;
	[tilespmem:$0xE800] =	vst v63  }
0xfd: {  	s29 =	sadd.s32 $0x50, s21;
	s30 =	simm.s32 $0xC930;
	s31 =	sadd.s32 $0x60, s21  }
0xfe: {  	[hbm4b:s29+s3] =	stream.linear.scatter [tilespmem:s28], [sflag:$0x4], $0x80, $0x38;
	[tilespmem:$0xE800] =	vst v63  }
0xff: {  	s23 =	simm.s32 $0xC9B8;
	s24 =	sadd.s32 $0x70, s21;
	s21 =	sadd.s32 $0x1000, s21  }
0x100: {  	[hbm4b:s31+s3] =	stream.linear.scatter [tilespmem:s30], [sflag:$0x4], $0x80, $0x38;
	[tilespmem:$0xE800] =	vst v63  }
.LBB2_9:
0x101: {  	[hbm4b:s24+s3] =	stream.linear.scatter [tilespmem:s23], [sflag:$0x4], $0x80, $0x38;
	[tilespmem:$0xE800] =	vst v63  }
0x102: {  	s23 =	smov.u32 s20;
	s20 =	smov.u32 s22  }
0x103: {  	s25 =	sadd.s32 $0x1100, s22;
	s20 =	sshra.s32 s20, $0x2;
	s24 =	sadd.s32 $0xC600, s23  }
0x104: {  	[hbm4b:s21+s3] =	stream.linear.scatter [tilespmem:s24], [sflag:$0x4], $0x80, $0x38;
	[tilespmem:$0xE800] =	vst v63  }
0x105: {  	p0 =	sne.s32 s22, $0x7700;
	s22 =	sadd.s32 $0xC688, s23;
	s24 =	sadd.s32 $0x10, s21  }
0x106: {  	[hbm4b:s24+s3] =	stream.linear.scatter [tilespmem:s22], [sflag:$0x4], $0x80, $0x38;
	[tilespmem:$0xE800] =	vst v63  }
0x107: {  	s22 =	sadd.s32 $0xC710, s23;
	s24 =	sadd.s32 $0x20, s21  }
0x108: {  	[hbm4b:s24+s3] =	stream.linear.scatter [tilespmem:s22], [sflag:$0x4], $0x80, $0x38;
	[tilespmem:$0xE800] =	vst v63  }
0x109: {  	s22 =	sadd.s32 $0xC798, s23;
	s24 =	sadd.s32 $0x30, s21  }
0x10a: {  	[hbm4b:s24+s3] =	stream.linear.scatter [tilespmem:s22], [sflag:$0x4], $0x80, $0x38;
	[tilespmem:$0xE800] =	vst v63  }
0x10b: {  	s22 =	sadd.s32 $0xC820, s23;
	s24 =	sadd.s32 $0x40, s21  }
0x10c: {  	[hbm4b:s24+s3] =	stream.linear.scatter [tilespmem:s22], [sflag:$0x4], $0x80, $0x38;
	[tilespmem:$0xE800] =	vst v63  }
.Ltmp3:
0x10d: {  	s22 =	sadd.s32 $0xC8A8, s23;
	s24 =	sadd.s32 $0x50, s21;
	(pc) =	sbr.rel @p0 .LBB2_9-.Ltmp3, $4  }
0x10e: {  	[hbm4b:s24+s3] =	stream.linear.scatter [tilespmem:s22], [sflag:$0x4], $0x80, $0x38;
	[tilespmem:$0xE800] =	vst v63  }
0x10f: {  	s22 =	sadd.s32 $0xC930, s23;
	s24 =	sadd.s32 $0x60, s21;
	s23 =	sadd.s32 $0xC9B8, s23  }
0x110: {  	[hbm4b:s24+s3] =	stream.linear.scatter [tilespmem:s22], [sflag:$0x4], $0x80, $0x38;
	[tilespmem:$0xE800] =	vst v63  }
0x111: {  	s24 =	sadd.s32 $0x70, s21;
	s21 =	sadd.s32 $0x1000, s21;
	s22 =	smov.u32 s25  }
0x112: {  	[hbm4b:s24+s3] =	stream.linear.scatter [tilespmem:s23], [sflag:$0x4], $0x80, $0x38;
	[tilespmem:$0xE800] =	vst v63  }
0x113: {  	s22 =	sadd.s32 $0xC600, s20  }
0x114: {  	[hbm4b:s21+s3] =	stream.linear.scatter [tilespmem:s22], [sflag:$0x4], $0x80, $0x38;
	[tilespmem:$0xE800] =	vst v63  }
0x115: {  	s25 =	sadd.s32 $0xC688, s20;
	s26 =	sadd.s32 $0x10, s21  }
0x116: {  	[hbm4b:s26+s3] =	stream.linear.scatter [tilespmem:s25], [sflag:$0x4], $0x80, $0x38;
	[tilespmem:$0xE800] =	vst v63  }
0x117: {  	s28 =	sadd.s32 $0xC710, s20;
	s29 =	sadd.s32 $0x20, s21  }
0x118: {  	[hbm4b:s29+s3] =	stream.linear.scatter [tilespmem:s28], [sflag:$0x4], $0x80, $0x38;
	[tilespmem:$0xE800] =	vst v63  }
0x119: {  	s30 =	sadd.s32 $0xC798, s20;
	s31 =	sadd.s32 $0x30, s21  }
0x11a: {  	[hbm4b:s31+s3] =	stream.linear.scatter [tilespmem:s30], [sflag:$0x4], $0x80, $0x38;
	[tilespmem:$0xE800] =	vst v63  }
0x11b: {  	s23 =	sadd.s32 $0xC820, s20;
	s24 =	sadd.s32 $0x40, s21;
	s19 =	sadd.s32 $0x1, s19  }
0x11c: {  	[hbm4b:s24+s3] =	stream.linear.scatter [tilespmem:s23], [sflag:$0x4], $0x80, $0x38;
	[tilespmem:$0xE800] =	vst v63  }
0x11d: {  	p0 =	sne.s32 s19, $0x64;
	s25 =	sadd.s32 $0xC8A8, s20;
	s26 =	sadd.s32 $0x50, s21  }
0x11e: {  	[hbm4b:s26+s3] =	stream.linear.scatter [tilespmem:s25], [sflag:$0x4], $0x80, $0x38;
	[tilespmem:$0xE800] =	vst v63  }
.Ltmp4:
0x11f: {  	_ = 	snop;
	(pc) =	sbr.rel @p0 .LBB2_2-.Ltmp4, $4  }
0x120: {  	s28 =	sadd.s32 $0xC930, s20;
	s29 =	sadd.s32 $0x60, s21  }
0x121: {  	[hbm4b:s29+s3] =	stream.linear.scatter [tilespmem:s28], [sflag:$0x4], $0x80, $0x38;
	[tilespmem:$0xE800] =	vst v63  }
0x122: {  	s30 =	sadd.s32 $0xC9B8, s20;
	s31 =	sadd.s32 $0x70, s21  }
0x123: {  	[hbm4b:s31+s3] =	stream.linear.scatter [tilespmem:s30], [sflag:$0x4], $0x80, $0x38;
	[tilespmem:$0xE800] =	vst v63  }
0x124: {  	s18 =	sadd.s32 $0x1, s18  }
0x125: {  	_ =	swait.ge [sflag:s16], $0x2000;
	p0 =	sne.s32 s18, s7  }
.Ltmp5:
0x126: {  	[sflag:s16] =	ssyncset.done $0x0;
	(pc) =	sbr.rel @p0 .LBB2_1-.Ltmp5, $4  }
0x127: {  	[sflag:s16] =	ssyncadd.s32 $0xFFFFE000  }
0x128: {  	_ =	swait.ge [sflag:s17], $0x2000  }
0x129: {  	[sflag:s17] =	ssyncset.done $0x0  }
0x12a: {  	[sflag:s17] =	ssyncadd.s32 $0xFFFFE000  }
0x12b: {  	_ =	sfence.sel $0x180000  }
0x12c: {  	[bflag:$0x0] =	sbarrier.arrive $0xFFFF  }
0x12d: {  	p0 =	sne.s32 s0, $0x0;
	_ =	strace $0x9000004A  }
0x12e: {  	s0 =	sadd.s32 @!p0 $0x100000, s1;
	[bflag:$0x2] =	sbarrier.arrive $0xFFFF  }
0x12f: {  	[sflag:s0] =	ssyncadd.tile.s32 @!p0 $0x1;
	_ =	shalt  }
.Lfunc_end2:
_tile_overlayer_lowered:
.L_overlay_start_2:
0x130: {  	(tag) =	ssettag $0x2  }
0x131: {  	s0 =	rddreg [dreg:$0x0];
	s2 =	stileid.u32  }
0x132: {  	s1 =	rddreg [dreg:$0x1];
	p0 =	sne.s32 s2, $0x0  }
0x133: {  	s3 =	rddreg [dreg:$0x2];
	[bflag:$0x3] =	sbarrier.arrive $0xFFFF;
	s2 =	simm.s32 @!p0 $0x1C05  }
0x134: {  	[timem:s3], [sflag:s2] =	dma.local @!p0 [hbm:s0], s1  }
0x135: {  	s0 =	simm.s32 @!p0 $0x5  }
0x136: {  	_ =	swait.ge @!p0 [sflag:s0], s1  }
0x137: {  	s1 =	ssub.s32 @!p0 $0x0, s1;
	[sflag:s0] =	ssyncset.done @!p0 $0x0  }
0x138: {  	[sflag:s0] =	ssyncadd.s32 @!p0 s1  }
0x139: {  	[bflag:$0x3] =	sbarrier.arrive $0xFFFF  }
0x13a: {  	_ =	shalt  }

</sc_bundles>
